<compile_context>
chip_gen: v7x
topology: tpu7x:2x2x1
jax: 0.10.2.dev20260603
libtpu: 0.0.44.dev20260713+nightly
codegen_flags: <defaults>
</compile_context>

<pallas_src>
import functools

import jax
import jax.numpy as jnp
from jax import lax
from jax.experimental import pallas as pl
from jax.experimental.pallas import tpu as pltpu
import jax.experimental.pallas.tpu_sc as plsc

N = 10000
E = 320000
D = 128
G = 16

NSC = 2
NSUB = 16
NW = NSC * NSUB
EPW = E // NW
CHUNK = 128
NC = 80

CH2 = 32
R_BUF = 5
UNROLL = 20
TRIPS = 16
NROW = 88


DUMMY = N
N_PAD = 10112
RPT = N_PAD // NSUB

BR = 1000
GRID = N // BR

_mesh = plsc.VectorSubcoreMesh(core_axis_name="c", subcore_axis_name="s")


@functools.partial(
    pl.kernel,
    out_type=jax.ShapeDtypeStruct((NSC, N_PAD, D), jnp.float32),
    mesh=_mesh,
    scratch_types=[
        pltpu.VMEM((NC, CHUNK), jnp.int32),
        pltpu.VMEM((CHUNK, D), jnp.float32),
        pltpu.VMEM_SHARED((N_PAD, D), jnp.float32),
    ],
)
def _sc_hist(idx_hbm, ones_hbm, zer_hbm, out, sv, ones_v, acc):
    c = lax.axis_index("c")
    s = lax.axis_index("s")
    wid = c * NSUB + s
    pltpu.sync_copy(idx_hbm.at[wid], sv)
    pltpu.sync_copy(ones_hbm, ones_v)
    pltpu.sync_copy(zer_hbm, acc.at[pl.ds(s * RPT, RPT)])
    plsc.subcore_barrier()

    def body(i, carry):
        pltpu.sync_copy(ones_v, acc.at[sv.at[i]], add=True)
        return carry

    lax.fori_loop(0, NC, body, 0)
    plsc.subcore_barrier()
    pltpu.sync_copy(acc.at[pl.ds(s * RPT, RPT)], out.at[c, pl.ds(s * RPT, RPT)])


def _make_edge_pass(ch2, r_buf, unroll, trips):
    cpr = 128 // ch2

    @functools.partial(
        pl.kernel,
        out_type=jax.ShapeDtypeStruct((NSC, N_PAD, D), jnp.float32),
        mesh=_mesh,
        scratch_types=(
            [pltpu.VMEM((NROW, 128), jnp.int32)] * 2
            + [pltpu.VMEM((ch2, D), jnp.float32)] * r_buf
            + [pltpu.VMEM_SHARED((N_PAD, D), jnp.float32)]
            + [pltpu.SemaphoreType.DMA] * r_buf
        ),
    )
    def edge_pass(table, gidx_hbm, sidx_hbm, zer_hbm, out, *scr):
        gv, sv = scr[0], scr[1]
        bufs = scr[2:2 + r_buf]
        acc = scr[2 + r_buf]
        sems = scr[3 + r_buf:]
        c = lax.axis_index("c")
        s = lax.axis_index("s")
        wid = c * NSUB + s

        def gsl(ref, row, j):
            return ref.at[row + j // cpr, pl.ds((j % cpr) * ch2, ch2)]

        pltpu.sync_copy(gidx_hbm.at[wid], gv)
        pltpu.sync_copy(sidx_hbm.at[wid], sv)
        pltpu.sync_copy(zer_hbm, acc.at[pl.ds(s * RPT, RPT)])
        plsc.subcore_barrier()

        for j in range(r_buf):
            pltpu.async_copy(table.at[gsl(gv, 0, j)], bufs[j], sems[j])

        def body(i, carry):
            base = i * (unroll // cpr)
            for j in range(unroll):
                b = j % r_buf
                pltpu.make_async_copy(
                    table.at[gsl(gv, base, j)], bufs[b], sems[b]).wait()
                pltpu.sync_copy(bufs[b], acc.at[gsl(sv, base, j)], add=True)
                pltpu.async_copy(
                    table.at[gsl(gv, base, j + r_buf)], bufs[b], sems[b])
            return carry

        lax.fori_loop(0, trips, body, 0)
        base = trips * (unroll // cpr)
        for j in range(r_buf):
            pltpu.make_async_copy(
                table.at[gsl(gv, base, j)], bufs[j], sems[j]).wait()
        plsc.subcore_barrier()
        pltpu.sync_copy(acc.at[pl.ds(s * RPT, RPT)],
                        out.at[c, pl.ds(s * RPT, RPT)])

    return edge_pass


_sc_edge_pass = _make_edge_pass(CH2, R_BUF, UNROLL, TRIPS)


def _tc_xd_body(h_ref, x_ref, o_ref):
    deg = h_ref[0][:, 0:1] + h_ref[1][:, 0:1]
    dis = jnp.where(deg > 0.0, lax.rsqrt(deg), 0.0)
    o_ref[...] = x_ref[...] * dis


def _tc_dense1_body(a_ref, h_ref, x_ref, wlx, wll, wrx, wrl, y_ref, r_ref):
    deg = h_ref[0][:, 0:1] + h_ref[1][:, 0:1]
    dis = jnp.where(deg > 0.0, lax.rsqrt(deg), 0.0)
    xb = x_ref[...]
    lap = xb - dis * (a_ref[0] + a_ref[1])
    y_ref[...] = (jnp.dot(xb, wlx[...], preferred_element_type=jnp.float32)
                  + jnp.dot(lap, wll[...], preferred_element_type=jnp.float32))
    r_ref[...] = (jnp.dot(xb, wrx[...], preferred_element_type=jnp.float32)
                  + jnp.dot(lap, wrl[...], preferred_element_type=jnp.float32))


def _tc_dense2_body(a_ref, h_ref, r_ref, b_ref, wl, wr, y_ref, r2_ref):
    cnt = jnp.maximum(h_ref[0][:, 0:1] + h_ref[1][:, 0:1], 1.0)
    pre = (a_ref[0] + a_ref[1]) / cnt + b_ref[...] + r_ref[...]
    h = 0.5 * pre * (1.0 + lax.erf(pre * 0.7071067811865476))
    y_ref[...] = jnp.dot(h, wl[...], preferred_element_type=jnp.float32)
    r2_ref[...] = jnp.dot(h, wr[...], preferred_element_type=jnp.float32)


def _tc_pool_body(a_ref, h_ref, r_ref, b_ref, batch_ref, o_ref, pacc, cacc):
    i = pl.program_id(0)
    cnt = jnp.maximum(h_ref[0][:, 0:1] + h_ref[1][:, 0:1], 1.0)
    h2 = (a_ref[0] + a_ref[1]) / cnt + b_ref[...] + r_ref[...]
    bvec = batch_ref[0]
    gids = lax.broadcasted_iota(jnp.int32, (G, BR), 0)
    onehot = (bvec == gids).astype(jnp.float32)
    p = jnp.dot(onehot, h2, preferred_element_type=jnp.float32)
    cn = jnp.sum(onehot, axis=1, keepdims=True)

    @pl.when(i == 0)
    def _():
        pacc[...] = p
        cacc[...] = jnp.zeros_like(cacc) + cn

    @pl.when(i > 0)
    def _():
        pacc[...] += p
        cacc[...] += cn

    @pl.when(i == GRID - 1)
    def _():
        o_ref[...] = pacc[...] / jnp.maximum(cacc[...], 1.0)


def _pack_hist(idx, pad_val):
    a = idx.reshape(NW, EPW)
    a = jnp.pad(a, ((0, 0), (0, NC * CHUNK - EPW)), constant_values=pad_val)
    return a.reshape(NW, NC, CHUNK)


def _pack_edge(idx, pad_val):
    a = idx.reshape(NW, EPW)
    a = jnp.pad(a, ((0, 0), (0, NROW * 128 - EPW)), constant_values=pad_val)
    return a.reshape(NW, NROW, 128)


def kernel(x, edge_index, batch, W1_l, W1_r, b1, W2_l, W2_r, b2):
    f32 = jnp.float32
    src = edge_index[0].astype(jnp.int32)
    dst = edge_index[1].astype(jnp.int32)

    hs_src = _pack_hist(src, DUMMY)
    hs_dst = _pack_hist(dst, DUMMY)
    g_dst = _pack_edge(dst, 0)
    s_src = _pack_edge(src, DUMMY)
    g_src = _pack_edge(src, 0)
    s_dst = _pack_edge(dst, DUMMY)

    onesD = jnp.ones((CHUNK, D), f32)
    zerD = jnp.zeros((RPT, D), f32)

    hsrc = _sc_hist(hs_src, onesD, zerD)
    hdst = _sc_hist(hs_dst, onesD, zerD)

    a_spec = pl.BlockSpec((NSC, BR, D), lambda i: (0, i, 0))
    h_spec = a_spec
    n_spec = pl.BlockSpec((BR, D), lambda i: (i, 0))
    w_spec = pl.BlockSpec((D, D), lambda i: (0, 0))
    b_spec = pl.BlockSpec((1, D), lambda i: (0, 0))
    nd_struct = jax.ShapeDtypeStruct((N, D), f32)

    xd = pl.pallas_call(
        _tc_xd_body,
        grid=(GRID,),
        in_specs=[h_spec, n_spec],
        out_specs=n_spec,
        out_shape=nd_struct,
    )(hsrc, x)

    accA = _sc_edge_pass(xd, g_dst, s_src, zerD)

    y1, r1 = pl.pallas_call(
        _tc_dense1_body,
        grid=(GRID,),
        in_specs=[a_spec, h_spec, n_spec, w_spec, w_spec, w_spec, w_spec],
        out_specs=[n_spec, n_spec],
        out_shape=[nd_struct, nd_struct],
    )(accA, hsrc, x, W1_l[:D], W1_l[D:], W1_r[:D], W1_r[D:])

    accB = _sc_edge_pass(y1, g_src, s_dst, zerD)

    y2, r2 = pl.pallas_call(
        _tc_dense2_body,
        grid=(GRID,),
        in_specs=[a_spec, h_spec, n_spec, b_spec, w_spec, w_spec],
        out_specs=[n_spec, n_spec],
        out_shape=[nd_struct, nd_struct],
    )(accB, hdst, r1, b1.reshape(1, D), W2_l, W2_r)

    accC = _sc_edge_pass(y2, g_src, s_dst, zerD)

    batch3 = batch.astype(jnp.int32).reshape(GRID, 1, BR)
    out = pl.pallas_call(
        _tc_pool_body,
        grid=(GRID,),
        in_specs=[a_spec, h_spec, n_spec, b_spec,
                  pl.BlockSpec((1, 1, BR), lambda i: (i, 0, 0))],
        out_specs=pl.BlockSpec((G, D), lambda i: (0, 0)),
        out_shape=jax.ShapeDtypeStruct((G, D), f32),
        scratch_shapes=[pltpu.VMEM((G, D), f32), pltpu.VMEM((G, 1), f32)],
    )(accC, hdst, r2, b2.reshape(1, D), batch3)
    return out

# --- scband reference (transcript-rebuilt; emitter-appended) ---
"""Pipeline reference for scband-drug-graph-embedding-42047729828323 (READ-ONLY COPY).

The authoritative reference and input builder live on the scoring server;
editing this copy changes nothing except your own understanding.
"""

import jax, jax.numpy as jnp
import numpy as np

N_NODES = 10000
N_EDGES = 320000
D_IN = 128
D_GRAPH = 128
N_GRAPHS = 16


def setup_inputs(seed: int = 0) -> dict:
    key = jax.random.key(seed)
    ks = jax.random.split(key, 12)
    x = jax.random.normal(ks[0], (N_NODES, D_IN), dtype=jnp.float32)
    edge_index = jax.random.randint(ks[1], (2, N_EDGES), 0, N_NODES, dtype=jnp.int64)
    batch = jnp.sort(jax.random.randint(ks[2], (N_NODES,), 0, N_GRAPHS, dtype=jnp.int64))
    # SAGEConv1: in_channels = input_dim*2 = 256 (operates on [x, lap_x] concat)
    s1 = 1.0 / np.sqrt(D_IN * 2)
    W1_l = jax.random.uniform(ks[3], (D_IN * 2, D_GRAPH), jnp.float32, -s1, s1)
    W1_r = jax.random.uniform(ks[4], (D_IN * 2, D_GRAPH), jnp.float32, -s1, s1)
    b1 = jnp.zeros((D_GRAPH,), dtype=jnp.float32)
    s2 = 1.0 / np.sqrt(D_GRAPH)
    W2_l = jax.random.uniform(ks[5], (D_GRAPH, D_GRAPH), jnp.float32, -s2, s2)
    W2_r = jax.random.uniform(ks[6], (D_GRAPH, D_GRAPH), jnp.float32, -s2, s2)
    b2 = jnp.zeros((D_GRAPH,), dtype=jnp.float32)
    return {"x": x, "edge_index": edge_index, "batch": batch,
            "W1_l": W1_l, "W1_r": W1_r, "b1": b1,
            "W2_l": W2_l, "W2_r": W2_r, "b2": b2}


def _sage_conv(x, src, dst, W_l, W_r, b, num_nodes):
    # PyG SAGEConv with mean aggregation: lin_l(mean_{j->i} x_j) + lin_r(x_i)
    msg = jnp.take(x, src, axis=0)
    agg = jax.ops.segment_sum(msg, dst, num_segments=num_nodes)
    cnt = jax.ops.segment_sum(jnp.ones((src.shape[0],), dtype=x.dtype), dst, num_segments=num_nodes)
    agg = agg / jnp.maximum(cnt, 1.0)[:, None]
    return agg @ W_l + b + x @ W_r


def reference(x, edge_index, batch, W1_l, W1_r, b1, W2_l, W2_r, b2):
    N = x.shape[0]
    src = edge_index[0]
    dst = edge_index[1]
    # get_laplacian(normalization='sym'): L = I - D^{-1/2} A D^{-1/2}
    w = jnp.ones((src.shape[0],), dtype=x.dtype)
    deg = jax.ops.segment_sum(w, src, num_segments=N)
    deg_inv_sqrt = jnp.where(deg > 0, deg ** -0.5, 0.0)
    w_norm = -deg_inv_sqrt[src] * w * deg_inv_sqrt[dst]
    # spmm(L, x): off-diagonal part + self-loop (weight 1) part
    lap_x = jax.ops.segment_sum(w_norm[:, None] * jnp.take(x, dst, axis=0), src, num_segments=N) + x
    x_combined = jnp.concatenate([x, lap_x], axis=-1)
    h = _sage_conv(x_combined, src, dst, W1_l, W1_r, b1, N)
    h = jax.nn.gelu(h, approximate=False)
    h = _sage_conv(h, src, dst, W2_l, W2_r, b2, N)
    # global_mean_pool over batch assignment
    pooled = jax.ops.segment_sum(h, batch, num_segments=N_GRAPHS)
    counts = jax.ops.segment_sum(jnp.ones((N,), dtype=h.dtype), batch, num_segments=N_GRAPHS)
    graph_embedding = pooled / jnp.maximum(counts, 1.0)[:, None]
    return graph_embedding

if __name__ == "__main__":
    import jax
    _d = setup_inputs()
    print(jax.jit(kernel)(*tuple(_d.values())))

</pallas_src>

<mosaic_0001>
#map = affine_map<(d0, d1) -> (0, 0, 0)>
#map1 = affine_map<(d0, d1) -> (0, 0)>
module attributes {stable_mosaic.version = 14 : i64} {
  func.func @_sc_hist(%arg0: i32, %arg1: i32, %arg2: memref<32x80x128xi32, #tpu.memory_space<hbm>>, %arg3: memref<128x128xf32, #tpu.memory_space<hbm>>, %arg4: memref<632x128xf32, #tpu.memory_space<hbm>>, %arg5: memref<2x10112x128xf32, #tpu.memory_space<hbm>>, %arg6: memref<80x128xi32, #tpu.memory_space<vmem>>, %arg7: memref<128x128xf32, #tpu.memory_space<vmem>>, %arg8: memref<10112x128xf32, #tpu.memory_space<vmem_shared>>) attributes {dimension_semantics = [#tpu.dimension_semantics<core_parallel>, #tpu.dimension_semantics<subcore_parallel>], iteration_bounds = array<i64: 2, 16>, scalar_prefetch = 0 : i64, scratch_operands = 3 : i64, tpu.core_type = #tpu.core_type<sc_vector_subcore>, window_params = [{transform_indices = #map}, {transform_indices = #map1}, {transform_indices = #map1}, {transform_indices = #map}]} {
    %mul3A = arith.constant 16 : i32
    %mul3A_0 = arith.muli %arg0, %mul3A : i32
    %add3A = arith.addi %mul3A_0, %arg1 : i32
    "tpu.region"() ({
      %run_scoped3A = tpu.sem_alloc : memref<!tpu.dma_semaphore, #tpu.memory_space<semaphore_mem>>
      %dma_start3A = arith.constant 0 : i32
      %dma_start3A_13 = arith.constant 0 : i32
      %dma_start3A_14 = tpu.memref_slice %arg2[%add3A, %dma_start3A, %dma_start3A_13] : memref<32x80x128xi32, #tpu.memory_space<hbm>> -> memref<1x80x128xi32, #tpu.memory_space<hbm>>
      %dma_start3A_15 = tpu.memref_squeeze %dma_start3A_14 : memref<1x80x128xi32, #tpu.memory_space<hbm>> -> memref<80x128xi32, #tpu.memory_space<hbm>>
      %dma_start3A_16 = arith.constant 0 : i32
      %dma_start3A_17 = arith.constant 0 : i32
      %dma_start3A_18 = tpu.memref_slice %arg2[%add3A, %dma_start3A_16, %dma_start3A_17] : memref<32x80x128xi32, #tpu.memory_space<hbm>> -> memref<1x80x128xi32, #tpu.memory_space<hbm>>
      %dma_start3A_19 = tpu.memref_squeeze %dma_start3A_18 : memref<1x80x128xi32, #tpu.memory_space<hbm>> -> memref<80x128xi32, #tpu.memory_space<hbm>>
      tpu.enqueue_dma source(%dma_start3A_19 : memref<80x128xi32, #tpu.memory_space<hbm>>) target(%arg6 : memref<80x128xi32, #tpu.memory_space<vmem>>) target_semaphore(%run_scoped3A : memref<!tpu.dma_semaphore, #tpu.memory_space<semaphore_mem>>)
      %dma_wait3A = arith.constant 0 : i32
      %dma_wait3A_20 = arith.constant 0 : i32
      %dma_wait3A_21 = tpu.memref_slice %arg2[%add3A, %dma_wait3A, %dma_wait3A_20] : memref<32x80x128xi32, #tpu.memory_space<hbm>> -> memref<1x80x128xi32, #tpu.memory_space<hbm>>
      %dma_wait3A_22 = tpu.memref_squeeze %dma_wait3A_21 : memref<1x80x128xi32, #tpu.memory_space<hbm>> -> memref<80x128xi32, #tpu.memory_space<hbm>>
      %dma_wait3A_23 = arith.constant 0 : i32
      %dma_wait3A_24 = arith.constant 0 : i32
      %dma_wait3A_25 = tpu.memref_slice %arg2[%add3A, %dma_wait3A_23, %dma_wait3A_24] : memref<32x80x128xi32, #tpu.memory_space<hbm>> -> memref<1x80x128xi32, #tpu.memory_space<hbm>>
      %dma_wait3A_26 = tpu.memref_squeeze %dma_wait3A_25 : memref<1x80x128xi32, #tpu.memory_space<hbm>> -> memref<80x128xi32, #tpu.memory_space<hbm>>
      tpu.wait_dma2 semaphore(%run_scoped3A : memref<!tpu.dma_semaphore, #tpu.memory_space<semaphore_mem>>) src(%dma_wait3A_26 : memref<80x128xi32, #tpu.memory_space<hbm>>) dst(%arg6 : memref<80x128xi32, #tpu.memory_space<vmem>>)
      tpu.yield
    }) : () -> ()
    "tpu.region"() ({
      %run_scoped3A = tpu.sem_alloc : memref<!tpu.dma_semaphore, #tpu.memory_space<semaphore_mem>>
      tpu.enqueue_dma source(%arg3 : memref<128x128xf32, #tpu.memory_space<hbm>>) target(%arg7 : memref<128x128xf32, #tpu.memory_space<vmem>>) target_semaphore(%run_scoped3A : memref<!tpu.dma_semaphore, #tpu.memory_space<semaphore_mem>>)
      tpu.wait_dma2 semaphore(%run_scoped3A : memref<!tpu.dma_semaphore, #tpu.memory_space<semaphore_mem>>) src(%arg3 : memref<128x128xf32, #tpu.memory_space<hbm>>) dst(%arg7 : memref<128x128xf32, #tpu.memory_space<vmem>>)
      tpu.yield
    }) : () -> ()
    %mul3A_1 = arith.constant 632 : i32
    %mul3A_2 = arith.muli %arg1, %mul3A_1 : i32
    "tpu.region"() ({
      %run_scoped3A = tpu.sem_alloc : memref<!tpu.dma_semaphore, #tpu.memory_space<semaphore_mem>>
      %dma_start3A = arith.constant 0 : i32
      %dma_start3A_13 = tpu.memref_slice %arg8[%mul3A_2, %dma_start3A] : memref<10112x128xf32, #tpu.memory_space<vmem_shared>> -> memref<632x128xf32, #tpu.memory_space<vmem_shared>>
      tpu.enqueue_dma source(%arg4 : memref<632x128xf32, #tpu.memory_space<hbm>>) target(%dma_start3A_13 : memref<632x128xf32, #tpu.memory_space<vmem_shared>>) target_semaphore(%run_scoped3A : memref<!tpu.dma_semaphore, #tpu.memory_space<semaphore_mem>>)
      %dma_wait3A = arith.constant 0 : i32
      %dma_wait3A_14 = tpu.memref_slice %arg8[%mul3A_2, %dma_wait3A] : memref<10112x128xf32, #tpu.memory_space<vmem_shared>> -> memref<632x128xf32, #tpu.memory_space<vmem_shared>>
      tpu.wait_dma2 semaphore(%run_scoped3A : memref<!tpu.dma_semaphore, #tpu.memory_space<semaphore_mem>>) src(%arg4 : memref<632x128xf32, #tpu.memory_space<hbm>>) dst(%dma_wait3A_14 : memref<632x128xf32, #tpu.memory_space<vmem_shared>>)
      tpu.yield
    }) : () -> ()
    %barrier3A = arith.constant 0 : index
    tpu.barrier barrier_id(%barrier3A)
    %scan3A = arith.constant 0 : i32
    %scan3A_3 = arith.constant 0 : i32
    %scan3A_4 = arith.constant 80 : i32
    %scan3A_5 = arith.addi %scan3A_3, %scan3A_4 : i32
    %scan3A_6 = arith.constant 1 : i32
    scf.for %scan3A_13 = %scan3A_3 to %scan3A_5 step %scan3A_6  : i32 {
      "tpu.region"() ({
        %run_scoped3A = tpu.sem_alloc : memref<!tpu.dma_semaphore, #tpu.memory_space<semaphore_mem>>
        %dma_start3A = arith.constant 0 : i32
        %dma_start3A_14 = tpu.memref_slice %arg6[%scan3A_13, %dma_start3A] : memref<80x128xi32, #tpu.memory_space<vmem>> -> memref<1x128xi32, #tpu.memory_space<vmem>>
        %dma_start3A_15 = tpu.memref_squeeze %dma_start3A_14 : memref<1x128xi32, #tpu.memory_space<vmem>> -> memref<128xi32, #tpu.memory_space<vmem>>
        %dma_start3A_16 = arith.constant 0 : i32
        %dma_start3A_17 = arith.constant 0 : i32
        %dma_start3A_18 = tpu.memref_slice %arg8[%dma_start3A_16, %dma_start3A_17] : memref<10112x128xf32, #tpu.memory_space<vmem_shared>> -> memref<10112x128xf32, #tpu.memory_space<vmem_shared>>
        tpu.enqueue_indirect_dma source(%arg7 : memref<128x128xf32, #tpu.memory_space<vmem>>) target(%dma_start3A_18 : memref<10112x128xf32, #tpu.memory_space<vmem_shared>>) offsets(%dma_start3A_15 : memref<128xi32, #tpu.memory_space<vmem>>) semaphore(%run_scoped3A : memref<!tpu.dma_semaphore, #tpu.memory_space<semaphore_mem>>) {add = true}
        %dma_wait3A = arith.constant 0 : i32
        %dma_wait3A_19 = tpu.memref_slice %arg6[%scan3A_13, %dma_wait3A] : memref<80x128xi32, #tpu.memory_space<vmem>> -> memref<1x128xi32, #tpu.memory_space<vmem>>
        %dma_wait3A_20 = tpu.memref_squeeze %dma_wait3A_19 : memref<1x128xi32, #tpu.memory_space<vmem>> -> memref<128xi32, #tpu.memory_space<vmem>>
        %dma_wait3A_21 = arith.constant 0 : i32
        %dma_wait3A_22 = arith.constant 0 : i32
        %dma_wait3A_23 = tpu.memref_slice %arg8[%dma_wait3A_21, %dma_wait3A_22] : memref<10112x128xf32, #tpu.memory_space<vmem_shared>> -> memref<10112x128xf32, #tpu.memory_space<vmem_shared>>
        tpu.wait_indirect_dma semaphore(%run_scoped3A : memref<!tpu.dma_semaphore, #tpu.memory_space<semaphore_mem>>) src(%arg7 : memref<128x128xf32, #tpu.memory_space<vmem>>) dst(%dma_wait3A_23 : memref<10112x128xf32, #tpu.memory_space<vmem_shared>>)
        tpu.yield
      }) : () -> ()
    }
    %scan3A_7 = arith.constant 80 : i32
    %barrier3A_8 = arith.constant 0 : index
    tpu.barrier barrier_id(%barrier3A_8)
    %mul3A_9 = arith.constant 632 : i32
    %mul3A_10 = arith.muli %arg1, %mul3A_9 : i32
    %mul3A_11 = arith.constant 632 : i32
    %mul3A_12 = arith.muli %arg1, %mul3A_11 : i32
    "tpu.region"() ({
      %run_scoped3A = tpu.sem_alloc : memref<!tpu.dma_semaphore, #tpu.memory_space<semaphore_mem>>
      %dma_start3A = arith.constant 0 : i32
      %dma_start3A_13 = tpu.memref_slice %arg5[%arg0, %mul3A_12, %dma_start3A] : memref<2x10112x128xf32, #tpu.memory_space<hbm>> -> memref<1x632x128xf32, #tpu.memory_space<hbm>>
      %dma_start3A_14 = tpu.memref_squeeze %dma_start3A_13 : memref<1x632x128xf32, #tpu.memory_space<hbm>> -> memref<632x128xf32, #tpu.memory_space<hbm>>
      %dma_start3A_15 = arith.constant 0 : i32
      %dma_start3A_16 = tpu.memref_slice %arg8[%mul3A_10, %dma_start3A_15] : memref<10112x128xf32, #tpu.memory_space<vmem_shared>> -> memref<632x128xf32, #tpu.memory_space<vmem_shared>>
      tpu.enqueue_dma source(%dma_start3A_16 : memref<632x128xf32, #tpu.memory_space<vmem_shared>>) target(%dma_start3A_14 : memref<632x128xf32, #tpu.memory_space<hbm>>) target_semaphore(%run_scoped3A : memref<!tpu.dma_semaphore, #tpu.memory_space<semaphore_mem>>)
      %dma_wait3A = arith.constant 0 : i32
      %dma_wait3A_17 = tpu.memref_slice %arg5[%arg0, %mul3A_12, %dma_wait3A] : memref<2x10112x128xf32, #tpu.memory_space<hbm>> -> memref<1x632x128xf32, #tpu.memory_space<hbm>>
      %dma_wait3A_18 = tpu.memref_squeeze %dma_wait3A_17 : memref<1x632x128xf32, #tpu.memory_space<hbm>> -> memref<632x128xf32, #tpu.memory_space<hbm>>
      %dma_wait3A_19 = arith.constant 0 : i32
      %dma_wait3A_20 = tpu.memref_slice %arg8[%mul3A_10, %dma_wait3A_19] : memref<10112x128xf32, #tpu.memory_space<vmem_shared>> -> memref<632x128xf32, #tpu.memory_space<vmem_shared>>
      tpu.wait_dma2 semaphore(%run_scoped3A : memref<!tpu.dma_semaphore, #tpu.memory_space<semaphore_mem>>) src(%dma_wait3A_20 : memref<632x128xf32, #tpu.memory_space<vmem_shared>>) dst(%dma_wait3A_18 : memref<632x128xf32, #tpu.memory_space<hbm>>)
      tpu.yield
    }) : () -> ()
    return
  }
}

#map = affine_map<(d0, d1) -> (0, 0)>
#map1 = affine_map<(d0, d1) -> (0, 0, 0)>
module attributes {stable_mosaic.version = 14 : i64} {
  func.func @edge_pass(%arg0: i32, %arg1: i32, %arg2: memref<10000x128xf32, #tpu.memory_space<hbm>>, %arg3: memref<32x88x128xi32, #tpu.memory_space<hbm>>, %arg4: memref<32x88x128xi32, #tpu.memory_space<hbm>>, %arg5: memref<632x128xf32, #tpu.memory_space<hbm>>, %arg6: memref<2x10112x128xf32, #tpu.memory_space<hbm>>, %arg7: memref<88x128xi32, #tpu.memory_space<vmem>>, %arg8: memref<88x128xi32, #tpu.memory_space<vmem>>, %arg9: memref<32x128xf32, #tpu.memory_space<vmem>>, %arg10: memref<32x128xf32, #tpu.memory_space<vmem>>, %arg11: memref<32x128xf32, #tpu.memory_space<vmem>>, %arg12: memref<32x128xf32, #tpu.memory_space<vmem>>, %arg13: memref<32x128xf32, #tpu.memory_space<vmem>>, %arg14: memref<10112x128xf32, #tpu.memory_space<vmem_shared>>, %arg15: memref<!tpu.dma_semaphore, #tpu.memory_space<semaphore_mem>>, %arg16: memref<!tpu.dma_semaphore, #tpu.memory_space<semaphore_mem>>, %arg17: memref<!tpu.dma_semaphore, #tpu.memory_space<semaphore_mem>>, %arg18: memref<!tpu.dma_semaphore, #tpu.memory_space<semaphore_mem>>, %arg19: memref<!tpu.dma_semaphore, #tpu.memory_space<semaphore_mem>>) attributes {dimension_semantics = [#tpu.dimension_semantics<core_parallel>, #tpu.dimension_semantics<subcore_parallel>], iteration_bounds = array<i64: 2, 16>, scalar_prefetch = 0 : i64, scratch_operands = 13 : i64, tpu.core_type = #tpu.core_type<sc_vector_subcore>, window_params = [{transform_indices = #map}, {transform_indices = #map1}, {transform_indices = #map1}, {transform_indices = #map}, {transform_indices = #map1}]} {
    %mul3A = arith.constant 16 : i32
    %mul3A_0 = arith.muli %arg0, %mul3A : i32
    %add3A = arith.addi %mul3A_0, %arg1 : i32
    "tpu.region"() ({
      %run_scoped3A = tpu.sem_alloc : memref<!tpu.dma_semaphore, #tpu.memory_space<semaphore_mem>>
      %dma_start3A_81 = arith.constant 0 : i32
      %dma_start3A_82 = arith.constant 0 : i32
      %dma_start3A_83 = tpu.memref_slice %arg3[%add3A, %dma_start3A_81, %dma_start3A_82] : memref<32x88x128xi32, #tpu.memory_space<hbm>> -> memref<1x88x128xi32, #tpu.memory_space<hbm>>
      %dma_start3A_84 = tpu.memref_squeeze %dma_start3A_83 : memref<1x88x128xi32, #tpu.memory_space<hbm>> -> memref<88x128xi32, #tpu.memory_space<hbm>>
      %dma_start3A_85 = arith.constant 0 : i32
      %dma_start3A_86 = arith.constant 0 : i32
      %dma_start3A_87 = tpu.memref_slice %arg3[%add3A, %dma_start3A_85, %dma_start3A_86] : memref<32x88x128xi32, #tpu.memory_space<hbm>> -> memref<1x88x128xi32, #tpu.memory_space<hbm>>
      %dma_start3A_88 = tpu.memref_squeeze %dma_start3A_87 : memref<1x88x128xi32, #tpu.memory_space<hbm>> -> memref<88x128xi32, #tpu.memory_space<hbm>>
      tpu.enqueue_dma source(%dma_start3A_88 : memref<88x128xi32, #tpu.memory_space<hbm>>) target(%arg7 : memref<88x128xi32, #tpu.memory_space<vmem>>) target_semaphore(%run_scoped3A : memref<!tpu.dma_semaphore, #tpu.memory_space<semaphore_mem>>)
      %dma_wait3A_89 = arith.constant 0 : i32
      %dma_wait3A_90 = arith.constant 0 : i32
      %dma_wait3A_91 = tpu.memref_slice %arg3[%add3A, %dma_wait3A_89, %dma_wait3A_90] : memref<32x88x128xi32, #tpu.memory_space<hbm>> -> memref<1x88x128xi32, #tpu.memory_space<hbm>>
      %dma_wait3A_92 = tpu.memref_squeeze %dma_wait3A_91 : memref<1x88x128xi32, #tpu.memory_space<hbm>> -> memref<88x128xi32, #tpu.memory_space<hbm>>
      %dma_wait3A_93 = arith.constant 0 : i32
      %dma_wait3A_94 = arith.constant 0 : i32
      %dma_wait3A_95 = tpu.memref_slice %arg3[%add3A, %dma_wait3A_93, %dma_wait3A_94] : memref<32x88x128xi32, #tpu.memory_space<hbm>> -> memref<1x88x128xi32, #tpu.memory_space<hbm>>
      %dma_wait3A_96 = tpu.memref_squeeze %dma_wait3A_95 : memref<1x88x128xi32, #tpu.memory_space<hbm>> -> memref<88x128xi32, #tpu.memory_space<hbm>>
      tpu.wait_dma2 semaphore(%run_scoped3A : memref<!tpu.dma_semaphore, #tpu.memory_space<semaphore_mem>>) src(%dma_wait3A_96 : memref<88x128xi32, #tpu.memory_space<hbm>>) dst(%arg7 : memref<88x128xi32, #tpu.memory_space<vmem>>)
      tpu.yield
    }) : () -> ()
    "tpu.region"() ({
      %run_scoped3A = tpu.sem_alloc : memref<!tpu.dma_semaphore, #tpu.memory_space<semaphore_mem>>
      %dma_start3A_81 = arith.constant 0 : i32
      %dma_start3A_82 = arith.constant 0 : i32
      %dma_start3A_83 = tpu.memref_slice %arg4[%add3A, %dma_start3A_81, %dma_start3A_82] : memref<32x88x128xi32, #tpu.memory_space<hbm>> -> memref<1x88x128xi32, #tpu.memory_space<hbm>>
      %dma_start3A_84 = tpu.memref_squeeze %dma_start3A_83 : memref<1x88x128xi32, #tpu.memory_space<hbm>> -> memref<88x128xi32, #tpu.memory_space<hbm>>
      %dma_start3A_85 = arith.constant 0 : i32
      %dma_start3A_86 = arith.constant 0 : i32
      %dma_start3A_87 = tpu.memref_slice %arg4[%add3A, %dma_start3A_85, %dma_start3A_86] : memref<32x88x128xi32, #tpu.memory_space<hbm>> -> memref<1x88x128xi32, #tpu.memory_space<hbm>>
      %dma_start3A_88 = tpu.memref_squeeze %dma_start3A_87 : memref<1x88x128xi32, #tpu.memory_space<hbm>> -> memref<88x128xi32, #tpu.memory_space<hbm>>
      tpu.enqueue_dma source(%dma_start3A_88 : memref<88x128xi32, #tpu.memory_space<hbm>>) target(%arg8 : memref<88x128xi32, #tpu.memory_space<vmem>>) target_semaphore(%run_scoped3A : memref<!tpu.dma_semaphore, #tpu.memory_space<semaphore_mem>>)
      %dma_wait3A_89 = arith.constant 0 : i32
      %dma_wait3A_90 = arith.constant 0 : i32
      %dma_wait3A_91 = tpu.memref_slice %arg4[%add3A, %dma_wait3A_89, %dma_wait3A_90] : memref<32x88x128xi32, #tpu.memory_space<hbm>> -> memref<1x88x128xi32, #tpu.memory_space<hbm>>
      %dma_wait3A_92 = tpu.memref_squeeze %dma_wait3A_91 : memref<1x88x128xi32, #tpu.memory_space<hbm>> -> memref<88x128xi32, #tpu.memory_space<hbm>>
      %dma_wait3A_93 = arith.constant 0 : i32
      %dma_wait3A_94 = arith.constant 0 : i32
      %dma_wait3A_95 = tpu.memref_slice %arg4[%add3A, %dma_wait3A_93, %dma_wait3A_94] : memref<32x88x128xi32, #tpu.memory_space<hbm>> -> memref<1x88x128xi32, #tpu.memory_space<hbm>>
      %dma_wait3A_96 = tpu.memref_squeeze %dma_wait3A_95 : memref<1x88x128xi32, #tpu.memory_space<hbm>> -> memref<88x128xi32, #tpu.memory_space<hbm>>
      tpu.wait_dma2 semaphore(%run_scoped3A : memref<!tpu.dma_semaphore, #tpu.memory_space<semaphore_mem>>) src(%dma_wait3A_96 : memref<88x128xi32, #tpu.memory_space<hbm>>) dst(%arg8 : memref<88x128xi32, #tpu.memory_space<vmem>>)
      tpu.yield
    }) : () -> ()
    %mul3A_1 = arith.constant 632 : i32
    %mul3A_2 = arith.muli %arg1, %mul3A_1 : i32
    "tpu.region"() ({
      %run_scoped3A = tpu.sem_alloc : memref<!tpu.dma_semaphore, #tpu.memory_space<semaphore_mem>>
      %dma_start3A_81 = arith.constant 0 : i32
      %dma_start3A_82 = tpu.memref_slice %arg14[%mul3A_2, %dma_start3A_81] : memref<10112x128xf32, #tpu.memory_space<vmem_shared>> -> memref<632x128xf32, #tpu.memory_space<vmem_shared>>
      tpu.enqueue_dma source(%arg5 : memref<632x128xf32, #tpu.memory_space<hbm>>) target(%dma_start3A_82 : memref<632x128xf32, #tpu.memory_space<vmem_shared>>) target_semaphore(%run_scoped3A : memref<!tpu.dma_semaphore, #tpu.memory_space<semaphore_mem>>)
      %dma_wait3A_83 = arith.constant 0 : i32
      %dma_wait3A_84 = tpu.memref_slice %arg14[%mul3A_2, %dma_wait3A_83] : memref<10112x128xf32, #tpu.memory_space<vmem_shared>> -> memref<632x128xf32, #tpu.memory_space<vmem_shared>>
      tpu.wait_dma2 semaphore(%run_scoped3A : memref<!tpu.dma_semaphore, #tpu.memory_space<semaphore_mem>>) src(%arg5 : memref<632x128xf32, #tpu.memory_space<hbm>>) dst(%dma_wait3A_84 : memref<632x128xf32, #tpu.memory_space<vmem_shared>>)
      tpu.yield
    }) : () -> ()
    %barrier3A = arith.constant 0 : index
    tpu.barrier barrier_id(%barrier3A)
    %dma_start3A = arith.constant 0 : i32
    %dma_start3A_3 = arith.constant 0 : i32
    %dma_start3A_4 = tpu.memref_slice %arg7[%dma_start3A, %dma_start3A_3] : memref<88x128xi32, #tpu.memory_space<vmem>> -> memref<1x32xi32, #tpu.memory_space<vmem>>
    %dma_start3A_5 = tpu.memref_squeeze %dma_start3A_4 : memref<1x32xi32, #tpu.memory_space<vmem>> -> memref<32xi32, #tpu.memory_space<vmem>>
    %dma_start3A_6 = arith.constant 0 : i32
    %dma_start3A_7 = arith.constant 0 : i32
    %dma_start3A_8 = tpu.memref_slice %arg2[%dma_start3A_6, %dma_start3A_7] : memref<10000x128xf32, #tpu.memory_space<hbm>> -> memref<10000x128xf32, #tpu.memory_space<hbm>>
    tpu.enqueue_indirect_dma source(%dma_start3A_8 : memref<10000x128xf32, #tpu.memory_space<hbm>>) target(%arg9 : memref<32x128xf32, #tpu.memory_space<vmem>>) offsets(%dma_start3A_5 : memref<32xi32, #tpu.memory_space<vmem>>) semaphore(%arg15 : memref<!tpu.dma_semaphore, #tpu.memory_space<semaphore_mem>>)
    %dma_start3A_9 = arith.constant 0 : i32
    %dma_start3A_10 = arith.constant 32 : i32
    %dma_start3A_11 = tpu.memref_slice %arg7[%dma_start3A_9, %dma_start3A_10] : memref<88x128xi32, #tpu.memory_space<vmem>> -> memref<1x32xi32, #tpu.memory_space<vmem>>
    %dma_start3A_12 = tpu.memref_squeeze %dma_start3A_11 : memref<1x32xi32, #tpu.memory_space<vmem>> -> memref<32xi32, #tpu.memory_space<vmem>>
    %dma_start3A_13 = arith.constant 0 : i32
    %dma_start3A_14 = arith.constant 0 : i32
    %dma_start3A_15 = tpu.memref_slice %arg2[%dma_start3A_13, %dma_start3A_14] : memref<10000x128xf32, #tpu.memory_space<hbm>> -> memref<10000x128xf32, #tpu.memory_space<hbm>>
    tpu.enqueue_indirect_dma source(%dma_start3A_15 : memref<10000x128xf32, #tpu.memory_space<hbm>>) target(%arg10 : memref<32x128xf32, #tpu.memory_space<vmem>>) offsets(%dma_start3A_12 : memref<32xi32, #tpu.memory_space<vmem>>) semaphore(%arg16 : memref<!tpu.dma_semaphore, #tpu.memory_space<semaphore_mem>>)
    %dma_start3A_16 = arith.constant 0 : i32
    %dma_start3A_17 = arith.constant 64 : i32
    %dma_start3A_18 = tpu.memref_slice %arg7[%dma_start3A_16, %dma_start3A_17] : memref<88x128xi32, #tpu.memory_space<vmem>> -> memref<1x32xi32, #tpu.memory_space<vmem>>
    %dma_start3A_19 = tpu.memref_squeeze %dma_start3A_18 : memref<1x32xi32, #tpu.memory_space<vmem>> -> memref<32xi32, #tpu.memory_space<vmem>>
    %dma_start3A_20 = arith.constant 0 : i32
    %dma_start3A_21 = arith.constant 0 : i32
    %dma_start3A_22 = tpu.memref_slice %arg2[%dma_start3A_20, %dma_start3A_21] : memref<10000x128xf32, #tpu.memory_space<hbm>> -> memref<10000x128xf32, #tpu.memory_space<hbm>>
    tpu.enqueue_indirect_dma source(%dma_start3A_22 : memref<10000x128xf32, #tpu.memory_space<hbm>>) target(%arg11 : memref<32x128xf32, #tpu.memory_space<vmem>>) offsets(%dma_start3A_19 : memref<32xi32, #tpu.memory_space<vmem>>) semaphore(%arg17 : memref<!tpu.dma_semaphore, #tpu.memory_space<semaphore_mem>>)
    %dma_start3A_23 = arith.constant 0 : i32
    %dma_start3A_24 = arith.constant 96 : i32
    %dma_start3A_25 = tpu.memref_slice %arg7[%dma_start3A_23, %dma_start3A_24] : memref<88x128xi32, #tpu.memory_space<vmem>> -> memref<1x32xi32, #tpu.memory_space<vmem>>
    %dma_start3A_26 = tpu.memref_squeeze %dma_start3A_25 : memref<1x32xi32, #tpu.memory_space<vmem>> -> memref<32xi32, #tpu.memory_space<vmem>>
    %dma_start3A_27 = arith.constant 0 : i32
    %dma_start3A_28 = arith.constant 0 : i32
    %dma_start3A_29 = tpu.memref_slice %arg2[%dma_start3A_27, %dma_start3A_28] : memref<10000x128xf32, #tpu.memory_space<hbm>> -> memref<10000x128xf32, #tpu.memory_space<hbm>>
    tpu.enqueue_indirect_dma source(%dma_start3A_29 : memref<10000x128xf32, #tpu.memory_space<hbm>>) target(%arg12 : memref<32x128xf32, #tpu.memory_space<vmem>>) offsets(%dma_start3A_26 : memref<32xi32, #tpu.memory_space<vmem>>) semaphore(%arg18 : memref<!tpu.dma_semaphore, #tpu.memory_space<semaphore_mem>>)
    %dma_start3A_30 = arith.constant 1 : i32
    %dma_start3A_31 = arith.constant 0 : i32
    %dma_start3A_32 = tpu.memref_slice %arg7[%dma_start3A_30, %dma_start3A_31] : memref<88x128xi32, #tpu.memory_space<vmem>> -> memref<1x32xi32, #tpu.memory_space<vmem>>
    %dma_start3A_33 = tpu.memref_squeeze %dma_start3A_32 : memref<1x32xi32, #tpu.memory_space<vmem>> -> memref<32xi32, #tpu.memory_space<vmem>>
    %dma_start3A_34 = arith.constant 0 : i32
    %dma_start3A_35 = arith.constant 0 : i32
    %dma_start3A_36 = tpu.memref_slice %arg2[%dma_start3A_34, %dma_start3A_35] : memref<10000x128xf32, #tpu.memory_space<hbm>> -> memref<10000x128xf32, #tpu.memory_space<hbm>>
    tpu.enqueue_indirect_dma source(%dma_start3A_36 : memref<10000x128xf32, #tpu.memory_space<hbm>>) target(%arg13 : memref<32x128xf32, #tpu.memory_space<vmem>>) offsets(%dma_start3A_33 : memref<32xi32, #tpu.memory_space<vmem>>) semaphore(%arg19 : memref<!tpu.dma_semaphore, #tpu.memory_space<semaphore_mem>>)
    %scan3A = arith.constant 0 : i32
    %scan3A_37 = arith.constant 0 : i32
    %scan3A_38 = arith.constant 16 : i32
    %scan3A_39 = arith.addi %scan3A_37, %scan3A_38 : i32
    %scan3A_40 = arith.constant 1 : i32
    scf.for %scan3A_81 = %scan3A_37 to %scan3A_39 step %scan3A_40  : i32 {
      %mul3A_82 = arith.constant 5 : i32
      %mul3A_83 = arith.muli %scan3A_81, %mul3A_82 : i32
      %add3A_84 = arith.constant 0 : i32
      %add3A_85 = arith.addi %mul3A_83, %add3A_84 : i32
      %dma_wait3A_86 = arith.constant 0 : i32
      %dma_wait3A_87 = tpu.memref_slice %arg7[%add3A_85, %dma_wait3A_86] : memref<88x128xi32, #tpu.memory_space<vmem>> -> memref<1x32xi32, #tpu.memory_space<vmem>>
      %dma_wait3A_88 = tpu.memref_squeeze %dma_wait3A_87 : memref<1x32xi32, #tpu.memory_space<vmem>> -> memref<32xi32, #tpu.memory_space<vmem>>
      %dma_wait3A_89 = arith.constant 0 : i32
      %dma_wait3A_90 = arith.constant 0 : i32
      %dma_wait3A_91 = tpu.memref_slice %arg2[%dma_wait3A_89, %dma_wait3A_90] : memref<10000x128xf32, #tpu.memory_space<hbm>> -> memref<10000x128xf32, #tpu.memory_space<hbm>>
      tpu.wait_indirect_dma semaphore(%arg15 : memref<!tpu.dma_semaphore, #tpu.memory_space<semaphore_mem>>) src(%dma_wait3A_91 : memref<10000x128xf32, #tpu.memory_space<hbm>>) dst(%arg9 : memref<32x128xf32, #tpu.memory_space<vmem>>)
      %add3A_92 = arith.constant 0 : i32
      %add3A_93 = arith.addi %mul3A_83, %add3A_92 : i32
      "tpu.region"() ({
        %run_scoped3A = tpu.sem_alloc : memref<!tpu.dma_semaphore, #tpu.memory_space<semaphore_mem>>
        %dma_start3A_444 = arith.constant 0 : i32
        %dma_start3A_445 = tpu.memref_slice %arg8[%add3A_93, %dma_start3A_444] : memref<88x128xi32, #tpu.memory_space<vmem>> -> memref<1x32xi32, #tpu.memory_space<vmem>>
        %dma_start3A_446 = tpu.memref_squeeze %dma_start3A_445 : memref<1x32xi32, #tpu.memory_space<vmem>> -> memref<32xi32, #tpu.memory_space<vmem>>
        %dma_start3A_447 = arith.constant 0 : i32
        %dma_start3A_448 = arith.constant 0 : i32
        %dma_start3A_449 = tpu.memref_slice %arg14[%dma_start3A_447, %dma_start3A_448] : memref<10112x128xf32, #tpu.memory_space<vmem_shared>> -> memref<10112x128xf32, #tpu.memory_space<vmem_shared>>
        tpu.enqueue_indirect_dma source(%arg9 : memref<32x128xf32, #tpu.memory_space<vmem>>) target(%dma_start3A_449 : memref<10112x128xf32, #tpu.memory_space<vmem_shared>>) offsets(%dma_start3A_446 : memref<32xi32, #tpu.memory_space<vmem>>) semaphore(%run_scoped3A : memref<!tpu.dma_semaphore, #tpu.memory_space<semaphore_mem>>) {add = true}
        %dma_wait3A_450 = arith.constant 0 : i32
        %dma_wait3A_451 = tpu.memref_slice %arg8[%add3A_93, %dma_wait3A_450] : memref<88x128xi32, #tpu.memory_space<vmem>> -> memref<1x32xi32, #tpu.memory_space<vmem>>
        %dma_wait3A_452 = tpu.memref_squeeze %dma_wait3A_451 : memref<1x32xi32, #tpu.memory_space<vmem>> -> memref<32xi32, #tpu.memory_space<vmem>>
        %dma_wait3A_453 = arith.constant 0 : i32
        %dma_wait3A_454 = arith.constant 0 : i32
        %dma_wait3A_455 = tpu.memref_slice %arg14[%dma_wait3A_453, %dma_wait3A_454] : memref<10112x128xf32, #tpu.memory_space<vmem_shared>> -> memref<10112x128xf32, #tpu.memory_space<vmem_shared>>
        tpu.wait_indirect_dma semaphore(%run_scoped3A : memref<!tpu.dma_semaphore, #tpu.memory_space<semaphore_mem>>) src(%arg9 : memref<32x128xf32, #tpu.memory_space<vmem>>) dst(%dma_wait3A_455 : memref<10112x128xf32, #tpu.memory_space<vmem_shared>>)
        tpu.yield
      }) : () -> ()
      %add3A_94 = arith.constant 1 : i32
      %add3A_95 = arith.addi %mul3A_83, %add3A_94 : i32
      %dma_start3A_96 = arith.constant 32 : i32
      %dma_start3A_97 = tpu.memref_slice %arg7[%add3A_95, %dma_start3A_96] : memref<88x128xi32, #tpu.memory_space<vmem>> -> memref<1x32xi32, #tpu.memory_space<vmem>>
      %dma_start3A_98 = tpu.memref_squeeze %dma_start3A_97 : memref<1x32xi32, #tpu.memory_space<vmem>> -> memref<32xi32, #tpu.memory_space<vmem>>
      %dma_start3A_99 = arith.constant 0 : i32
      %dma_start3A_100 = arith.constant 0 : i32
      %dma_start3A_101 = tpu.memref_slice %arg2[%dma_start3A_99, %dma_start3A_100] : memref<10000x128xf32, #tpu.memory_space<hbm>> -> memref<10000x128xf32, #tpu.memory_space<hbm>>
      tpu.enqueue_indirect_dma source(%dma_start3A_101 : memref<10000x128xf32, #tpu.memory_space<hbm>>) target(%arg9 : memref<32x128xf32, #tpu.memory_space<vmem>>) offsets(%dma_start3A_98 : memref<32xi32, #tpu.memory_space<vmem>>) semaphore(%arg15 : memref<!tpu.dma_semaphore, #tpu.memory_space<semaphore_mem>>)
      %add3A_102 = arith.constant 0 : i32
      %add3A_103 = arith.addi %mul3A_83, %add3A_102 : i32
      %dma_wait3A_104 = arith.constant 32 : i32
      %dma_wait3A_105 = tpu.memref_slice %arg7[%add3A_103, %dma_wait3A_104] : memref<88x128xi32, #tpu.memory_space<vmem>> -> memref<1x32xi32, #tpu.memory_space<vmem>>
      %dma_wait3A_106 = tpu.memref_squeeze %dma_wait3A_105 : memref<1x32xi32, #tpu.memory_space<vmem>> -> memref<32xi32, #tpu.memory_space<vmem>>
      %dma_wait3A_107 = arith.constant 0 : i32
      %dma_wait3A_108 = arith.constant 0 : i32
      %dma_wait3A_109 = tpu.memref_slice %arg2[%dma_wait3A_107, %dma_wait3A_108] : memref<10000x128xf32, #tpu.memory_space<hbm>> -> memref<10000x128xf32, #tpu.memory_space<hbm>>
      tpu.wait_indirect_dma semaphore(%arg16 : memref<!tpu.dma_semaphore, #tpu.memory_space<semaphore_mem>>) src(%dma_wait3A_109 : memref<10000x128xf32, #tpu.memory_space<hbm>>) dst(%arg10 : memref<32x128xf32, #tpu.memory_space<vmem>>)
      %add3A_110 = arith.constant 0 : i32
      %add3A_111 = arith.addi %mul3A_83, %add3A_110 : i32
      "tpu.region"() ({
        %run_scoped3A = tpu.sem_alloc : memref<!tpu.dma_semaphore, #tpu.memory_space<semaphore_mem>>
        %dma_start3A_444 = arith.constant 32 : i32
        %dma_start3A_445 = tpu.memref_slice %arg8[%add3A_111, %dma_start3A_444] : memref<88x128xi32, #tpu.memory_space<vmem>> -> memref<1x32xi32, #tpu.memory_space<vmem>>
        %dma_start3A_446 = tpu.memref_squeeze %dma_start3A_445 : memref<1x32xi32, #tpu.memory_space<vmem>> -> memref<32xi32, #tpu.memory_space<vmem>>
        %dma_start3A_447 = arith.constant 0 : i32
        %dma_start3A_448 = arith.constant 0 : i32
        %dma_start3A_449 = tpu.memref_slice %arg14[%dma_start3A_447, %dma_start3A_448] : memref<10112x128xf32, #tpu.memory_space<vmem_shared>> -> memref<10112x128xf32, #tpu.memory_space<vmem_shared>>
        tpu.enqueue_indirect_dma source(%arg10 : memref<32x128xf32, #tpu.memory_space<vmem>>) target(%dma_start3A_449 : memref<10112x128xf32, #tpu.memory_space<vmem_shared>>) offsets(%dma_start3A_446 : memref<32xi32, #tpu.memory_space<vmem>>) semaphore(%run_scoped3A : memref<!tpu.dma_semaphore, #tpu.memory_space<semaphore_mem>>) {add = true}
        %dma_wait3A_450 = arith.constant 32 : i32
        %dma_wait3A_451 = tpu.memref_slice %arg8[%add3A_111, %dma_wait3A_450] : memref<88x128xi32, #tpu.memory_space<vmem>> -> memref<1x32xi32, #tpu.memory_space<vmem>>
        %dma_wait3A_452 = tpu.memref_squeeze %dma_wait3A_451 : memref<1x32xi32, #tpu.memory_space<vmem>> -> memref<32xi32, #tpu.memory_space<vmem>>
        %dma_wait3A_453 = arith.constant 0 : i32
        %dma_wait3A_454 = arith.constant 0 : i32
        %dma_wait3A_455 = tpu.memref_slice %arg14[%dma_wait3A_453, %dma_wait3A_454] : memref<10112x128xf32, #tpu.memory_space<vmem_shared>> -> memref<10112x128xf32, #tpu.memory_space<vmem_shared>>
        tpu.wait_indirect_dma semaphore(%run_scoped3A : memref<!tpu.dma_semaphore, #tpu.memory_space<semaphore_mem>>) src(%arg10 : memref<32x128xf32, #tpu.memory_space<vmem>>) dst(%dma_wait3A_455 : memref<10112x128xf32, #tpu.memory_space<vmem_shared>>)
        tpu.yield
      }) : () -> ()
      %add3A_112 = arith.constant 1 : i32
      %add3A_113 = arith.addi %mul3A_83, %add3A_112 : i32
      %dma_start3A_114 = arith.constant 64 : i32
      %dma_start3A_115 = tpu.memref_slice %arg7[%add3A_113, %dma_start3A_114] : memref<88x128xi32, #tpu.memory_space<vmem>> -> memref<1x32xi32, #tpu.memory_space<vmem>>
      %dma_start3A_116 = tpu.memref_squeeze %dma_start3A_115 : memref<1x32xi32, #tpu.memory_space<vmem>> -> memref<32xi32, #tpu.memory_space<vmem>>
      %dma_start3A_117 = arith.constant 0 : i32
      %dma_start3A_118 = arith.constant 0 : i32
      %dma_start3A_119 = tpu.memref_slice %arg2[%dma_start3A_117, %dma_start3A_118] : memref<10000x128xf32, #tpu.memory_space<hbm>> -> memref<10000x128xf32, #tpu.memory_space<hbm>>
      tpu.enqueue_indirect_dma source(%dma_start3A_119 : memref<10000x128xf32, #tpu.memory_space<hbm>>) target(%arg10 : memref<32x128xf32, #tpu.memory_space<vmem>>) offsets(%dma_start3A_116 : memref<32xi32, #tpu.memory_space<vmem>>) semaphore(%arg16 : memref<!tpu.dma_semaphore, #tpu.memory_space<semaphore_mem>>)
      %add3A_120 = arith.constant 0 : i32
      %add3A_121 = arith.addi %mul3A_83, %add3A_120 : i32
      %dma_wait3A_122 = arith.constant 64 : i32
      %dma_wait3A_123 = tpu.memref_slice %arg7[%add3A_121, %dma_wait3A_122] : memref<88x128xi32, #tpu.memory_space<vmem>> -> memref<1x32xi32, #tpu.memory_space<vmem>>
      %dma_wait3A_124 = tpu.memref_squeeze %dma_wait3A_123 : memref<1x32xi32, #tpu.memory_space<vmem>> -> memref<32xi32, #tpu.memory_space<vmem>>
      %dma_wait3A_125 = arith.constant 0 : i32
      %dma_wait3A_126 = arith.constant 0 : i32
      %dma_wait3A_127 = tpu.memref_slice %arg2[%dma_wait3A_125, %dma_wait3A_126] : memref<10000x128xf32, #tpu.memory_space<hbm>> -> memref<10000x128xf32, #tpu.memory_space<hbm>>
      tpu.wait_indirect_dma semaphore(%arg17 : memref<!tpu.dma_semaphore, #tpu.memory_space<semaphore_mem>>) src(%dma_wait3A_127 : memref<10000x128xf32, #tpu.memory_space<hbm>>) dst(%arg11 : memref<32x128xf32, #tpu.memory_space<vmem>>)
      %add3A_128 = arith.constant 0 : i32
      %add3A_129 = arith.addi %mul3A_83, %add3A_128 : i32
      "tpu.region"() ({
        %run_scoped3A = tpu.sem_alloc : memref<!tpu.dma_semaphore, #tpu.memory_space<semaphore_mem>>
        %dma_start3A_444 = arith.constant 64 : i32
        %dma_start3A_445 = tpu.memref_slice %arg8[%add3A_129, %dma_start3A_444] : memref<88x128xi32, #tpu.memory_space<vmem>> -> memref<1x32xi32, #tpu.memory_space<vmem>>
        %dma_start3A_446 = tpu.memref_squeeze %dma_start3A_445 : memref<1x32xi32, #tpu.memory_space<vmem>> -> memref<32xi32, #tpu.memory_space<vmem>>
        %dma_start3A_447 = arith.constant 0 : i32
        %dma_start3A_448 = arith.constant 0 : i32
        %dma_start3A_449 = tpu.memref_slice %arg14[%dma_start3A_447, %dma_start3A_448] : memref<10112x128xf32, #tpu.memory_space<vmem_shared>> -> memref<10112x128xf32, #tpu.memory_space<vmem_shared>>
        tpu.enqueue_indirect_dma source(%arg11 : memref<32x128xf32, #tpu.memory_space<vmem>>) target(%dma_start3A_449 : memref<10112x128xf32, #tpu.memory_space<vmem_shared>>) offsets(%dma_start3A_446 : memref<32xi32, #tpu.memory_space<vmem>>) semaphore(%run_scoped3A : memref<!tpu.dma_semaphore, #tpu.memory_space<semaphore_mem>>) {add = true}
        %dma_wait3A_450 = arith.constant 64 : i32
        %dma_wait3A_451 = tpu.memref_slice %arg8[%add3A_129, %dma_wait3A_450] : memref<88x128xi32, #tpu.memory_space<vmem>> -> memref<1x32xi32, #tpu.memory_space<vmem>>
        %dma_wait3A_452 = tpu.memref_squeeze %dma_wait3A_451 : memref<1x32xi32, #tpu.memory_space<vmem>> -> memref<32xi32, #tpu.memory_space<vmem>>
        %dma_wait3A_453 = arith.constant 0 : i32
        %dma_wait3A_454 = arith.constant 0 : i32
        %dma_wait3A_455 = tpu.memref_slice %arg14[%dma_wait3A_453, %dma_wait3A_454] : memref<10112x128xf32, #tpu.memory_space<vmem_shared>> -> memref<10112x128xf32, #tpu.memory_space<vmem_shared>>
        tpu.wait_indirect_dma semaphore(%run_scoped3A : memref<!tpu.dma_semaphore, #tpu.memory_space<semaphore_mem>>) src(%arg11 : memref<32x128xf32, #tpu.memory_space<vmem>>) dst(%dma_wait3A_455 : memref<10112x128xf32, #tpu.memory_space<vmem_shared>>)
        tpu.yield
      }) : () -> ()
      %add3A_130 = arith.constant 1 : i32
      %add3A_131 = arith.addi %mul3A_83, %add3A_130 : i32
      %dma_start3A_132 = arith.constant 96 : i32
      %dma_start3A_133 = tpu.memref_slice %arg7[%add3A_131, %dma_start3A_132] : memref<88x128xi32, #tpu.memory_space<vmem>> -> memref<1x32xi32, #tpu.memory_space<vmem>>
      %dma_start3A_134 = tpu.memref_squeeze %dma_start3A_133 : memref<1x32xi32, #tpu.memory_space<vmem>> -> memref<32xi32, #tpu.memory_space<vmem>>
      %dma_start3A_135 = arith.constant 0 : i32
      %dma_start3A_136 = arith.constant 0 : i32
      %dma_start3A_137 = tpu.memref_slice %arg2[%dma_start3A_135, %dma_start3A_136] : memref<10000x128xf32, #tpu.memory_space<hbm>> -> memref<10000x128xf32, #tpu.memory_space<hbm>>
      tpu.enqueue_indirect_dma source(%dma_start3A_137 : memref<10000x128xf32, #tpu.memory_space<hbm>>) target(%arg11 : memref<32x128xf32, #tpu.memory_space<vmem>>) offsets(%dma_start3A_134 : memref<32xi32, #tpu.memory_space<vmem>>) semaphore(%arg17 : memref<!tpu.dma_semaphore, #tpu.memory_space<semaphore_mem>>)
      %add3A_138 = arith.constant 0 : i32
      %add3A_139 = arith.addi %mul3A_83, %add3A_138 : i32
      %dma_wait3A_140 = arith.constant 96 : i32
      %dma_wait3A_141 = tpu.memref_slice %arg7[%add3A_139, %dma_wait3A_140] : memref<88x128xi32, #tpu.memory_space<vmem>> -> memref<1x32xi32, #tpu.memory_space<vmem>>
      %dma_wait3A_142 = tpu.memref_squeeze %dma_wait3A_141 : memref<1x32xi32, #tpu.memory_space<vmem>> -> memref<32xi32, #tpu.memory_space<vmem>>
      %dma_wait3A_143 = arith.constant 0 : i32
      %dma_wait3A_144 = arith.constant 0 : i32
      %dma_wait3A_145 = tpu.memref_slice %arg2[%dma_wait3A_143, %dma_wait3A_144] : memref<10000x128xf32, #tpu.memory_space<hbm>> -> memref<10000x128xf32, #tpu.memory_space<hbm>>
      tpu.wait_indirect_dma semaphore(%arg18 : memref<!tpu.dma_semaphore, #tpu.memory_space<semaphore_mem>>) src(%dma_wait3A_145 : memref<10000x128xf32, #tpu.memory_space<hbm>>) dst(%arg12 : memref<32x128xf32, #tpu.memory_space<vmem>>)
      %add3A_146 = arith.constant 0 : i32
      %add3A_147 = arith.addi %mul3A_83, %add3A_146 : i32
      "tpu.region"() ({
        %run_scoped3A = tpu.sem_alloc : memref<!tpu.dma_semaphore, #tpu.memory_space<semaphore_mem>>
        %dma_start3A_444 = arith.constant 96 : i32
        %dma_start3A_445 = tpu.memref_slice %arg8[%add3A_147, %dma_start3A_444] : memref<88x128xi32, #tpu.memory_space<vmem>> -> memref<1x32xi32, #tpu.memory_space<vmem>>
        %dma_start3A_446 = tpu.memref_squeeze %dma_start3A_445 : memref<1x32xi32, #tpu.memory_space<vmem>> -> memref<32xi32, #tpu.memory_space<vmem>>
        %dma_start3A_447 = arith.constant 0 : i32
        %dma_start3A_448 = arith.constant 0 : i32
        %dma_start3A_449 = tpu.memref_slice %arg14[%dma_start3A_447, %dma_start3A_448] : memref<10112x128xf32, #tpu.memory_space<vmem_shared>> -> memref<10112x128xf32, #tpu.memory_space<vmem_shared>>
        tpu.enqueue_indirect_dma source(%arg12 : memref<32x128xf32, #tpu.memory_space<vmem>>) target(%dma_start3A_449 : memref<10112x128xf32, #tpu.memory_space<vmem_shared>>) offsets(%dma_start3A_446 : memref<32xi32, #tpu.memory_space<vmem>>) semaphore(%run_scoped3A : memref<!tpu.dma_semaphore, #tpu.memory_space<semaphore_mem>>) {add = true}
        %dma_wait3A_450 = arith.constant 96 : i32
        %dma_wait3A_451 = tpu.memref_slice %arg8[%add3A_147, %dma_wait3A_450] : memref<88x128xi32, #tpu.memory_space<vmem>> -> memref<1x32xi32, #tpu.memory_space<vmem>>
        %dma_wait3A_452 = tpu.memref_squeeze %dma_wait3A_451 : memref<1x32xi32, #tpu.memory_space<vmem>> -> memref<32xi32, #tpu.memory_space<vmem>>
        %dma_wait3A_453 = arith.constant 0 : i32
        %dma_wait3A_454 = arith.constant 0 : i32
        %dma_wait3A_455 = tpu.memref_slice %arg14[%dma_wait3A_453, %dma_wait3A_454] : memref<10112x128xf32, #tpu.memory_space<vmem_shared>> -> memref<10112x128xf32, #tpu.memory_space<vmem_shared>>
        tpu.wait_indirect_dma semaphore(%run_scoped3A : memref<!tpu.dma_semaphore, #tpu.memory_space<semaphore_mem>>) src(%arg12 : memref<32x128xf32, #tpu.memory_space<vmem>>) dst(%dma_wait3A_455 : memref<10112x128xf32, #tpu.memory_space<vmem_shared>>)
        tpu.yield
      }) : () -> ()
      %add3A_148 = arith.constant 2 : i32
      %add3A_149 = arith.addi %mul3A_83, %add3A_148 : i32
      %dma_start3A_150 = arith.constant 0 : i32
      %dma_start3A_151 = tpu.memref_slice %arg7[%add3A_149, %dma_start3A_150] : memref<88x128xi32, #tpu.memory_space<vmem>> -> memref<1x32xi32, #tpu.memory_space<vmem>>
      %dma_start3A_152 = tpu.memref_squeeze %dma_start3A_151 : memref<1x32xi32, #tpu.memory_space<vmem>> -> memref<32xi32, #tpu.memory_space<vmem>>
      %dma_start3A_153 = arith.constant 0 : i32
      %dma_start3A_154 = arith.constant 0 : i32
      %dma_start3A_155 = tpu.memref_slice %arg2[%dma_start3A_153, %dma_start3A_154] : memref<10000x128xf32, #tpu.memory_space<hbm>> -> memref<10000x128xf32, #tpu.memory_space<hbm>>
      tpu.enqueue_indirect_dma source(%dma_start3A_155 : memref<10000x128xf32, #tpu.memory_space<hbm>>) target(%arg12 : memref<32x128xf32, #tpu.memory_space<vmem>>) offsets(%dma_start3A_152 : memref<32xi32, #tpu.memory_space<vmem>>) semaphore(%arg18 : memref<!tpu.dma_semaphore, #tpu.memory_space<semaphore_mem>>)
      %add3A_156 = arith.constant 1 : i32
      %add3A_157 = arith.addi %mul3A_83, %add3A_156 : i32
      %dma_wait3A_158 = arith.constant 0 : i32
      %dma_wait3A_159 = tpu.memref_slice %arg7[%add3A_157, %dma_wait3A_158] : memref<88x128xi32, #tpu.memory_space<vmem>> -> memref<1x32xi32, #tpu.memory_space<vmem>>
      %dma_wait3A_160 = tpu.memref_squeeze %dma_wait3A_159 : memref<1x32xi32, #tpu.memory_space<vmem>> -> memref<32xi32, #tpu.memory_space<vmem>>
      %dma_wait3A_161 = arith.constant 0 : i32
      %dma_wait3A_162 = arith.constant 0 : i32
      %dma_wait3A_163 = tpu.memref_slice %arg2[%dma_wait3A_161, %dma_wait3A_162] : memref<10000x128xf32, #tpu.memory_space<hbm>> -> memref<10000x128xf32, #tpu.memory_space<hbm>>
      tpu.wait_indirect_dma semaphore(%arg19 : memref<!tpu.dma_semaphore, #tpu.memory_space<semaphore_mem>>) src(%dma_wait3A_163 : memref<10000x128xf32, #tpu.memory_space<hbm>>) dst(%arg13 : memref<32x128xf32, #tpu.memory_space<vmem>>)
      %add3A_164 = arith.constant 1 : i32
      %add3A_165 = arith.addi %mul3A_83, %add3A_164 : i32
      "tpu.region"() ({
        %run_scoped3A = tpu.sem_alloc : memref<!tpu.dma_semaphore, #tpu.memory_space<semaphore_mem>>
        %dma_start3A_444 = arith.constant 0 : i32
        %dma_start3A_445 = tpu.memref_slice %arg8[%add3A_165, %dma_start3A_444] : memref<88x128xi32, #tpu.memory_space<vmem>> -> memref<1x32xi32, #tpu.memory_space<vmem>>
        %dma_start3A_446 = tpu.memref_squeeze %dma_start3A_445 : memref<1x32xi32, #tpu.memory_space<vmem>> -> memref<32xi32, #tpu.memory_space<vmem>>
        %dma_start3A_447 = arith.constant 0 : i32
        %dma_start3A_448 = arith.constant 0 : i32
        %dma_start3A_449 = tpu.memref_slice %arg14[%dma_start3A_447, %dma_start3A_448] : memref<10112x128xf32, #tpu.memory_space<vmem_shared>> -> memref<10112x128xf32, #tpu.memory_space<vmem_shared>>
        tpu.enqueue_indirect_dma source(%arg13 : memref<32x128xf32, #tpu.memory_space<vmem>>) target(%dma_start3A_449 : memref<10112x128xf32, #tpu.memory_space<vmem_shared>>) offsets(%dma_start3A_446 : memref<32xi32, #tpu.memory_space<vmem>>) semaphore(%run_scoped3A : memref<!tpu.dma_semaphore, #tpu.memory_space<semaphore_mem>>) {add = true}
        %dma_wait3A_450 = arith.constant 0 : i32
        %dma_wait3A_451 = tpu.memref_slice %arg8[%add3A_165, %dma_wait3A_450] : memref<88x128xi32, #tpu.memory_space<vmem>> -> memref<1x32xi32, #tpu.memory_space<vmem>>
        %dma_wait3A_452 = tpu.memref_squeeze %dma_wait3A_451 : memref<1x32xi32, #tpu.memory_space<vmem>> -> memref<32xi32, #tpu.memory_space<vmem>>
        %dma_wait3A_453 = arith.constant 0 : i32
        %dma_wait3A_454 = arith.constant 0 : i32
        %dma_wait3A_455 = tpu.memref_slice %arg14[%dma_wait3A_453, %dma_wait3A_454] : memref<10112x128xf32, #tpu.memory_space<vmem_shared>> -> memref<10112x128xf32, #tpu.memory_space<vmem_shared>>
        tpu.wait_indirect_dma semaphore(%run_scoped3A : memref<!tpu.dma_semaphore, #tpu.memory_space<semaphore_mem>>) src(%arg13 : memref<32x128xf32, #tpu.memory_space<vmem>>) dst(%dma_wait3A_455 : memref<10112x128xf32, #tpu.memory_space<vmem_shared>>)
        tpu.yield
      }) : () -> ()
      %add3A_166 = arith.constant 2 : i32
      %add3A_167 = arith.addi %mul3A_83, %add3A_166 : i32
      %dma_start3A_168 = arith.constant 32 : i32
      %dma_start3A_169 = tpu.memref_slice %arg7[%add3A_167, %dma_start3A_168] : memref<88x128xi32, #tpu.memory_space<vmem>> -> memref<1x32xi32, #tpu.memory_space<vmem>>
      %dma_start3A_170 = tpu.memref_squeeze %dma_start3A_169 : memref<1x32xi32, #tpu.memory_space<vmem>> -> memref<32xi32, #tpu.memory_space<vmem>>
      %dma_start3A_171 = arith.constant 0 : i32
      %dma_start3A_172 = arith.constant 0 : i32
      %dma_start3A_173 = tpu.memref_slice %arg2[%dma_start3A_171, %dma_start3A_172] : memref<10000x128xf32, #tpu.memory_space<hbm>> -> memref<10000x128xf32, #tpu.memory_space<hbm>>
      tpu.enqueue_indirect_dma source(%dma_start3A_173 : memref<10000x128xf32, #tpu.memory_space<hbm>>) target(%arg13 : memref<32x128xf32, #tpu.memory_space<vmem>>) offsets(%dma_start3A_170 : memref<32xi32, #tpu.memory_space<vmem>>) semaphore(%arg19 : memref<!tpu.dma_semaphore, #tpu.memory_space<semaphore_mem>>)
      %add3A_174 = arith.constant 1 : i32
      %add3A_175 = arith.addi %mul3A_83, %add3A_174 : i32
      %dma_wait3A_176 = arith.constant 32 : i32
      %dma_wait3A_177 = tpu.memref_slice %arg7[%add3A_175, %dma_wait3A_176] : memref<88x128xi32, #tpu.memory_space<vmem>> -> memref<1x32xi32, #tpu.memory_space<vmem>>
      %dma_wait3A_178 = tpu.memref_squeeze %dma_wait3A_177 : memref<1x32xi32, #tpu.memory_space<vmem>> -> memref<32xi32, #tpu.memory_space<vmem>>
      %dma_wait3A_179 = arith.constant 0 : i32
      %dma_wait3A_180 = arith.constant 0 : i32
      %dma_wait3A_181 = tpu.memref_slice %arg2[%dma_wait3A_179, %dma_wait3A_180] : memref<10000x128xf32, #tpu.memory_space<hbm>> -> memref<10000x128xf32, #tpu.memory_space<hbm>>
      tpu.wait_indirect_dma semaphore(%arg15 : memref<!tpu.dma_semaphore, #tpu.memory_space<semaphore_mem>>) src(%dma_wait3A_181 : memref<10000x128xf32, #tpu.memory_space<hbm>>) dst(%arg9 : memref<32x128xf32, #tpu.memory_space<vmem>>)
      %add3A_182 = arith.constant 1 : i32
      %add3A_183 = arith.addi %mul3A_83, %add3A_182 : i32
      "tpu.region"() ({
        %run_scoped3A = tpu.sem_alloc : memref<!tpu.dma_semaphore, #tpu.memory_space<semaphore_mem>>
        %dma_start3A_444 = arith.constant 32 : i32
        %dma_start3A_445 = tpu.memref_slice %arg8[%add3A_183, %dma_start3A_444] : memref<88x128xi32, #tpu.memory_space<vmem>> -> memref<1x32xi32, #tpu.memory_space<vmem>>
        %dma_start3A_446 = tpu.memref_squeeze %dma_start3A_445 : memref<1x32xi32, #tpu.memory_space<vmem>> -> memref<32xi32, #tpu.memory_space<vmem>>
        %dma_start3A_447 = arith.constant 0 : i32
        %dma_start3A_448 = arith.constant 0 : i32
        %dma_start3A_449 = tpu.memref_slice %arg14[%dma_start3A_447, %dma_start3A_448] : memref<10112x128xf32, #tpu.memory_space<vmem_shared>> -> memref<10112x128xf32, #tpu.memory_space<vmem_shared>>
        tpu.enqueue_indirect_dma source(%arg9 : memref<32x128xf32, #tpu.memory_space<vmem>>) target(%dma_start3A_449 : memref<10112x128xf32, #tpu.memory_space<vmem_shared>>) offsets(%dma_start3A_446 : memref<32xi32, #tpu.memory_space<vmem>>) semaphore(%run_scoped3A : memref<!tpu.dma_semaphore, #tpu.memory_space<semaphore_mem>>) {add = true}
        %dma_wait3A_450 = arith.constant 32 : i32
        %dma_wait3A_451 = tpu.memref_slice %arg8[%add3A_183, %dma_wait3A_450] : memref<88x128xi32, #tpu.memory_space<vmem>> -> memref<1x32xi32, #tpu.memory_space<vmem>>
        %dma_wait3A_452 = tpu.memref_squeeze %dma_wait3A_451 : memref<1x32xi32, #tpu.memory_space<vmem>> -> memref<32xi32, #tpu.memory_space<vmem>>
        %dma_wait3A_453 = arith.constant 0 : i32
        %dma_wait3A_454 = arith.constant 0 : i32
        %dma_wait3A_455 = tpu.memref_slice %arg14[%dma_wait3A_453, %dma_wait3A_454] : memref<10112x128xf32, #tpu.memory_space<vmem_shared>> -> memref<10112x128xf32, #tpu.memory_space<vmem_shared>>
        tpu.wait_indirect_dma semaphore(%run_scoped3A : memref<!tpu.dma_semaphore, #tpu.memory_space<semaphore_mem>>) src(%arg9 : memref<32x128xf32, #tpu.memory_space<vmem>>) dst(%dma_wait3A_455 : memref<10112x128xf32, #tpu.memory_space<vmem_shared>>)
        tpu.yield
      }) : () -> ()
      %add3A_184 = arith.constant 2 : i32
      %add3A_185 = arith.addi %mul3A_83, %add3A_184 : i32
      %dma_start3A_186 = arith.constant 64 : i32
      %dma_start3A_187 = tpu.memref_slice %arg7[%add3A_185, %dma_start3A_186] : memref<88x128xi32, #tpu.memory_space<vmem>> -> memref<1x32xi32, #tpu.memory_space<vmem>>
      %dma_start3A_188 = tpu.memref_squeeze %dma_start3A_187 : memref<1x32xi32, #tpu.memory_space<vmem>> -> memref<32xi32, #tpu.memory_space<vmem>>
      %dma_start3A_189 = arith.constant 0 : i32
      %dma_start3A_190 = arith.constant 0 : i32
      %dma_start3A_191 = tpu.memref_slice %arg2[%dma_start3A_189, %dma_start3A_190] : memref<10000x128xf32, #tpu.memory_space<hbm>> -> memref<10000x128xf32, #tpu.memory_space<hbm>>
      tpu.enqueue_indirect_dma source(%dma_start3A_191 : memref<10000x128xf32, #tpu.memory_space<hbm>>) target(%arg9 : memref<32x128xf32, #tpu.memory_space<vmem>>) offsets(%dma_start3A_188 : memref<32xi32, #tpu.memory_space<vmem>>) semaphore(%arg15 : memref<!tpu.dma_semaphore, #tpu.memory_space<semaphore_mem>>)
      %add3A_192 = arith.constant 1 : i32
      %add3A_193 = arith.addi %mul3A_83, %add3A_192 : i32
      %dma_wait3A_194 = arith.constant 64 : i32
      %dma_wait3A_195 = tpu.memref_slice %arg7[%add3A_193, %dma_wait3A_194] : memref<88x128xi32, #tpu.memory_space<vmem>> -> memref<1x32xi32, #tpu.memory_space<vmem>>
      %dma_wait3A_196 = tpu.memref_squeeze %dma_wait3A_195 : memref<1x32xi32, #tpu.memory_space<vmem>> -> memref<32xi32, #tpu.memory_space<vmem>>
      %dma_wait3A_197 = arith.constant 0 : i32
      %dma_wait3A_198 = arith.constant 0 : i32
      %dma_wait3A_199 = tpu.memref_slice %arg2[%dma_wait3A_197, %dma_wait3A_198] : memref<10000x128xf32, #tpu.memory_space<hbm>> -> memref<10000x128xf32, #tpu.memory_space<hbm>>
      tpu.wait_indirect_dma semaphore(%arg16 : memref<!tpu.dma_semaphore, #tpu.memory_space<semaphore_mem>>) src(%dma_wait3A_199 : memref<10000x128xf32, #tpu.memory_space<hbm>>) dst(%arg10 : memref<32x128xf32, #tpu.memory_space<vmem>>)
      %add3A_200 = arith.constant 1 : i32
      %add3A_201 = arith.addi %mul3A_83, %add3A_200 : i32
      "tpu.region"() ({
        %run_scoped3A = tpu.sem_alloc : memref<!tpu.dma_semaphore, #tpu.memory_space<semaphore_mem>>
        %dma_start3A_444 = arith.constant 64 : i32
        %dma_start3A_445 = tpu.memref_slice %arg8[%add3A_201, %dma_start3A_444] : memref<88x128xi32, #tpu.memory_space<vmem>> -> memref<1x32xi32, #tpu.memory_space<vmem>>
        %dma_start3A_446 = tpu.memref_squeeze %dma_start3A_445 : memref<1x32xi32, #tpu.memory_space<vmem>> -> memref<32xi32, #tpu.memory_space<vmem>>
        %dma_start3A_447 = arith.constant 0 : i32
        %dma_start3A_448 = arith.constant 0 : i32
        %dma_start3A_449 = tpu.memref_slice %arg14[%dma_start3A_447, %dma_start3A_448] : memref<10112x128xf32, #tpu.memory_space<vmem_shared>> -> memref<10112x128xf32, #tpu.memory_space<vmem_shared>>
        tpu.enqueue_indirect_dma source(%arg10 : memref<32x128xf32, #tpu.memory_space<vmem>>) target(%dma_start3A_449 : memref<10112x128xf32, #tpu.memory_space<vmem_shared>>) offsets(%dma_start3A_446 : memref<32xi32, #tpu.memory_space<vmem>>) semaphore(%run_scoped3A : memref<!tpu.dma_semaphore, #tpu.memory_space<semaphore_mem>>) {add = true}
        %dma_wait3A_450 = arith.constant 64 : i32
        %dma_wait3A_451 = tpu.memref_slice %arg8[%add3A_201, %dma_wait3A_450] : memref<88x128xi32, #tpu.memory_space<vmem>> -> memref<1x32xi32, #tpu.memory_space<vmem>>
        %dma_wait3A_452 = tpu.memref_squeeze %dma_wait3A_451 : memref<1x32xi32, #tpu.memory_space<vmem>> -> memref<32xi32, #tpu.memory_space<vmem>>
        %dma_wait3A_453 = arith.constant 0 : i32
        %dma_wait3A_454 = arith.constant 0 : i32
        %dma_wait3A_455 = tpu.memref_slice %arg14[%dma_wait3A_453, %dma_wait3A_454] : memref<10112x128xf32, #tpu.memory_space<vmem_shared>> -> memref<10112x128xf32, #tpu.memory_space<vmem_shared>>
        tpu.wait_indirect_dma semaphore(%run_scoped3A : memref<!tpu.dma_semaphore, #tpu.memory_space<semaphore_mem>>) src(%arg10 : memref<32x128xf32, #tpu.memory_space<vmem>>) dst(%dma_wait3A_455 : memref<10112x128xf32, #tpu.memory_space<vmem_shared>>)
        tpu.yield
      }) : () -> ()
      %add3A_202 = arith.constant 2 : i32
      %add3A_203 = arith.addi %mul3A_83, %add3A_202 : i32
      %dma_start3A_204 = arith.constant 96 : i32
      %dma_start3A_205 = tpu.memref_slice %arg7[%add3A_203, %dma_start3A_204] : memref<88x128xi32, #tpu.memory_space<vmem>> -> memref<1x32xi32, #tpu.memory_space<vmem>>
      %dma_start3A_206 = tpu.memref_squeeze %dma_start3A_205 : memref<1x32xi32, #tpu.memory_space<vmem>> -> memref<32xi32, #tpu.memory_space<vmem>>
      %dma_start3A_207 = arith.constant 0 : i32
      %dma_start3A_208 = arith.constant 0 : i32
      %dma_start3A_209 = tpu.memref_slice %arg2[%dma_start3A_207, %dma_start3A_208] : memref<10000x128xf32, #tpu.memory_space<hbm>> -> memref<10000x128xf32, #tpu.memory_space<hbm>>
      tpu.enqueue_indirect_dma source(%dma_start3A_209 : memref<10000x128xf32, #tpu.memory_space<hbm>>) target(%arg10 : memref<32x128xf32, #tpu.memory_space<vmem>>) offsets(%dma_start3A_206 : memref<32xi32, #tpu.memory_space<vmem>>) semaphore(%arg16 : memref<!tpu.dma_semaphore, #tpu.memory_space<semaphore_mem>>)
      %add3A_210 = arith.constant 1 : i32
      %add3A_211 = arith.addi %mul3A_83, %add3A_210 : i32
      %dma_wait3A_212 = arith.constant 96 : i32
      %dma_wait3A_213 = tpu.memref_slice %arg7[%add3A_211, %dma_wait3A_212] : memref<88x128xi32, #tpu.memory_space<vmem>> -> memref<1x32xi32, #tpu.memory_space<vmem>>
      %dma_wait3A_214 = tpu.memref_squeeze %dma_wait3A_213 : memref<1x32xi32, #tpu.memory_space<vmem>> -> memref<32xi32, #tpu.memory_space<vmem>>
      %dma_wait3A_215 = arith.constant 0 : i32
      %dma_wait3A_216 = arith.constant 0 : i32
      %dma_wait3A_217 = tpu.memref_slice %arg2[%dma_wait3A_215, %dma_wait3A_216] : memref<10000x128xf32, #tpu.memory_space<hbm>> -> memref<10000x128xf32, #tpu.memory_space<hbm>>
      tpu.wait_indirect_dma semaphore(%arg17 : memref<!tpu.dma_semaphore, #tpu.memory_space<semaphore_mem>>) src(%dma_wait3A_217 : memref<10000x128xf32, #tpu.memory_space<hbm>>) dst(%arg11 : memref<32x128xf32, #tpu.memory_space<vmem>>)
      %add3A_218 = arith.constant 1 : i32
      %add3A_219 = arith.addi %mul3A_83, %add3A_218 : i32
      "tpu.region"() ({
        %run_scoped3A = tpu.sem_alloc : memref<!tpu.dma_semaphore, #tpu.memory_space<semaphore_mem>>
        %dma_start3A_444 = arith.constant 96 : i32
        %dma_start3A_445 = tpu.memref_slice %arg8[%add3A_219, %dma_start3A_444] : memref<88x128xi32, #tpu.memory_space<vmem>> -> memref<1x32xi32, #tpu.memory_space<vmem>>
        %dma_start3A_446 = tpu.memref_squeeze %dma_start3A_445 : memref<1x32xi32, #tpu.memory_space<vmem>> -> memref<32xi32, #tpu.memory_space<vmem>>
        %dma_start3A_447 = arith.constant 0 : i32
        %dma_start3A_448 = arith.constant 0 : i32
        %dma_start3A_449 = tpu.memref_slice %arg14[%dma_start3A_447, %dma_start3A_448] : memref<10112x128xf32, #tpu.memory_space<vmem_shared>> -> memref<10112x128xf32, #tpu.memory_space<vmem_shared>>
        tpu.enqueue_indirect_dma source(%arg11 : memref<32x128xf32, #tpu.memory_space<vmem>>) target(%dma_start3A_449 : memref<10112x128xf32, #tpu.memory_space<vmem_shared>>) offsets(%dma_start3A_446 : memref<32xi32, #tpu.memory_space<vmem>>) semaphore(%run_scoped3A : memref<!tpu.dma_semaphore, #tpu.memory_space<semaphore_mem>>) {add = true}
        %dma_wait3A_450 = arith.constant 96 : i32
        %dma_wait3A_451 = tpu.memref_slice %arg8[%add3A_219, %dma_wait3A_450] : memref<88x128xi32, #tpu.memory_space<vmem>> -> memref<1x32xi32, #tpu.memory_space<vmem>>
        %dma_wait3A_452 = tpu.memref_squeeze %dma_wait3A_451 : memref<1x32xi32, #tpu.memory_space<vmem>> -> memref<32xi32, #tpu.memory_space<vmem>>
        %dma_wait3A_453 = arith.constant 0 : i32
        %dma_wait3A_454 = arith.constant 0 : i32
        %dma_wait3A_455 = tpu.memref_slice %arg14[%dma_wait3A_453, %dma_wait3A_454] : memref<10112x128xf32, #tpu.memory_space<vmem_shared>> -> memref<10112x128xf32, #tpu.memory_space<vmem_shared>>
        tpu.wait_indirect_dma semaphore(%run_scoped3A : memref<!tpu.dma_semaphore, #tpu.memory_space<semaphore_mem>>) src(%arg11 : memref<32x128xf32, #tpu.memory_space<vmem>>) dst(%dma_wait3A_455 : memref<10112x128xf32, #tpu.memory_space<vmem_shared>>)
        tpu.yield
      }) : () -> ()
      %add3A_220 = arith.constant 3 : i32
      %add3A_221 = arith.addi %mul3A_83, %add3A_220 : i32
      %dma_start3A_222 = arith.constant 0 : i32
      %dma_start3A_223 = tpu.memref_slice %arg7[%add3A_221, %dma_start3A_222] : memref<88x128xi32, #tpu.memory_space<vmem>> -> memref<1x32xi32, #tpu.memory_space<vmem>>
      %dma_start3A_224 = tpu.memref_squeeze %dma_start3A_223 : memref<1x32xi32, #tpu.memory_space<vmem>> -> memref<32xi32, #tpu.memory_space<vmem>>
      %dma_start3A_225 = arith.constant 0 : i32
      %dma_start3A_226 = arith.constant 0 : i32
      %dma_start3A_227 = tpu.memref_slice %arg2[%dma_start3A_225, %dma_start3A_226] : memref<10000x128xf32, #tpu.memory_space<hbm>> -> memref<10000x128xf32, #tpu.memory_space<hbm>>
      tpu.enqueue_indirect_dma source(%dma_start3A_227 : memref<10000x128xf32, #tpu.memory_space<hbm>>) target(%arg11 : memref<32x128xf32, #tpu.memory_space<vmem>>) offsets(%dma_start3A_224 : memref<32xi32, #tpu.memory_space<vmem>>) semaphore(%arg17 : memref<!tpu.dma_semaphore, #tpu.memory_space<semaphore_mem>>)
      %add3A_228 = arith.constant 2 : i32
      %add3A_229 = arith.addi %mul3A_83, %add3A_228 : i32
      %dma_wait3A_230 = arith.constant 0 : i32
      %dma_wait3A_231 = tpu.memref_slice %arg7[%add3A_229, %dma_wait3A_230] : memref<88x128xi32, #tpu.memory_space<vmem>> -> memref<1x32xi32, #tpu.memory_space<vmem>>
      %dma_wait3A_232 = tpu.memref_squeeze %dma_wait3A_231 : memref<1x32xi32, #tpu.memory_space<vmem>> -> memref<32xi32, #tpu.memory_space<vmem>>
      %dma_wait3A_233 = arith.constant 0 : i32
      %dma_wait3A_234 = arith.constant 0 : i32
      %dma_wait3A_235 = tpu.memref_slice %arg2[%dma_wait3A_233, %dma_wait3A_234] : memref<10000x128xf32, #tpu.memory_space<hbm>> -> memref<10000x128xf32, #tpu.memory_space<hbm>>
      tpu.wait_indirect_dma semaphore(%arg18 : memref<!tpu.dma_semaphore, #tpu.memory_space<semaphore_mem>>) src(%dma_wait3A_235 : memref<10000x128xf32, #tpu.memory_space<hbm>>) dst(%arg12 : memref<32x128xf32, #tpu.memory_space<vmem>>)
      %add3A_236 = arith.constant 2 : i32
      %add3A_237 = arith.addi %mul3A_83, %add3A_236 : i32
      "tpu.region"() ({
        %run_scoped3A = tpu.sem_alloc : memref<!tpu.dma_semaphore, #tpu.memory_space<semaphore_mem>>
        %dma_start3A_444 = arith.constant 0 : i32
        %dma_start3A_445 = tpu.memref_slice %arg8[%add3A_237, %dma_start3A_444] : memref<88x128xi32, #tpu.memory_space<vmem>> -> memref<1x32xi32, #tpu.memory_space<vmem>>
        %dma_start3A_446 = tpu.memref_squeeze %dma_start3A_445 : memref<1x32xi32, #tpu.memory_space<vmem>> -> memref<32xi32, #tpu.memory_space<vmem>>
        %dma_start3A_447 = arith.constant 0 : i32
        %dma_start3A_448 = arith.constant 0 : i32
        %dma_start3A_449 = tpu.memref_slice %arg14[%dma_start3A_447, %dma_start3A_448] : memref<10112x128xf32, #tpu.memory_space<vmem_shared>> -> memref<10112x128xf32, #tpu.memory_space<vmem_shared>>
        tpu.enqueue_indirect_dma source(%arg12 : memref<32x128xf32, #tpu.memory_space<vmem>>) target(%dma_start3A_449 : memref<10112x128xf32, #tpu.memory_space<vmem_shared>>) offsets(%dma_start3A_446 : memref<32xi32, #tpu.memory_space<vmem>>) semaphore(%run_scoped3A : memref<!tpu.dma_semaphore, #tpu.memory_space<semaphore_mem>>) {add = true}
        %dma_wait3A_450 = arith.constant 0 : i32
        %dma_wait3A_451 = tpu.memref_slice %arg8[%add3A_237, %dma_wait3A_450] : memref<88x128xi32, #tpu.memory_space<vmem>> -> memref<1x32xi32, #tpu.memory_space<vmem>>
        %dma_wait3A_452 = tpu.memref_squeeze %dma_wait3A_451 : memref<1x32xi32, #tpu.memory_space<vmem>> -> memref<32xi32, #tpu.memory_space<vmem>>
        %dma_wait3A_453 = arith.constant 0 : i32
        %dma_wait3A_454 = arith.constant 0 : i32
        %dma_wait3A_455 = tpu.memref_slice %arg14[%dma_wait3A_453, %dma_wait3A_454] : memref<10112x128xf32, #tpu.memory_space<vmem_shared>> -> memref<10112x128xf32, #tpu.memory_space<vmem_shared>>
        tpu.wait_indirect_dma semaphore(%run_scoped3A : memref<!tpu.dma_semaphore, #tpu.memory_space<semaphore_mem>>) src(%arg12 : memref<32x128xf32, #tpu.memory_space<vmem>>) dst(%dma_wait3A_455 : memref<10112x128xf32, #tpu.memory_space<vmem_shared>>)
        tpu.yield
      }) : () -> ()
      %add3A_238 = arith.constant 3 : i32
      %add3A_239 = arith.addi %mul3A_83, %add3A_238 : i32
      %dma_start3A_240 = arith.constant 32 : i32
      %dma_start3A_241 = tpu.memref_slice %arg7[%add3A_239, %dma_start3A_240] : memref<88x128xi32, #tpu.memory_space<vmem>> -> memref<1x32xi32, #tpu.memory_space<vmem>>
      %dma_start3A_242 = tpu.memref_squeeze %dma_start3A_241 : memref<1x32xi32, #tpu.memory_space<vmem>> -> memref<32xi32, #tpu.memory_space<vmem>>
      %dma_start3A_243 = arith.constant 0 : i32
      %dma_start3A_244 = arith.constant 0 : i32
      %dma_start3A_245 = tpu.memref_slice %arg2[%dma_start3A_243, %dma_start3A_244] : memref<10000x128xf32, #tpu.memory_space<hbm>> -> memref<10000x128xf32, #tpu.memory_space<hbm>>
      tpu.enqueue_indirect_dma source(%dma_start3A_245 : memref<10000x128xf32, #tpu.memory_space<hbm>>) target(%arg12 : memref<32x128xf32, #tpu.memory_space<vmem>>) offsets(%dma_start3A_242 : memref<32xi32, #tpu.memory_space<vmem>>) semaphore(%arg18 : memref<!tpu.dma_semaphore, #tpu.memory_space<semaphore_mem>>)
      %add3A_246 = arith.constant 2 : i32
      %add3A_247 = arith.addi %mul3A_83, %add3A_246 : i32
      %dma_wait3A_248 = arith.constant 32 : i32
      %dma_wait3A_249 = tpu.memref_slice %arg7[%add3A_247, %dma_wait3A_248] : memref<88x128xi32, #tpu.memory_space<vmem>> -> memref<1x32xi32, #tpu.memory_space<vmem>>
      %dma_wait3A_250 = tpu.memref_squeeze %dma_wait3A_249 : memref<1x32xi32, #tpu.memory_space<vmem>> -> memref<32xi32, #tpu.memory_space<vmem>>
      %dma_wait3A_251 = arith.constant 0 : i32
      %dma_wait3A_252 = arith.constant 0 : i32
      %dma_wait3A_253 = tpu.memref_slice %arg2[%dma_wait3A_251, %dma_wait3A_252] : memref<10000x128xf32, #tpu.memory_space<hbm>> -> memref<10000x128xf32, #tpu.memory_space<hbm>>
      tpu.wait_indirect_dma semaphore(%arg19 : memref<!tpu.dma_semaphore, #tpu.memory_space<semaphore_mem>>) src(%dma_wait3A_253 : memref<10000x128xf32, #tpu.memory_space<hbm>>) dst(%arg13 : memref<32x128xf32, #tpu.memory_space<vmem>>)
      %add3A_254 = arith.constant 2 : i32
      %add3A_255 = arith.addi %mul3A_83, %add3A_254 : i32
      "tpu.region"() ({
        %run_scoped3A = tpu.sem_alloc : memref<!tpu.dma_semaphore, #tpu.memory_space<semaphore_mem>>
        %dma_start3A_444 = arith.constant 32 : i32
        %dma_start3A_445 = tpu.memref_slice %arg8[%add3A_255, %dma_start3A_444] : memref<88x128xi32, #tpu.memory_space<vmem>> -> memref<1x32xi32, #tpu.memory_space<vmem>>
        %dma_start3A_446 = tpu.memref_squeeze %dma_start3A_445 : memref<1x32xi32, #tpu.memory_space<vmem>> -> memref<32xi32, #tpu.memory_space<vmem>>
        %dma_start3A_447 = arith.constant 0 : i32
        %dma_start3A_448 = arith.constant 0 : i32
        %dma_start3A_449 = tpu.memref_slice %arg14[%dma_start3A_447, %dma_start3A_448] : memref<10112x128xf32, #tpu.memory_space<vmem_shared>> -> memref<10112x128xf32, #tpu.memory_space<vmem_shared>>
        tpu.enqueue_indirect_dma source(%arg13 : memref<32x128xf32, #tpu.memory_space<vmem>>) target(%dma_start3A_449 : memref<10112x128xf32, #tpu.memory_space<vmem_shared>>) offsets(%dma_start3A_446 : memref<32xi32, #tpu.memory_space<vmem>>) semaphore(%run_scoped3A : memref<!tpu.dma_semaphore, #tpu.memory_space<semaphore_mem>>) {add = true}
        %dma_wait3A_450 = arith.constant 32 : i32
        %dma_wait3A_451 = tpu.memref_slice %arg8[%add3A_255, %dma_wait3A_450] : memref<88x128xi32, #tpu.memory_space<vmem>> -> memref<1x32xi32, #tpu.memory_space<vmem>>
        %dma_wait3A_452 = tpu.memref_squeeze %dma_wait3A_451 : memref<1x32xi32, #tpu.memory_space<vmem>> -> memref<32xi32, #tpu.memory_space<vmem>>
        %dma_wait3A_453 = arith.constant 0 : i32
        %dma_wait3A_454 = arith.constant 0 : i32
        %dma_wait3A_455 = tpu.memref_slice %arg14[%dma_wait3A_453, %dma_wait3A_454] : memref<10112x128xf32, #tpu.memory_space<vmem_shared>> -> memref<10112x128xf32, #tpu.memory_space<vmem_shared>>
        tpu.wait_indirect_dma semaphore(%run_scoped3A : memref<!tpu.dma_semaphore, #tpu.memory_space<semaphore_mem>>) src(%arg13 : memref<32x128xf32, #tpu.memory_space<vmem>>) dst(%dma_wait3A_455 : memref<10112x128xf32, #tpu.memory_space<vmem_shared>>)
        tpu.yield
      }) : () -> ()
      %add3A_256 = arith.constant 3 : i32
      %add3A_257 = arith.addi %mul3A_83, %add3A_256 : i32
      %dma_start3A_258 = arith.constant 64 : i32
      %dma_start3A_259 = tpu.memref_slice %arg7[%add3A_257, %dma_start3A_258] : memref<88x128xi32, #tpu.memory_space<vmem>> -> memref<1x32xi32, #tpu.memory_space<vmem>>
      %dma_start3A_260 = tpu.memref_squeeze %dma_start3A_259 : memref<1x32xi32, #tpu.memory_space<vmem>> -> memref<32xi32, #tpu.memory_space<vmem>>
      %dma_start3A_261 = arith.constant 0 : i32
      %dma_start3A_262 = arith.constant 0 : i32
      %dma_start3A_263 = tpu.memref_slice %arg2[%dma_start3A_261, %dma_start3A_262] : memref<10000x128xf32, #tpu.memory_space<hbm>> -> memref<10000x128xf32, #tpu.memory_space<hbm>>
      tpu.enqueue_indirect_dma source(%dma_start3A_263 : memref<10000x128xf32, #tpu.memory_space<hbm>>) target(%arg13 : memref<32x128xf32, #tpu.memory_space<vmem>>) offsets(%dma_start3A_260 : memref<32xi32, #tpu.memory_space<vmem>>) semaphore(%arg19 : memref<!tpu.dma_semaphore, #tpu.memory_space<semaphore_mem>>)
      %add3A_264 = arith.constant 2 : i32
      %add3A_265 = arith.addi %mul3A_83, %add3A_264 : i32
      %dma_wait3A_266 = arith.constant 64 : i32
      %dma_wait3A_267 = tpu.memref_slice %arg7[%add3A_265, %dma_wait3A_266] : memref<88x128xi32, #tpu.memory_space<vmem>> -> memref<1x32xi32, #tpu.memory_space<vmem>>
      %dma_wait3A_268 = tpu.memref_squeeze %dma_wait3A_267 : memref<1x32xi32, #tpu.memory_space<vmem>> -> memref<32xi32, #tpu.memory_space<vmem>>
      %dma_wait3A_269 = arith.constant 0 : i32
      %dma_wait3A_270 = arith.constant 0 : i32
      %dma_wait3A_271 = tpu.memref_slice %arg2[%dma_wait3A_269, %dma_wait3A_270] : memref<10000x128xf32, #tpu.memory_space<hbm>> -> memref<10000x128xf32, #tpu.memory_space<hbm>>
      tpu.wait_indirect_dma semaphore(%arg15 : memref<!tpu.dma_semaphore, #tpu.memory_space<semaphore_mem>>) src(%dma_wait3A_271 : memref<10000x128xf32, #tpu.memory_space<hbm>>) dst(%arg9 : memref<32x128xf32, #tpu.memory_space<vmem>>)
      %add3A_272 = arith.constant 2 : i32
      %add3A_273 = arith.addi %mul3A_83, %add3A_272 : i32
      "tpu.region"() ({
        %run_scoped3A = tpu.sem_alloc : memref<!tpu.dma_semaphore, #tpu.memory_space<semaphore_mem>>
        %dma_start3A_444 = arith.constant 64 : i32
        %dma_start3A_445 = tpu.memref_slice %arg8[%add3A_273, %dma_start3A_444] : memref<88x128xi32, #tpu.memory_space<vmem>> -> memref<1x32xi32, #tpu.memory_space<vmem>>
        %dma_start3A_446 = tpu.memref_squeeze %dma_start3A_445 : memref<1x32xi32, #tpu.memory_space<vmem>> -> memref<32xi32, #tpu.memory_space<vmem>>
        %dma_start3A_447 = arith.constant 0 : i32
        %dma_start3A_448 = arith.constant 0 : i32
        %dma_start3A_449 = tpu.memref_slice %arg14[%dma_start3A_447, %dma_start3A_448] : memref<10112x128xf32, #tpu.memory_space<vmem_shared>> -> memref<10112x128xf32, #tpu.memory_space<vmem_shared>>
        tpu.enqueue_indirect_dma source(%arg9 : memref<32x128xf32, #tpu.memory_space<vmem>>) target(%dma_start3A_449 : memref<10112x128xf32, #tpu.memory_space<vmem_shared>>) offsets(%dma_start3A_446 : memref<32xi32, #tpu.memory_space<vmem>>) semaphore(%run_scoped3A : memref<!tpu.dma_semaphore, #tpu.memory_space<semaphore_mem>>) {add = true}
        %dma_wait3A_450 = arith.constant 64 : i32
        %dma_wait3A_451 = tpu.memref_slice %arg8[%add3A_273, %dma_wait3A_450] : memref<88x128xi32, #tpu.memory_space<vmem>> -> memref<1x32xi32, #tpu.memory_space<vmem>>
        %dma_wait3A_452 = tpu.memref_squeeze %dma_wait3A_451 : memref<1x32xi32, #tpu.memory_space<vmem>> -> memref<32xi32, #tpu.memory_space<vmem>>
        %dma_wait3A_453 = arith.constant 0 : i32
        %dma_wait3A_454 = arith.constant 0 : i32
        %dma_wait3A_455 = tpu.memref_slice %arg14[%dma_wait3A_453, %dma_wait3A_454] : memref<10112x128xf32, #tpu.memory_space<vmem_shared>> -> memref<10112x128xf32, #tpu.memory_space<vmem_shared>>
        tpu.wait_indirect_dma semaphore(%run_scoped3A : memref<!tpu.dma_semaphore, #tpu.memory_space<semaphore_mem>>) src(%arg9 : memref<32x128xf32, #tpu.memory_space<vmem>>) dst(%dma_wait3A_455 : memref<10112x128xf32, #tpu.memory_space<vmem_shared>>)
        tpu.yield
      }) : () -> ()
      %add3A_274 = arith.constant 3 : i32
      %add3A_275 = arith.addi %mul3A_83, %add3A_274 : i32
      %dma_start3A_276 = arith.constant 96 : i32
      %dma_start3A_277 = tpu.memref_slice %arg7[%add3A_275, %dma_start3A_276] : memref<88x128xi32, #tpu.memory_space<vmem>> -> memref<1x32xi32, #tpu.memory_space<vmem>>
      %dma_start3A_278 = tpu.memref_squeeze %dma_start3A_277 : memref<1x32xi32, #tpu.memory_space<vmem>> -> memref<32xi32, #tpu.memory_space<vmem>>
      %dma_start3A_279 = arith.constant 0 : i32
      %dma_start3A_280 = arith.constant 0 : i32
      %dma_start3A_281 = tpu.memref_slice %arg2[%dma_start3A_279, %dma_start3A_280] : memref<10000x128xf32, #tpu.memory_space<hbm>> -> memref<10000x128xf32, #tpu.memory_space<hbm>>
      tpu.enqueue_indirect_dma source(%dma_start3A_281 : memref<10000x128xf32, #tpu.memory_space<hbm>>) target(%arg9 : memref<32x128xf32, #tpu.memory_space<vmem>>) offsets(%dma_start3A_278 : memref<32xi32, #tpu.memory_space<vmem>>) semaphore(%arg15 : memref<!tpu.dma_semaphore, #tpu.memory_space<semaphore_mem>>)
      %add3A_282 = arith.constant 2 : i32
      %add3A_283 = arith.addi %mul3A_83, %add3A_282 : i32
      %dma_wait3A_284 = arith.constant 96 : i32
      %dma_wait3A_285 = tpu.memref_slice %arg7[%add3A_283, %dma_wait3A_284] : memref<88x128xi32, #tpu.memory_space<vmem>> -> memref<1x32xi32, #tpu.memory_space<vmem>>
      %dma_wait3A_286 = tpu.memref_squeeze %dma_wait3A_285 : memref<1x32xi32, #tpu.memory_space<vmem>> -> memref<32xi32, #tpu.memory_space<vmem>>
      %dma_wait3A_287 = arith.constant 0 : i32
      %dma_wait3A_288 = arith.constant 0 : i32
      %dma_wait3A_289 = tpu.memref_slice %arg2[%dma_wait3A_287, %dma_wait3A_288] : memref<10000x128xf32, #tpu.memory_space<hbm>> -> memref<10000x128xf32, #tpu.memory_space<hbm>>
      tpu.wait_indirect_dma semaphore(%arg16 : memref<!tpu.dma_semaphore, #tpu.memory_space<semaphore_mem>>) src(%dma_wait3A_289 : memref<10000x128xf32, #tpu.memory_space<hbm>>) dst(%arg10 : memref<32x128xf32, #tpu.memory_space<vmem>>)
      %add3A_290 = arith.constant 2 : i32
      %add3A_291 = arith.addi %mul3A_83, %add3A_290 : i32
      "tpu.region"() ({
        %run_scoped3A = tpu.sem_alloc : memref<!tpu.dma_semaphore, #tpu.memory_space<semaphore_mem>>
        %dma_start3A_444 = arith.constant 96 : i32
        %dma_start3A_445 = tpu.memref_slice %arg8[%add3A_291, %dma_start3A_444] : memref<88x128xi32, #tpu.memory_space<vmem>> -> memref<1x32xi32, #tpu.memory_space<vmem>>
        %dma_start3A_446 = tpu.memref_squeeze %dma_start3A_445 : memref<1x32xi32, #tpu.memory_space<vmem>> -> memref<32xi32, #tpu.memory_space<vmem>>
        %dma_start3A_447 = arith.constant 0 : i32
        %dma_start3A_448 = arith.constant 0 : i32
        %dma_start3A_449 = tpu.memref_slice %arg14[%dma_start3A_447, %dma_start3A_448] : memref<10112x128xf32, #tpu.memory_space<vmem_shared>> -> memref<10112x128xf32, #tpu.memory_space<vmem_shared>>
        tpu.enqueue_indirect_dma source(%arg10 : memref<32x128xf32, #tpu.memory_space<vmem>>) target(%dma_start3A_449 : memref<10112x128xf32, #tpu.memory_space<vmem_shared>>) offsets(%dma_start3A_446 : memref<32xi32, #tpu.memory_space<vmem>>) semaphore(%run_scoped3A : memref<!tpu.dma_semaphore, #tpu.memory_space<semaphore_mem>>) {add = true}
        %dma_wait3A_450 = arith.constant 96 : i32
        %dma_wait3A_451 = tpu.memref_slice %arg8[%add3A_291, %dma_wait3A_450] : memref<88x128xi32, #tpu.memory_space<vmem>> -> memref<1x32xi32, #tpu.memory_space<vmem>>
        %dma_wait3A_452 = tpu.memref_squeeze %dma_wait3A_451 : memref<1x32xi32, #tpu.memory_space<vmem>> -> memref<32xi32, #tpu.memory_space<vmem>>
        %dma_wait3A_453 = arith.constant 0 : i32
        %dma_wait3A_454 = arith.constant 0 : i32
        %dma_wait3A_455 = tpu.memref_slice %arg14[%dma_wait3A_453, %dma_wait3A_454] : memref<10112x128xf32, #tpu.memory_space<vmem_shared>> -> memref<10112x128xf32, #tpu.memory_space<vmem_shared>>
        tpu.wait_indirect_dma semaphore(%run_scoped3A : memref<!tpu.dma_semaphore, #tpu.memory_space<semaphore_mem>>) src(%arg10 : memref<32x128xf32, #tpu.memory_space<vmem>>) dst(%dma_wait3A_455 : memref<10112x128xf32, #tpu.memory_space<vmem_shared>>)
        tpu.yield
      }) : () -> ()
      %add3A_292 = arith.constant 4 : i32
      %add3A_293 = arith.addi %mul3A_83, %add3A_292 : i32
      %dma_start3A_294 = arith.constant 0 : i32
      %dma_start3A_295 = tpu.memref_slice %arg7[%add3A_293, %dma_start3A_294] : memref<88x128xi32, #tpu.memory_space<vmem>> -> memref<1x32xi32, #tpu.memory_space<vmem>>
      %dma_start3A_296 = tpu.memref_squeeze %dma_start3A_295 : memref<1x32xi32, #tpu.memory_space<vmem>> -> memref<32xi32, #tpu.memory_space<vmem>>
      %dma_start3A_297 = arith.constant 0 : i32
      %dma_start3A_298 = arith.constant 0 : i32
      %dma_start3A_299 = tpu.memref_slice %arg2[%dma_start3A_297, %dma_start3A_298] : memref<10000x128xf32, #tpu.memory_space<hbm>> -> memref<10000x128xf32, #tpu.memory_space<hbm>>
      tpu.enqueue_indirect_dma source(%dma_start3A_299 : memref<10000x128xf32, #tpu.memory_space<hbm>>) target(%arg10 : memref<32x128xf32, #tpu.memory_space<vmem>>) offsets(%dma_start3A_296 : memref<32xi32, #tpu.memory_space<vmem>>) semaphore(%arg16 : memref<!tpu.dma_semaphore, #tpu.memory_space<semaphore_mem>>)
      %add3A_300 = arith.constant 3 : i32
      %add3A_301 = arith.addi %mul3A_83, %add3A_300 : i32
      %dma_wait3A_302 = arith.constant 0 : i32
      %dma_wait3A_303 = tpu.memref_slice %arg7[%add3A_301, %dma_wait3A_302] : memref<88x128xi32, #tpu.memory_space<vmem>> -> memref<1x32xi32, #tpu.memory_space<vmem>>
      %dma_wait3A_304 = tpu.memref_squeeze %dma_wait3A_303 : memref<1x32xi32, #tpu.memory_space<vmem>> -> memref<32xi32, #tpu.memory_space<vmem>>
      %dma_wait3A_305 = arith.constant 0 : i32
      %dma_wait3A_306 = arith.constant 0 : i32
      %dma_wait3A_307 = tpu.memref_slice %arg2[%dma_wait3A_305, %dma_wait3A_306] : memref<10000x128xf32, #tpu.memory_space<hbm>> -> memref<10000x128xf32, #tpu.memory_space<hbm>>
      tpu.wait_indirect_dma semaphore(%arg17 : memref<!tpu.dma_semaphore, #tpu.memory_space<semaphore_mem>>) src(%dma_wait3A_307 : memref<10000x128xf32, #tpu.memory_space<hbm>>) dst(%arg11 : memref<32x128xf32, #tpu.memory_space<vmem>>)
      %add3A_308 = arith.constant 3 : i32
      %add3A_309 = arith.addi %mul3A_83, %add3A_308 : i32
      "tpu.region"() ({
        %run_scoped3A = tpu.sem_alloc : memref<!tpu.dma_semaphore, #tpu.memory_space<semaphore_mem>>
        %dma_start3A_444 = arith.constant 0 : i32
        %dma_start3A_445 = tpu.memref_slice %arg8[%add3A_309, %dma_start3A_444] : memref<88x128xi32, #tpu.memory_space<vmem>> -> memref<1x32xi32, #tpu.memory_space<vmem>>
        %dma_start3A_446 = tpu.memref_squeeze %dma_start3A_445 : memref<1x32xi32, #tpu.memory_space<vmem>> -> memref<32xi32, #tpu.memory_space<vmem>>
        %dma_start3A_447 = arith.constant 0 : i32
        %dma_start3A_448 = arith.constant 0 : i32
        %dma_start3A_449 = tpu.memref_slice %arg14[%dma_start3A_447, %dma_start3A_448] : memref<10112x128xf32, #tpu.memory_space<vmem_shared>> -> memref<10112x128xf32, #tpu.memory_space<vmem_shared>>
        tpu.enqueue_indirect_dma source(%arg11 : memref<32x128xf32, #tpu.memory_space<vmem>>) target(%dma_start3A_449 : memref<10112x128xf32, #tpu.memory_space<vmem_shared>>) offsets(%dma_start3A_446 : memref<32xi32, #tpu.memory_space<vmem>>) semaphore(%run_scoped3A : memref<!tpu.dma_semaphore, #tpu.memory_space<semaphore_mem>>) {add = true}
        %dma_wait3A_450 = arith.constant 0 : i32
        %dma_wait3A_451 = tpu.memref_slice %arg8[%add3A_309, %dma_wait3A_450] : memref<88x128xi32, #tpu.memory_space<vmem>> -> memref<1x32xi32, #tpu.memory_space<vmem>>
        %dma_wait3A_452 = tpu.memref_squeeze %dma_wait3A_451 : memref<1x32xi32, #tpu.memory_space<vmem>> -> memref<32xi32, #tpu.memory_space<vmem>>
        %dma_wait3A_453 = arith.constant 0 : i32
        %dma_wait3A_454 = arith.constant 0 : i32
        %dma_wait3A_455 = tpu.memref_slice %arg14[%dma_wait3A_453, %dma_wait3A_454] : memref<10112x128xf32, #tpu.memory_space<vmem_shared>> -> memref<10112x128xf32, #tpu.memory_space<vmem_shared>>
        tpu.wait_indirect_dma semaphore(%run_scoped3A : memref<!tpu.dma_semaphore, #tpu.memory_space<semaphore_mem>>) src(%arg11 : memref<32x128xf32, #tpu.memory_space<vmem>>) dst(%dma_wait3A_455 : memref<10112x128xf32, #tpu.memory_space<vmem_shared>>)
        tpu.yield
      }) : () -> ()
      %add3A_310 = arith.constant 4 : i32
      %add3A_311 = arith.addi %mul3A_83, %add3A_310 : i32
      %dma_start3A_312 = arith.constant 32 : i32
      %dma_start3A_313 = tpu.memref_slice %arg7[%add3A_311, %dma_start3A_312] : memref<88x128xi32, #tpu.memory_space<vmem>> -> memref<1x32xi32, #tpu.memory_space<vmem>>
      %dma_start3A_314 = tpu.memref_squeeze %dma_start3A_313 : memref<1x32xi32, #tpu.memory_space<vmem>> -> memref<32xi32, #tpu.memory_space<vmem>>
      %dma_start3A_315 = arith.constant 0 : i32
      %dma_start3A_316 = arith.constant 0 : i32
      %dma_start3A_317 = tpu.memref_slice %arg2[%dma_start3A_315, %dma_start3A_316] : memref<10000x128xf32, #tpu.memory_space<hbm>> -> memref<10000x128xf32, #tpu.memory_space<hbm>>
      tpu.enqueue_indirect_dma source(%dma_start3A_317 : memref<10000x128xf32, #tpu.memory_space<hbm>>) target(%arg11 : memref<32x128xf32, #tpu.memory_space<vmem>>) offsets(%dma_start3A_314 : memref<32xi32, #tpu.memory_space<vmem>>) semaphore(%arg17 : memref<!tpu.dma_semaphore, #tpu.memory_space<semaphore_mem>>)
      %add3A_318 = arith.constant 3 : i32
      %add3A_319 = arith.addi %mul3A_83, %add3A_318 : i32
      %dma_wait3A_320 = arith.constant 32 : i32
      %dma_wait3A_321 = tpu.memref_slice %arg7[%add3A_319, %dma_wait3A_320] : memref<88x128xi32, #tpu.memory_space<vmem>> -> memref<1x32xi32, #tpu.memory_space<vmem>>
      %dma_wait3A_322 = tpu.memref_squeeze %dma_wait3A_321 : memref<1x32xi32, #tpu.memory_space<vmem>> -> memref<32xi32, #tpu.memory_space<vmem>>
      %dma_wait3A_323 = arith.constant 0 : i32
      %dma_wait3A_324 = arith.constant 0 : i32
      %dma_wait3A_325 = tpu.memref_slice %arg2[%dma_wait3A_323, %dma_wait3A_324] : memref<10000x128xf32, #tpu.memory_space<hbm>> -> memref<10000x128xf32, #tpu.memory_space<hbm>>
      tpu.wait_indirect_dma semaphore(%arg18 : memref<!tpu.dma_semaphore, #tpu.memory_space<semaphore_mem>>) src(%dma_wait3A_325 : memref<10000x128xf32, #tpu.memory_space<hbm>>) dst(%arg12 : memref<32x128xf32, #tpu.memory_space<vmem>>)
      %add3A_326 = arith.constant 3 : i32
      %add3A_327 = arith.addi %mul3A_83, %add3A_326 : i32
      "tpu.region"() ({
        %run_scoped3A = tpu.sem_alloc : memref<!tpu.dma_semaphore, #tpu.memory_space<semaphore_mem>>
        %dma_start3A_444 = arith.constant 32 : i32
        %dma_start3A_445 = tpu.memref_slice %arg8[%add3A_327, %dma_start3A_444] : memref<88x128xi32, #tpu.memory_space<vmem>> -> memref<1x32xi32, #tpu.memory_space<vmem>>
        %dma_start3A_446 = tpu.memref_squeeze %dma_start3A_445 : memref<1x32xi32, #tpu.memory_space<vmem>> -> memref<32xi32, #tpu.memory_space<vmem>>
        %dma_start3A_447 = arith.constant 0 : i32
        %dma_start3A_448 = arith.constant 0 : i32
        %dma_start3A_449 = tpu.memref_slice %arg14[%dma_start3A_447, %dma_start3A_448] : memref<10112x128xf32, #tpu.memory_space<vmem_shared>> -> memref<10112x128xf32, #tpu.memory_space<vmem_shared>>
        tpu.enqueue_indirect_dma source(%arg12 : memref<32x128xf32, #tpu.memory_space<vmem>>) target(%dma_start3A_449 : memref<10112x128xf32, #tpu.memory_space<vmem_shared>>) offsets(%dma_start3A_446 : memref<32xi32, #tpu.memory_space<vmem>>) semaphore(%run_scoped3A : memref<!tpu.dma_semaphore, #tpu.memory_space<semaphore_mem>>) {add = true}
        %dma_wait3A_450 = arith.constant 32 : i32
        %dma_wait3A_451 = tpu.memref_slice %arg8[%add3A_327, %dma_wait3A_450] : memref<88x128xi32, #tpu.memory_space<vmem>> -> memref<1x32xi32, #tpu.memory_space<vmem>>
        %dma_wait3A_452 = tpu.memref_squeeze %dma_wait3A_451 : memref<1x32xi32, #tpu.memory_space<vmem>> -> memref<32xi32, #tpu.memory_space<vmem>>
        %dma_wait3A_453 = arith.constant 0 : i32
        %dma_wait3A_454 = arith.constant 0 : i32
        %dma_wait3A_455 = tpu.memref_slice %arg14[%dma_wait3A_453, %dma_wait3A_454] : memref<10112x128xf32, #tpu.memory_space<vmem_shared>> -> memref<10112x128xf32, #tpu.memory_space<vmem_shared>>
        tpu.wait_indirect_dma semaphore(%run_scoped3A : memref<!tpu.dma_semaphore, #tpu.memory_space<semaphore_mem>>) src(%arg12 : memref<32x128xf32, #tpu.memory_space<vmem>>) dst(%dma_wait3A_455 : memref<10112x128xf32, #tpu.memory_space<vmem_shared>>)
        tpu.yield
      }) : () -> ()
      %add3A_328 = arith.constant 4 : i32
      %add3A_329 = arith.addi %mul3A_83, %add3A_328 : i32
      %dma_start3A_330 = arith.constant 64 : i32
      %dma_start3A_331 = tpu.memref_slice %arg7[%add3A_329, %dma_start3A_330] : memref<88x128xi32, #tpu.memory_space<vmem>> -> memref<1x32xi32, #tpu.memory_space<vmem>>
      %dma_start3A_332 = tpu.memref_squeeze %dma_start3A_331 : memref<1x32xi32, #tpu.memory_space<vmem>> -> memref<32xi32, #tpu.memory_space<vmem>>
      %dma_start3A_333 = arith.constant 0 : i32
      %dma_start3A_334 = arith.constant 0 : i32
      %dma_start3A_335 = tpu.memref_slice %arg2[%dma_start3A_333, %dma_start3A_334] : memref<10000x128xf32, #tpu.memory_space<hbm>> -> memref<10000x128xf32, #tpu.memory_space<hbm>>
      tpu.enqueue_indirect_dma source(%dma_start3A_335 : memref<10000x128xf32, #tpu.memory_space<hbm>>) target(%arg12 : memref<32x128xf32, #tpu.memory_space<vmem>>) offsets(%dma_start3A_332 : memref<32xi32, #tpu.memory_space<vmem>>) semaphore(%arg18 : memref<!tpu.dma_semaphore, #tpu.memory_space<semaphore_mem>>)
      %add3A_336 = arith.constant 3 : i32
      %add3A_337 = arith.addi %mul3A_83, %add3A_336 : i32
      %dma_wait3A_338 = arith.constant 64 : i32
      %dma_wait3A_339 = tpu.memref_slice %arg7[%add3A_337, %dma_wait3A_338] : memref<88x128xi32, #tpu.memory_space<vmem>> -> memref<1x32xi32, #tpu.memory_space<vmem>>
      %dma_wait3A_340 = tpu.memref_squeeze %dma_wait3A_339 : memref<1x32xi32, #tpu.memory_space<vmem>> -> memref<32xi32, #tpu.memory_space<vmem>>
      %dma_wait3A_341 = arith.constant 0 : i32
      %dma_wait3A_342 = arith.constant 0 : i32
      %dma_wait3A_343 = tpu.memref_slice %arg2[%dma_wait3A_341, %dma_wait3A_342] : memref<10000x128xf32, #tpu.memory_space<hbm>> -> memref<10000x128xf32, #tpu.memory_space<hbm>>
      tpu.wait_indirect_dma semaphore(%arg19 : memref<!tpu.dma_semaphore, #tpu.memory_space<semaphore_mem>>) src(%dma_wait3A_343 : memref<10000x128xf32, #tpu.memory_space<hbm>>) dst(%arg13 : memref<32x128xf32, #tpu.memory_space<vmem>>)
      %add3A_344 = arith.constant 3 : i32
      %add3A_345 = arith.addi %mul3A_83, %add3A_344 : i32
      "tpu.region"() ({
        %run_scoped3A = tpu.sem_alloc : memref<!tpu.dma_semaphore, #tpu.memory_space<semaphore_mem>>
        %dma_start3A_444 = arith.constant 64 : i32
        %dma_start3A_445 = tpu.memref_slice %arg8[%add3A_345, %dma_start3A_444] : memref<88x128xi32, #tpu.memory_space<vmem>> -> memref<1x32xi32, #tpu.memory_space<vmem>>
        %dma_start3A_446 = tpu.memref_squeeze %dma_start3A_445 : memref<1x32xi32, #tpu.memory_space<vmem>> -> memref<32xi32, #tpu.memory_space<vmem>>
        %dma_start3A_447 = arith.constant 0 : i32
        %dma_start3A_448 = arith.constant 0 : i32
        %dma_start3A_449 = tpu.memref_slice %arg14[%dma_start3A_447, %dma_start3A_448] : memref<10112x128xf32, #tpu.memory_space<vmem_shared>> -> memref<10112x128xf32, #tpu.memory_space<vmem_shared>>
        tpu.enqueue_indirect_dma source(%arg13 : memref<32x128xf32, #tpu.memory_space<vmem>>) target(%dma_start3A_449 : memref<10112x128xf32, #tpu.memory_space<vmem_shared>>) offsets(%dma_start3A_446 : memref<32xi32, #tpu.memory_space<vmem>>) semaphore(%run_scoped3A : memref<!tpu.dma_semaphore, #tpu.memory_space<semaphore_mem>>) {add = true}
        %dma_wait3A_450 = arith.constant 64 : i32
        %dma_wait3A_451 = tpu.memref_slice %arg8[%add3A_345, %dma_wait3A_450] : memref<88x128xi32, #tpu.memory_space<vmem>> -> memref<1x32xi32, #tpu.memory_space<vmem>>
        %dma_wait3A_452 = tpu.memref_squeeze %dma_wait3A_451 : memref<1x32xi32, #tpu.memory_space<vmem>> -> memref<32xi32, #tpu.memory_space<vmem>>
        %dma_wait3A_453 = arith.constant 0 : i32
        %dma_wait3A_454 = arith.constant 0 : i32
        %dma_wait3A_455 = tpu.memref_slice %arg14[%dma_wait3A_453, %dma_wait3A_454] : memref<10112x128xf32, #tpu.memory_space<vmem_shared>> -> memref<10112x128xf32, #tpu.memory_space<vmem_shared>>
        tpu.wait_indirect_dma semaphore(%run_scoped3A : memref<!tpu.dma_semaphore, #tpu.memory_space<semaphore_mem>>) src(%arg13 : memref<32x128xf32, #tpu.memory_space<vmem>>) dst(%dma_wait3A_455 : memref<10112x128xf32, #tpu.memory_space<vmem_shared>>)
        tpu.yield
      }) : () -> ()
      %add3A_346 = arith.constant 4 : i32
      %add3A_347 = arith.addi %mul3A_83, %add3A_346 : i32
      %dma_start3A_348 = arith.constant 96 : i32
      %dma_start3A_349 = tpu.memref_slice %arg7[%add3A_347, %dma_start3A_348] : memref<88x128xi32, #tpu.memory_space<vmem>> -> memref<1x32xi32, #tpu.memory_space<vmem>>
      %dma_start3A_350 = tpu.memref_squeeze %dma_start3A_349 : memref<1x32xi32, #tpu.memory_space<vmem>> -> memref<32xi32, #tpu.memory_space<vmem>>
      %dma_start3A_351 = arith.constant 0 : i32
      %dma_start3A_352 = arith.constant 0 : i32
      %dma_start3A_353 = tpu.memref_slice %arg2[%dma_start3A_351, %dma_start3A_352] : memref<10000x128xf32, #tpu.memory_space<hbm>> -> memref<10000x128xf32, #tpu.memory_space<hbm>>
      tpu.enqueue_indirect_dma source(%dma_start3A_353 : memref<10000x128xf32, #tpu.memory_space<hbm>>) target(%arg13 : memref<32x128xf32, #tpu.memory_space<vmem>>) offsets(%dma_start3A_350 : memref<32xi32, #tpu.memory_space<vmem>>) semaphore(%arg19 : memref<!tpu.dma_semaphore, #tpu.memory_space<semaphore_mem>>)
      %add3A_354 = arith.constant 3 : i32
      %add3A_355 = arith.addi %mul3A_83, %add3A_354 : i32
      %dma_wait3A_356 = arith.constant 96 : i32
      %dma_wait3A_357 = tpu.memref_slice %arg7[%add3A_355, %dma_wait3A_356] : memref<88x128xi32, #tpu.memory_space<vmem>> -> memref<1x32xi32, #tpu.memory_space<vmem>>
      %dma_wait3A_358 = tpu.memref_squeeze %dma_wait3A_357 : memref<1x32xi32, #tpu.memory_space<vmem>> -> memref<32xi32, #tpu.memory_space<vmem>>
      %dma_wait3A_359 = arith.constant 0 : i32
      %dma_wait3A_360 = arith.constant 0 : i32
      %dma_wait3A_361 = tpu.memref_slice %arg2[%dma_wait3A_359, %dma_wait3A_360] : memref<10000x128xf32, #tpu.memory_space<hbm>> -> memref<10000x128xf32, #tpu.memory_space<hbm>>
      tpu.wait_indirect_dma semaphore(%arg15 : memref<!tpu.dma_semaphore, #tpu.memory_space<semaphore_mem>>) src(%dma_wait3A_361 : memref<10000x128xf32, #tpu.memory_space<hbm>>) dst(%arg9 : memref<32x128xf32, #tpu.memory_space<vmem>>)
      %add3A_362 = arith.constant 3 : i32
      %add3A_363 = arith.addi %mul3A_83, %add3A_362 : i32
      "tpu.region"() ({
        %run_scoped3A = tpu.sem_alloc : memref<!tpu.dma_semaphore, #tpu.memory_space<semaphore_mem>>
        %dma_start3A_444 = arith.constant 96 : i32
        %dma_start3A_445 = tpu.memref_slice %arg8[%add3A_363, %dma_start3A_444] : memref<88x128xi32, #tpu.memory_space<vmem>> -> memref<1x32xi32, #tpu.memory_space<vmem>>
        %dma_start3A_446 = tpu.memref_squeeze %dma_start3A_445 : memref<1x32xi32, #tpu.memory_space<vmem>> -> memref<32xi32, #tpu.memory_space<vmem>>
        %dma_start3A_447 = arith.constant 0 : i32
        %dma_start3A_448 = arith.constant 0 : i32
        %dma_start3A_449 = tpu.memref_slice %arg14[%dma_start3A_447, %dma_start3A_448] : memref<10112x128xf32, #tpu.memory_space<vmem_shared>> -> memref<10112x128xf32, #tpu.memory_space<vmem_shared>>
        tpu.enqueue_indirect_dma source(%arg9 : memref<32x128xf32, #tpu.memory_space<vmem>>) target(%dma_start3A_449 : memref<10112x128xf32, #tpu.memory_space<vmem_shared>>) offsets(%dma_start3A_446 : memref<32xi32, #tpu.memory_space<vmem>>) semaphore(%run_scoped3A : memref<!tpu.dma_semaphore, #tpu.memory_space<semaphore_mem>>) {add = true}
        %dma_wait3A_450 = arith.constant 96 : i32
        %dma_wait3A_451 = tpu.memref_slice %arg8[%add3A_363, %dma_wait3A_450] : memref<88x128xi32, #tpu.memory_space<vmem>> -> memref<1x32xi32, #tpu.memory_space<vmem>>
        %dma_wait3A_452 = tpu.memref_squeeze %dma_wait3A_451 : memref<1x32xi32, #tpu.memory_space<vmem>> -> memref<32xi32, #tpu.memory_space<vmem>>
        %dma_wait3A_453 = arith.constant 0 : i32
        %dma_wait3A_454 = arith.constant 0 : i32
        %dma_wait3A_455 = tpu.memref_slice %arg14[%dma_wait3A_453, %dma_wait3A_454] : memref<10112x128xf32, #tpu.memory_space<vmem_shared>> -> memref<10112x128xf32, #tpu.memory_space<vmem_shared>>
        tpu.wait_indirect_dma semaphore(%run_scoped3A : memref<!tpu.dma_semaphore, #tpu.memory_space<semaphore_mem>>) src(%arg9 : memref<32x128xf32, #tpu.memory_space<vmem>>) dst(%dma_wait3A_455 : memref<10112x128xf32, #tpu.memory_space<vmem_shared>>)
        tpu.yield
      }) : () -> ()
      %add3A_364 = arith.constant 5 : i32
      %add3A_365 = arith.addi %mul3A_83, %add3A_364 : i32
      %dma_start3A_366 = arith.constant 0 : i32
      %dma_start3A_367 = tpu.memref_slice %arg7[%add3A_365, %dma_start3A_366] : memref<88x128xi32, #tpu.memory_space<vmem>> -> memref<1x32xi32, #tpu.memory_space<vmem>>
      %dma_start3A_368 = tpu.memref_squeeze %dma_start3A_367 : memref<1x32xi32, #tpu.memory_space<vmem>> -> memref<32xi32, #tpu.memory_space<vmem>>
      %dma_start3A_369 = arith.constant 0 : i32
      %dma_start3A_370 = arith.constant 0 : i32
      %dma_start3A_371 = tpu.memref_slice %arg2[%dma_start3A_369, %dma_start3A_370] : memref<10000x128xf32, #tpu.memory_space<hbm>> -> memref<10000x128xf32, #tpu.memory_space<hbm>>
      tpu.enqueue_indirect_dma source(%dma_start3A_371 : memref<10000x128xf32, #tpu.memory_space<hbm>>) target(%arg9 : memref<32x128xf32, #tpu.memory_space<vmem>>) offsets(%dma_start3A_368 : memref<32xi32, #tpu.memory_space<vmem>>) semaphore(%arg15 : memref<!tpu.dma_semaphore, #tpu.memory_space<semaphore_mem>>)
      %add3A_372 = arith.constant 4 : i32
      %add3A_373 = arith.addi %mul3A_83, %add3A_372 : i32
      %dma_wait3A_374 = arith.constant 0 : i32
      %dma_wait3A_375 = tpu.memref_slice %arg7[%add3A_373, %dma_wait3A_374] : memref<88x128xi32, #tpu.memory_space<vmem>> -> memref<1x32xi32, #tpu.memory_space<vmem>>
      %dma_wait3A_376 = tpu.memref_squeeze %dma_wait3A_375 : memref<1x32xi32, #tpu.memory_space<vmem>> -> memref<32xi32, #tpu.memory_space<vmem>>
      %dma_wait3A_377 = arith.constant 0 : i32
      %dma_wait3A_378 = arith.constant 0 : i32
      %dma_wait3A_379 = tpu.memref_slice %arg2[%dma_wait3A_377, %dma_wait3A_378] : memref<10000x128xf32, #tpu.memory_space<hbm>> -> memref<10000x128xf32, #tpu.memory_space<hbm>>
      tpu.wait_indirect_dma semaphore(%arg16 : memref<!tpu.dma_semaphore, #tpu.memory_space<semaphore_mem>>) src(%dma_wait3A_379 : memref<10000x128xf32, #tpu.memory_space<hbm>>) dst(%arg10 : memref<32x128xf32, #tpu.memory_space<vmem>>)
      %add3A_380 = arith.constant 4 : i32
      %add3A_381 = arith.addi %mul3A_83, %add3A_380 : i32
      "tpu.region"() ({
        %run_scoped3A = tpu.sem_alloc : memref<!tpu.dma_semaphore, #tpu.memory_space<semaphore_mem>>
        %dma_start3A_444 = arith.constant 0 : i32
        %dma_start3A_445 = tpu.memref_slice %arg8[%add3A_381, %dma_start3A_444] : memref<88x128xi32, #tpu.memory_space<vmem>> -> memref<1x32xi32, #tpu.memory_space<vmem>>
        %dma_start3A_446 = tpu.memref_squeeze %dma_start3A_445 : memref<1x32xi32, #tpu.memory_space<vmem>> -> memref<32xi32, #tpu.memory_space<vmem>>
        %dma_start3A_447 = arith.constant 0 : i32
        %dma_start3A_448 = arith.constant 0 : i32
        %dma_start3A_449 = tpu.memref_slice %arg14[%dma_start3A_447, %dma_start3A_448] : memref<10112x128xf32, #tpu.memory_space<vmem_shared>> -> memref<10112x128xf32, #tpu.memory_space<vmem_shared>>
        tpu.enqueue_indirect_dma source(%arg10 : memref<32x128xf32, #tpu.memory_space<vmem>>) target(%dma_start3A_449 : memref<10112x128xf32, #tpu.memory_space<vmem_shared>>) offsets(%dma_start3A_446 : memref<32xi32, #tpu.memory_space<vmem>>) semaphore(%run_scoped3A : memref<!tpu.dma_semaphore, #tpu.memory_space<semaphore_mem>>) {add = true}
        %dma_wait3A_450 = arith.constant 0 : i32
        %dma_wait3A_451 = tpu.memref_slice %arg8[%add3A_381, %dma_wait3A_450] : memref<88x128xi32, #tpu.memory_space<vmem>> -> memref<1x32xi32, #tpu.memory_space<vmem>>
        %dma_wait3A_452 = tpu.memref_squeeze %dma_wait3A_451 : memref<1x32xi32, #tpu.memory_space<vmem>> -> memref<32xi32, #tpu.memory_space<vmem>>
        %dma_wait3A_453 = arith.constant 0 : i32
        %dma_wait3A_454 = arith.constant 0 : i32
        %dma_wait3A_455 = tpu.memref_slice %arg14[%dma_wait3A_453, %dma_wait3A_454] : memref<10112x128xf32, #tpu.memory_space<vmem_shared>> -> memref<10112x128xf32, #tpu.memory_space<vmem_shared>>
        tpu.wait_indirect_dma semaphore(%run_scoped3A : memref<!tpu.dma_semaphore, #tpu.memory_space<semaphore_mem>>) src(%arg10 : memref<32x128xf32, #tpu.memory_space<vmem>>) dst(%dma_wait3A_455 : memref<10112x128xf32, #tpu.memory_space<vmem_shared>>)
        tpu.yield
      }) : () -> ()
      %add3A_382 = arith.constant 5 : i32
      %add3A_383 = arith.addi %mul3A_83, %add3A_382 : i32
      %dma_start3A_384 = arith.constant 32 : i32
      %dma_start3A_385 = tpu.memref_slice %arg7[%add3A_383, %dma_start3A_384] : memref<88x128xi32, #tpu.memory_space<vmem>> -> memref<1x32xi32, #tpu.memory_space<vmem>>
      %dma_start3A_386 = tpu.memref_squeeze %dma_start3A_385 : memref<1x32xi32, #tpu.memory_space<vmem>> -> memref<32xi32, #tpu.memory_space<vmem>>
      %dma_start3A_387 = arith.constant 0 : i32
      %dma_start3A_388 = arith.constant 0 : i32
      %dma_start3A_389 = tpu.memref_slice %arg2[%dma_start3A_387, %dma_start3A_388] : memref<10000x128xf32, #tpu.memory_space<hbm>> -> memref<10000x128xf32, #tpu.memory_space<hbm>>
      tpu.enqueue_indirect_dma source(%dma_start3A_389 : memref<10000x128xf32, #tpu.memory_space<hbm>>) target(%arg10 : memref<32x128xf32, #tpu.memory_space<vmem>>) offsets(%dma_start3A_386 : memref<32xi32, #tpu.memory_space<vmem>>) semaphore(%arg16 : memref<!tpu.dma_semaphore, #tpu.memory_space<semaphore_mem>>)
      %add3A_390 = arith.constant 4 : i32
      %add3A_391 = arith.addi %mul3A_83, %add3A_390 : i32
      %dma_wait3A_392 = arith.constant 32 : i32
      %dma_wait3A_393 = tpu.memref_slice %arg7[%add3A_391, %dma_wait3A_392] : memref<88x128xi32, #tpu.memory_space<vmem>> -> memref<1x32xi32, #tpu.memory_space<vmem>>
      %dma_wait3A_394 = tpu.memref_squeeze %dma_wait3A_393 : memref<1x32xi32, #tpu.memory_space<vmem>> -> memref<32xi32, #tpu.memory_space<vmem>>
      %dma_wait3A_395 = arith.constant 0 : i32
      %dma_wait3A_396 = arith.constant 0 : i32
      %dma_wait3A_397 = tpu.memref_slice %arg2[%dma_wait3A_395, %dma_wait3A_396] : memref<10000x128xf32, #tpu.memory_space<hbm>> -> memref<10000x128xf32, #tpu.memory_space<hbm>>
      tpu.wait_indirect_dma semaphore(%arg17 : memref<!tpu.dma_semaphore, #tpu.memory_space<semaphore_mem>>) src(%dma_wait3A_397 : memref<10000x128xf32, #tpu.memory_space<hbm>>) dst(%arg11 : memref<32x128xf32, #tpu.memory_space<vmem>>)
      %add3A_398 = arith.constant 4 : i32
      %add3A_399 = arith.addi %mul3A_83, %add3A_398 : i32
      "tpu.region"() ({
        %run_scoped3A = tpu.sem_alloc : memref<!tpu.dma_semaphore, #tpu.memory_space<semaphore_mem>>
        %dma_start3A_444 = arith.constant 32 : i32
        %dma_start3A_445 = tpu.memref_slice %arg8[%add3A_399, %dma_start3A_444] : memref<88x128xi32, #tpu.memory_space<vmem>> -> memref<1x32xi32, #tpu.memory_space<vmem>>
        %dma_start3A_446 = tpu.memref_squeeze %dma_start3A_445 : memref<1x32xi32, #tpu.memory_space<vmem>> -> memref<32xi32, #tpu.memory_space<vmem>>
        %dma_start3A_447 = arith.constant 0 : i32
        %dma_start3A_448 = arith.constant 0 : i32
        %dma_start3A_449 = tpu.memref_slice %arg14[%dma_start3A_447, %dma_start3A_448] : memref<10112x128xf32, #tpu.memory_space<vmem_shared>> -> memref<10112x128xf32, #tpu.memory_space<vmem_shared>>
        tpu.enqueue_indirect_dma source(%arg11 : memref<32x128xf32, #tpu.memory_space<vmem>>) target(%dma_start3A_449 : memref<10112x128xf32, #tpu.memory_space<vmem_shared>>) offsets(%dma_start3A_446 : memref<32xi32, #tpu.memory_space<vmem>>) semaphore(%run_scoped3A : memref<!tpu.dma_semaphore, #tpu.memory_space<semaphore_mem>>) {add = true}
        %dma_wait3A_450 = arith.constant 32 : i32
        %dma_wait3A_451 = tpu.memref_slice %arg8[%add3A_399, %dma_wait3A_450] : memref<88x128xi32, #tpu.memory_space<vmem>> -> memref<1x32xi32, #tpu.memory_space<vmem>>
        %dma_wait3A_452 = tpu.memref_squeeze %dma_wait3A_451 : memref<1x32xi32, #tpu.memory_space<vmem>> -> memref<32xi32, #tpu.memory_space<vmem>>
        %dma_wait3A_453 = arith.constant 0 : i32
        %dma_wait3A_454 = arith.constant 0 : i32
        %dma_wait3A_455 = tpu.memref_slice %arg14[%dma_wait3A_453, %dma_wait3A_454] : memref<10112x128xf32, #tpu.memory_space<vmem_shared>> -> memref<10112x128xf32, #tpu.memory_space<vmem_shared>>
        tpu.wait_indirect_dma semaphore(%run_scoped3A : memref<!tpu.dma_semaphore, #tpu.memory_space<semaphore_mem>>) src(%arg11 : memref<32x128xf32, #tpu.memory_space<vmem>>) dst(%dma_wait3A_455 : memref<10112x128xf32, #tpu.memory_space<vmem_shared>>)
        tpu.yield
      }) : () -> ()
      %add3A_400 = arith.constant 5 : i32
      %add3A_401 = arith.addi %mul3A_83, %add3A_400 : i32
      %dma_start3A_402 = arith.constant 64 : i32
      %dma_start3A_403 = tpu.memref_slice %arg7[%add3A_401, %dma_start3A_402] : memref<88x128xi32, #tpu.memory_space<vmem>> -> memref<1x32xi32, #tpu.memory_space<vmem>>
      %dma_start3A_404 = tpu.memref_squeeze %dma_start3A_403 : memref<1x32xi32, #tpu.memory_space<vmem>> -> memref<32xi32, #tpu.memory_space<vmem>>
      %dma_start3A_405 = arith.constant 0 : i32
      %dma_start3A_406 = arith.constant 0 : i32
      %dma_start3A_407 = tpu.memref_slice %arg2[%dma_start3A_405, %dma_start3A_406] : memref<10000x128xf32, #tpu.memory_space<hbm>> -> memref<10000x128xf32, #tpu.memory_space<hbm>>
      tpu.enqueue_indirect_dma source(%dma_start3A_407 : memref<10000x128xf32, #tpu.memory_space<hbm>>) target(%arg11 : memref<32x128xf32, #tpu.memory_space<vmem>>) offsets(%dma_start3A_404 : memref<32xi32, #tpu.memory_space<vmem>>) semaphore(%arg17 : memref<!tpu.dma_semaphore, #tpu.memory_space<semaphore_mem>>)
      %add3A_408 = arith.constant 4 : i32
      %add3A_409 = arith.addi %mul3A_83, %add3A_408 : i32
      %dma_wait3A_410 = arith.constant 64 : i32
      %dma_wait3A_411 = tpu.memref_slice %arg7[%add3A_409, %dma_wait3A_410] : memref<88x128xi32, #tpu.memory_space<vmem>> -> memref<1x32xi32, #tpu.memory_space<vmem>>
      %dma_wait3A_412 = tpu.memref_squeeze %dma_wait3A_411 : memref<1x32xi32, #tpu.memory_space<vmem>> -> memref<32xi32, #tpu.memory_space<vmem>>
      %dma_wait3A_413 = arith.constant 0 : i32
      %dma_wait3A_414 = arith.constant 0 : i32
      %dma_wait3A_415 = tpu.memref_slice %arg2[%dma_wait3A_413, %dma_wait3A_414] : memref<10000x128xf32, #tpu.memory_space<hbm>> -> memref<10000x128xf32, #tpu.memory_space<hbm>>
      tpu.wait_indirect_dma semaphore(%arg18 : memref<!tpu.dma_semaphore, #tpu.memory_space<semaphore_mem>>) src(%dma_wait3A_415 : memref<10000x128xf32, #tpu.memory_space<hbm>>) dst(%arg12 : memref<32x128xf32, #tpu.memory_space<vmem>>)
      %add3A_416 = arith.constant 4 : i32
      %add3A_417 = arith.addi %mul3A_83, %add3A_416 : i32
      "tpu.region"() ({
        %run_scoped3A = tpu.sem_alloc : memref<!tpu.dma_semaphore, #tpu.memory_space<semaphore_mem>>
        %dma_start3A_444 = arith.constant 64 : i32
        %dma_start3A_445 = tpu.memref_slice %arg8[%add3A_417, %dma_start3A_444] : memref<88x128xi32, #tpu.memory_space<vmem>> -> memref<1x32xi32, #tpu.memory_space<vmem>>
        %dma_start3A_446 = tpu.memref_squeeze %dma_start3A_445 : memref<1x32xi32, #tpu.memory_space<vmem>> -> memref<32xi32, #tpu.memory_space<vmem>>
        %dma_start3A_447 = arith.constant 0 : i32
        %dma_start3A_448 = arith.constant 0 : i32
        %dma_start3A_449 = tpu.memref_slice %arg14[%dma_start3A_447, %dma_start3A_448] : memref<10112x128xf32, #tpu.memory_space<vmem_shared>> -> memref<10112x128xf32, #tpu.memory_space<vmem_shared>>
        tpu.enqueue_indirect_dma source(%arg12 : memref<32x128xf32, #tpu.memory_space<vmem>>) target(%dma_start3A_449 : memref<10112x128xf32, #tpu.memory_space<vmem_shared>>) offsets(%dma_start3A_446 : memref<32xi32, #tpu.memory_space<vmem>>) semaphore(%run_scoped3A : memref<!tpu.dma_semaphore, #tpu.memory_space<semaphore_mem>>) {add = true}
        %dma_wait3A_450 = arith.constant 64 : i32
        %dma_wait3A_451 = tpu.memref_slice %arg8[%add3A_417, %dma_wait3A_450] : memref<88x128xi32, #tpu.memory_space<vmem>> -> memref<1x32xi32, #tpu.memory_space<vmem>>
        %dma_wait3A_452 = tpu.memref_squeeze %dma_wait3A_451 : memref<1x32xi32, #tpu.memory_space<vmem>> -> memref<32xi32, #tpu.memory_space<vmem>>
        %dma_wait3A_453 = arith.constant 0 : i32
        %dma_wait3A_454 = arith.constant 0 : i32
        %dma_wait3A_455 = tpu.memref_slice %arg14[%dma_wait3A_453, %dma_wait3A_454] : memref<10112x128xf32, #tpu.memory_space<vmem_shared>> -> memref<10112x128xf32, #tpu.memory_space<vmem_shared>>
        tpu.wait_indirect_dma semaphore(%run_scoped3A : memref<!tpu.dma_semaphore, #tpu.memory_space<semaphore_mem>>) src(%arg12 : memref<32x128xf32, #tpu.memory_space<vmem>>) dst(%dma_wait3A_455 : memref<10112x128xf32, #tpu.memory_space<vmem_shared>>)
        tpu.yield
      }) : () -> ()
      %add3A_418 = arith.constant 5 : i32
      %add3A_419 = arith.addi %mul3A_83, %add3A_418 : i32
      %dma_start3A_420 = arith.constant 96 : i32
      %dma_start3A_421 = tpu.memref_slice %arg7[%add3A_419, %dma_start3A_420] : memref<88x128xi32, #tpu.memory_space<vmem>> -> memref<1x32xi32, #tpu.memory_space<vmem>>
      %dma_start3A_422 = tpu.memref_squeeze %dma_start3A_421 : memref<1x32xi32, #tpu.memory_space<vmem>> -> memref<32xi32, #tpu.memory_space<vmem>>
      %dma_start3A_423 = arith.constant 0 : i32
      %dma_start3A_424 = arith.constant 0 : i32
      %dma_start3A_425 = tpu.memref_slice %arg2[%dma_start3A_423, %dma_start3A_424] : memref<10000x128xf32, #tpu.memory_space<hbm>> -> memref<10000x128xf32, #tpu.memory_space<hbm>>
      tpu.enqueue_indirect_dma source(%dma_start3A_425 : memref<10000x128xf32, #tpu.memory_space<hbm>>) target(%arg12 : memref<32x128xf32, #tpu.memory_space<vmem>>) offsets(%dma_start3A_422 : memref<32xi32, #tpu.memory_space<vmem>>) semaphore(%arg18 : memref<!tpu.dma_semaphore, #tpu.memory_space<semaphore_mem>>)
      %add3A_426 = arith.constant 4 : i32
      %add3A_427 = arith.addi %mul3A_83, %add3A_426 : i32
      %dma_wait3A_428 = arith.constant 96 : i32
      %dma_wait3A_429 = tpu.memref_slice %arg7[%add3A_427, %dma_wait3A_428] : memref<88x128xi32, #tpu.memory_space<vmem>> -> memref<1x32xi32, #tpu.memory_space<vmem>>
      %dma_wait3A_430 = tpu.memref_squeeze %dma_wait3A_429 : memref<1x32xi32, #tpu.memory_space<vmem>> -> memref<32xi32, #tpu.memory_space<vmem>>
      %dma_wait3A_431 = arith.constant 0 : i32
      %dma_wait3A_432 = arith.constant 0 : i32
      %dma_wait3A_433 = tpu.memref_slice %arg2[%dma_wait3A_431, %dma_wait3A_432] : memref<10000x128xf32, #tpu.memory_space<hbm>> -> memref<10000x128xf32, #tpu.memory_space<hbm>>
      tpu.wait_indirect_dma semaphore(%arg19 : memref<!tpu.dma_semaphore, #tpu.memory_space<semaphore_mem>>) src(%dma_wait3A_433 : memref<10000x128xf32, #tpu.memory_space<hbm>>) dst(%arg13 : memref<32x128xf32, #tpu.memory_space<vmem>>)
      %add3A_434 = arith.constant 4 : i32
      %add3A_435 = arith.addi %mul3A_83, %add3A_434 : i32
      "tpu.region"() ({
        %run_scoped3A = tpu.sem_alloc : memref<!tpu.dma_semaphore, #tpu.memory_space<semaphore_mem>>
        %dma_start3A_444 = arith.constant 96 : i32
        %dma_start3A_445 = tpu.memref_slice %arg8[%add3A_435, %dma_start3A_444] : memref<88x128xi32, #tpu.memory_space<vmem>> -> memref<1x32xi32, #tpu.memory_space<vmem>>
        %dma_start3A_446 = tpu.memref_squeeze %dma_start3A_445 : memref<1x32xi32, #tpu.memory_space<vmem>> -> memref<32xi32, #tpu.memory_space<vmem>>
        %dma_start3A_447 = arith.constant 0 : i32
        %dma_start3A_448 = arith.constant 0 : i32
        %dma_start3A_449 = tpu.memref_slice %arg14[%dma_start3A_447, %dma_start3A_448] : memref<10112x128xf32, #tpu.memory_space<vmem_shared>> -> memref<10112x128xf32, #tpu.memory_space<vmem_shared>>
        tpu.enqueue_indirect_dma source(%arg13 : memref<32x128xf32, #tpu.memory_space<vmem>>) target(%dma_start3A_449 : memref<10112x128xf32, #tpu.memory_space<vmem_shared>>) offsets(%dma_start3A_446 : memref<32xi32, #tpu.memory_space<vmem>>) semaphore(%run_scoped3A : memref<!tpu.dma_semaphore, #tpu.memory_space<semaphore_mem>>) {add = true}
        %dma_wait3A_450 = arith.constant 96 : i32
        %dma_wait3A_451 = tpu.memref_slice %arg8[%add3A_435, %dma_wait3A_450] : memref<88x128xi32, #tpu.memory_space<vmem>> -> memref<1x32xi32, #tpu.memory_space<vmem>>
        %dma_wait3A_452 = tpu.memref_squeeze %dma_wait3A_451 : memref<1x32xi32, #tpu.memory_space<vmem>> -> memref<32xi32, #tpu.memory_space<vmem>>
        %dma_wait3A_453 = arith.constant 0 : i32
        %dma_wait3A_454 = arith.constant 0 : i32
        %dma_wait3A_455 = tpu.memref_slice %arg14[%dma_wait3A_453, %dma_wait3A_454] : memref<10112x128xf32, #tpu.memory_space<vmem_shared>> -> memref<10112x128xf32, #tpu.memory_space<vmem_shared>>
        tpu.wait_indirect_dma semaphore(%run_scoped3A : memref<!tpu.dma_semaphore, #tpu.memory_space<semaphore_mem>>) src(%arg13 : memref<32x128xf32, #tpu.memory_space<vmem>>) dst(%dma_wait3A_455 : memref<10112x128xf32, #tpu.memory_space<vmem_shared>>)
        tpu.yield
      }) : () -> ()
      %add3A_436 = arith.constant 6 : i32
      %add3A_437 = arith.addi %mul3A_83, %add3A_436 : i32
      %dma_start3A_438 = arith.constant 0 : i32
      %dma_start3A_439 = tpu.memref_slice %arg7[%add3A_437, %dma_start3A_438] : memref<88x128xi32, #tpu.memory_space<vmem>> -> memref<1x32xi32, #tpu.memory_space<vmem>>
      %dma_start3A_440 = tpu.memref_squeeze %dma_start3A_439 : memref<1x32xi32, #tpu.memory_space<vmem>> -> memref<32xi32, #tpu.memory_space<vmem>>
      %dma_start3A_441 = arith.constant 0 : i32
      %dma_start3A_442 = arith.constant 0 : i32
      %dma_start3A_443 = tpu.memref_slice %arg2[%dma_start3A_441, %dma_start3A_442] : memref<10000x128xf32, #tpu.memory_space<hbm>> -> memref<10000x128xf32, #tpu.memory_space<hbm>>
      tpu.enqueue_indirect_dma source(%dma_start3A_443 : memref<10000x128xf32, #tpu.memory_space<hbm>>) target(%arg13 : memref<32x128xf32, #tpu.memory_space<vmem>>) offsets(%dma_start3A_440 : memref<32xi32, #tpu.memory_space<vmem>>) semaphore(%arg19 : memref<!tpu.dma_semaphore, #tpu.memory_space<semaphore_mem>>)
    }
    %scan3A_41 = arith.constant 16 : i32
    %dma_wait3A = arith.constant 80 : i32
    %dma_wait3A_42 = arith.constant 0 : i32
    %dma_wait3A_43 = tpu.memref_slice %arg7[%dma_wait3A, %dma_wait3A_42] : memref<88x128xi32, #tpu.memory_space<vmem>> -> memref<1x32xi32, #tpu.memory_space<vmem>>
    %dma_wait3A_44 = tpu.memref_squeeze %dma_wait3A_43 : memref<1x32xi32, #tpu.memory_space<vmem>> -> memref<32xi32, #tpu.memory_space<vmem>>
    %dma_wait3A_45 = arith.constant 0 : i32
    %dma_wait3A_46 = arith.constant 0 : i32
    %dma_wait3A_47 = tpu.memref_slice %arg2[%dma_wait3A_45, %dma_wait3A_46] : memref<10000x128xf32, #tpu.memory_space<hbm>> -> memref<10000x128xf32, #tpu.memory_space<hbm>>
    tpu.wait_indirect_dma semaphore(%arg15 : memref<!tpu.dma_semaphore, #tpu.memory_space<semaphore_mem>>) src(%dma_wait3A_47 : memref<10000x128xf32, #tpu.memory_space<hbm>>) dst(%arg9 : memref<32x128xf32, #tpu.memory_space<vmem>>)
    %dma_wait3A_48 = arith.constant 80 : i32
    %dma_wait3A_49 = arith.constant 32 : i32
    %dma_wait3A_50 = tpu.memref_slice %arg7[%dma_wait3A_48, %dma_wait3A_49] : memref<88x128xi32, #tpu.memory_space<vmem>> -> memref<1x32xi32, #tpu.memory_space<vmem>>
    %dma_wait3A_51 = tpu.memref_squeeze %dma_wait3A_50 : memref<1x32xi32, #tpu.memory_space<vmem>> -> memref<32xi32, #tpu.memory_space<vmem>>
    %dma_wait3A_52 = arith.constant 0 : i32
    %dma_wait3A_53 = arith.constant 0 : i32
    %dma_wait3A_54 = tpu.memref_slice %arg2[%dma_wait3A_52, %dma_wait3A_53] : memref<10000x128xf32, #tpu.memory_space<hbm>> -> memref<10000x128xf32, #tpu.memory_space<hbm>>
    tpu.wait_indirect_dma semaphore(%arg16 : memref<!tpu.dma_semaphore, #tpu.memory_space<semaphore_mem>>) src(%dma_wait3A_54 : memref<10000x128xf32, #tpu.memory_space<hbm>>) dst(%arg10 : memref<32x128xf32, #tpu.memory_space<vmem>>)
    %dma_wait3A_55 = arith.constant 80 : i32
    %dma_wait3A_56 = arith.constant 64 : i32
    %dma_wait3A_57 = tpu.memref_slice %arg7[%dma_wait3A_55, %dma_wait3A_56] : memref<88x128xi32, #tpu.memory_space<vmem>> -> memref<1x32xi32, #tpu.memory_space<vmem>>
    %dma_wait3A_58 = tpu.memref_squeeze %dma_wait3A_57 : memref<1x32xi32, #tpu.memory_space<vmem>> -> memref<32xi32, #tpu.memory_space<vmem>>
    %dma_wait3A_59 = arith.constant 0 : i32
    %dma_wait3A_60 = arith.constant 0 : i32
    %dma_wait3A_61 = tpu.memref_slice %arg2[%dma_wait3A_59, %dma_wait3A_60] : memref<10000x128xf32, #tpu.memory_space<hbm>> -> memref<10000x128xf32, #tpu.memory_space<hbm>>
    tpu.wait_indirect_dma semaphore(%arg17 : memref<!tpu.dma_semaphore, #tpu.memory_space<semaphore_mem>>) src(%dma_wait3A_61 : memref<10000x128xf32, #tpu.memory_space<hbm>>) dst(%arg11 : memref<32x128xf32, #tpu.memory_space<vmem>>)
    %dma_wait3A_62 = arith.constant 80 : i32
    %dma_wait3A_63 = arith.constant 96 : i32
    %dma_wait3A_64 = tpu.memref_slice %arg7[%dma_wait3A_62, %dma_wait3A_63] : memref<88x128xi32, #tpu.memory_space<vmem>> -> memref<1x32xi32, #tpu.memory_space<vmem>>
    %dma_wait3A_65 = tpu.memref_squeeze %dma_wait3A_64 : memref<1x32xi32, #tpu.memory_space<vmem>> -> memref<32xi32, #tpu.memory_space<vmem>>
    %dma_wait3A_66 = arith.constant 0 : i32
    %dma_wait3A_67 = arith.constant 0 : i32
    %dma_wait3A_68 = tpu.memref_slice %arg2[%dma_wait3A_66, %dma_wait3A_67] : memref<10000x128xf32, #tpu.memory_space<hbm>> -> memref<10000x128xf32, #tpu.memory_space<hbm>>
    tpu.wait_indirect_dma semaphore(%arg18 : memref<!tpu.dma_semaphore, #tpu.memory_space<semaphore_mem>>) src(%dma_wait3A_68 : memref<10000x128xf32, #tpu.memory_space<hbm>>) dst(%arg12 : memref<32x128xf32, #tpu.memory_space<vmem>>)
    %dma_wait3A_69 = arith.constant 81 : i32
    %dma_wait3A_70 = arith.constant 0 : i32
    %dma_wait3A_71 = tpu.memref_slice %arg7[%dma_wait3A_69, %dma_wait3A_70] : memref<88x128xi32, #tpu.memory_space<vmem>> -> memref<1x32xi32, #tpu.memory_space<vmem>>
    %dma_wait3A_72 = tpu.memref_squeeze %dma_wait3A_71 : memref<1x32xi32, #tpu.memory_space<vmem>> -> memref<32xi32, #tpu.memory_space<vmem>>
    %dma_wait3A_73 = arith.constant 0 : i32
    %dma_wait3A_74 = arith.constant 0 : i32
    %dma_wait3A_75 = tpu.memref_slice %arg2[%dma_wait3A_73, %dma_wait3A_74] : memref<10000x128xf32, #tpu.memory_space<hbm>> -> memref<10000x128xf32, #tpu.memory_space<hbm>>
    tpu.wait_indirect_dma semaphore(%arg19 : memref<!tpu.dma_semaphore, #tpu.memory_space<semaphore_mem>>) src(%dma_wait3A_75 : memref<10000x128xf32, #tpu.memory_space<hbm>>) dst(%arg13 : memref<32x128xf32, #tpu.memory_space<vmem>>)
    %barrier3A_76 = arith.constant 0 : index
    tpu.barrier barrier_id(%barrier3A_76)
    %mul3A_77 = arith.constant 632 : i32
    %mul3A_78 = arith.muli %arg1, %mul3A_77 : i32
    %mul3A_79 = arith.constant 632 : i32
    %mul3A_80 = arith.muli %arg1, %mul3A_79 : i32
    "tpu.region"() ({
      %run_scoped3A = tpu.sem_alloc : memref<!tpu.dma_semaphore, #tpu.memory_space<semaphore_mem>>
      %dma_start3A_81 = arith.constant 0 : i32
      %dma_start3A_82 = tpu.memref_slice %arg6[%arg0, %mul3A_80, %dma_start3A_81] : memref<2x10112x128xf32, #tpu.memory_space<hbm>> -> memref<1x632x128xf32, #tpu.memory_space<hbm>>
      %dma_start3A_83 = tpu.memref_squeeze %dma_start3A_82 : memref<1x632x128xf32, #tpu.memory_space<hbm>> -> memref<632x128xf32, #tpu.memory_space<hbm>>
      %dma_start3A_84 = arith.constant 0 : i32
      %dma_start3A_85 = tpu.memref_slice %arg14[%mul3A_78, %dma_start3A_84] : memref<10112x128xf32, #tpu.memory_space<vmem_shared>> -> memref<632x128xf32, #tpu.memory_space<vmem_shared>>
      tpu.enqueue_dma source(%dma_start3A_85 : memref<632x128xf32, #tpu.memory_space<vmem_shared>>) target(%dma_start3A_83 : memref<632x128xf32, #tpu.memory_space<hbm>>) target_semaphore(%run_scoped3A : memref<!tpu.dma_semaphore, #tpu.memory_space<semaphore_mem>>)
      %dma_wait3A_86 = arith.constant 0 : i32
      %dma_wait3A_87 = tpu.memref_slice %arg6[%arg0, %mul3A_80, %dma_wait3A_86] : memref<2x10112x128xf32, #tpu.memory_space<hbm>> -> memref<1x632x128xf32, #tpu.memory_space<hbm>>
      %dma_wait3A_88 = tpu.memref_squeeze %dma_wait3A_87 : memref<1x632x128xf32, #tpu.memory_space<hbm>> -> memref<632x128xf32, #tpu.memory_space<hbm>>
      %dma_wait3A_89 = arith.constant 0 : i32
      %dma_wait3A_90 = tpu.memref_slice %arg14[%mul3A_78, %dma_wait3A_89] : memref<10112x128xf32, #tpu.memory_space<vmem_shared>> -> memref<632x128xf32, #tpu.memory_space<vmem_shared>>
      tpu.wait_dma2 semaphore(%run_scoped3A : memref<!tpu.dma_semaphore, #tpu.memory_space<semaphore_mem>>) src(%dma_wait3A_90 : memref<632x128xf32, #tpu.memory_space<vmem_shared>>) dst(%dma_wait3A_88 : memref<632x128xf32, #tpu.memory_space<hbm>>)
      tpu.yield
    }) : () -> ()
    return
  }
}

#map = affine_map<(d0, d1) -> (0, 0, 0)>
#map1 = affine_map<(d0, d1) -> (0, 0)>
module attributes {stable_mosaic.version = 14 : i64} {
  func.func @_sc_hist(%arg0: i32, %arg1: i32, %arg2: memref<32x80x128xi32, #tpu.memory_space<hbm>>, %arg3: memref<128x128xf32, #tpu.memory_space<hbm>>, %arg4: memref<632x128xf32, #tpu.memory_space<hbm>>, %arg5: memref<2x10112x128xf32, #tpu.memory_space<hbm>>, %arg6: memref<80x128xi32, #tpu.memory_space<vmem>>, %arg7: memref<128x128xf32, #tpu.memory_space<vmem>>, %arg8: memref<10112x128xf32, #tpu.memory_space<vmem_shared>>) attributes {dimension_semantics = [#tpu.dimension_semantics<core_parallel>, #tpu.dimension_semantics<subcore_parallel>], iteration_bounds = array<i64: 2, 16>, scalar_prefetch = 0 : i64, scratch_operands = 3 : i64, tpu.core_type = #tpu.core_type<sc_vector_subcore>, window_params = [{transform_indices = #map}, {transform_indices = #map1}, {transform_indices = #map1}, {transform_indices = #map}]} {
    %mul3A = arith.constant 16 : i32
    %mul3A_0 = arith.muli %arg0, %mul3A : i32
    %add3A = arith.addi %mul3A_0, %arg1 : i32
    "tpu.region"() ({
      %run_scoped3A = tpu.sem_alloc : memref<!tpu.dma_semaphore, #tpu.memory_space<semaphore_mem>>
      %dma_start3A = arith.constant 0 : i32
      %dma_start3A_13 = arith.constant 0 : i32
      %dma_start3A_14 = tpu.memref_slice %arg2[%add3A, %dma_start3A, %dma_start3A_13] : memref<32x80x128xi32, #tpu.memory_space<hbm>> -> memref<1x80x128xi32, #tpu.memory_space<hbm>>
      %dma_start3A_15 = tpu.memref_squeeze %dma_start3A_14 : memref<1x80x128xi32, #tpu.memory_space<hbm>> -> memref<80x128xi32, #tpu.memory_space<hbm>>
      %dma_start3A_16 = arith.constant 0 : i32
      %dma_start3A_17 = arith.constant 0 : i32
      %dma_start3A_18 = tpu.memref_slice %arg2[%add3A, %dma_start3A_16, %dma_start3A_17] : memref<32x80x128xi32, #tpu.memory_space<hbm>> -> memref<1x80x128xi32, #tpu.memory_space<hbm>>
      %dma_start3A_19 = tpu.memref_squeeze %dma_start3A_18 : memref<1x80x128xi32, #tpu.memory_space<hbm>> -> memref<80x128xi32, #tpu.memory_space<hbm>>
      tpu.enqueue_dma source(%dma_start3A_19 : memref<80x128xi32, #tpu.memory_space<hbm>>) target(%arg6 : memref<80x128xi32, #tpu.memory_space<vmem>>) target_semaphore(%run_scoped3A : memref<!tpu.dma_semaphore, #tpu.memory_space<semaphore_mem>>)
      %dma_wait3A = arith.constant 0 : i32
      %dma_wait3A_20 = arith.constant 0 : i32
      %dma_wait3A_21 = tpu.memref_slice %arg2[%add3A, %dma_wait3A, %dma_wait3A_20] : memref<32x80x128xi32, #tpu.memory_space<hbm>> -> memref<1x80x128xi32, #tpu.memory_space<hbm>>
      %dma_wait3A_22 = tpu.memref_squeeze %dma_wait3A_21 : memref<1x80x128xi32, #tpu.memory_space<hbm>> -> memref<80x128xi32, #tpu.memory_space<hbm>>
      %dma_wait3A_23 = arith.constant 0 : i32
      %dma_wait3A_24 = arith.constant 0 : i32
      %dma_wait3A_25 = tpu.memref_slice %arg2[%add3A, %dma_wait3A_23, %dma_wait3A_24] : memref<32x80x128xi32, #tpu.memory_space<hbm>> -> memref<1x80x128xi32, #tpu.memory_space<hbm>>
      %dma_wait3A_26 = tpu.memref_squeeze %dma_wait3A_25 : memref<1x80x128xi32, #tpu.memory_space<hbm>> -> memref<80x128xi32, #tpu.memory_space<hbm>>
      tpu.wait_dma2 semaphore(%run_scoped3A : memref<!tpu.dma_semaphore, #tpu.memory_space<semaphore_mem>>) src(%dma_wait3A_26 : memref<80x128xi32, #tpu.memory_space<hbm>>) dst(%arg6 : memref<80x128xi32, #tpu.memory_space<vmem>>)
      tpu.yield
    }) : () -> ()
    "tpu.region"() ({
      %run_scoped3A = tpu.sem_alloc : memref<!tpu.dma_semaphore, #tpu.memory_space<semaphore_mem>>
      tpu.enqueue_dma source(%arg3 : memref<128x128xf32, #tpu.memory_space<hbm>>) target(%arg7 : memref<128x128xf32, #tpu.memory_space<vmem>>) target_semaphore(%run_scoped3A : memref<!tpu.dma_semaphore, #tpu.memory_space<semaphore_mem>>)
      tpu.wait_dma2 semaphore(%run_scoped3A : memref<!tpu.dma_semaphore, #tpu.memory_space<semaphore_mem>>) src(%arg3 : memref<128x128xf32, #tpu.memory_space<hbm>>) dst(%arg7 : memref<128x128xf32, #tpu.memory_space<vmem>>)
      tpu.yield
    }) : () -> ()
    %mul3A_1 = arith.constant 632 : i32
    %mul3A_2 = arith.muli %arg1, %mul3A_1 : i32
    "tpu.region"() ({
      %run_scoped3A = tpu.sem_alloc : memref<!tpu.dma_semaphore, #tpu.memory_space<semaphore_mem>>
      %dma_start3A = arith.constant 0 : i32
      %dma_start3A_13 = tpu.memref_slice %arg8[%mul3A_2, %dma_start3A] : memref<10112x128xf32, #tpu.memory_space<vmem_shared>> -> memref<632x128xf32, #tpu.memory_space<vmem_shared>>
      tpu.enqueue_dma source(%arg4 : memref<632x128xf32, #tpu.memory_space<hbm>>) target(%dma_start3A_13 : memref<632x128xf32, #tpu.memory_space<vmem_shared>>) target_semaphore(%run_scoped3A : memref<!tpu.dma_semaphore, #tpu.memory_space<semaphore_mem>>)
      %dma_wait3A = arith.constant 0 : i32
      %dma_wait3A_14 = tpu.memref_slice %arg8[%mul3A_2, %dma_wait3A] : memref<10112x128xf32, #tpu.memory_space<vmem_shared>> -> memref<632x128xf32, #tpu.memory_space<vmem_shared>>
      tpu.wait_dma2 semaphore(%run_scoped3A : memref<!tpu.dma_semaphore, #tpu.memory_space<semaphore_mem>>) src(%arg4 : memref<632x128xf32, #tpu.memory_space<hbm>>) dst(%dma_wait3A_14 : memref<632x128xf32, #tpu.memory_space<vmem_shared>>)
      tpu.yield
    }) : () -> ()
    %barrier3A = arith.constant 0 : index
    tpu.barrier barrier_id(%barrier3A)
    %scan3A = arith.constant 0 : i32
    %scan3A_3 = arith.constant 0 : i32
    %scan3A_4 = arith.constant 80 : i32
    %scan3A_5 = arith.addi %scan3A_3, %scan3A_4 : i32
    %scan3A_6 = arith.constant 1 : i32
    scf.for %scan3A_13 = %scan3A_3 to %scan3A_5 step %scan3A_6  : i32 {
      "tpu.region"() ({
        %run_scoped3A = tpu.sem_alloc : memref<!tpu.dma_semaphore, #tpu.memory_space<semaphore_mem>>
        %dma_start3A = arith.constant 0 : i32
        %dma_start3A_14 = tpu.memref_slice %arg6[%scan3A_13, %dma_start3A] : memref<80x128xi32, #tpu.memory_space<vmem>> -> memref<1x128xi32, #tpu.memory_space<vmem>>
        %dma_start3A_15 = tpu.memref_squeeze %dma_start3A_14 : memref<1x128xi32, #tpu.memory_space<vmem>> -> memref<128xi32, #tpu.memory_space<vmem>>
        %dma_start3A_16 = arith.constant 0 : i32
        %dma_start3A_17 = arith.constant 0 : i32
        %dma_start3A_18 = tpu.memref_slice %arg8[%dma_start3A_16, %dma_start3A_17] : memref<10112x128xf32, #tpu.memory_space<vmem_shared>> -> memref<10112x128xf32, #tpu.memory_space<vmem_shared>>
        tpu.enqueue_indirect_dma source(%arg7 : memref<128x128xf32, #tpu.memory_space<vmem>>) target(%dma_start3A_18 : memref<10112x128xf32, #tpu.memory_space<vmem_shared>>) offsets(%dma_start3A_15 : memref<128xi32, #tpu.memory_space<vmem>>) semaphore(%run_scoped3A : memref<!tpu.dma_semaphore, #tpu.memory_space<semaphore_mem>>) {add = true}
        %dma_wait3A = arith.constant 0 : i32
        %dma_wait3A_19 = tpu.memref_slice %arg6[%scan3A_13, %dma_wait3A] : memref<80x128xi32, #tpu.memory_space<vmem>> -> memref<1x128xi32, #tpu.memory_space<vmem>>
        %dma_wait3A_20 = tpu.memref_squeeze %dma_wait3A_19 : memref<1x128xi32, #tpu.memory_space<vmem>> -> memref<128xi32, #tpu.memory_space<vmem>>
        %dma_wait3A_21 = arith.constant 0 : i32
        %dma_wait3A_22 = arith.constant 0 : i32
        %dma_wait3A_23 = tpu.memref_slice %arg8[%dma_wait3A_21, %dma_wait3A_22] : memref<10112x128xf32, #tpu.memory_space<vmem_shared>> -> memref<10112x128xf32, #tpu.memory_space<vmem_shared>>
        tpu.wait_indirect_dma semaphore(%run_scoped3A : memref<!tpu.dma_semaphore, #tpu.memory_space<semaphore_mem>>) src(%arg7 : memref<128x128xf32, #tpu.memory_space<vmem>>) dst(%dma_wait3A_23 : memref<10112x128xf32, #tpu.memory_space<vmem_shared>>)
        tpu.yield
      }) : () -> ()
    }
    %scan3A_7 = arith.constant 80 : i32
    %barrier3A_8 = arith.constant 0 : index
    tpu.barrier barrier_id(%barrier3A_8)
    %mul3A_9 = arith.constant 632 : i32
    %mul3A_10 = arith.muli %arg1, %mul3A_9 : i32
    %mul3A_11 = arith.constant 632 : i32
    %mul3A_12 = arith.muli %arg1, %mul3A_11 : i32
    "tpu.region"() ({
      %run_scoped3A = tpu.sem_alloc : memref<!tpu.dma_semaphore, #tpu.memory_space<semaphore_mem>>
      %dma_start3A = arith.constant 0 : i32
      %dma_start3A_13 = tpu.memref_slice %arg5[%arg0, %mul3A_12, %dma_start3A] : memref<2x10112x128xf32, #tpu.memory_space<hbm>> -> memref<1x632x128xf32, #tpu.memory_space<hbm>>
      %dma_start3A_14 = tpu.memref_squeeze %dma_start3A_13 : memref<1x632x128xf32, #tpu.memory_space<hbm>> -> memref<632x128xf32, #tpu.memory_space<hbm>>
      %dma_start3A_15 = arith.constant 0 : i32
      %dma_start3A_16 = tpu.memref_slice %arg8[%mul3A_10, %dma_start3A_15] : memref<10112x128xf32, #tpu.memory_space<vmem_shared>> -> memref<632x128xf32, #tpu.memory_space<vmem_shared>>
      tpu.enqueue_dma source(%dma_start3A_16 : memref<632x128xf32, #tpu.memory_space<vmem_shared>>) target(%dma_start3A_14 : memref<632x128xf32, #tpu.memory_space<hbm>>) target_semaphore(%run_scoped3A : memref<!tpu.dma_semaphore, #tpu.memory_space<semaphore_mem>>)
      %dma_wait3A = arith.constant 0 : i32
      %dma_wait3A_17 = tpu.memref_slice %arg5[%arg0, %mul3A_12, %dma_wait3A] : memref<2x10112x128xf32, #tpu.memory_space<hbm>> -> memref<1x632x128xf32, #tpu.memory_space<hbm>>
      %dma_wait3A_18 = tpu.memref_squeeze %dma_wait3A_17 : memref<1x632x128xf32, #tpu.memory_space<hbm>> -> memref<632x128xf32, #tpu.memory_space<hbm>>
      %dma_wait3A_19 = arith.constant 0 : i32
      %dma_wait3A_20 = tpu.memref_slice %arg8[%mul3A_10, %dma_wait3A_19] : memref<10112x128xf32, #tpu.memory_space<vmem_shared>> -> memref<632x128xf32, #tpu.memory_space<vmem_shared>>
      tpu.wait_dma2 semaphore(%run_scoped3A : memref<!tpu.dma_semaphore, #tpu.memory_space<semaphore_mem>>) src(%dma_wait3A_20 : memref<632x128xf32, #tpu.memory_space<vmem_shared>>) dst(%dma_wait3A_18 : memref<632x128xf32, #tpu.memory_space<hbm>>)
      tpu.yield
    }) : () -> ()
    return
  }
}

#map = affine_map<(d0, d1) -> (0, 0)>
#map1 = affine_map<(d0, d1) -> (0, 0, 0)>
module attributes {stable_mosaic.version = 14 : i64} {
  func.func @edge_pass(%arg0: i32, %arg1: i32, %arg2: memref<10000x128xf32, #tpu.memory_space<hbm>>, %arg3: memref<32x88x128xi32, #tpu.memory_space<hbm>>, %arg4: memref<32x88x128xi32, #tpu.memory_space<hbm>>, %arg5: memref<632x128xf32, #tpu.memory_space<hbm>>, %arg6: memref<2x10112x128xf32, #tpu.memory_space<hbm>>, %arg7: memref<88x128xi32, #tpu.memory_space<vmem>>, %arg8: memref<88x128xi32, #tpu.memory_space<vmem>>, %arg9: memref<32x128xf32, #tpu.memory_space<vmem>>, %arg10: memref<32x128xf32, #tpu.memory_space<vmem>>, %arg11: memref<32x128xf32, #tpu.memory_space<vmem>>, %arg12: memref<32x128xf32, #tpu.memory_space<vmem>>, %arg13: memref<32x128xf32, #tpu.memory_space<vmem>>, %arg14: memref<10112x128xf32, #tpu.memory_space<vmem_shared>>, %arg15: memref<!tpu.dma_semaphore, #tpu.memory_space<semaphore_mem>>, %arg16: memref<!tpu.dma_semaphore, #tpu.memory_space<semaphore_mem>>, %arg17: memref<!tpu.dma_semaphore, #tpu.memory_space<semaphore_mem>>, %arg18: memref<!tpu.dma_semaphore, #tpu.memory_space<semaphore_mem>>, %arg19: memref<!tpu.dma_semaphore, #tpu.memory_space<semaphore_mem>>) attributes {dimension_semantics = [#tpu.dimension_semantics<core_parallel>, #tpu.dimension_semantics<subcore_parallel>], iteration_bounds = array<i64: 2, 16>, scalar_prefetch = 0 : i64, scratch_operands = 13 : i64, tpu.core_type = #tpu.core_type<sc_vector_subcore>, window_params = [{transform_indices = #map}, {transform_indices = #map1}, {transform_indices = #map1}, {transform_indices = #map}, {transform_indices = #map1}]} {
    %mul3A = arith.constant 16 : i32
    %mul3A_0 = arith.muli %arg0, %mul3A : i32
    %add3A = arith.addi %mul3A_0, %arg1 : i32
    "tpu.region"() ({
      %run_scoped3A = tpu.sem_alloc : memref<!tpu.dma_semaphore, #tpu.memory_space<semaphore_mem>>
      %dma_start3A_81 = arith.constant 0 : i32
      %dma_start3A_82 = arith.constant 0 : i32
      %dma_start3A_83 = tpu.memref_slice %arg3[%add3A, %dma_start3A_81, %dma_start3A_82] : memref<32x88x128xi32, #tpu.memory_space<hbm>> -> memref<1x88x128xi32, #tpu.memory_space<hbm>>
      %dma_start3A_84 = tpu.memref_squeeze %dma_start3A_83 : memref<1x88x128xi32, #tpu.memory_space<hbm>> -> memref<88x128xi32, #tpu.memory_space<hbm>>
      %dma_start3A_85 = arith.constant 0 : i32
      %dma_start3A_86 = arith.constant 0 : i32
      %dma_start3A_87 = tpu.memref_slice %arg3[%add3A, %dma_start3A_85, %dma_start3A_86] : memref<32x88x128xi32, #tpu.memory_space<hbm>> -> memref<1x88x128xi32, #tpu.memory_space<hbm>>
      %dma_start3A_88 = tpu.memref_squeeze %dma_start3A_87 : memref<1x88x128xi32, #tpu.memory_space<hbm>> -> memref<88x128xi32, #tpu.memory_space<hbm>>
      tpu.enqueue_dma source(%dma_start3A_88 : memref<88x128xi32, #tpu.memory_space<hbm>>) target(%arg7 : memref<88x128xi32, #tpu.memory_space<vmem>>) target_semaphore(%run_scoped3A : memref<!tpu.dma_semaphore, #tpu.memory_space<semaphore_mem>>)
      %dma_wait3A_89 = arith.constant 0 : i32
      %dma_wait3A_90 = arith.constant 0 : i32
      %dma_wait3A_91 = tpu.memref_slice %arg3[%add3A, %dma_wait3A_89, %dma_wait3A_90] : memref<32x88x128xi32, #tpu.memory_space<hbm>> -> memref<1x88x128xi32, #tpu.memory_space<hbm>>
      %dma_wait3A_92 = tpu.memref_squeeze %dma_wait3A_91 : memref<1x88x128xi32, #tpu.memory_space<hbm>> -> memref<88x128xi32, #tpu.memory_space<hbm>>
      %dma_wait3A_93 = arith.constant 0 : i32
      %dma_wait3A_94 = arith.constant 0 : i32
      %dma_wait3A_95 = tpu.memref_slice %arg3[%add3A, %dma_wait3A_93, %dma_wait3A_94] : memref<32x88x128xi32, #tpu.memory_space<hbm>> -> memref<1x88x128xi32, #tpu.memory_space<hbm>>
      %dma_wait3A_96 = tpu.memref_squeeze %dma_wait3A_95 : memref<1x88x128xi32, #tpu.memory_space<hbm>> -> memref<88x128xi32, #tpu.memory_space<hbm>>
      tpu.wait_dma2 semaphore(%run_scoped3A : memref<!tpu.dma_semaphore, #tpu.memory_space<semaphore_mem>>) src(%dma_wait3A_96 : memref<88x128xi32, #tpu.memory_space<hbm>>) dst(%arg7 : memref<88x128xi32, #tpu.memory_space<vmem>>)
      tpu.yield
    }) : () -> ()
    "tpu.region"() ({
      %run_scoped3A = tpu.sem_alloc : memref<!tpu.dma_semaphore, #tpu.memory_space<semaphore_mem>>
      %dma_start3A_81 = arith.constant 0 : i32
      %dma_start3A_82 = arith.constant 0 : i32
      %dma_start3A_83 = tpu.memref_slice %arg4[%add3A, %dma_start3A_81, %dma_start3A_82] : memref<32x88x128xi32, #tpu.memory_space<hbm>> -> memref<1x88x128xi32, #tpu.memory_space<hbm>>
      %dma_start3A_84 = tpu.memref_squeeze %dma_start3A_83 : memref<1x88x128xi32, #tpu.memory_space<hbm>> -> memref<88x128xi32, #tpu.memory_space<hbm>>
      %dma_start3A_85 = arith.constant 0 : i32
      %dma_start3A_86 = arith.constant 0 : i32
      %dma_start3A_87 = tpu.memref_slice %arg4[%add3A, %dma_start3A_85, %dma_start3A_86] : memref<32x88x128xi32, #tpu.memory_space<hbm>> -> memref<1x88x128xi32, #tpu.memory_space<hbm>>
      %dma_start3A_88 = tpu.memref_squeeze %dma_start3A_87 : memref<1x88x128xi32, #tpu.memory_space<hbm>> -> memref<88x128xi32, #tpu.memory_space<hbm>>
      tpu.enqueue_dma source(%dma_start3A_88 : memref<88x128xi32, #tpu.memory_space<hbm>>) target(%arg8 : memref<88x128xi32, #tpu.memory_space<vmem>>) target_semaphore(%run_scoped3A : memref<!tpu.dma_semaphore, #tpu.memory_space<semaphore_mem>>)
      %dma_wait3A_89 = arith.constant 0 : i32
      %dma_wait3A_90 = arith.constant 0 : i32
      %dma_wait3A_91 = tpu.memref_slice %arg4[%add3A, %dma_wait3A_89, %dma_wait3A_90] : memref<32x88x128xi32, #tpu.memory_space<hbm>> -> memref<1x88x128xi32, #tpu.memory_space<hbm>>
      %dma_wait3A_92 = tpu.memref_squeeze %dma_wait3A_91 : memref<1x88x128xi32, #tpu.memory_space<hbm>> -> memref<88x128xi32, #tpu.memory_space<hbm>>
      %dma_wait3A_93 = arith.constant 0 : i32
      %dma_wait3A_94 = arith.constant 0 : i32
      %dma_wait3A_95 = tpu.memref_slice %arg4[%add3A, %dma_wait3A_93, %dma_wait3A_94] : memref<32x88x128xi32, #tpu.memory_space<hbm>> -> memref<1x88x128xi32, #tpu.memory_space<hbm>>
      %dma_wait3A_96 = tpu.memref_squeeze %dma_wait3A_95 : memref<1x88x128xi32, #tpu.memory_space<hbm>> -> memref<88x128xi32, #tpu.memory_space<hbm>>
      tpu.wait_dma2 semaphore(%run_scoped3A : memref<!tpu.dma_semaphore, #tpu.memory_space<semaphore_mem>>) src(%dma_wait3A_96 : memref<88x128xi32, #tpu.memory_space<hbm>>) dst(%arg8 : memref<88x128xi32, #tpu.memory_space<vmem>>)
      tpu.yield
    }) : () -> ()
    %mul3A_1 = arith.constant 632 : i32
    %mul3A_2 = arith.muli %arg1, %mul3A_1 : i32
    "tpu.region"() ({
      %run_scoped3A = tpu.sem_alloc : memref<!tpu.dma_semaphore, #tpu.memory_space<semaphore_mem>>
      %dma_start3A_81 = arith.constant 0 : i32
      %dma_start3A_82 = tpu.memref_slice %arg14[%mul3A_2, %dma_start3A_81] : memref<10112x128xf32, #tpu.memory_space<vmem_shared>> -> memref<632x128xf32, #tpu.memory_space<vmem_shared>>
      tpu.enqueue_dma source(%arg5 : memref<632x128xf32, #tpu.memory_space<hbm>>) target(%dma_start3A_82 : memref<632x128xf32, #tpu.memory_space<vmem_shared>>) target_semaphore(%run_scoped3A : memref<!tpu.dma_semaphore, #tpu.memory_space<semaphore_mem>>)
      %dma_wait3A_83 = arith.constant 0 : i32
      %dma_wait3A_84 = tpu.memref_slice %arg14[%mul3A_2, %dma_wait3A_83] : memref<10112x128xf32, #tpu.memory_space<vmem_shared>> -> memref<632x128xf32, #tpu.memory_space<vmem_shared>>
      tpu.wait_dma2 semaphore(%run_scoped3A : memref<!tpu.dma_semaphore, #tpu.memory_space<semaphore_mem>>) src(%arg5 : memref<632x128xf32, #tpu.memory_space<hbm>>) dst(%dma_wait3A_84 : memref<632x128xf32, #tpu.memory_space<vmem_shared>>)
      tpu.yield
    }) : () -> ()
    %barrier3A = arith.constant 0 : index
    tpu.barrier barrier_id(%barrier3A)
    %dma_start3A = arith.constant 0 : i32
    %dma_start3A_3 = arith.constant 0 : i32
    %dma_start3A_4 = tpu.memref_slice %arg7[%dma_start3A, %dma_start3A_3] : memref<88x128xi32, #tpu.memory_space<vmem>> -> memref<1x32xi32, #tpu.memory_space<vmem>>
    %dma_start3A_5 = tpu.memref_squeeze %dma_start3A_4 : memref<1x32xi32, #tpu.memory_space<vmem>> -> memref<32xi32, #tpu.memory_space<vmem>>
    %dma_start3A_6 = arith.constant 0 : i32
    %dma_start3A_7 = arith.constant 0 : i32
    %dma_start3A_8 = tpu.memref_slice %arg2[%dma_start3A_6, %dma_start3A_7] : memref<10000x128xf32, #tpu.memory_space<hbm>> -> memref<10000x128xf32, #tpu.memory_space<hbm>>
    tpu.enqueue_indirect_dma source(%dma_start3A_8 : memref<10000x128xf32, #tpu.memory_space<hbm>>) target(%arg9 : memref<32x128xf32, #tpu.memory_space<vmem>>) offsets(%dma_start3A_5 : memref<32xi32, #tpu.memory_space<vmem>>) semaphore(%arg15 : memref<!tpu.dma_semaphore, #tpu.memory_space<semaphore_mem>>)
    %dma_start3A_9 = arith.constant 0 : i32
    %dma_start3A_10 = arith.constant 32 : i32
    %dma_start3A_11 = tpu.memref_slice %arg7[%dma_start3A_9, %dma_start3A_10] : memref<88x128xi32, #tpu.memory_space<vmem>> -> memref<1x32xi32, #tpu.memory_space<vmem>>
    %dma_start3A_12 = tpu.memref_squeeze %dma_start3A_11 : memref<1x32xi32, #tpu.memory_space<vmem>> -> memref<32xi32, #tpu.memory_space<vmem>>
    %dma_start3A_13 = arith.constant 0 : i32
    %dma_start3A_14 = arith.constant 0 : i32
    %dma_start3A_15 = tpu.memref_slice %arg2[%dma_start3A_13, %dma_start3A_14] : memref<10000x128xf32, #tpu.memory_space<hbm>> -> memref<10000x128xf32, #tpu.memory_space<hbm>>
    tpu.enqueue_indirect_dma source(%dma_start3A_15 : memref<10000x128xf32, #tpu.memory_space<hbm>>) target(%arg10 : memref<32x128xf32, #tpu.memory_space<vmem>>) offsets(%dma_start3A_12 : memref<32xi32, #tpu.memory_space<vmem>>) semaphore(%arg16 : memref<!tpu.dma_semaphore, #tpu.memory_space<semaphore_mem>>)
    %dma_start3A_16 = arith.constant 0 : i32
    %dma_start3A_17 = arith.constant 64 : i32
    %dma_start3A_18 = tpu.memref_slice %arg7[%dma_start3A_16, %dma_start3A_17] : memref<88x128xi32, #tpu.memory_space<vmem>> -> memref<1x32xi32, #tpu.memory_space<vmem>>
    %dma_start3A_19 = tpu.memref_squeeze %dma_start3A_18 : memref<1x32xi32, #tpu.memory_space<vmem>> -> memref<32xi32, #tpu.memory_space<vmem>>
    %dma_start3A_20 = arith.constant 0 : i32
    %dma_start3A_21 = arith.constant 0 : i32
    %dma_start3A_22 = tpu.memref_slice %arg2[%dma_start3A_20, %dma_start3A_21] : memref<10000x128xf32, #tpu.memory_space<hbm>> -> memref<10000x128xf32, #tpu.memory_space<hbm>>
    tpu.enqueue_indirect_dma source(%dma_start3A_22 : memref<10000x128xf32, #tpu.memory_space<hbm>>) target(%arg11 : memref<32x128xf32, #tpu.memory_space<vmem>>) offsets(%dma_start3A_19 : memref<32xi32, #tpu.memory_space<vmem>>) semaphore(%arg17 : memref<!tpu.dma_semaphore, #tpu.memory_space<semaphore_mem>>)
    %dma_start3A_23 = arith.constant 0 : i32
    %dma_start3A_24 = arith.constant 96 : i32
    %dma_start3A_25 = tpu.memref_slice %arg7[%dma_start3A_23, %dma_start3A_24] : memref<88x128xi32, #tpu.memory_space<vmem>> -> memref<1x32xi32, #tpu.memory_space<vmem>>
    %dma_start3A_26 = tpu.memref_squeeze %dma_start3A_25 : memref<1x32xi32, #tpu.memory_space<vmem>> -> memref<32xi32, #tpu.memory_space<vmem>>
    %dma_start3A_27 = arith.constant 0 : i32
    %dma_start3A_28 = arith.constant 0 : i32
    %dma_start3A_29 = tpu.memref_slice %arg2[%dma_start3A_27, %dma_start3A_28] : memref<10000x128xf32, #tpu.memory_space<hbm>> -> memref<10000x128xf32, #tpu.memory_space<hbm>>
    tpu.enqueue_indirect_dma source(%dma_start3A_29 : memref<10000x128xf32, #tpu.memory_space<hbm>>) target(%arg12 : memref<32x128xf32, #tpu.memory_space<vmem>>) offsets(%dma_start3A_26 : memref<32xi32, #tpu.memory_space<vmem>>) semaphore(%arg18 : memref<!tpu.dma_semaphore, #tpu.memory_space<semaphore_mem>>)
    %dma_start3A_30 = arith.constant 1 : i32
    %dma_start3A_31 = arith.constant 0 : i32
    %dma_start3A_32 = tpu.memref_slice %arg7[%dma_start3A_30, %dma_start3A_31] : memref<88x128xi32, #tpu.memory_space<vmem>> -> memref<1x32xi32, #tpu.memory_space<vmem>>
    %dma_start3A_33 = tpu.memref_squeeze %dma_start3A_32 : memref<1x32xi32, #tpu.memory_space<vmem>> -> memref<32xi32, #tpu.memory_space<vmem>>
    %dma_start3A_34 = arith.constant 0 : i32
    %dma_start3A_35 = arith.constant 0 : i32
    %dma_start3A_36 = tpu.memref_slice %arg2[%dma_start3A_34, %dma_start3A_35] : memref<10000x128xf32, #tpu.memory_space<hbm>> -> memref<10000x128xf32, #tpu.memory_space<hbm>>
    tpu.enqueue_indirect_dma source(%dma_start3A_36 : memref<10000x128xf32, #tpu.memory_space<hbm>>) target(%arg13 : memref<32x128xf32, #tpu.memory_space<vmem>>) offsets(%dma_start3A_33 : memref<32xi32, #tpu.memory_space<vmem>>) semaphore(%arg19 : memref<!tpu.dma_semaphore, #tpu.memory_space<semaphore_mem>>)
    %scan3A = arith.constant 0 : i32
    %scan3A_37 = arith.constant 0 : i32
    %scan3A_38 = arith.constant 16 : i32
    %scan3A_39 = arith.addi %scan3A_37, %scan3A_38 : i32
    %scan3A_40 = arith.constant 1 : i32
    scf.for %scan3A_81 = %scan3A_37 to %scan3A_39 step %scan3A_40  : i32 {
      %mul3A_82 = arith.constant 5 : i32
      %mul3A_83 = arith.muli %scan3A_81, %mul3A_82 : i32
      %add3A_84 = arith.constant 0 : i32
      %add3A_85 = arith.addi %mul3A_83, %add3A_84 : i32
      %dma_wait3A_86 = arith.constant 0 : i32
      %dma_wait3A_87 = tpu.memref_slice %arg7[%add3A_85, %dma_wait3A_86] : memref<88x128xi32, #tpu.memory_space<vmem>> -> memref<1x32xi32, #tpu.memory_space<vmem>>
      %dma_wait3A_88 = tpu.memref_squeeze %dma_wait3A_87 : memref<1x32xi32, #tpu.memory_space<vmem>> -> memref<32xi32, #tpu.memory_space<vmem>>
      %dma_wait3A_89 = arith.constant 0 : i32
      %dma_wait3A_90 = arith.constant 0 : i32
      %dma_wait3A_91 = tpu.memref_slice %arg2[%dma_wait3A_89, %dma_wait3A_90] : memref<10000x128xf32, #tpu.memory_space<hbm>> -> memref<10000x128xf32, #tpu.memory_space<hbm>>
      tpu.wait_indirect_dma semaphore(%arg15 : memref<!tpu.dma_semaphore, #tpu.memory_space<semaphore_mem>>) src(%dma_wait3A_91 : memref<10000x128xf32, #tpu.memory_space<hbm>>) dst(%arg9 : memref<32x128xf32, #tpu.memory_space<vmem>>)
      %add3A_92 = arith.constant 0 : i32
      %add3A_93 = arith.addi %mul3A_83, %add3A_92 : i32
      "tpu.region"() ({
        %run_scoped3A = tpu.sem_alloc : memref<!tpu.dma_semaphore, #tpu.memory_space<semaphore_mem>>
        %dma_start3A_444 = arith.constant 0 : i32
        %dma_start3A_445 = tpu.memref_slice %arg8[%add3A_93, %dma_start3A_444] : memref<88x128xi32, #tpu.memory_space<vmem>> -> memref<1x32xi32, #tpu.memory_space<vmem>>
        %dma_start3A_446 = tpu.memref_squeeze %dma_start3A_445 : memref<1x32xi32, #tpu.memory_space<vmem>> -> memref<32xi32, #tpu.memory_space<vmem>>
        %dma_start3A_447 = arith.constant 0 : i32
        %dma_start3A_448 = arith.constant 0 : i32
        %dma_start3A_449 = tpu.memref_slice %arg14[%dma_start3A_447, %dma_start3A_448] : memref<10112x128xf32, #tpu.memory_space<vmem_shared>> -> memref<10112x128xf32, #tpu.memory_space<vmem_shared>>
        tpu.enqueue_indirect_dma source(%arg9 : memref<32x128xf32, #tpu.memory_space<vmem>>) target(%dma_start3A_449 : memref<10112x128xf32, #tpu.memory_space<vmem_shared>>) offsets(%dma_start3A_446 : memref<32xi32, #tpu.memory_space<vmem>>) semaphore(%run_scoped3A : memref<!tpu.dma_semaphore, #tpu.memory_space<semaphore_mem>>) {add = true}
        %dma_wait3A_450 = arith.constant 0 : i32
        %dma_wait3A_451 = tpu.memref_slice %arg8[%add3A_93, %dma_wait3A_450] : memref<88x128xi32, #tpu.memory_space<vmem>> -> memref<1x32xi32, #tpu.memory_space<vmem>>
        %dma_wait3A_452 = tpu.memref_squeeze %dma_wait3A_451 : memref<1x32xi32, #tpu.memory_space<vmem>> -> memref<32xi32, #tpu.memory_space<vmem>>
        %dma_wait3A_453 = arith.constant 0 : i32
        %dma_wait3A_454 = arith.constant 0 : i32
        %dma_wait3A_455 = tpu.memref_slice %arg14[%dma_wait3A_453, %dma_wait3A_454] : memref<10112x128xf32, #tpu.memory_space<vmem_shared>> -> memref<10112x128xf32, #tpu.memory_space<vmem_shared>>
        tpu.wait_indirect_dma semaphore(%run_scoped3A : memref<!tpu.dma_semaphore, #tpu.memory_space<semaphore_mem>>) src(%arg9 : memref<32x128xf32, #tpu.memory_space<vmem>>) dst(%dma_wait3A_455 : memref<10112x128xf32, #tpu.memory_space<vmem_shared>>)
        tpu.yield
      }) : () -> ()
      %add3A_94 = arith.constant 1 : i32
      %add3A_95 = arith.addi %mul3A_83, %add3A_94 : i32
      %dma_start3A_96 = arith.constant 32 : i32
      %dma_start3A_97 = tpu.memref_slice %arg7[%add3A_95, %dma_start3A_96] : memref<88x128xi32, #tpu.memory_space<vmem>> -> memref<1x32xi32, #tpu.memory_space<vmem>>
      %dma_start3A_98 = tpu.memref_squeeze %dma_start3A_97 : memref<1x32xi32, #tpu.memory_space<vmem>> -> memref<32xi32, #tpu.memory_space<vmem>>
      %dma_start3A_99 = arith.constant 0 : i32
      %dma_start3A_100 = arith.constant 0 : i32
      %dma_start3A_101 = tpu.memref_slice %arg2[%dma_start3A_99, %dma_start3A_100] : memref<10000x128xf32, #tpu.memory_space<hbm>> -> memref<10000x128xf32, #tpu.memory_space<hbm>>
      tpu.enqueue_indirect_dma source(%dma_start3A_101 : memref<10000x128xf32, #tpu.memory_space<hbm>>) target(%arg9 : memref<32x128xf32, #tpu.memory_space<vmem>>) offsets(%dma_start3A_98 : memref<32xi32, #tpu.memory_space<vmem>>) semaphore(%arg15 : memref<!tpu.dma_semaphore, #tpu.memory_space<semaphore_mem>>)
      %add3A_102 = arith.constant 0 : i32
      %add3A_103 = arith.addi %mul3A_83, %add3A_102 : i32
      %dma_wait3A_104 = arith.constant 32 : i32
      %dma_wait3A_105 = tpu.memref_slice %arg7[%add3A_103, %dma_wait3A_104] : memref<88x128xi32, #tpu.memory_space<vmem>> -> memref<1x32xi32, #tpu.memory_space<vmem>>
      %dma_wait3A_106 = tpu.memref_squeeze %dma_wait3A_105 : memref<1x32xi32, #tpu.memory_space<vmem>> -> memref<32xi32, #tpu.memory_space<vmem>>
      %dma_wait3A_107 = arith.constant 0 : i32
      %dma_wait3A_108 = arith.constant 0 : i32
      %dma_wait3A_109 = tpu.memref_slice %arg2[%dma_wait3A_107, %dma_wait3A_108] : memref<10000x128xf32, #tpu.memory_space<hbm>> -> memref<10000x128xf32, #tpu.memory_space<hbm>>
      tpu.wait_indirect_dma semaphore(%arg16 : memref<!tpu.dma_semaphore, #tpu.memory_space<semaphore_mem>>) src(%dma_wait3A_109 : memref<10000x128xf32, #tpu.memory_space<hbm>>) dst(%arg10 : memref<32x128xf32, #tpu.memory_space<vmem>>)
      %add3A_110 = arith.constant 0 : i32
      %add3A_111 = arith.addi %mul3A_83, %add3A_110 : i32
      "tpu.region"() ({
        %run_scoped3A = tpu.sem_alloc : memref<!tpu.dma_semaphore, #tpu.memory_space<semaphore_mem>>
        %dma_start3A_444 = arith.constant 32 : i32
        %dma_start3A_445 = tpu.memref_slice %arg8[%add3A_111, %dma_start3A_444] : memref<88x128xi32, #tpu.memory_space<vmem>> -> memref<1x32xi32, #tpu.memory_space<vmem>>
        %dma_start3A_446 = tpu.memref_squeeze %dma_start3A_445 : memref<1x32xi32, #tpu.memory_space<vmem>> -> memref<32xi32, #tpu.memory_space<vmem>>
        %dma_start3A_447 = arith.constant 0 : i32
        %dma_start3A_448 = arith.constant 0 : i32
        %dma_start3A_449 = tpu.memref_slice %arg14[%dma_start3A_447, %dma_start3A_448] : memref<10112x128xf32, #tpu.memory_space<vmem_shared>> -> memref<10112x128xf32, #tpu.memory_space<vmem_shared>>
        tpu.enqueue_indirect_dma source(%arg10 : memref<32x128xf32, #tpu.memory_space<vmem>>) target(%dma_start3A_449 : memref<10112x128xf32, #tpu.memory_space<vmem_shared>>) offsets(%dma_start3A_446 : memref<32xi32, #tpu.memory_space<vmem>>) semaphore(%run_scoped3A : memref<!tpu.dma_semaphore, #tpu.memory_space<semaphore_mem>>) {add = true}
        %dma_wait3A_450 = arith.constant 32 : i32
        %dma_wait3A_451 = tpu.memref_slice %arg8[%add3A_111, %dma_wait3A_450] : memref<88x128xi32, #tpu.memory_space<vmem>> -> memref<1x32xi32, #tpu.memory_space<vmem>>
        %dma_wait3A_452 = tpu.memref_squeeze %dma_wait3A_451 : memref<1x32xi32, #tpu.memory_space<vmem>> -> memref<32xi32, #tpu.memory_space<vmem>>
        %dma_wait3A_453 = arith.constant 0 : i32
        %dma_wait3A_454 = arith.constant 0 : i32
        %dma_wait3A_455 = tpu.memref_slice %arg14[%dma_wait3A_453, %dma_wait3A_454] : memref<10112x128xf32, #tpu.memory_space<vmem_shared>> -> memref<10112x128xf32, #tpu.memory_space<vmem_shared>>
        tpu.wait_indirect_dma semaphore(%run_scoped3A : memref<!tpu.dma_semaphore, #tpu.memory_space<semaphore_mem>>) src(%arg10 : memref<32x128xf32, #tpu.memory_space<vmem>>) dst(%dma_wait3A_455 : memref<10112x128xf32, #tpu.memory_space<vmem_shared>>)
        tpu.yield
      }) : () -> ()
      %add3A_112 = arith.constant 1 : i32
      %add3A_113 = arith.addi %mul3A_83, %add3A_112 : i32
      %dma_start3A_114 = arith.constant 64 : i32
      %dma_start3A_115 = tpu.memref_slice %arg7[%add3A_113, %dma_start3A_114] : memref<88x128xi32, #tpu.memory_space<vmem>> -> memref<1x32xi32, #tpu.memory_space<vmem>>
      %dma_start3A_116 = tpu.memref_squeeze %dma_start3A_115 : memref<1x32xi32, #tpu.memory_space<vmem>> -> memref<32xi32, #tpu.memory_space<vmem>>
      %dma_start3A_117 = arith.constant 0 : i32
      %dma_start3A_118 = arith.constant 0 : i32
      %dma_start3A_119 = tpu.memref_slice %arg2[%dma_start3A_117, %dma_start3A_118] : memref<10000x128xf32, #tpu.memory_space<hbm>> -> memref<10000x128xf32, #tpu.memory_space<hbm>>
      tpu.enqueue_indirect_dma source(%dma_start3A_119 : memref<10000x128xf32, #tpu.memory_space<hbm>>) target(%arg10 : memref<32x128xf32, #tpu.memory_space<vmem>>) offsets(%dma_start3A_116 : memref<32xi32, #tpu.memory_space<vmem>>) semaphore(%arg16 : memref<!tpu.dma_semaphore, #tpu.memory_space<semaphore_mem>>)
      %add3A_120 = arith.constant 0 : i32
      %add3A_121 = arith.addi %mul3A_83, %add3A_120 : i32
      %dma_wait3A_122 = arith.constant 64 : i32
      %dma_wait3A_123 = tpu.memref_slice %arg7[%add3A_121, %dma_wait3A_122] : memref<88x128xi32, #tpu.memory_space<vmem>> -> memref<1x32xi32, #tpu.memory_space<vmem>>
      %dma_wait3A_124 = tpu.memref_squeeze %dma_wait3A_123 : memref<1x32xi32, #tpu.memory_space<vmem>> -> memref<32xi32, #tpu.memory_space<vmem>>
      %dma_wait3A_125 = arith.constant 0 : i32
      %dma_wait3A_126 = arith.constant 0 : i32
      %dma_wait3A_127 = tpu.memref_slice %arg2[%dma_wait3A_125, %dma_wait3A_126] : memref<10000x128xf32, #tpu.memory_space<hbm>> -> memref<10000x128xf32, #tpu.memory_space<hbm>>
      tpu.wait_indirect_dma semaphore(%arg17 : memref<!tpu.dma_semaphore, #tpu.memory_space<semaphore_mem>>) src(%dma_wait3A_127 : memref<10000x128xf32, #tpu.memory_space<hbm>>) dst(%arg11 : memref<32x128xf32, #tpu.memory_space<vmem>>)
      %add3A_128 = arith.constant 0 : i32
      %add3A_129 = arith.addi %mul3A_83, %add3A_128 : i32
      "tpu.region"() ({
        %run_scoped3A = tpu.sem_alloc : memref<!tpu.dma_semaphore, #tpu.memory_space<semaphore_mem>>
        %dma_start3A_444 = arith.constant 64 : i32
        %dma_start3A_445 = tpu.memref_slice %arg8[%add3A_129, %dma_start3A_444] : memref<88x128xi32, #tpu.memory_space<vmem>> -> memref<1x32xi32, #tpu.memory_space<vmem>>
        %dma_start3A_446 = tpu.memref_squeeze %dma_start3A_445 : memref<1x32xi32, #tpu.memory_space<vmem>> -> memref<32xi32, #tpu.memory_space<vmem>>
        %dma_start3A_447 = arith.constant 0 : i32
        %dma_start3A_448 = arith.constant 0 : i32
        %dma_start3A_449 = tpu.memref_slice %arg14[%dma_start3A_447, %dma_start3A_448] : memref<10112x128xf32, #tpu.memory_space<vmem_shared>> -> memref<10112x128xf32, #tpu.memory_space<vmem_shared>>
        tpu.enqueue_indirect_dma source(%arg11 : memref<32x128xf32, #tpu.memory_space<vmem>>) target(%dma_start3A_449 : memref<10112x128xf32, #tpu.memory_space<vmem_shared>>) offsets(%dma_start3A_446 : memref<32xi32, #tpu.memory_space<vmem>>) semaphore(%run_scoped3A : memref<!tpu.dma_semaphore, #tpu.memory_space<semaphore_mem>>) {add = true}
        %dma_wait3A_450 = arith.constant 64 : i32
        %dma_wait3A_451 = tpu.memref_slice %arg8[%add3A_129, %dma_wait3A_450] : memref<88x128xi32, #tpu.memory_space<vmem>> -> memref<1x32xi32, #tpu.memory_space<vmem>>
        %dma_wait3A_452 = tpu.memref_squeeze %dma_wait3A_451 : memref<1x32xi32, #tpu.memory_space<vmem>> -> memref<32xi32, #tpu.memory_space<vmem>>
        %dma_wait3A_453 = arith.constant 0 : i32
        %dma_wait3A_454 = arith.constant 0 : i32
        %dma_wait3A_455 = tpu.memref_slice %arg14[%dma_wait3A_453, %dma_wait3A_454] : memref<10112x128xf32, #tpu.memory_space<vmem_shared>> -> memref<10112x128xf32, #tpu.memory_space<vmem_shared>>
        tpu.wait_indirect_dma semaphore(%run_scoped3A : memref<!tpu.dma_semaphore, #tpu.memory_space<semaphore_mem>>) src(%arg11 : memref<32x128xf32, #tpu.memory_space<vmem>>) dst(%dma_wait3A_455 : memref<10112x128xf32, #tpu.memory_space<vmem_shared>>)
        tpu.yield
      }) : () -> ()
      %add3A_130 = arith.constant 1 : i32
      %add3A_131 = arith.addi %mul3A_83, %add3A_130 : i32
      %dma_start3A_132 = arith.constant 96 : i32
      %dma_start3A_133 = tpu.memref_slice %arg7[%add3A_131, %dma_start3A_132] : memref<88x128xi32, #tpu.memory_space<vmem>> -> memref<1x32xi32, #tpu.memory_space<vmem>>
      %dma_start3A_134 = tpu.memref_squeeze %dma_start3A_133 : memref<1x32xi32, #tpu.memory_space<vmem>> -> memref<32xi32, #tpu.memory_space<vmem>>
      %dma_start3A_135 = arith.constant 0 : i32
      %dma_start3A_136 = arith.constant 0 : i32
      %dma_start3A_137 = tpu.memref_slice %arg2[%dma_start3A_135, %dma_start3A_136] : memref<10000x128xf32, #tpu.memory_space<hbm>> -> memref<10000x128xf32, #tpu.memory_space<hbm>>
      tpu.enqueue_indirect_dma source(%dma_start3A_137 : memref<10000x128xf32, #tpu.memory_space<hbm>>) target(%arg11 : memref<32x128xf32, #tpu.memory_space<vmem>>) offsets(%dma_start3A_134 : memref<32xi32, #tpu.memory_space<vmem>>) semaphore(%arg17 : memref<!tpu.dma_semaphore, #tpu.memory_space<semaphore_mem>>)
      %add3A_138 = arith.constant 0 : i32
      %add3A_139 = arith.addi %mul3A_83, %add3A_138 : i32
      %dma_wait3A_140 = arith.constant 96 : i32
      %dma_wait3A_141 = tpu.memref_slice %arg7[%add3A_139, %dma_wait3A_140] : memref<88x128xi32, #tpu.memory_space<vmem>> -> memref<1x32xi32, #tpu.memory_space<vmem>>
      %dma_wait3A_142 = tpu.memref_squeeze %dma_wait3A_141 : memref<1x32xi32, #tpu.memory_space<vmem>> -> memref<32xi32, #tpu.memory_space<vmem>>
      %dma_wait3A_143 = arith.constant 0 : i32
      %dma_wait3A_144 = arith.constant 0 : i32
      %dma_wait3A_145 = tpu.memref_slice %arg2[%dma_wait3A_143, %dma_wait3A_144] : memref<10000x128xf32, #tpu.memory_space<hbm>> -> memref<10000x128xf32, #tpu.memory_space<hbm>>
      tpu.wait_indirect_dma semaphore(%arg18 : memref<!tpu.dma_semaphore, #tpu.memory_space<semaphore_mem>>) src(%dma_wait3A_145 : memref<10000x128xf32, #tpu.memory_space<hbm>>) dst(%arg12 : memref<32x128xf32, #tpu.memory_space<vmem>>)
      %add3A_146 = arith.constant 0 : i32
      %add3A_147 = arith.addi %mul3A_83, %add3A_146 : i32
      "tpu.region"() ({
        %run_scoped3A = tpu.sem_alloc : memref<!tpu.dma_semaphore, #tpu.memory_space<semaphore_mem>>
        %dma_start3A_444 = arith.constant 96 : i32
        %dma_start3A_445 = tpu.memref_slice %arg8[%add3A_147, %dma_start3A_444] : memref<88x128xi32, #tpu.memory_space<vmem>> -> memref<1x32xi32, #tpu.memory_space<vmem>>
        %dma_start3A_446 = tpu.memref_squeeze %dma_start3A_445 : memref<1x32xi32, #tpu.memory_space<vmem>> -> memref<32xi32, #tpu.memory_space<vmem>>
        %dma_start3A_447 = arith.constant 0 : i32
        %dma_start3A_448 = arith.constant 0 : i32
        %dma_start3A_449 = tpu.memref_slice %arg14[%dma_start3A_447, %dma_start3A_448] : memref<10112x128xf32, #tpu.memory_space<vmem_shared>> -> memref<10112x128xf32, #tpu.memory_space<vmem_shared>>
        tpu.enqueue_indirect_dma source(%arg12 : memref<32x128xf32, #tpu.memory_space<vmem>>) target(%dma_start3A_449 : memref<10112x128xf32, #tpu.memory_space<vmem_shared>>) offsets(%dma_start3A_446 : memref<32xi32, #tpu.memory_space<vmem>>) semaphore(%run_scoped3A : memref<!tpu.dma_semaphore, #tpu.memory_space<semaphore_mem>>) {add = true}
        %dma_wait3A_450 = arith.constant 96 : i32
        %dma_wait3A_451 = tpu.memref_slice %arg8[%add3A_147, %dma_wait3A_450] : memref<88x128xi32, #tpu.memory_space<vmem>> -> memref<1x32xi32, #tpu.memory_space<vmem>>
        %dma_wait3A_452 = tpu.memref_squeeze %dma_wait3A_451 : memref<1x32xi32, #tpu.memory_space<vmem>> -> memref<32xi32, #tpu.memory_space<vmem>>
        %dma_wait3A_453 = arith.constant 0 : i32
        %dma_wait3A_454 = arith.constant 0 : i32
        %dma_wait3A_455 = tpu.memref_slice %arg14[%dma_wait3A_453, %dma_wait3A_454] : memref<10112x128xf32, #tpu.memory_space<vmem_shared>> -> memref<10112x128xf32, #tpu.memory_space<vmem_shared>>
        tpu.wait_indirect_dma semaphore(%run_scoped3A : memref<!tpu.dma_semaphore, #tpu.memory_space<semaphore_mem>>) src(%arg12 : memref<32x128xf32, #tpu.memory_space<vmem>>) dst(%dma_wait3A_455 : memref<10112x128xf32, #tpu.memory_space<vmem_shared>>)
        tpu.yield
      }) : () -> ()
      %add3A_148 = arith.constant 2 : i32
      %add3A_149 = arith.addi %mul3A_83, %add3A_148 : i32
      %dma_start3A_150 = arith.constant 0 : i32
      %dma_start3A_151 = tpu.memref_slice %arg7[%add3A_149, %dma_start3A_150] : memref<88x128xi32, #tpu.memory_space<vmem>> -> memref<1x32xi32, #tpu.memory_space<vmem>>
      %dma_start3A_152 = tpu.memref_squeeze %dma_start3A_151 : memref<1x32xi32, #tpu.memory_space<vmem>> -> memref<32xi32, #tpu.memory_space<vmem>>
      %dma_start3A_153 = arith.constant 0 : i32
      %dma_start3A_154 = arith.constant 0 : i32
      %dma_start3A_155 = tpu.memref_slice %arg2[%dma_start3A_153, %dma_start3A_154] : memref<10000x128xf32, #tpu.memory_space<hbm>> -> memref<10000x128xf32, #tpu.memory_space<hbm>>
      tpu.enqueue_indirect_dma source(%dma_start3A_155 : memref<10000x128xf32, #tpu.memory_space<hbm>>) target(%arg12 : memref<32x128xf32, #tpu.memory_space<vmem>>) offsets(%dma_start3A_152 : memref<32xi32, #tpu.memory_space<vmem>>) semaphore(%arg18 : memref<!tpu.dma_semaphore, #tpu.memory_space<semaphore_mem>>)
      %add3A_156 = arith.constant 1 : i32
      %add3A_157 = arith.addi %mul3A_83, %add3A_156 : i32
      %dma_wait3A_158 = arith.constant 0 : i32
      %dma_wait3A_159 = tpu.memref_slice %arg7[%add3A_157, %dma_wait3A_158] : memref<88x128xi32, #tpu.memory_space<vmem>> -> memref<1x32xi32, #tpu.memory_space<vmem>>
      %dma_wait3A_160 = tpu.memref_squeeze %dma_wait3A_159 : memref<1x32xi32, #tpu.memory_space<vmem>> -> memref<32xi32, #tpu.memory_space<vmem>>
      %dma_wait3A_161 = arith.constant 0 : i32
      %dma_wait3A_162 = arith.constant 0 : i32
      %dma_wait3A_163 = tpu.memref_slice %arg2[%dma_wait3A_161, %dma_wait3A_162] : memref<10000x128xf32, #tpu.memory_space<hbm>> -> memref<10000x128xf32, #tpu.memory_space<hbm>>
      tpu.wait_indirect_dma semaphore(%arg19 : memref<!tpu.dma_semaphore, #tpu.memory_space<semaphore_mem>>) src(%dma_wait3A_163 : memref<10000x128xf32, #tpu.memory_space<hbm>>) dst(%arg13 : memref<32x128xf32, #tpu.memory_space<vmem>>)
      %add3A_164 = arith.constant 1 : i32
      %add3A_165 = arith.addi %mul3A_83, %add3A_164 : i32
      "tpu.region"() ({
        %run_scoped3A = tpu.sem_alloc : memref<!tpu.dma_semaphore, #tpu.memory_space<semaphore_mem>>
        %dma_start3A_444 = arith.constant 0 : i32
        %dma_start3A_445 = tpu.memref_slice %arg8[%add3A_165, %dma_start3A_444] : memref<88x128xi32, #tpu.memory_space<vmem>> -> memref<1x32xi32, #tpu.memory_space<vmem>>
        %dma_start3A_446 = tpu.memref_squeeze %dma_start3A_445 : memref<1x32xi32, #tpu.memory_space<vmem>> -> memref<32xi32, #tpu.memory_space<vmem>>
        %dma_start3A_447 = arith.constant 0 : i32
        %dma_start3A_448 = arith.constant 0 : i32
        %dma_start3A_449 = tpu.memref_slice %arg14[%dma_start3A_447, %dma_start3A_448] : memref<10112x128xf32, #tpu.memory_space<vmem_shared>> -> memref<10112x128xf32, #tpu.memory_space<vmem_shared>>
        tpu.enqueue_indirect_dma source(%arg13 : memref<32x128xf32, #tpu.memory_space<vmem>>) target(%dma_start3A_449 : memref<10112x128xf32, #tpu.memory_space<vmem_shared>>) offsets(%dma_start3A_446 : memref<32xi32, #tpu.memory_space<vmem>>) semaphore(%run_scoped3A : memref<!tpu.dma_semaphore, #tpu.memory_space<semaphore_mem>>) {add = true}
        %dma_wait3A_450 = arith.constant 0 : i32
        %dma_wait3A_451 = tpu.memref_slice %arg8[%add3A_165, %dma_wait3A_450] : memref<88x128xi32, #tpu.memory_space<vmem>> -> memref<1x32xi32, #tpu.memory_space<vmem>>
        %dma_wait3A_452 = tpu.memref_squeeze %dma_wait3A_451 : memref<1x32xi32, #tpu.memory_space<vmem>> -> memref<32xi32, #tpu.memory_space<vmem>>
        %dma_wait3A_453 = arith.constant 0 : i32
        %dma_wait3A_454 = arith.constant 0 : i32
        %dma_wait3A_455 = tpu.memref_slice %arg14[%dma_wait3A_453, %dma_wait3A_454] : memref<10112x128xf32, #tpu.memory_space<vmem_shared>> -> memref<10112x128xf32, #tpu.memory_space<vmem_shared>>
        tpu.wait_indirect_dma semaphore(%run_scoped3A : memref<!tpu.dma_semaphore, #tpu.memory_space<semaphore_mem>>) src(%arg13 : memref<32x128xf32, #tpu.memory_space<vmem>>) dst(%dma_wait3A_455 : memref<10112x128xf32, #tpu.memory_space<vmem_shared>>)
        tpu.yield
      }) : () -> ()
      %add3A_166 = arith.constant 2 : i32
      %add3A_167 = arith.addi %mul3A_83, %add3A_166 : i32
      %dma_start3A_168 = arith.constant 32 : i32
      %dma_start3A_169 = tpu.memref_slice %arg7[%add3A_167, %dma_start3A_168] : memref<88x128xi32, #tpu.memory_space<vmem>> -> memref<1x32xi32, #tpu.memory_space<vmem>>
      %dma_start3A_170 = tpu.memref_squeeze %dma_start3A_169 : memref<1x32xi32, #tpu.memory_space<vmem>> -> memref<32xi32, #tpu.memory_space<vmem>>
      %dma_start3A_171 = arith.constant 0 : i32
      %dma_start3A_172 = arith.constant 0 : i32
      %dma_start3A_173 = tpu.memref_slice %arg2[%dma_start3A_171, %dma_start3A_172] : memref<10000x128xf32, #tpu.memory_space<hbm>> -> memref<10000x128xf32, #tpu.memory_space<hbm>>
      tpu.enqueue_indirect_dma source(%dma_start3A_173 : memref<10000x128xf32, #tpu.memory_space<hbm>>) target(%arg13 : memref<32x128xf32, #tpu.memory_space<vmem>>) offsets(%dma_start3A_170 : memref<32xi32, #tpu.memory_space<vmem>>) semaphore(%arg19 : memref<!tpu.dma_semaphore, #tpu.memory_space<semaphore_mem>>)
      %add3A_174 = arith.constant 1 : i32
      %add3A_175 = arith.addi %mul3A_83, %add3A_174 : i32
      %dma_wait3A_176 = arith.constant 32 : i32
      %dma_wait3A_177 = tpu.memref_slice %arg7[%add3A_175, %dma_wait3A_176] : memref<88x128xi32, #tpu.memory_space<vmem>> -> memref<1x32xi32, #tpu.memory_space<vmem>>
      %dma_wait3A_178 = tpu.memref_squeeze %dma_wait3A_177 : memref<1x32xi32, #tpu.memory_space<vmem>> -> memref<32xi32, #tpu.memory_space<vmem>>
      %dma_wait3A_179 = arith.constant 0 : i32
      %dma_wait3A_180 = arith.constant 0 : i32
      %dma_wait3A_181 = tpu.memref_slice %arg2[%dma_wait3A_179, %dma_wait3A_180] : memref<10000x128xf32, #tpu.memory_space<hbm>> -> memref<10000x128xf32, #tpu.memory_space<hbm>>
      tpu.wait_indirect_dma semaphore(%arg15 : memref<!tpu.dma_semaphore, #tpu.memory_space<semaphore_mem>>) src(%dma_wait3A_181 : memref<10000x128xf32, #tpu.memory_space<hbm>>) dst(%arg9 : memref<32x128xf32, #tpu.memory_space<vmem>>)
      %add3A_182 = arith.constant 1 : i32
      %add3A_183 = arith.addi %mul3A_83, %add3A_182 : i32
      "tpu.region"() ({
        %run_scoped3A = tpu.sem_alloc : memref<!tpu.dma_semaphore, #tpu.memory_space<semaphore_mem>>
        %dma_start3A_444 = arith.constant 32 : i32
        %dma_start3A_445 = tpu.memref_slice %arg8[%add3A_183, %dma_start3A_444] : memref<88x128xi32, #tpu.memory_space<vmem>> -> memref<1x32xi32, #tpu.memory_space<vmem>>
        %dma_start3A_446 = tpu.memref_squeeze %dma_start3A_445 : memref<1x32xi32, #tpu.memory_space<vmem>> -> memref<32xi32, #tpu.memory_space<vmem>>
        %dma_start3A_447 = arith.constant 0 : i32
        %dma_start3A_448 = arith.constant 0 : i32
        %dma_start3A_449 = tpu.memref_slice %arg14[%dma_start3A_447, %dma_start3A_448] : memref<10112x128xf32, #tpu.memory_space<vmem_shared>> -> memref<10112x128xf32, #tpu.memory_space<vmem_shared>>
        tpu.enqueue_indirect_dma source(%arg9 : memref<32x128xf32, #tpu.memory_space<vmem>>) target(%dma_start3A_449 : memref<10112x128xf32, #tpu.memory_space<vmem_shared>>) offsets(%dma_start3A_446 : memref<32xi32, #tpu.memory_space<vmem>>) semaphore(%run_scoped3A : memref<!tpu.dma_semaphore, #tpu.memory_space<semaphore_mem>>) {add = true}
        %dma_wait3A_450 = arith.constant 32 : i32
        %dma_wait3A_451 = tpu.memref_slice %arg8[%add3A_183, %dma_wait3A_450] : memref<88x128xi32, #tpu.memory_space<vmem>> -> memref<1x32xi32, #tpu.memory_space<vmem>>
        %dma_wait3A_452 = tpu.memref_squeeze %dma_wait3A_451 : memref<1x32xi32, #tpu.memory_space<vmem>> -> memref<32xi32, #tpu.memory_space<vmem>>
        %dma_wait3A_453 = arith.constant 0 : i32
        %dma_wait3A_454 = arith.constant 0 : i32
        %dma_wait3A_455 = tpu.memref_slice %arg14[%dma_wait3A_453, %dma_wait3A_454] : memref<10112x128xf32, #tpu.memory_space<vmem_shared>> -> memref<10112x128xf32, #tpu.memory_space<vmem_shared>>
        tpu.wait_indirect_dma semaphore(%run_scoped3A : memref<!tpu.dma_semaphore, #tpu.memory_space<semaphore_mem>>) src(%arg9 : memref<32x128xf32, #tpu.memory_space<vmem>>) dst(%dma_wait3A_455 : memref<10112x128xf32, #tpu.memory_space<vmem_shared>>)
        tpu.yield
      }) : () -> ()
      %add3A_184 = arith.constant 2 : i32
      %add3A_185 = arith.addi %mul3A_83, %add3A_184 : i32
      %dma_start3A_186 = arith.constant 64 : i32
      %dma_start3A_187 = tpu.memref_slice %arg7[%add3A_185, %dma_start3A_186] : memref<88x128xi32, #tpu.memory_space<vmem>> -> memref<1x32xi32, #tpu.memory_space<vmem>>
      %dma_start3A_188 = tpu.memref_squeeze %dma_start3A_187 : memref<1x32xi32, #tpu.memory_space<vmem>> -> memref<32xi32, #tpu.memory_space<vmem>>
      %dma_start3A_189 = arith.constant 0 : i32
      %dma_start3A_190 = arith.constant 0 : i32
      %dma_start3A_191 = tpu.memref_slice %arg2[%dma_start3A_189, %dma_start3A_190] : memref<10000x128xf32, #tpu.memory_space<hbm>> -> memref<10000x128xf32, #tpu.memory_space<hbm>>
      tpu.enqueue_indirect_dma source(%dma_start3A_191 : memref<10000x128xf32, #tpu.memory_space<hbm>>) target(%arg9 : memref<32x128xf32, #tpu.memory_space<vmem>>) offsets(%dma_start3A_188 : memref<32xi32, #tpu.memory_space<vmem>>) semaphore(%arg15 : memref<!tpu.dma_semaphore, #tpu.memory_space<semaphore_mem>>)
      %add3A_192 = arith.constant 1 : i32
      %add3A_193 = arith.addi %mul3A_83, %add3A_192 : i32
      %dma_wait3A_194 = arith.constant 64 : i32
      %dma_wait3A_195 = tpu.memref_slice %arg7[%add3A_193, %dma_wait3A_194] : memref<88x128xi32, #tpu.memory_space<vmem>> -> memref<1x32xi32, #tpu.memory_space<vmem>>
      %dma_wait3A_196 = tpu.memref_squeeze %dma_wait3A_195 : memref<1x32xi32, #tpu.memory_space<vmem>> -> memref<32xi32, #tpu.memory_space<vmem>>
      %dma_wait3A_197 = arith.constant 0 : i32
      %dma_wait3A_198 = arith.constant 0 : i32
      %dma_wait3A_199 = tpu.memref_slice %arg2[%dma_wait3A_197, %dma_wait3A_198] : memref<10000x128xf32, #tpu.memory_space<hbm>> -> memref<10000x128xf32, #tpu.memory_space<hbm>>
      tpu.wait_indirect_dma semaphore(%arg16 : memref<!tpu.dma_semaphore, #tpu.memory_space<semaphore_mem>>) src(%dma_wait3A_199 : memref<10000x128xf32, #tpu.memory_space<hbm>>) dst(%arg10 : memref<32x128xf32, #tpu.memory_space<vmem>>)
      %add3A_200 = arith.constant 1 : i32
      %add3A_201 = arith.addi %mul3A_83, %add3A_200 : i32
      "tpu.region"() ({
        %run_scoped3A = tpu.sem_alloc : memref<!tpu.dma_semaphore, #tpu.memory_space<semaphore_mem>>
        %dma_start3A_444 = arith.constant 64 : i32
        %dma_start3A_445 = tpu.memref_slice %arg8[%add3A_201, %dma_start3A_444] : memref<88x128xi32, #tpu.memory_space<vmem>> -> memref<1x32xi32, #tpu.memory_space<vmem>>
        %dma_start3A_446 = tpu.memref_squeeze %dma_start3A_445 : memref<1x32xi32, #tpu.memory_space<vmem>> -> memref<32xi32, #tpu.memory_space<vmem>>
        %dma_start3A_447 = arith.constant 0 : i32
        %dma_start3A_448 = arith.constant 0 : i32
        %dma_start3A_449 = tpu.memref_slice %arg14[%dma_start3A_447, %dma_start3A_448] : memref<10112x128xf32, #tpu.memory_space<vmem_shared>> -> memref<10112x128xf32, #tpu.memory_space<vmem_shared>>
        tpu.enqueue_indirect_dma source(%arg10 : memref<32x128xf32, #tpu.memory_space<vmem>>) target(%dma_start3A_449 : memref<10112x128xf32, #tpu.memory_space<vmem_shared>>) offsets(%dma_start3A_446 : memref<32xi32, #tpu.memory_space<vmem>>) semaphore(%run_scoped3A : memref<!tpu.dma_semaphore, #tpu.memory_space<semaphore_mem>>) {add = true}
        %dma_wait3A_450 = arith.constant 64 : i32
        %dma_wait3A_451 = tpu.memref_slice %arg8[%add3A_201, %dma_wait3A_450] : memref<88x128xi32, #tpu.memory_space<vmem>> -> memref<1x32xi32, #tpu.memory_space<vmem>>
        %dma_wait3A_452 = tpu.memref_squeeze %dma_wait3A_451 : memref<1x32xi32, #tpu.memory_space<vmem>> -> memref<32xi32, #tpu.memory_space<vmem>>
        %dma_wait3A_453 = arith.constant 0 : i32
        %dma_wait3A_454 = arith.constant 0 : i32
        %dma_wait3A_455 = tpu.memref_slice %arg14[%dma_wait3A_453, %dma_wait3A_454] : memref<10112x128xf32, #tpu.memory_space<vmem_shared>> -> memref<10112x128xf32, #tpu.memory_space<vmem_shared>>
        tpu.wait_indirect_dma semaphore(%run_scoped3A : memref<!tpu.dma_semaphore, #tpu.memory_space<semaphore_mem>>) src(%arg10 : memref<32x128xf32, #tpu.memory_space<vmem>>) dst(%dma_wait3A_455 : memref<10112x128xf32, #tpu.memory_space<vmem_shared>>)
        tpu.yield
      }) : () -> ()
      %add3A_202 = arith.constant 2 : i32
      %add3A_203 = arith.addi %mul3A_83, %add3A_202 : i32
      %dma_start3A_204 = arith.constant 96 : i32
      %dma_start3A_205 = tpu.memref_slice %arg7[%add3A_203, %dma_start3A_204] : memref<88x128xi32, #tpu.memory_space<vmem>> -> memref<1x32xi32, #tpu.memory_space<vmem>>
      %dma_start3A_206 = tpu.memref_squeeze %dma_start3A_205 : memref<1x32xi32, #tpu.memory_space<vmem>> -> memref<32xi32, #tpu.memory_space<vmem>>
      %dma_start3A_207 = arith.constant 0 : i32
      %dma_start3A_208 = arith.constant 0 : i32
      %dma_start3A_209 = tpu.memref_slice %arg2[%dma_start3A_207, %dma_start3A_208] : memref<10000x128xf32, #tpu.memory_space<hbm>> -> memref<10000x128xf32, #tpu.memory_space<hbm>>
      tpu.enqueue_indirect_dma source(%dma_start3A_209 : memref<10000x128xf32, #tpu.memory_space<hbm>>) target(%arg10 : memref<32x128xf32, #tpu.memory_space<vmem>>) offsets(%dma_start3A_206 : memref<32xi32, #tpu.memory_space<vmem>>) semaphore(%arg16 : memref<!tpu.dma_semaphore, #tpu.memory_space<semaphore_mem>>)
      %add3A_210 = arith.constant 1 : i32
      %add3A_211 = arith.addi %mul3A_83, %add3A_210 : i32
      %dma_wait3A_212 = arith.constant 96 : i32
      %dma_wait3A_213 = tpu.memref_slice %arg7[%add3A_211, %dma_wait3A_212] : memref<88x128xi32, #tpu.memory_space<vmem>> -> memref<1x32xi32, #tpu.memory_space<vmem>>
      %dma_wait3A_214 = tpu.memref_squeeze %dma_wait3A_213 : memref<1x32xi32, #tpu.memory_space<vmem>> -> memref<32xi32, #tpu.memory_space<vmem>>
      %dma_wait3A_215 = arith.constant 0 : i32
      %dma_wait3A_216 = arith.constant 0 : i32
      %dma_wait3A_217 = tpu.memref_slice %arg2[%dma_wait3A_215, %dma_wait3A_216] : memref<10000x128xf32, #tpu.memory_space<hbm>> -> memref<10000x128xf32, #tpu.memory_space<hbm>>
      tpu.wait_indirect_dma semaphore(%arg17 : memref<!tpu.dma_semaphore, #tpu.memory_space<semaphore_mem>>) src(%dma_wait3A_217 : memref<10000x128xf32, #tpu.memory_space<hbm>>) dst(%arg11 : memref<32x128xf32, #tpu.memory_space<vmem>>)
      %add3A_218 = arith.constant 1 : i32
      %add3A_219 = arith.addi %mul3A_83, %add3A_218 : i32
      "tpu.region"() ({
        %run_scoped3A = tpu.sem_alloc : memref<!tpu.dma_semaphore, #tpu.memory_space<semaphore_mem>>
        %dma_start3A_444 = arith.constant 96 : i32
        %dma_start3A_445 = tpu.memref_slice %arg8[%add3A_219, %dma_start3A_444] : memref<88x128xi32, #tpu.memory_space<vmem>> -> memref<1x32xi32, #tpu.memory_space<vmem>>
        %dma_start3A_446 = tpu.memref_squeeze %dma_start3A_445 : memref<1x32xi32, #tpu.memory_space<vmem>> -> memref<32xi32, #tpu.memory_space<vmem>>
        %dma_start3A_447 = arith.constant 0 : i32
        %dma_start3A_448 = arith.constant 0 : i32
        %dma_start3A_449 = tpu.memref_slice %arg14[%dma_start3A_447, %dma_start3A_448] : memref<10112x128xf32, #tpu.memory_space<vmem_shared>> -> memref<10112x128xf32, #tpu.memory_space<vmem_shared>>
        tpu.enqueue_indirect_dma source(%arg11 : memref<32x128xf32, #tpu.memory_space<vmem>>) target(%dma_start3A_449 : memref<10112x128xf32, #tpu.memory_space<vmem_shared>>) offsets(%dma_start3A_446 : memref<32xi32, #tpu.memory_space<vmem>>) semaphore(%run_scoped3A : memref<!tpu.dma_semaphore, #tpu.memory_space<semaphore_mem>>) {add = true}
        %dma_wait3A_450 = arith.constant 96 : i32
        %dma_wait3A_451 = tpu.memref_slice %arg8[%add3A_219, %dma_wait3A_450] : memref<88x128xi32, #tpu.memory_space<vmem>> -> memref<1x32xi32, #tpu.memory_space<vmem>>
        %dma_wait3A_452 = tpu.memref_squeeze %dma_wait3A_451 : memref<1x32xi32, #tpu.memory_space<vmem>> -> memref<32xi32, #tpu.memory_space<vmem>>
        %dma_wait3A_453 = arith.constant 0 : i32
        %dma_wait3A_454 = arith.constant 0 : i32
        %dma_wait3A_455 = tpu.memref_slice %arg14[%dma_wait3A_453, %dma_wait3A_454] : memref<10112x128xf32, #tpu.memory_space<vmem_shared>> -> memref<10112x128xf32, #tpu.memory_space<vmem_shared>>
        tpu.wait_indirect_dma semaphore(%run_scoped3A : memref<!tpu.dma_semaphore, #tpu.memory_space<semaphore_mem>>) src(%arg11 : memref<32x128xf32, #tpu.memory_space<vmem>>) dst(%dma_wait3A_455 : memref<10112x128xf32, #tpu.memory_space<vmem_shared>>)
        tpu.yield
      }) : () -> ()
      %add3A_220 = arith.constant 3 : i32
      %add3A_221 = arith.addi %mul3A_83, %add3A_220 : i32
      %dma_start3A_222 = arith.constant 0 : i32
      %dma_start3A_223 = tpu.memref_slice %arg7[%add3A_221, %dma_start3A_222] : memref<88x128xi32, #tpu.memory_space<vmem>> -> memref<1x32xi32, #tpu.memory_space<vmem>>
      %dma_start3A_224 = tpu.memref_squeeze %dma_start3A_223 : memref<1x32xi32, #tpu.memory_space<vmem>> -> memref<32xi32, #tpu.memory_space<vmem>>
      %dma_start3A_225 = arith.constant 0 : i32
      %dma_start3A_226 = arith.constant 0 : i32
      %dma_start3A_227 = tpu.memref_slice %arg2[%dma_start3A_225, %dma_start3A_226] : memref<10000x128xf32, #tpu.memory_space<hbm>> -> memref<10000x128xf32, #tpu.memory_space<hbm>>
      tpu.enqueue_indirect_dma source(%dma_start3A_227 : memref<10000x128xf32, #tpu.memory_space<hbm>>) target(%arg11 : memref<32x128xf32, #tpu.memory_space<vmem>>) offsets(%dma_start3A_224 : memref<32xi32, #tpu.memory_space<vmem>>) semaphore(%arg17 : memref<!tpu.dma_semaphore, #tpu.memory_space<semaphore_mem>>)
      %add3A_228 = arith.constant 2 : i32
      %add3A_229 = arith.addi %mul3A_83, %add3A_228 : i32
      %dma_wait3A_230 = arith.constant 0 : i32
      %dma_wait3A_231 = tpu.memref_slice %arg7[%add3A_229, %dma_wait3A_230] : memref<88x128xi32, #tpu.memory_space<vmem>> -> memref<1x32xi32, #tpu.memory_space<vmem>>
      %dma_wait3A_232 = tpu.memref_squeeze %dma_wait3A_231 : memref<1x32xi32, #tpu.memory_space<vmem>> -> memref<32xi32, #tpu.memory_space<vmem>>
      %dma_wait3A_233 = arith.constant 0 : i32
      %dma_wait3A_234 = arith.constant 0 : i32
      %dma_wait3A_235 = tpu.memref_slice %arg2[%dma_wait3A_233, %dma_wait3A_234] : memref<10000x128xf32, #tpu.memory_space<hbm>> -> memref<10000x128xf32, #tpu.memory_space<hbm>>
      tpu.wait_indirect_dma semaphore(%arg18 : memref<!tpu.dma_semaphore, #tpu.memory_space<semaphore_mem>>) src(%dma_wait3A_235 : memref<10000x128xf32, #tpu.memory_space<hbm>>) dst(%arg12 : memref<32x128xf32, #tpu.memory_space<vmem>>)
      %add3A_236 = arith.constant 2 : i32
      %add3A_237 = arith.addi %mul3A_83, %add3A_236 : i32
      "tpu.region"() ({
        %run_scoped3A = tpu.sem_alloc : memref<!tpu.dma_semaphore, #tpu.memory_space<semaphore_mem>>
        %dma_start3A_444 = arith.constant 0 : i32
        %dma_start3A_445 = tpu.memref_slice %arg8[%add3A_237, %dma_start3A_444] : memref<88x128xi32, #tpu.memory_space<vmem>> -> memref<1x32xi32, #tpu.memory_space<vmem>>
        %dma_start3A_446 = tpu.memref_squeeze %dma_start3A_445 : memref<1x32xi32, #tpu.memory_space<vmem>> -> memref<32xi32, #tpu.memory_space<vmem>>
        %dma_start3A_447 = arith.constant 0 : i32
        %dma_start3A_448 = arith.constant 0 : i32
        %dma_start3A_449 = tpu.memref_slice %arg14[%dma_start3A_447, %dma_start3A_448] : memref<10112x128xf32, #tpu.memory_space<vmem_shared>> -> memref<10112x128xf32, #tpu.memory_space<vmem_shared>>
        tpu.enqueue_indirect_dma source(%arg12 : memref<32x128xf32, #tpu.memory_space<vmem>>) target(%dma_start3A_449 : memref<10112x128xf32, #tpu.memory_space<vmem_shared>>) offsets(%dma_start3A_446 : memref<32xi32, #tpu.memory_space<vmem>>) semaphore(%run_scoped3A : memref<!tpu.dma_semaphore, #tpu.memory_space<semaphore_mem>>) {add = true}
        %dma_wait3A_450 = arith.constant 0 : i32
        %dma_wait3A_451 = tpu.memref_slice %arg8[%add3A_237, %dma_wait3A_450] : memref<88x128xi32, #tpu.memory_space<vmem>> -> memref<1x32xi32, #tpu.memory_space<vmem>>
        %dma_wait3A_452 = tpu.memref_squeeze %dma_wait3A_451 : memref<1x32xi32, #tpu.memory_space<vmem>> -> memref<32xi32, #tpu.memory_space<vmem>>
        %dma_wait3A_453 = arith.constant 0 : i32
        %dma_wait3A_454 = arith.constant 0 : i32
        %dma_wait3A_455 = tpu.memref_slice %arg14[%dma_wait3A_453, %dma_wait3A_454] : memref<10112x128xf32, #tpu.memory_space<vmem_shared>> -> memref<10112x128xf32, #tpu.memory_space<vmem_shared>>
        tpu.wait_indirect_dma semaphore(%run_scoped3A : memref<!tpu.dma_semaphore, #tpu.memory_space<semaphore_mem>>) src(%arg12 : memref<32x128xf32, #tpu.memory_space<vmem>>) dst(%dma_wait3A_455 : memref<10112x128xf32, #tpu.memory_space<vmem_shared>>)
        tpu.yield
      }) : () -> ()
      %add3A_238 = arith.constant 3 : i32
      %add3A_239 = arith.addi %mul3A_83, %add3A_238 : i32
      %dma_start3A_240 = arith.constant 32 : i32
      %dma_start3A_241 = tpu.memref_slice %arg7[%add3A_239, %dma_start3A_240] : memref<88x128xi32, #tpu.memory_space<vmem>> -> memref<1x32xi32, #tpu.memory_space<vmem>>
      %dma_start3A_242 = tpu.memref_squeeze %dma_start3A_241 : memref<1x32xi32, #tpu.memory_space<vmem>> -> memref<32xi32, #tpu.memory_space<vmem>>
      %dma_start3A_243 = arith.constant 0 : i32
      %dma_start3A_244 = arith.constant 0 : i32
      %dma_start3A_245 = tpu.memref_slice %arg2[%dma_start3A_243, %dma_start3A_244] : memref<10000x128xf32, #tpu.memory_space<hbm>> -> memref<10000x128xf32, #tpu.memory_space<hbm>>
      tpu.enqueue_indirect_dma source(%dma_start3A_245 : memref<10000x128xf32, #tpu.memory_space<hbm>>) target(%arg12 : memref<32x128xf32, #tpu.memory_space<vmem>>) offsets(%dma_start3A_242 : memref<32xi32, #tpu.memory_space<vmem>>) semaphore(%arg18 : memref<!tpu.dma_semaphore, #tpu.memory_space<semaphore_mem>>)
      %add3A_246 = arith.constant 2 : i32
      %add3A_247 = arith.addi %mul3A_83, %add3A_246 : i32
      %dma_wait3A_248 = arith.constant 32 : i32
      %dma_wait3A_249 = tpu.memref_slice %arg7[%add3A_247, %dma_wait3A_248] : memref<88x128xi32, #tpu.memory_space<vmem>> -> memref<1x32xi32, #tpu.memory_space<vmem>>
      %dma_wait3A_250 = tpu.memref_squeeze %dma_wait3A_249 : memref<1x32xi32, #tpu.memory_space<vmem>> -> memref<32xi32, #tpu.memory_space<vmem>>
      %dma_wait3A_251 = arith.constant 0 : i32
      %dma_wait3A_252 = arith.constant 0 : i32
      %dma_wait3A_253 = tpu.memref_slice %arg2[%dma_wait3A_251, %dma_wait3A_252] : memref<10000x128xf32, #tpu.memory_space<hbm>> -> memref<10000x128xf32, #tpu.memory_space<hbm>>
      tpu.wait_indirect_dma semaphore(%arg19 : memref<!tpu.dma_semaphore, #tpu.memory_space<semaphore_mem>>) src(%dma_wait3A_253 : memref<10000x128xf32, #tpu.memory_space<hbm>>) dst(%arg13 : memref<32x128xf32, #tpu.memory_space<vmem>>)
      %add3A_254 = arith.constant 2 : i32
      %add3A_255 = arith.addi %mul3A_83, %add3A_254 : i32
      "tpu.region"() ({
        %run_scoped3A = tpu.sem_alloc : memref<!tpu.dma_semaphore, #tpu.memory_space<semaphore_mem>>
        %dma_start3A_444 = arith.constant 32 : i32
        %dma_start3A_445 = tpu.memref_slice %arg8[%add3A_255, %dma_start3A_444] : memref<88x128xi32, #tpu.memory_space<vmem>> -> memref<1x32xi32, #tpu.memory_space<vmem>>
        %dma_start3A_446 = tpu.memref_squeeze %dma_start3A_445 : memref<1x32xi32, #tpu.memory_space<vmem>> -> memref<32xi32, #tpu.memory_space<vmem>>
        %dma_start3A_447 = arith.constant 0 : i32
        %dma_start3A_448 = arith.constant 0 : i32
        %dma_start3A_449 = tpu.memref_slice %arg14[%dma_start3A_447, %dma_start3A_448] : memref<10112x128xf32, #tpu.memory_space<vmem_shared>> -> memref<10112x128xf32, #tpu.memory_space<vmem_shared>>
        tpu.enqueue_indirect_dma source(%arg13 : memref<32x128xf32, #tpu.memory_space<vmem>>) target(%dma_start3A_449 : memref<10112x128xf32, #tpu.memory_space<vmem_shared>>) offsets(%dma_start3A_446 : memref<32xi32, #tpu.memory_space<vmem>>) semaphore(%run_scoped3A : memref<!tpu.dma_semaphore, #tpu.memory_space<semaphore_mem>>) {add = true}
        %dma_wait3A_450 = arith.constant 32 : i32
        %dma_wait3A_451 = tpu.memref_slice %arg8[%add3A_255, %dma_wait3A_450] : memref<88x128xi32, #tpu.memory_space<vmem>> -> memref<1x32xi32, #tpu.memory_space<vmem>>
        %dma_wait3A_452 = tpu.memref_squeeze %dma_wait3A_451 : memref<1x32xi32, #tpu.memory_space<vmem>> -> memref<32xi32, #tpu.memory_space<vmem>>
        %dma_wait3A_453 = arith.constant 0 : i32
        %dma_wait3A_454 = arith.constant 0 : i32
        %dma_wait3A_455 = tpu.memref_slice %arg14[%dma_wait3A_453, %dma_wait3A_454] : memref<10112x128xf32, #tpu.memory_space<vmem_shared>> -> memref<10112x128xf32, #tpu.memory_space<vmem_shared>>
        tpu.wait_indirect_dma semaphore(%run_scoped3A : memref<!tpu.dma_semaphore, #tpu.memory_space<semaphore_mem>>) src(%arg13 : memref<32x128xf32, #tpu.memory_space<vmem>>) dst(%dma_wait3A_455 : memref<10112x128xf32, #tpu.memory_space<vmem_shared>>)
        tpu.yield
      }) : () -> ()
      %add3A_256 = arith.constant 3 : i32
      %add3A_257 = arith.addi %mul3A_83, %add3A_256 : i32
      %dma_start3A_258 = arith.constant 64 : i32
      %dma_start3A_259 = tpu.memref_slice %arg7[%add3A_257, %dma_start3A_258] : memref<88x128xi32, #tpu.memory_space<vmem>> -> memref<1x32xi32, #tpu.memory_space<vmem>>
      %dma_start3A_260 = tpu.memref_squeeze %dma_start3A_259 : memref<1x32xi32, #tpu.memory_space<vmem>> -> memref<32xi32, #tpu.memory_space<vmem>>
      %dma_start3A_261 = arith.constant 0 : i32
      %dma_start3A_262 = arith.constant 0 : i32
      %dma_start3A_263 = tpu.memref_slice %arg2[%dma_start3A_261, %dma_start3A_262] : memref<10000x128xf32, #tpu.memory_space<hbm>> -> memref<10000x128xf32, #tpu.memory_space<hbm>>
      tpu.enqueue_indirect_dma source(%dma_start3A_263 : memref<10000x128xf32, #tpu.memory_space<hbm>>) target(%arg13 : memref<32x128xf32, #tpu.memory_space<vmem>>) offsets(%dma_start3A_260 : memref<32xi32, #tpu.memory_space<vmem>>) semaphore(%arg19 : memref<!tpu.dma_semaphore, #tpu.memory_space<semaphore_mem>>)
      %add3A_264 = arith.constant 2 : i32
      %add3A_265 = arith.addi %mul3A_83, %add3A_264 : i32
      %dma_wait3A_266 = arith.constant 64 : i32
      %dma_wait3A_267 = tpu.memref_slice %arg7[%add3A_265, %dma_wait3A_266] : memref<88x128xi32, #tpu.memory_space<vmem>> -> memref<1x32xi32, #tpu.memory_space<vmem>>
      %dma_wait3A_268 = tpu.memref_squeeze %dma_wait3A_267 : memref<1x32xi32, #tpu.memory_space<vmem>> -> memref<32xi32, #tpu.memory_space<vmem>>
      %dma_wait3A_269 = arith.constant 0 : i32
      %dma_wait3A_270 = arith.constant 0 : i32
      %dma_wait3A_271 = tpu.memref_slice %arg2[%dma_wait3A_269, %dma_wait3A_270] : memref<10000x128xf32, #tpu.memory_space<hbm>> -> memref<10000x128xf32, #tpu.memory_space<hbm>>
      tpu.wait_indirect_dma semaphore(%arg15 : memref<!tpu.dma_semaphore, #tpu.memory_space<semaphore_mem>>) src(%dma_wait3A_271 : memref<10000x128xf32, #tpu.memory_space<hbm>>) dst(%arg9 : memref<32x128xf32, #tpu.memory_space<vmem>>)
      %add3A_272 = arith.constant 2 : i32
      %add3A_273 = arith.addi %mul3A_83, %add3A_272 : i32
      "tpu.region"() ({
        %run_scoped3A = tpu.sem_alloc : memref<!tpu.dma_semaphore, #tpu.memory_space<semaphore_mem>>
        %dma_start3A_444 = arith.constant 64 : i32
        %dma_start3A_445 = tpu.memref_slice %arg8[%add3A_273, %dma_start3A_444] : memref<88x128xi32, #tpu.memory_space<vmem>> -> memref<1x32xi32, #tpu.memory_space<vmem>>
        %dma_start3A_446 = tpu.memref_squeeze %dma_start3A_445 : memref<1x32xi32, #tpu.memory_space<vmem>> -> memref<32xi32, #tpu.memory_space<vmem>>
        %dma_start3A_447 = arith.constant 0 : i32
        %dma_start3A_448 = arith.constant 0 : i32
        %dma_start3A_449 = tpu.memref_slice %arg14[%dma_start3A_447, %dma_start3A_448] : memref<10112x128xf32, #tpu.memory_space<vmem_shared>> -> memref<10112x128xf32, #tpu.memory_space<vmem_shared>>
        tpu.enqueue_indirect_dma source(%arg9 : memref<32x128xf32, #tpu.memory_space<vmem>>) target(%dma_start3A_449 : memref<10112x128xf32, #tpu.memory_space<vmem_shared>>) offsets(%dma_start3A_446 : memref<32xi32, #tpu.memory_space<vmem>>) semaphore(%run_scoped3A : memref<!tpu.dma_semaphore, #tpu.memory_space<semaphore_mem>>) {add = true}
        %dma_wait3A_450 = arith.constant 64 : i32
        %dma_wait3A_451 = tpu.memref_slice %arg8[%add3A_273, %dma_wait3A_450] : memref<88x128xi32, #tpu.memory_space<vmem>> -> memref<1x32xi32, #tpu.memory_space<vmem>>
        %dma_wait3A_452 = tpu.memref_squeeze %dma_wait3A_451 : memref<1x32xi32, #tpu.memory_space<vmem>> -> memref<32xi32, #tpu.memory_space<vmem>>
        %dma_wait3A_453 = arith.constant 0 : i32
        %dma_wait3A_454 = arith.constant 0 : i32
        %dma_wait3A_455 = tpu.memref_slice %arg14[%dma_wait3A_453, %dma_wait3A_454] : memref<10112x128xf32, #tpu.memory_space<vmem_shared>> -> memref<10112x128xf32, #tpu.memory_space<vmem_shared>>
        tpu.wait_indirect_dma semaphore(%run_scoped3A : memref<!tpu.dma_semaphore, #tpu.memory_space<semaphore_mem>>) src(%arg9 : memref<32x128xf32, #tpu.memory_space<vmem>>) dst(%dma_wait3A_455 : memref<10112x128xf32, #tpu.memory_space<vmem_shared>>)
        tpu.yield
      }) : () -> ()
      %add3A_274 = arith.constant 3 : i32
      %add3A_275 = arith.addi %mul3A_83, %add3A_274 : i32
      %dma_start3A_276 = arith.constant 96 : i32
      %dma_start3A_277 = tpu.memref_slice %arg7[%add3A_275, %dma_start3A_276] : memref<88x128xi32, #tpu.memory_space<vmem>> -> memref<1x32xi32, #tpu.memory_space<vmem>>
      %dma_start3A_278 = tpu.memref_squeeze %dma_start3A_277 : memref<1x32xi32, #tpu.memory_space<vmem>> -> memref<32xi32, #tpu.memory_space<vmem>>
      %dma_start3A_279 = arith.constant 0 : i32
      %dma_start3A_280 = arith.constant 0 : i32
      %dma_start3A_281 = tpu.memref_slice %arg2[%dma_start3A_279, %dma_start3A_280] : memref<10000x128xf32, #tpu.memory_space<hbm>> -> memref<10000x128xf32, #tpu.memory_space<hbm>>
      tpu.enqueue_indirect_dma source(%dma_start3A_281 : memref<10000x128xf32, #tpu.memory_space<hbm>>) target(%arg9 : memref<32x128xf32, #tpu.memory_space<vmem>>) offsets(%dma_start3A_278 : memref<32xi32, #tpu.memory_space<vmem>>) semaphore(%arg15 : memref<!tpu.dma_semaphore, #tpu.memory_space<semaphore_mem>>)
      %add3A_282 = arith.constant 2 : i32
      %add3A_283 = arith.addi %mul3A_83, %add3A_282 : i32
      %dma_wait3A_284 = arith.constant 96 : i32
      %dma_wait3A_285 = tpu.memref_slice %arg7[%add3A_283, %dma_wait3A_284] : memref<88x128xi32, #tpu.memory_space<vmem>> -> memref<1x32xi32, #tpu.memory_space<vmem>>
      %dma_wait3A_286 = tpu.memref_squeeze %dma_wait3A_285 : memref<1x32xi32, #tpu.memory_space<vmem>> -> memref<32xi32, #tpu.memory_space<vmem>>
      %dma_wait3A_287 = arith.constant 0 : i32
      %dma_wait3A_288 = arith.constant 0 : i32
      %dma_wait3A_289 = tpu.memref_slice %arg2[%dma_wait3A_287, %dma_wait3A_288] : memref<10000x128xf32, #tpu.memory_space<hbm>> -> memref<10000x128xf32, #tpu.memory_space<hbm>>
      tpu.wait_indirect_dma semaphore(%arg16 : memref<!tpu.dma_semaphore, #tpu.memory_space<semaphore_mem>>) src(%dma_wait3A_289 : memref<10000x128xf32, #tpu.memory_space<hbm>>) dst(%arg10 : memref<32x128xf32, #tpu.memory_space<vmem>>)
      %add3A_290 = arith.constant 2 : i32
      %add3A_291 = arith.addi %mul3A_83, %add3A_290 : i32
      "tpu.region"() ({
        %run_scoped3A = tpu.sem_alloc : memref<!tpu.dma_semaphore, #tpu.memory_space<semaphore_mem>>
        %dma_start3A_444 = arith.constant 96 : i32
        %dma_start3A_445 = tpu.memref_slice %arg8[%add3A_291, %dma_start3A_444] : memref<88x128xi32, #tpu.memory_space<vmem>> -> memref<1x32xi32, #tpu.memory_space<vmem>>
        %dma_start3A_446 = tpu.memref_squeeze %dma_start3A_445 : memref<1x32xi32, #tpu.memory_space<vmem>> -> memref<32xi32, #tpu.memory_space<vmem>>
        %dma_start3A_447 = arith.constant 0 : i32
        %dma_start3A_448 = arith.constant 0 : i32
        %dma_start3A_449 = tpu.memref_slice %arg14[%dma_start3A_447, %dma_start3A_448] : memref<10112x128xf32, #tpu.memory_space<vmem_shared>> -> memref<10112x128xf32, #tpu.memory_space<vmem_shared>>
        tpu.enqueue_indirect_dma source(%arg10 : memref<32x128xf32, #tpu.memory_space<vmem>>) target(%dma_start3A_449 : memref<10112x128xf32, #tpu.memory_space<vmem_shared>>) offsets(%dma_start3A_446 : memref<32xi32, #tpu.memory_space<vmem>>) semaphore(%run_scoped3A : memref<!tpu.dma_semaphore, #tpu.memory_space<semaphore_mem>>) {add = true}
        %dma_wait3A_450 = arith.constant 96 : i32
        %dma_wait3A_451 = tpu.memref_slice %arg8[%add3A_291, %dma_wait3A_450] : memref<88x128xi32, #tpu.memory_space<vmem>> -> memref<1x32xi32, #tpu.memory_space<vmem>>
        %dma_wait3A_452 = tpu.memref_squeeze %dma_wait3A_451 : memref<1x32xi32, #tpu.memory_space<vmem>> -> memref<32xi32, #tpu.memory_space<vmem>>
        %dma_wait3A_453 = arith.constant 0 : i32
        %dma_wait3A_454 = arith.constant 0 : i32
        %dma_wait3A_455 = tpu.memref_slice %arg14[%dma_wait3A_453, %dma_wait3A_454] : memref<10112x128xf32, #tpu.memory_space<vmem_shared>> -> memref<10112x128xf32, #tpu.memory_space<vmem_shared>>
        tpu.wait_indirect_dma semaphore(%run_scoped3A : memref<!tpu.dma_semaphore, #tpu.memory_space<semaphore_mem>>) src(%arg10 : memref<32x128xf32, #tpu.memory_space<vmem>>) dst(%dma_wait3A_455 : memref<10112x128xf32, #tpu.memory_space<vmem_shared>>)
        tpu.yield
      }) : () -> ()
      %add3A_292 = arith.constant 4 : i32
      %add3A_293 = arith.addi %mul3A_83, %add3A_292 : i32
      %dma_start3A_294 = arith.constant 0 : i32
      %dma_start3A_295 = tpu.memref_slice %arg7[%add3A_293, %dma_start3A_294] : memref<88x128xi32, #tpu.memory_space<vmem>> -> memref<1x32xi32, #tpu.memory_space<vmem>>
      %dma_start3A_296 = tpu.memref_squeeze %dma_start3A_295 : memref<1x32xi32, #tpu.memory_space<vmem>> -> memref<32xi32, #tpu.memory_space<vmem>>
      %dma_start3A_297 = arith.constant 0 : i32
      %dma_start3A_298 = arith.constant 0 : i32
      %dma_start3A_299 = tpu.memref_slice %arg2[%dma_start3A_297, %dma_start3A_298] : memref<10000x128xf32, #tpu.memory_space<hbm>> -> memref<10000x128xf32, #tpu.memory_space<hbm>>
      tpu.enqueue_indirect_dma source(%dma_start3A_299 : memref<10000x128xf32, #tpu.memory_space<hbm>>) target(%arg10 : memref<32x128xf32, #tpu.memory_space<vmem>>) offsets(%dma_start3A_296 : memref<32xi32, #tpu.memory_space<vmem>>) semaphore(%arg16 : memref<!tpu.dma_semaphore, #tpu.memory_space<semaphore_mem>>)
      %add3A_300 = arith.constant 3 : i32
      %add3A_301 = arith.addi %mul3A_83, %add3A_300 : i32
      %dma_wait3A_302 = arith.constant 0 : i32
      %dma_wait3A_303 = tpu.memref_slice %arg7[%add3A_301, %dma_wait3A_302] : memref<88x128xi32, #tpu.memory_space<vmem>> -> memref<1x32xi32, #tpu.memory_space<vmem>>
      %dma_wait3A_304 = tpu.memref_squeeze %dma_wait3A_303 : memref<1x32xi32, #tpu.memory_space<vmem>> -> memref<32xi32, #tpu.memory_space<vmem>>
      %dma_wait3A_305 = arith.constant 0 : i32
      %dma_wait3A_306 = arith.constant 0 : i32
      %dma_wait3A_307 = tpu.memref_slice %arg2[%dma_wait3A_305, %dma_wait3A_306] : memref<10000x128xf32, #tpu.memory_space<hbm>> -> memref<10000x128xf32, #tpu.memory_space<hbm>>
      tpu.wait_indirect_dma semaphore(%arg17 : memref<!tpu.dma_semaphore, #tpu.memory_space<semaphore_mem>>) src(%dma_wait3A_307 : memref<10000x128xf32, #tpu.memory_space<hbm>>) dst(%arg11 : memref<32x128xf32, #tpu.memory_space<vmem>>)
      %add3A_308 = arith.constant 3 : i32
      %add3A_309 = arith.addi %mul3A_83, %add3A_308 : i32
      "tpu.region"() ({
        %run_scoped3A = tpu.sem_alloc : memref<!tpu.dma_semaphore, #tpu.memory_space<semaphore_mem>>
        %dma_start3A_444 = arith.constant 0 : i32
        %dma_start3A_445 = tpu.memref_slice %arg8[%add3A_309, %dma_start3A_444] : memref<88x128xi32, #tpu.memory_space<vmem>> -> memref<1x32xi32, #tpu.memory_space<vmem>>
        %dma_start3A_446 = tpu.memref_squeeze %dma_start3A_445 : memref<1x32xi32, #tpu.memory_space<vmem>> -> memref<32xi32, #tpu.memory_space<vmem>>
        %dma_start3A_447 = arith.constant 0 : i32
        %dma_start3A_448 = arith.constant 0 : i32
        %dma_start3A_449 = tpu.memref_slice %arg14[%dma_start3A_447, %dma_start3A_448] : memref<10112x128xf32, #tpu.memory_space<vmem_shared>> -> memref<10112x128xf32, #tpu.memory_space<vmem_shared>>
        tpu.enqueue_indirect_dma source(%arg11 : memref<32x128xf32, #tpu.memory_space<vmem>>) target(%dma_start3A_449 : memref<10112x128xf32, #tpu.memory_space<vmem_shared>>) offsets(%dma_start3A_446 : memref<32xi32, #tpu.memory_space<vmem>>) semaphore(%run_scoped3A : memref<!tpu.dma_semaphore, #tpu.memory_space<semaphore_mem>>) {add = true}
        %dma_wait3A_450 = arith.constant 0 : i32
        %dma_wait3A_451 = tpu.memref_slice %arg8[%add3A_309, %dma_wait3A_450] : memref<88x128xi32, #tpu.memory_space<vmem>> -> memref<1x32xi32, #tpu.memory_space<vmem>>
        %dma_wait3A_452 = tpu.memref_squeeze %dma_wait3A_451 : memref<1x32xi32, #tpu.memory_space<vmem>> -> memref<32xi32, #tpu.memory_space<vmem>>
        %dma_wait3A_453 = arith.constant 0 : i32
        %dma_wait3A_454 = arith.constant 0 : i32
        %dma_wait3A_455 = tpu.memref_slice %arg14[%dma_wait3A_453, %dma_wait3A_454] : memref<10112x128xf32, #tpu.memory_space<vmem_shared>> -> memref<10112x128xf32, #tpu.memory_space<vmem_shared>>
        tpu.wait_indirect_dma semaphore(%run_scoped3A : memref<!tpu.dma_semaphore, #tpu.memory_space<semaphore_mem>>) src(%arg11 : memref<32x128xf32, #tpu.memory_space<vmem>>) dst(%dma_wait3A_455 : memref<10112x128xf32, #tpu.memory_space<vmem_shared>>)
        tpu.yield
      }) : () -> ()
      %add3A_310 = arith.constant 4 : i32
      %add3A_311 = arith.addi %mul3A_83, %add3A_310 : i32
      %dma_start3A_312 = arith.constant 32 : i32
      %dma_start3A_313 = tpu.memref_slice %arg7[%add3A_311, %dma_start3A_312] : memref<88x128xi32, #tpu.memory_space<vmem>> -> memref<1x32xi32, #tpu.memory_space<vmem>>
      %dma_start3A_314 = tpu.memref_squeeze %dma_start3A_313 : memref<1x32xi32, #tpu.memory_space<vmem>> -> memref<32xi32, #tpu.memory_space<vmem>>
      %dma_start3A_315 = arith.constant 0 : i32
      %dma_start3A_316 = arith.constant 0 : i32
      %dma_start3A_317 = tpu.memref_slice %arg2[%dma_start3A_315, %dma_start3A_316] : memref<10000x128xf32, #tpu.memory_space<hbm>> -> memref<10000x128xf32, #tpu.memory_space<hbm>>
      tpu.enqueue_indirect_dma source(%dma_start3A_317 : memref<10000x128xf32, #tpu.memory_space<hbm>>) target(%arg11 : memref<32x128xf32, #tpu.memory_space<vmem>>) offsets(%dma_start3A_314 : memref<32xi32, #tpu.memory_space<vmem>>) semaphore(%arg17 : memref<!tpu.dma_semaphore, #tpu.memory_space<semaphore_mem>>)
      %add3A_318 = arith.constant 3 : i32
      %add3A_319 = arith.addi %mul3A_83, %add3A_318 : i32
      %dma_wait3A_320 = arith.constant 32 : i32
      %dma_wait3A_321 = tpu.memref_slice %arg7[%add3A_319, %dma_wait3A_320] : memref<88x128xi32, #tpu.memory_space<vmem>> -> memref<1x32xi32, #tpu.memory_space<vmem>>
      %dma_wait3A_322 = tpu.memref_squeeze %dma_wait3A_321 : memref<1x32xi32, #tpu.memory_space<vmem>> -> memref<32xi32, #tpu.memory_space<vmem>>
      %dma_wait3A_323 = arith.constant 0 : i32
      %dma_wait3A_324 = arith.constant 0 : i32
      %dma_wait3A_325 = tpu.memref_slice %arg2[%dma_wait3A_323, %dma_wait3A_324] : memref<10000x128xf32, #tpu.memory_space<hbm>> -> memref<10000x128xf32, #tpu.memory_space<hbm>>
      tpu.wait_indirect_dma semaphore(%arg18 : memref<!tpu.dma_semaphore, #tpu.memory_space<semaphore_mem>>) src(%dma_wait3A_325 : memref<10000x128xf32, #tpu.memory_space<hbm>>) dst(%arg12 : memref<32x128xf32, #tpu.memory_space<vmem>>)
      %add3A_326 = arith.constant 3 : i32
      %add3A_327 = arith.addi %mul3A_83, %add3A_326 : i32
      "tpu.region"() ({
        %run_scoped3A = tpu.sem_alloc : memref<!tpu.dma_semaphore, #tpu.memory_space<semaphore_mem>>
        %dma_start3A_444 = arith.constant 32 : i32
        %dma_start3A_445 = tpu.memref_slice %arg8[%add3A_327, %dma_start3A_444] : memref<88x128xi32, #tpu.memory_space<vmem>> -> memref<1x32xi32, #tpu.memory_space<vmem>>
        %dma_start3A_446 = tpu.memref_squeeze %dma_start3A_445 : memref<1x32xi32, #tpu.memory_space<vmem>> -> memref<32xi32, #tpu.memory_space<vmem>>
        %dma_start3A_447 = arith.constant 0 : i32
        %dma_start3A_448 = arith.constant 0 : i32
        %dma_start3A_449 = tpu.memref_slice %arg14[%dma_start3A_447, %dma_start3A_448] : memref<10112x128xf32, #tpu.memory_space<vmem_shared>> -> memref<10112x128xf32, #tpu.memory_space<vmem_shared>>
        tpu.enqueue_indirect_dma source(%arg12 : memref<32x128xf32, #tpu.memory_space<vmem>>) target(%dma_start3A_449 : memref<10112x128xf32, #tpu.memory_space<vmem_shared>>) offsets(%dma_start3A_446 : memref<32xi32, #tpu.memory_space<vmem>>) semaphore(%run_scoped3A : memref<!tpu.dma_semaphore, #tpu.memory_space<semaphore_mem>>) {add = true}
        %dma_wait3A_450 = arith.constant 32 : i32
        %dma_wait3A_451 = tpu.memref_slice %arg8[%add3A_327, %dma_wait3A_450] : memref<88x128xi32, #tpu.memory_space<vmem>> -> memref<1x32xi32, #tpu.memory_space<vmem>>
        %dma_wait3A_452 = tpu.memref_squeeze %dma_wait3A_451 : memref<1x32xi32, #tpu.memory_space<vmem>> -> memref<32xi32, #tpu.memory_space<vmem>>
        %dma_wait3A_453 = arith.constant 0 : i32
        %dma_wait3A_454 = arith.constant 0 : i32
        %dma_wait3A_455 = tpu.memref_slice %arg14[%dma_wait3A_453, %dma_wait3A_454] : memref<10112x128xf32, #tpu.memory_space<vmem_shared>> -> memref<10112x128xf32, #tpu.memory_space<vmem_shared>>
        tpu.wait_indirect_dma semaphore(%run_scoped3A : memref<!tpu.dma_semaphore, #tpu.memory_space<semaphore_mem>>) src(%arg12 : memref<32x128xf32, #tpu.memory_space<vmem>>) dst(%dma_wait3A_455 : memref<10112x128xf32, #tpu.memory_space<vmem_shared>>)
        tpu.yield
      }) : () -> ()
      %add3A_328 = arith.constant 4 : i32
      %add3A_329 = arith.addi %mul3A_83, %add3A_328 : i32
      %dma_start3A_330 = arith.constant 64 : i32
      %dma_start3A_331 = tpu.memref_slice %arg7[%add3A_329, %dma_start3A_330] : memref<88x128xi32, #tpu.memory_space<vmem>> -> memref<1x32xi32, #tpu.memory_space<vmem>>
      %dma_start3A_332 = tpu.memref_squeeze %dma_start3A_331 : memref<1x32xi32, #tpu.memory_space<vmem>> -> memref<32xi32, #tpu.memory_space<vmem>>
      %dma_start3A_333 = arith.constant 0 : i32
      %dma_start3A_334 = arith.constant 0 : i32
      %dma_start3A_335 = tpu.memref_slice %arg2[%dma_start3A_333, %dma_start3A_334] : memref<10000x128xf32, #tpu.memory_space<hbm>> -> memref<10000x128xf32, #tpu.memory_space<hbm>>
      tpu.enqueue_indirect_dma source(%dma_start3A_335 : memref<10000x128xf32, #tpu.memory_space<hbm>>) target(%arg12 : memref<32x128xf32, #tpu.memory_space<vmem>>) offsets(%dma_start3A_332 : memref<32xi32, #tpu.memory_space<vmem>>) semaphore(%arg18 : memref<!tpu.dma_semaphore, #tpu.memory_space<semaphore_mem>>)
      %add3A_336 = arith.constant 3 : i32
      %add3A_337 = arith.addi %mul3A_83, %add3A_336 : i32
      %dma_wait3A_338 = arith.constant 64 : i32
      %dma_wait3A_339 = tpu.memref_slice %arg7[%add3A_337, %dma_wait3A_338] : memref<88x128xi32, #tpu.memory_space<vmem>> -> memref<1x32xi32, #tpu.memory_space<vmem>>
      %dma_wait3A_340 = tpu.memref_squeeze %dma_wait3A_339 : memref<1x32xi32, #tpu.memory_space<vmem>> -> memref<32xi32, #tpu.memory_space<vmem>>
      %dma_wait3A_341 = arith.constant 0 : i32
      %dma_wait3A_342 = arith.constant 0 : i32
      %dma_wait3A_343 = tpu.memref_slice %arg2[%dma_wait3A_341, %dma_wait3A_342] : memref<10000x128xf32, #tpu.memory_space<hbm>> -> memref<10000x128xf32, #tpu.memory_space<hbm>>
      tpu.wait_indirect_dma semaphore(%arg19 : memref<!tpu.dma_semaphore, #tpu.memory_space<semaphore_mem>>) src(%dma_wait3A_343 : memref<10000x128xf32, #tpu.memory_space<hbm>>) dst(%arg13 : memref<32x128xf32, #tpu.memory_space<vmem>>)
      %add3A_344 = arith.constant 3 : i32
      %add3A_345 = arith.addi %mul3A_83, %add3A_344 : i32
      "tpu.region"() ({
        %run_scoped3A = tpu.sem_alloc : memref<!tpu.dma_semaphore, #tpu.memory_space<semaphore_mem>>
        %dma_start3A_444 = arith.constant 64 : i32
        %dma_start3A_445 = tpu.memref_slice %arg8[%add3A_345, %dma_start3A_444] : memref<88x128xi32, #tpu.memory_space<vmem>> -> memref<1x32xi32, #tpu.memory_space<vmem>>
        %dma_start3A_446 = tpu.memref_squeeze %dma_start3A_445 : memref<1x32xi32, #tpu.memory_space<vmem>> -> memref<32xi32, #tpu.memory_space<vmem>>
        %dma_start3A_447 = arith.constant 0 : i32
        %dma_start3A_448 = arith.constant 0 : i32
        %dma_start3A_449 = tpu.memref_slice %arg14[%dma_start3A_447, %dma_start3A_448] : memref<10112x128xf32, #tpu.memory_space<vmem_shared>> -> memref<10112x128xf32, #tpu.memory_space<vmem_shared>>
        tpu.enqueue_indirect_dma source(%arg13 : memref<32x128xf32, #tpu.memory_space<vmem>>) target(%dma_start3A_449 : memref<10112x128xf32, #tpu.memory_space<vmem_shared>>) offsets(%dma_start3A_446 : memref<32xi32, #tpu.memory_space<vmem>>) semaphore(%run_scoped3A : memref<!tpu.dma_semaphore, #tpu.memory_space<semaphore_mem>>) {add = true}
        %dma_wait3A_450 = arith.constant 64 : i32
        %dma_wait3A_451 = tpu.memref_slice %arg8[%add3A_345, %dma_wait3A_450] : memref<88x128xi32, #tpu.memory_space<vmem>> -> memref<1x32xi32, #tpu.memory_space<vmem>>
        %dma_wait3A_452 = tpu.memref_squeeze %dma_wait3A_451 : memref<1x32xi32, #tpu.memory_space<vmem>> -> memref<32xi32, #tpu.memory_space<vmem>>
        %dma_wait3A_453 = arith.constant 0 : i32
        %dma_wait3A_454 = arith.constant 0 : i32
        %dma_wait3A_455 = tpu.memref_slice %arg14[%dma_wait3A_453, %dma_wait3A_454] : memref<10112x128xf32, #tpu.memory_space<vmem_shared>> -> memref<10112x128xf32, #tpu.memory_space<vmem_shared>>
        tpu.wait_indirect_dma semaphore(%run_scoped3A : memref<!tpu.dma_semaphore, #tpu.memory_space<semaphore_mem>>) src(%arg13 : memref<32x128xf32, #tpu.memory_space<vmem>>) dst(%dma_wait3A_455 : memref<10112x128xf32, #tpu.memory_space<vmem_shared>>)
        tpu.yield
      }) : () -> ()
      %add3A_346 = arith.constant 4 : i32
      %add3A_347 = arith.addi %mul3A_83, %add3A_346 : i32
      %dma_start3A_348 = arith.constant 96 : i32
      %dma_start3A_349 = tpu.memref_slice %arg7[%add3A_347, %dma_start3A_348] : memref<88x128xi32, #tpu.memory_space<vmem>> -> memref<1x32xi32, #tpu.memory_space<vmem>>
      %dma_start3A_350 = tpu.memref_squeeze %dma_start3A_349 : memref<1x32xi32, #tpu.memory_space<vmem>> -> memref<32xi32, #tpu.memory_space<vmem>>
      %dma_start3A_351 = arith.constant 0 : i32
      %dma_start3A_352 = arith.constant 0 : i32
      %dma_start3A_353 = tpu.memref_slice %arg2[%dma_start3A_351, %dma_start3A_352] : memref<10000x128xf32, #tpu.memory_space<hbm>> -> memref<10000x128xf32, #tpu.memory_space<hbm>>
      tpu.enqueue_indirect_dma source(%dma_start3A_353 : memref<10000x128xf32, #tpu.memory_space<hbm>>) target(%arg13 : memref<32x128xf32, #tpu.memory_space<vmem>>) offsets(%dma_start3A_350 : memref<32xi32, #tpu.memory_space<vmem>>) semaphore(%arg19 : memref<!tpu.dma_semaphore, #tpu.memory_space<semaphore_mem>>)
      %add3A_354 = arith.constant 3 : i32
      %add3A_355 = arith.addi %mul3A_83, %add3A_354 : i32
      %dma_wait3A_356 = arith.constant 96 : i32
      %dma_wait3A_357 = tpu.memref_slice %arg7[%add3A_355, %dma_wait3A_356] : memref<88x128xi32, #tpu.memory_space<vmem>> -> memref<1x32xi32, #tpu.memory_space<vmem>>
      %dma_wait3A_358 = tpu.memref_squeeze %dma_wait3A_357 : memref<1x32xi32, #tpu.memory_space<vmem>> -> memref<32xi32, #tpu.memory_space<vmem>>
      %dma_wait3A_359 = arith.constant 0 : i32
      %dma_wait3A_360 = arith.constant 0 : i32
      %dma_wait3A_361 = tpu.memref_slice %arg2[%dma_wait3A_359, %dma_wait3A_360] : memref<10000x128xf32, #tpu.memory_space<hbm>> -> memref<10000x128xf32, #tpu.memory_space<hbm>>
      tpu.wait_indirect_dma semaphore(%arg15 : memref<!tpu.dma_semaphore, #tpu.memory_space<semaphore_mem>>) src(%dma_wait3A_361 : memref<10000x128xf32, #tpu.memory_space<hbm>>) dst(%arg9 : memref<32x128xf32, #tpu.memory_space<vmem>>)
      %add3A_362 = arith.constant 3 : i32
      %add3A_363 = arith.addi %mul3A_83, %add3A_362 : i32
      "tpu.region"() ({
        %run_scoped3A = tpu.sem_alloc : memref<!tpu.dma_semaphore, #tpu.memory_space<semaphore_mem>>
        %dma_start3A_444 = arith.constant 96 : i32
        %dma_start3A_445 = tpu.memref_slice %arg8[%add3A_363, %dma_start3A_444] : memref<88x128xi32, #tpu.memory_space<vmem>> -> memref<1x32xi32, #tpu.memory_space<vmem>>
        %dma_start3A_446 = tpu.memref_squeeze %dma_start3A_445 : memref<1x32xi32, #tpu.memory_space<vmem>> -> memref<32xi32, #tpu.memory_space<vmem>>
        %dma_start3A_447 = arith.constant 0 : i32
        %dma_start3A_448 = arith.constant 0 : i32
        %dma_start3A_449 = tpu.memref_slice %arg14[%dma_start3A_447, %dma_start3A_448] : memref<10112x128xf32, #tpu.memory_space<vmem_shared>> -> memref<10112x128xf32, #tpu.memory_space<vmem_shared>>
        tpu.enqueue_indirect_dma source(%arg9 : memref<32x128xf32, #tpu.memory_space<vmem>>) target(%dma_start3A_449 : memref<10112x128xf32, #tpu.memory_space<vmem_shared>>) offsets(%dma_start3A_446 : memref<32xi32, #tpu.memory_space<vmem>>) semaphore(%run_scoped3A : memref<!tpu.dma_semaphore, #tpu.memory_space<semaphore_mem>>) {add = true}
        %dma_wait3A_450 = arith.constant 96 : i32
        %dma_wait3A_451 = tpu.memref_slice %arg8[%add3A_363, %dma_wait3A_450] : memref<88x128xi32, #tpu.memory_space<vmem>> -> memref<1x32xi32, #tpu.memory_space<vmem>>
        %dma_wait3A_452 = tpu.memref_squeeze %dma_wait3A_451 : memref<1x32xi32, #tpu.memory_space<vmem>> -> memref<32xi32, #tpu.memory_space<vmem>>
        %dma_wait3A_453 = arith.constant 0 : i32
        %dma_wait3A_454 = arith.constant 0 : i32
        %dma_wait3A_455 = tpu.memref_slice %arg14[%dma_wait3A_453, %dma_wait3A_454] : memref<10112x128xf32, #tpu.memory_space<vmem_shared>> -> memref<10112x128xf32, #tpu.memory_space<vmem_shared>>
        tpu.wait_indirect_dma semaphore(%run_scoped3A : memref<!tpu.dma_semaphore, #tpu.memory_space<semaphore_mem>>) src(%arg9 : memref<32x128xf32, #tpu.memory_space<vmem>>) dst(%dma_wait3A_455 : memref<10112x128xf32, #tpu.memory_space<vmem_shared>>)
        tpu.yield
      }) : () -> ()
      %add3A_364 = arith.constant 5 : i32
      %add3A_365 = arith.addi %mul3A_83, %add3A_364 : i32
      %dma_start3A_366 = arith.constant 0 : i32
      %dma_start3A_367 = tpu.memref_slice %arg7[%add3A_365, %dma_start3A_366] : memref<88x128xi32, #tpu.memory_space<vmem>> -> memref<1x32xi32, #tpu.memory_space<vmem>>
      %dma_start3A_368 = tpu.memref_squeeze %dma_start3A_367 : memref<1x32xi32, #tpu.memory_space<vmem>> -> memref<32xi32, #tpu.memory_space<vmem>>
      %dma_start3A_369 = arith.constant 0 : i32
      %dma_start3A_370 = arith.constant 0 : i32
      %dma_start3A_371 = tpu.memref_slice %arg2[%dma_start3A_369, %dma_start3A_370] : memref<10000x128xf32, #tpu.memory_space<hbm>> -> memref<10000x128xf32, #tpu.memory_space<hbm>>
      tpu.enqueue_indirect_dma source(%dma_start3A_371 : memref<10000x128xf32, #tpu.memory_space<hbm>>) target(%arg9 : memref<32x128xf32, #tpu.memory_space<vmem>>) offsets(%dma_start3A_368 : memref<32xi32, #tpu.memory_space<vmem>>) semaphore(%arg15 : memref<!tpu.dma_semaphore, #tpu.memory_space<semaphore_mem>>)
      %add3A_372 = arith.constant 4 : i32
      %add3A_373 = arith.addi %mul3A_83, %add3A_372 : i32
      %dma_wait3A_374 = arith.constant 0 : i32
      %dma_wait3A_375 = tpu.memref_slice %arg7[%add3A_373, %dma_wait3A_374] : memref<88x128xi32, #tpu.memory_space<vmem>> -> memref<1x32xi32, #tpu.memory_space<vmem>>
      %dma_wait3A_376 = tpu.memref_squeeze %dma_wait3A_375 : memref<1x32xi32, #tpu.memory_space<vmem>> -> memref<32xi32, #tpu.memory_space<vmem>>
      %dma_wait3A_377 = arith.constant 0 : i32
      %dma_wait3A_378 = arith.constant 0 : i32
      %dma_wait3A_379 = tpu.memref_slice %arg2[%dma_wait3A_377, %dma_wait3A_378] : memref<10000x128xf32, #tpu.memory_space<hbm>> -> memref<10000x128xf32, #tpu.memory_space<hbm>>
      tpu.wait_indirect_dma semaphore(%arg16 : memref<!tpu.dma_semaphore, #tpu.memory_space<semaphore_mem>>) src(%dma_wait3A_379 : memref<10000x128xf32, #tpu.memory_space<hbm>>) dst(%arg10 : memref<32x128xf32, #tpu.memory_space<vmem>>)
      %add3A_380 = arith.constant 4 : i32
      %add3A_381 = arith.addi %mul3A_83, %add3A_380 : i32
      "tpu.region"() ({
        %run_scoped3A = tpu.sem_alloc : memref<!tpu.dma_semaphore, #tpu.memory_space<semaphore_mem>>
        %dma_start3A_444 = arith.constant 0 : i32
        %dma_start3A_445 = tpu.memref_slice %arg8[%add3A_381, %dma_start3A_444] : memref<88x128xi32, #tpu.memory_space<vmem>> -> memref<1x32xi32, #tpu.memory_space<vmem>>
        %dma_start3A_446 = tpu.memref_squeeze %dma_start3A_445 : memref<1x32xi32, #tpu.memory_space<vmem>> -> memref<32xi32, #tpu.memory_space<vmem>>
        %dma_start3A_447 = arith.constant 0 : i32
        %dma_start3A_448 = arith.constant 0 : i32
        %dma_start3A_449 = tpu.memref_slice %arg14[%dma_start3A_447, %dma_start3A_448] : memref<10112x128xf32, #tpu.memory_space<vmem_shared>> -> memref<10112x128xf32, #tpu.memory_space<vmem_shared>>
        tpu.enqueue_indirect_dma source(%arg10 : memref<32x128xf32, #tpu.memory_space<vmem>>) target(%dma_start3A_449 : memref<10112x128xf32, #tpu.memory_space<vmem_shared>>) offsets(%dma_start3A_446 : memref<32xi32, #tpu.memory_space<vmem>>) semaphore(%run_scoped3A : memref<!tpu.dma_semaphore, #tpu.memory_space<semaphore_mem>>) {add = true}
        %dma_wait3A_450 = arith.constant 0 : i32
        %dma_wait3A_451 = tpu.memref_slice %arg8[%add3A_381, %dma_wait3A_450] : memref<88x128xi32, #tpu.memory_space<vmem>> -> memref<1x32xi32, #tpu.memory_space<vmem>>
        %dma_wait3A_452 = tpu.memref_squeeze %dma_wait3A_451 : memref<1x32xi32, #tpu.memory_space<vmem>> -> memref<32xi32, #tpu.memory_space<vmem>>
        %dma_wait3A_453 = arith.constant 0 : i32
        %dma_wait3A_454 = arith.constant 0 : i32
        %dma_wait3A_455 = tpu.memref_slice %arg14[%dma_wait3A_453, %dma_wait3A_454] : memref<10112x128xf32, #tpu.memory_space<vmem_shared>> -> memref<10112x128xf32, #tpu.memory_space<vmem_shared>>
        tpu.wait_indirect_dma semaphore(%run_scoped3A : memref<!tpu.dma_semaphore, #tpu.memory_space<semaphore_mem>>) src(%arg10 : memref<32x128xf32, #tpu.memory_space<vmem>>) dst(%dma_wait3A_455 : memref<10112x128xf32, #tpu.memory_space<vmem_shared>>)
        tpu.yield
      }) : () -> ()
      %add3A_382 = arith.constant 5 : i32
      %add3A_383 = arith.addi %mul3A_83, %add3A_382 : i32
      %dma_start3A_384 = arith.constant 32 : i32
      %dma_start3A_385 = tpu.memref_slice %arg7[%add3A_383, %dma_start3A_384] : memref<88x128xi32, #tpu.memory_space<vmem>> -> memref<1x32xi32, #tpu.memory_space<vmem>>
      %dma_start3A_386 = tpu.memref_squeeze %dma_start3A_385 : memref<1x32xi32, #tpu.memory_space<vmem>> -> memref<32xi32, #tpu.memory_space<vmem>>
      %dma_start3A_387 = arith.constant 0 : i32
      %dma_start3A_388 = arith.constant 0 : i32
      %dma_start3A_389 = tpu.memref_slice %arg2[%dma_start3A_387, %dma_start3A_388] : memref<10000x128xf32, #tpu.memory_space<hbm>> -> memref<10000x128xf32, #tpu.memory_space<hbm>>
      tpu.enqueue_indirect_dma source(%dma_start3A_389 : memref<10000x128xf32, #tpu.memory_space<hbm>>) target(%arg10 : memref<32x128xf32, #tpu.memory_space<vmem>>) offsets(%dma_start3A_386 : memref<32xi32, #tpu.memory_space<vmem>>) semaphore(%arg16 : memref<!tpu.dma_semaphore, #tpu.memory_space<semaphore_mem>>)
      %add3A_390 = arith.constant 4 : i32
      %add3A_391 = arith.addi %mul3A_83, %add3A_390 : i32
      %dma_wait3A_392 = arith.constant 32 : i32
      %dma_wait3A_393 = tpu.memref_slice %arg7[%add3A_391, %dma_wait3A_392] : memref<88x128xi32, #tpu.memory_space<vmem>> -> memref<1x32xi32, #tpu.memory_space<vmem>>
      %dma_wait3A_394 = tpu.memref_squeeze %dma_wait3A_393 : memref<1x32xi32, #tpu.memory_space<vmem>> -> memref<32xi32, #tpu.memory_space<vmem>>
      %dma_wait3A_395 = arith.constant 0 : i32
      %dma_wait3A_396 = arith.constant 0 : i32
      %dma_wait3A_397 = tpu.memref_slice %arg2[%dma_wait3A_395, %dma_wait3A_396] : memref<10000x128xf32, #tpu.memory_space<hbm>> -> memref<10000x128xf32, #tpu.memory_space<hbm>>
      tpu.wait_indirect_dma semaphore(%arg17 : memref<!tpu.dma_semaphore, #tpu.memory_space<semaphore_mem>>) src(%dma_wait3A_397 : memref<10000x128xf32, #tpu.memory_space<hbm>>) dst(%arg11 : memref<32x128xf32, #tpu.memory_space<vmem>>)
      %add3A_398 = arith.constant 4 : i32
      %add3A_399 = arith.addi %mul3A_83, %add3A_398 : i32
      "tpu.region"() ({
        %run_scoped3A = tpu.sem_alloc : memref<!tpu.dma_semaphore, #tpu.memory_space<semaphore_mem>>
        %dma_start3A_444 = arith.constant 32 : i32
        %dma_start3A_445 = tpu.memref_slice %arg8[%add3A_399, %dma_start3A_444] : memref<88x128xi32, #tpu.memory_space<vmem>> -> memref<1x32xi32, #tpu.memory_space<vmem>>
        %dma_start3A_446 = tpu.memref_squeeze %dma_start3A_445 : memref<1x32xi32, #tpu.memory_space<vmem>> -> memref<32xi32, #tpu.memory_space<vmem>>
        %dma_start3A_447 = arith.constant 0 : i32
        %dma_start3A_448 = arith.constant 0 : i32
        %dma_start3A_449 = tpu.memref_slice %arg14[%dma_start3A_447, %dma_start3A_448] : memref<10112x128xf32, #tpu.memory_space<vmem_shared>> -> memref<10112x128xf32, #tpu.memory_space<vmem_shared>>
        tpu.enqueue_indirect_dma source(%arg11 : memref<32x128xf32, #tpu.memory_space<vmem>>) target(%dma_start3A_449 : memref<10112x128xf32, #tpu.memory_space<vmem_shared>>) offsets(%dma_start3A_446 : memref<32xi32, #tpu.memory_space<vmem>>) semaphore(%run_scoped3A : memref<!tpu.dma_semaphore, #tpu.memory_space<semaphore_mem>>) {add = true}
        %dma_wait3A_450 = arith.constant 32 : i32
        %dma_wait3A_451 = tpu.memref_slice %arg8[%add3A_399, %dma_wait3A_450] : memref<88x128xi32, #tpu.memory_space<vmem>> -> memref<1x32xi32, #tpu.memory_space<vmem>>
        %dma_wait3A_452 = tpu.memref_squeeze %dma_wait3A_451 : memref<1x32xi32, #tpu.memory_space<vmem>> -> memref<32xi32, #tpu.memory_space<vmem>>
        %dma_wait3A_453 = arith.constant 0 : i32
        %dma_wait3A_454 = arith.constant 0 : i32
        %dma_wait3A_455 = tpu.memref_slice %arg14[%dma_wait3A_453, %dma_wait3A_454] : memref<10112x128xf32, #tpu.memory_space<vmem_shared>> -> memref<10112x128xf32, #tpu.memory_space<vmem_shared>>
        tpu.wait_indirect_dma semaphore(%run_scoped3A : memref<!tpu.dma_semaphore, #tpu.memory_space<semaphore_mem>>) src(%arg11 : memref<32x128xf32, #tpu.memory_space<vmem>>) dst(%dma_wait3A_455 : memref<10112x128xf32, #tpu.memory_space<vmem_shared>>)
        tpu.yield
      }) : () -> ()
      %add3A_400 = arith.constant 5 : i32
      %add3A_401 = arith.addi %mul3A_83, %add3A_400 : i32
      %dma_start3A_402 = arith.constant 64 : i32
      %dma_start3A_403 = tpu.memref_slice %arg7[%add3A_401, %dma_start3A_402] : memref<88x128xi32, #tpu.memory_space<vmem>> -> memref<1x32xi32, #tpu.memory_space<vmem>>
      %dma_start3A_404 = tpu.memref_squeeze %dma_start3A_403 : memref<1x32xi32, #tpu.memory_space<vmem>> -> memref<32xi32, #tpu.memory_space<vmem>>
      %dma_start3A_405 = arith.constant 0 : i32
      %dma_start3A_406 = arith.constant 0 : i32
      %dma_start3A_407 = tpu.memref_slice %arg2[%dma_start3A_405, %dma_start3A_406] : memref<10000x128xf32, #tpu.memory_space<hbm>> -> memref<10000x128xf32, #tpu.memory_space<hbm>>
      tpu.enqueue_indirect_dma source(%dma_start3A_407 : memref<10000x128xf32, #tpu.memory_space<hbm>>) target(%arg11 : memref<32x128xf32, #tpu.memory_space<vmem>>) offsets(%dma_start3A_404 : memref<32xi32, #tpu.memory_space<vmem>>) semaphore(%arg17 : memref<!tpu.dma_semaphore, #tpu.memory_space<semaphore_mem>>)
      %add3A_408 = arith.constant 4 : i32
      %add3A_409 = arith.addi %mul3A_83, %add3A_408 : i32
      %dma_wait3A_410 = arith.constant 64 : i32
      %dma_wait3A_411 = tpu.memref_slice %arg7[%add3A_409, %dma_wait3A_410] : memref<88x128xi32, #tpu.memory_space<vmem>> -> memref<1x32xi32, #tpu.memory_space<vmem>>
      %dma_wait3A_412 = tpu.memref_squeeze %dma_wait3A_411 : memref<1x32xi32, #tpu.memory_space<vmem>> -> memref<32xi32, #tpu.memory_space<vmem>>
      %dma_wait3A_413 = arith.constant 0 : i32
      %dma_wait3A_414 = arith.constant 0 : i32
      %dma_wait3A_415 = tpu.memref_slice %arg2[%dma_wait3A_413, %dma_wait3A_414] : memref<10000x128xf32, #tpu.memory_space<hbm>> -> memref<10000x128xf32, #tpu.memory_space<hbm>>
      tpu.wait_indirect_dma semaphore(%arg18 : memref<!tpu.dma_semaphore, #tpu.memory_space<semaphore_mem>>) src(%dma_wait3A_415 : memref<10000x128xf32, #tpu.memory_space<hbm>>) dst(%arg12 : memref<32x128xf32, #tpu.memory_space<vmem>>)
      %add3A_416 = arith.constant 4 : i32
      %add3A_417 = arith.addi %mul3A_83, %add3A_416 : i32
      "tpu.region"() ({
        %run_scoped3A = tpu.sem_alloc : memref<!tpu.dma_semaphore, #tpu.memory_space<semaphore_mem>>
        %dma_start3A_444 = arith.constant 64 : i32
        %dma_start3A_445 = tpu.memref_slice %arg8[%add3A_417, %dma_start3A_444] : memref<88x128xi32, #tpu.memory_space<vmem>> -> memref<1x32xi32, #tpu.memory_space<vmem>>
        %dma_start3A_446 = tpu.memref_squeeze %dma_start3A_445 : memref<1x32xi32, #tpu.memory_space<vmem>> -> memref<32xi32, #tpu.memory_space<vmem>>
        %dma_start3A_447 = arith.constant 0 : i32
        %dma_start3A_448 = arith.constant 0 : i32
        %dma_start3A_449 = tpu.memref_slice %arg14[%dma_start3A_447, %dma_start3A_448] : memref<10112x128xf32, #tpu.memory_space<vmem_shared>> -> memref<10112x128xf32, #tpu.memory_space<vmem_shared>>
        tpu.enqueue_indirect_dma source(%arg12 : memref<32x128xf32, #tpu.memory_space<vmem>>) target(%dma_start3A_449 : memref<10112x128xf32, #tpu.memory_space<vmem_shared>>) offsets(%dma_start3A_446 : memref<32xi32, #tpu.memory_space<vmem>>) semaphore(%run_scoped3A : memref<!tpu.dma_semaphore, #tpu.memory_space<semaphore_mem>>) {add = true}
        %dma_wait3A_450 = arith.constant 64 : i32
        %dma_wait3A_451 = tpu.memref_slice %arg8[%add3A_417, %dma_wait3A_450] : memref<88x128xi32, #tpu.memory_space<vmem>> -> memref<1x32xi32, #tpu.memory_space<vmem>>
        %dma_wait3A_452 = tpu.memref_squeeze %dma_wait3A_451 : memref<1x32xi32, #tpu.memory_space<vmem>> -> memref<32xi32, #tpu.memory_space<vmem>>
        %dma_wait3A_453 = arith.constant 0 : i32
        %dma_wait3A_454 = arith.constant 0 : i32
        %dma_wait3A_455 = tpu.memref_slice %arg14[%dma_wait3A_453, %dma_wait3A_454] : memref<10112x128xf32, #tpu.memory_space<vmem_shared>> -> memref<10112x128xf32, #tpu.memory_space<vmem_shared>>
        tpu.wait_indirect_dma semaphore(%run_scoped3A : memref<!tpu.dma_semaphore, #tpu.memory_space<semaphore_mem>>) src(%arg12 : memref<32x128xf32, #tpu.memory_space<vmem>>) dst(%dma_wait3A_455 : memref<10112x128xf32, #tpu.memory_space<vmem_shared>>)
        tpu.yield
      }) : () -> ()
      %add3A_418 = arith.constant 5 : i32
      %add3A_419 = arith.addi %mul3A_83, %add3A_418 : i32
      %dma_start3A_420 = arith.constant 96 : i32
      %dma_start3A_421 = tpu.memref_slice %arg7[%add3A_419, %dma_start3A_420] : memref<88x128xi32, #tpu.memory_space<vmem>> -> memref<1x32xi32, #tpu.memory_space<vmem>>
      %dma_start3A_422 = tpu.memref_squeeze %dma_start3A_421 : memref<1x32xi32, #tpu.memory_space<vmem>> -> memref<32xi32, #tpu.memory_space<vmem>>
      %dma_start3A_423 = arith.constant 0 : i32
      %dma_start3A_424 = arith.constant 0 : i32
      %dma_start3A_425 = tpu.memref_slice %arg2[%dma_start3A_423, %dma_start3A_424] : memref<10000x128xf32, #tpu.memory_space<hbm>> -> memref<10000x128xf32, #tpu.memory_space<hbm>>
      tpu.enqueue_indirect_dma source(%dma_start3A_425 : memref<10000x128xf32, #tpu.memory_space<hbm>>) target(%arg12 : memref<32x128xf32, #tpu.memory_space<vmem>>) offsets(%dma_start3A_422 : memref<32xi32, #tpu.memory_space<vmem>>) semaphore(%arg18 : memref<!tpu.dma_semaphore, #tpu.memory_space<semaphore_mem>>)
      %add3A_426 = arith.constant 4 : i32
      %add3A_427 = arith.addi %mul3A_83, %add3A_426 : i32
      %dma_wait3A_428 = arith.constant 96 : i32
      %dma_wait3A_429 = tpu.memref_slice %arg7[%add3A_427, %dma_wait3A_428] : memref<88x128xi32, #tpu.memory_space<vmem>> -> memref<1x32xi32, #tpu.memory_space<vmem>>
      %dma_wait3A_430 = tpu.memref_squeeze %dma_wait3A_429 : memref<1x32xi32, #tpu.memory_space<vmem>> -> memref<32xi32, #tpu.memory_space<vmem>>
      %dma_wait3A_431 = arith.constant 0 : i32
      %dma_wait3A_432 = arith.constant 0 : i32
      %dma_wait3A_433 = tpu.memref_slice %arg2[%dma_wait3A_431, %dma_wait3A_432] : memref<10000x128xf32, #tpu.memory_space<hbm>> -> memref<10000x128xf32, #tpu.memory_space<hbm>>
      tpu.wait_indirect_dma semaphore(%arg19 : memref<!tpu.dma_semaphore, #tpu.memory_space<semaphore_mem>>) src(%dma_wait3A_433 : memref<10000x128xf32, #tpu.memory_space<hbm>>) dst(%arg13 : memref<32x128xf32, #tpu.memory_space<vmem>>)
      %add3A_434 = arith.constant 4 : i32
      %add3A_435 = arith.addi %mul3A_83, %add3A_434 : i32
      "tpu.region"() ({
        %run_scoped3A = tpu.sem_alloc : memref<!tpu.dma_semaphore, #tpu.memory_space<semaphore_mem>>
        %dma_start3A_444 = arith.constant 96 : i32
        %dma_start3A_445 = tpu.memref_slice %arg8[%add3A_435, %dma_start3A_444] : memref<88x128xi32, #tpu.memory_space<vmem>> -> memref<1x32xi32, #tpu.memory_space<vmem>>
        %dma_start3A_446 = tpu.memref_squeeze %dma_start3A_445 : memref<1x32xi32, #tpu.memory_space<vmem>> -> memref<32xi32, #tpu.memory_space<vmem>>
        %dma_start3A_447 = arith.constant 0 : i32
        %dma_start3A_448 = arith.constant 0 : i32
        %dma_start3A_449 = tpu.memref_slice %arg14[%dma_start3A_447, %dma_start3A_448] : memref<10112x128xf32, #tpu.memory_space<vmem_shared>> -> memref<10112x128xf32, #tpu.memory_space<vmem_shared>>
        tpu.enqueue_indirect_dma source(%arg13 : memref<32x128xf32, #tpu.memory_space<vmem>>) target(%dma_start3A_449 : memref<10112x128xf32, #tpu.memory_space<vmem_shared>>) offsets(%dma_start3A_446 : memref<32xi32, #tpu.memory_space<vmem>>) semaphore(%run_scoped3A : memref<!tpu.dma_semaphore, #tpu.memory_space<semaphore_mem>>) {add = true}
        %dma_wait3A_450 = arith.constant 96 : i32
        %dma_wait3A_451 = tpu.memref_slice %arg8[%add3A_435, %dma_wait3A_450] : memref<88x128xi32, #tpu.memory_space<vmem>> -> memref<1x32xi32, #tpu.memory_space<vmem>>
        %dma_wait3A_452 = tpu.memref_squeeze %dma_wait3A_451 : memref<1x32xi32, #tpu.memory_space<vmem>> -> memref<32xi32, #tpu.memory_space<vmem>>
        %dma_wait3A_453 = arith.constant 0 : i32
        %dma_wait3A_454 = arith.constant 0 : i32
        %dma_wait3A_455 = tpu.memref_slice %arg14[%dma_wait3A_453, %dma_wait3A_454] : memref<10112x128xf32, #tpu.memory_space<vmem_shared>> -> memref<10112x128xf32, #tpu.memory_space<vmem_shared>>
        tpu.wait_indirect_dma semaphore(%run_scoped3A : memref<!tpu.dma_semaphore, #tpu.memory_space<semaphore_mem>>) src(%arg13 : memref<32x128xf32, #tpu.memory_space<vmem>>) dst(%dma_wait3A_455 : memref<10112x128xf32, #tpu.memory_space<vmem_shared>>)
        tpu.yield
      }) : () -> ()
      %add3A_436 = arith.constant 6 : i32
      %add3A_437 = arith.addi %mul3A_83, %add3A_436 : i32
      %dma_start3A_438 = arith.constant 0 : i32
      %dma_start3A_439 = tpu.memref_slice %arg7[%add3A_437, %dma_start3A_438] : memref<88x128xi32, #tpu.memory_space<vmem>> -> memref<1x32xi32, #tpu.memory_space<vmem>>
      %dma_start3A_440 = tpu.memref_squeeze %dma_start3A_439 : memref<1x32xi32, #tpu.memory_space<vmem>> -> memref<32xi32, #tpu.memory_space<vmem>>
      %dma_start3A_441 = arith.constant 0 : i32
      %dma_start3A_442 = arith.constant 0 : i32
      %dma_start3A_443 = tpu.memref_slice %arg2[%dma_start3A_441, %dma_start3A_442] : memref<10000x128xf32, #tpu.memory_space<hbm>> -> memref<10000x128xf32, #tpu.memory_space<hbm>>
      tpu.enqueue_indirect_dma source(%dma_start3A_443 : memref<10000x128xf32, #tpu.memory_space<hbm>>) target(%arg13 : memref<32x128xf32, #tpu.memory_space<vmem>>) offsets(%dma_start3A_440 : memref<32xi32, #tpu.memory_space<vmem>>) semaphore(%arg19 : memref<!tpu.dma_semaphore, #tpu.memory_space<semaphore_mem>>)
    }
    %scan3A_41 = arith.constant 16 : i32
    %dma_wait3A = arith.constant 80 : i32
    %dma_wait3A_42 = arith.constant 0 : i32
    %dma_wait3A_43 = tpu.memref_slice %arg7[%dma_wait3A, %dma_wait3A_42] : memref<88x128xi32, #tpu.memory_space<vmem>> -> memref<1x32xi32, #tpu.memory_space<vmem>>
    %dma_wait3A_44 = tpu.memref_squeeze %dma_wait3A_43 : memref<1x32xi32, #tpu.memory_space<vmem>> -> memref<32xi32, #tpu.memory_space<vmem>>
    %dma_wait3A_45 = arith.constant 0 : i32
    %dma_wait3A_46 = arith.constant 0 : i32
    %dma_wait3A_47 = tpu.memref_slice %arg2[%dma_wait3A_45, %dma_wait3A_46] : memref<10000x128xf32, #tpu.memory_space<hbm>> -> memref<10000x128xf32, #tpu.memory_space<hbm>>
    tpu.wait_indirect_dma semaphore(%arg15 : memref<!tpu.dma_semaphore, #tpu.memory_space<semaphore_mem>>) src(%dma_wait3A_47 : memref<10000x128xf32, #tpu.memory_space<hbm>>) dst(%arg9 : memref<32x128xf32, #tpu.memory_space<vmem>>)
    %dma_wait3A_48 = arith.constant 80 : i32
    %dma_wait3A_49 = arith.constant 32 : i32
    %dma_wait3A_50 = tpu.memref_slice %arg7[%dma_wait3A_48, %dma_wait3A_49] : memref<88x128xi32, #tpu.memory_space<vmem>> -> memref<1x32xi32, #tpu.memory_space<vmem>>
    %dma_wait3A_51 = tpu.memref_squeeze %dma_wait3A_50 : memref<1x32xi32, #tpu.memory_space<vmem>> -> memref<32xi32, #tpu.memory_space<vmem>>
    %dma_wait3A_52 = arith.constant 0 : i32
    %dma_wait3A_53 = arith.constant 0 : i32
    %dma_wait3A_54 = tpu.memref_slice %arg2[%dma_wait3A_52, %dma_wait3A_53] : memref<10000x128xf32, #tpu.memory_space<hbm>> -> memref<10000x128xf32, #tpu.memory_space<hbm>>
    tpu.wait_indirect_dma semaphore(%arg16 : memref<!tpu.dma_semaphore, #tpu.memory_space<semaphore_mem>>) src(%dma_wait3A_54 : memref<10000x128xf32, #tpu.memory_space<hbm>>) dst(%arg10 : memref<32x128xf32, #tpu.memory_space<vmem>>)
    %dma_wait3A_55 = arith.constant 80 : i32
    %dma_wait3A_56 = arith.constant 64 : i32
    %dma_wait3A_57 = tpu.memref_slice %arg7[%dma_wait3A_55, %dma_wait3A_56] : memref<88x128xi32, #tpu.memory_space<vmem>> -> memref<1x32xi32, #tpu.memory_space<vmem>>
    %dma_wait3A_58 = tpu.memref_squeeze %dma_wait3A_57 : memref<1x32xi32, #tpu.memory_space<vmem>> -> memref<32xi32, #tpu.memory_space<vmem>>
    %dma_wait3A_59 = arith.constant 0 : i32
    %dma_wait3A_60 = arith.constant 0 : i32
    %dma_wait3A_61 = tpu.memref_slice %arg2[%dma_wait3A_59, %dma_wait3A_60] : memref<10000x128xf32, #tpu.memory_space<hbm>> -> memref<10000x128xf32, #tpu.memory_space<hbm>>
    tpu.wait_indirect_dma semaphore(%arg17 : memref<!tpu.dma_semaphore, #tpu.memory_space<semaphore_mem>>) src(%dma_wait3A_61 : memref<10000x128xf32, #tpu.memory_space<hbm>>) dst(%arg11 : memref<32x128xf32, #tpu.memory_space<vmem>>)
    %dma_wait3A_62 = arith.constant 80 : i32
    %dma_wait3A_63 = arith.constant 96 : i32
    %dma_wait3A_64 = tpu.memref_slice %arg7[%dma_wait3A_62, %dma_wait3A_63] : memref<88x128xi32, #tpu.memory_space<vmem>> -> memref<1x32xi32, #tpu.memory_space<vmem>>
    %dma_wait3A_65 = tpu.memref_squeeze %dma_wait3A_64 : memref<1x32xi32, #tpu.memory_space<vmem>> -> memref<32xi32, #tpu.memory_space<vmem>>
    %dma_wait3A_66 = arith.constant 0 : i32
    %dma_wait3A_67 = arith.constant 0 : i32
    %dma_wait3A_68 = tpu.memref_slice %arg2[%dma_wait3A_66, %dma_wait3A_67] : memref<10000x128xf32, #tpu.memory_space<hbm>> -> memref<10000x128xf32, #tpu.memory_space<hbm>>
    tpu.wait_indirect_dma semaphore(%arg18 : memref<!tpu.dma_semaphore, #tpu.memory_space<semaphore_mem>>) src(%dma_wait3A_68 : memref<10000x128xf32, #tpu.memory_space<hbm>>) dst(%arg12 : memref<32x128xf32, #tpu.memory_space<vmem>>)
    %dma_wait3A_69 = arith.constant 81 : i32
    %dma_wait3A_70 = arith.constant 0 : i32
    %dma_wait3A_71 = tpu.memref_slice %arg7[%dma_wait3A_69, %dma_wait3A_70] : memref<88x128xi32, #tpu.memory_space<vmem>> -> memref<1x32xi32, #tpu.memory_space<vmem>>
    %dma_wait3A_72 = tpu.memref_squeeze %dma_wait3A_71 : memref<1x32xi32, #tpu.memory_space<vmem>> -> memref<32xi32, #tpu.memory_space<vmem>>
    %dma_wait3A_73 = arith.constant 0 : i32
    %dma_wait3A_74 = arith.constant 0 : i32
    %dma_wait3A_75 = tpu.memref_slice %arg2[%dma_wait3A_73, %dma_wait3A_74] : memref<10000x128xf32, #tpu.memory_space<hbm>> -> memref<10000x128xf32, #tpu.memory_space<hbm>>
    tpu.wait_indirect_dma semaphore(%arg19 : memref<!tpu.dma_semaphore, #tpu.memory_space<semaphore_mem>>) src(%dma_wait3A_75 : memref<10000x128xf32, #tpu.memory_space<hbm>>) dst(%arg13 : memref<32x128xf32, #tpu.memory_space<vmem>>)
    %barrier3A_76 = arith.constant 0 : index
    tpu.barrier barrier_id(%barrier3A_76)
    %mul3A_77 = arith.constant 632 : i32
    %mul3A_78 = arith.muli %arg1, %mul3A_77 : i32
    %mul3A_79 = arith.constant 632 : i32
    %mul3A_80 = arith.muli %arg1, %mul3A_79 : i32
    "tpu.region"() ({
      %run_scoped3A = tpu.sem_alloc : memref<!tpu.dma_semaphore, #tpu.memory_space<semaphore_mem>>
      %dma_start3A_81 = arith.constant 0 : i32
      %dma_start3A_82 = tpu.memref_slice %arg6[%arg0, %mul3A_80, %dma_start3A_81] : memref<2x10112x128xf32, #tpu.memory_space<hbm>> -> memref<1x632x128xf32, #tpu.memory_space<hbm>>
      %dma_start3A_83 = tpu.memref_squeeze %dma_start3A_82 : memref<1x632x128xf32, #tpu.memory_space<hbm>> -> memref<632x128xf32, #tpu.memory_space<hbm>>
      %dma_start3A_84 = arith.constant 0 : i32
      %dma_start3A_85 = tpu.memref_slice %arg14[%mul3A_78, %dma_start3A_84] : memref<10112x128xf32, #tpu.memory_space<vmem_shared>> -> memref<632x128xf32, #tpu.memory_space<vmem_shared>>
      tpu.enqueue_dma source(%dma_start3A_85 : memref<632x128xf32, #tpu.memory_space<vmem_shared>>) target(%dma_start3A_83 : memref<632x128xf32, #tpu.memory_space<hbm>>) target_semaphore(%run_scoped3A : memref<!tpu.dma_semaphore, #tpu.memory_space<semaphore_mem>>)
      %dma_wait3A_86 = arith.constant 0 : i32
      %dma_wait3A_87 = tpu.memref_slice %arg6[%arg0, %mul3A_80, %dma_wait3A_86] : memref<2x10112x128xf32, #tpu.memory_space<hbm>> -> memref<1x632x128xf32, #tpu.memory_space<hbm>>
      %dma_wait3A_88 = tpu.memref_squeeze %dma_wait3A_87 : memref<1x632x128xf32, #tpu.memory_space<hbm>> -> memref<632x128xf32, #tpu.memory_space<hbm>>
      %dma_wait3A_89 = arith.constant 0 : i32
      %dma_wait3A_90 = tpu.memref_slice %arg14[%mul3A_78, %dma_wait3A_89] : memref<10112x128xf32, #tpu.memory_space<vmem_shared>> -> memref<632x128xf32, #tpu.memory_space<vmem_shared>>
      tpu.wait_dma2 semaphore(%run_scoped3A : memref<!tpu.dma_semaphore, #tpu.memory_space<semaphore_mem>>) src(%dma_wait3A_90 : memref<632x128xf32, #tpu.memory_space<vmem_shared>>) dst(%dma_wait3A_88 : memref<632x128xf32, #tpu.memory_space<hbm>>)
      tpu.yield
    }) : () -> ()
    return
  }
}

#map = affine_map<(d0, d1) -> (0, 0)>
#map1 = affine_map<(d0, d1) -> (0, 0, 0)>
module attributes {stable_mosaic.version = 14 : i64} {
  func.func @edge_pass(%arg0: i32, %arg1: i32, %arg2: memref<10000x128xf32, #tpu.memory_space<hbm>>, %arg3: memref<32x88x128xi32, #tpu.memory_space<hbm>>, %arg4: memref<32x88x128xi32, #tpu.memory_space<hbm>>, %arg5: memref<632x128xf32, #tpu.memory_space<hbm>>, %arg6: memref<2x10112x128xf32, #tpu.memory_space<hbm>>, %arg7: memref<88x128xi32, #tpu.memory_space<vmem>>, %arg8: memref<88x128xi32, #tpu.memory_space<vmem>>, %arg9: memref<32x128xf32, #tpu.memory_space<vmem>>, %arg10: memref<32x128xf32, #tpu.memory_space<vmem>>, %arg11: memref<32x128xf32, #tpu.memory_space<vmem>>, %arg12: memref<32x128xf32, #tpu.memory_space<vmem>>, %arg13: memref<32x128xf32, #tpu.memory_space<vmem>>, %arg14: memref<10112x128xf32, #tpu.memory_space<vmem_shared>>, %arg15: memref<!tpu.dma_semaphore, #tpu.memory_space<semaphore_mem>>, %arg16: memref<!tpu.dma_semaphore, #tpu.memory_space<semaphore_mem>>, %arg17: memref<!tpu.dma_semaphore, #tpu.memory_space<semaphore_mem>>, %arg18: memref<!tpu.dma_semaphore, #tpu.memory_space<semaphore_mem>>, %arg19: memref<!tpu.dma_semaphore, #tpu.memory_space<semaphore_mem>>) attributes {dimension_semantics = [#tpu.dimension_semantics<core_parallel>, #tpu.dimension_semantics<subcore_parallel>], iteration_bounds = array<i64: 2, 16>, scalar_prefetch = 0 : i64, scratch_operands = 13 : i64, tpu.core_type = #tpu.core_type<sc_vector_subcore>, window_params = [{transform_indices = #map}, {transform_indices = #map1}, {transform_indices = #map1}, {transform_indices = #map}, {transform_indices = #map1}]} {
    %mul3A = arith.constant 16 : i32
    %mul3A_0 = arith.muli %arg0, %mul3A : i32
    %add3A = arith.addi %mul3A_0, %arg1 : i32
    "tpu.region"() ({
      %run_scoped3A = tpu.sem_alloc : memref<!tpu.dma_semaphore, #tpu.memory_space<semaphore_mem>>
      %dma_start3A_81 = arith.constant 0 : i32
      %dma_start3A_82 = arith.constant 0 : i32
      %dma_start3A_83 = tpu.memref_slice %arg3[%add3A, %dma_start3A_81, %dma_start3A_82] : memref<32x88x128xi32, #tpu.memory_space<hbm>> -> memref<1x88x128xi32, #tpu.memory_space<hbm>>
      %dma_start3A_84 = tpu.memref_squeeze %dma_start3A_83 : memref<1x88x128xi32, #tpu.memory_space<hbm>> -> memref<88x128xi32, #tpu.memory_space<hbm>>
      %dma_start3A_85 = arith.constant 0 : i32
      %dma_start3A_86 = arith.constant 0 : i32
      %dma_start3A_87 = tpu.memref_slice %arg3[%add3A, %dma_start3A_85, %dma_start3A_86] : memref<32x88x128xi32, #tpu.memory_space<hbm>> -> memref<1x88x128xi32, #tpu.memory_space<hbm>>
      %dma_start3A_88 = tpu.memref_squeeze %dma_start3A_87 : memref<1x88x128xi32, #tpu.memory_space<hbm>> -> memref<88x128xi32, #tpu.memory_space<hbm>>
      tpu.enqueue_dma source(%dma_start3A_88 : memref<88x128xi32, #tpu.memory_space<hbm>>) target(%arg7 : memref<88x128xi32, #tpu.memory_space<vmem>>) target_semaphore(%run_scoped3A : memref<!tpu.dma_semaphore, #tpu.memory_space<semaphore_mem>>)
      %dma_wait3A_89 = arith.constant 0 : i32
      %dma_wait3A_90 = arith.constant 0 : i32
      %dma_wait3A_91 = tpu.memref_slice %arg3[%add3A, %dma_wait3A_89, %dma_wait3A_90] : memref<32x88x128xi32, #tpu.memory_space<hbm>> -> memref<1x88x128xi32, #tpu.memory_space<hbm>>
      %dma_wait3A_92 = tpu.memref_squeeze %dma_wait3A_91 : memref<1x88x128xi32, #tpu.memory_space<hbm>> -> memref<88x128xi32, #tpu.memory_space<hbm>>
      %dma_wait3A_93 = arith.constant 0 : i32
      %dma_wait3A_94 = arith.constant 0 : i32
      %dma_wait3A_95 = tpu.memref_slice %arg3[%add3A, %dma_wait3A_93, %dma_wait3A_94] : memref<32x88x128xi32, #tpu.memory_space<hbm>> -> memref<1x88x128xi32, #tpu.memory_space<hbm>>
      %dma_wait3A_96 = tpu.memref_squeeze %dma_wait3A_95 : memref<1x88x128xi32, #tpu.memory_space<hbm>> -> memref<88x128xi32, #tpu.memory_space<hbm>>
      tpu.wait_dma2 semaphore(%run_scoped3A : memref<!tpu.dma_semaphore, #tpu.memory_space<semaphore_mem>>) src(%dma_wait3A_96 : memref<88x128xi32, #tpu.memory_space<hbm>>) dst(%arg7 : memref<88x128xi32, #tpu.memory_space<vmem>>)
      tpu.yield
    }) : () -> ()
    "tpu.region"() ({
      %run_scoped3A = tpu.sem_alloc : memref<!tpu.dma_semaphore, #tpu.memory_space<semaphore_mem>>
      %dma_start3A_81 = arith.constant 0 : i32
      %dma_start3A_82 = arith.constant 0 : i32
      %dma_start3A_83 = tpu.memref_slice %arg4[%add3A, %dma_start3A_81, %dma_start3A_82] : memref<32x88x128xi32, #tpu.memory_space<hbm>> -> memref<1x88x128xi32, #tpu.memory_space<hbm>>
      %dma_start3A_84 = tpu.memref_squeeze %dma_start3A_83 : memref<1x88x128xi32, #tpu.memory_space<hbm>> -> memref<88x128xi32, #tpu.memory_space<hbm>>
      %dma_start3A_85 = arith.constant 0 : i32
      %dma_start3A_86 = arith.constant 0 : i32
      %dma_start3A_87 = tpu.memref_slice %arg4[%add3A, %dma_start3A_85, %dma_start3A_86] : memref<32x88x128xi32, #tpu.memory_space<hbm>> -> memref<1x88x128xi32, #tpu.memory_space<hbm>>
      %dma_start3A_88 = tpu.memref_squeeze %dma_start3A_87 : memref<1x88x128xi32, #tpu.memory_space<hbm>> -> memref<88x128xi32, #tpu.memory_space<hbm>>
      tpu.enqueue_dma source(%dma_start3A_88 : memref<88x128xi32, #tpu.memory_space<hbm>>) target(%arg8 : memref<88x128xi32, #tpu.memory_space<vmem>>) target_semaphore(%run_scoped3A : memref<!tpu.dma_semaphore, #tpu.memory_space<semaphore_mem>>)
      %dma_wait3A_89 = arith.constant 0 : i32
      %dma_wait3A_90 = arith.constant 0 : i32
      %dma_wait3A_91 = tpu.memref_slice %arg4[%add3A, %dma_wait3A_89, %dma_wait3A_90] : memref<32x88x128xi32, #tpu.memory_space<hbm>> -> memref<1x88x128xi32, #tpu.memory_space<hbm>>
      %dma_wait3A_92 = tpu.memref_squeeze %dma_wait3A_91 : memref<1x88x128xi32, #tpu.memory_space<hbm>> -> memref<88x128xi32, #tpu.memory_space<hbm>>
      %dma_wait3A_93 = arith.constant 0 : i32
      %dma_wait3A_94 = arith.constant 0 : i32
      %dma_wait3A_95 = tpu.memref_slice %arg4[%add3A, %dma_wait3A_93, %dma_wait3A_94] : memref<32x88x128xi32, #tpu.memory_space<hbm>> -> memref<1x88x128xi32, #tpu.memory_space<hbm>>
      %dma_wait3A_96 = tpu.memref_squeeze %dma_wait3A_95 : memref<1x88x128xi32, #tpu.memory_space<hbm>> -> memref<88x128xi32, #tpu.memory_space<hbm>>
      tpu.wait_dma2 semaphore(%run_scoped3A : memref<!tpu.dma_semaphore, #tpu.memory_space<semaphore_mem>>) src(%dma_wait3A_96 : memref<88x128xi32, #tpu.memory_space<hbm>>) dst(%arg8 : memref<88x128xi32, #tpu.memory_space<vmem>>)
      tpu.yield
    }) : () -> ()
    %mul3A_1 = arith.constant 632 : i32
    %mul3A_2 = arith.muli %arg1, %mul3A_1 : i32
    "tpu.region"() ({
      %run_scoped3A = tpu.sem_alloc : memref<!tpu.dma_semaphore, #tpu.memory_space<semaphore_mem>>
      %dma_start3A_81 = arith.constant 0 : i32
      %dma_start3A_82 = tpu.memref_slice %arg14[%mul3A_2, %dma_start3A_81] : memref<10112x128xf32, #tpu.memory_space<vmem_shared>> -> memref<632x128xf32, #tpu.memory_space<vmem_shared>>
      tpu.enqueue_dma source(%arg5 : memref<632x128xf32, #tpu.memory_space<hbm>>) target(%dma_start3A_82 : memref<632x128xf32, #tpu.memory_space<vmem_shared>>) target_semaphore(%run_scoped3A : memref<!tpu.dma_semaphore, #tpu.memory_space<semaphore_mem>>)
      %dma_wait3A_83 = arith.constant 0 : i32
      %dma_wait3A_84 = tpu.memref_slice %arg14[%mul3A_2, %dma_wait3A_83] : memref<10112x128xf32, #tpu.memory_space<vmem_shared>> -> memref<632x128xf32, #tpu.memory_space<vmem_shared>>
      tpu.wait_dma2 semaphore(%run_scoped3A : memref<!tpu.dma_semaphore, #tpu.memory_space<semaphore_mem>>) src(%arg5 : memref<632x128xf32, #tpu.memory_space<hbm>>) dst(%dma_wait3A_84 : memref<632x128xf32, #tpu.memory_space<vmem_shared>>)
      tpu.yield
    }) : () -> ()
    %barrier3A = arith.constant 0 : index
    tpu.barrier barrier_id(%barrier3A)
    %dma_start3A = arith.constant 0 : i32
    %dma_start3A_3 = arith.constant 0 : i32
    %dma_start3A_4 = tpu.memref_slice %arg7[%dma_start3A, %dma_start3A_3] : memref<88x128xi32, #tpu.memory_space<vmem>> -> memref<1x32xi32, #tpu.memory_space<vmem>>
    %dma_start3A_5 = tpu.memref_squeeze %dma_start3A_4 : memref<1x32xi32, #tpu.memory_space<vmem>> -> memref<32xi32, #tpu.memory_space<vmem>>
    %dma_start3A_6 = arith.constant 0 : i32
    %dma_start3A_7 = arith.constant 0 : i32
    %dma_start3A_8 = tpu.memref_slice %arg2[%dma_start3A_6, %dma_start3A_7] : memref<10000x128xf32, #tpu.memory_space<hbm>> -> memref<10000x128xf32, #tpu.memory_space<hbm>>
    tpu.enqueue_indirect_dma source(%dma_start3A_8 : memref<10000x128xf32, #tpu.memory_space<hbm>>) target(%arg9 : memref<32x128xf32, #tpu.memory_space<vmem>>) offsets(%dma_start3A_5 : memref<32xi32, #tpu.memory_space<vmem>>) semaphore(%arg15 : memref<!tpu.dma_semaphore, #tpu.memory_space<semaphore_mem>>)
    %dma_start3A_9 = arith.constant 0 : i32
    %dma_start3A_10 = arith.constant 32 : i32
    %dma_start3A_11 = tpu.memref_slice %arg7[%dma_start3A_9, %dma_start3A_10] : memref<88x128xi32, #tpu.memory_space<vmem>> -> memref<1x32xi32, #tpu.memory_space<vmem>>
    %dma_start3A_12 = tpu.memref_squeeze %dma_start3A_11 : memref<1x32xi32, #tpu.memory_space<vmem>> -> memref<32xi32, #tpu.memory_space<vmem>>
    %dma_start3A_13 = arith.constant 0 : i32
    %dma_start3A_14 = arith.constant 0 : i32
    %dma_start3A_15 = tpu.memref_slice %arg2[%dma_start3A_13, %dma_start3A_14] : memref<10000x128xf32, #tpu.memory_space<hbm>> -> memref<10000x128xf32, #tpu.memory_space<hbm>>
    tpu.enqueue_indirect_dma source(%dma_start3A_15 : memref<10000x128xf32, #tpu.memory_space<hbm>>) target(%arg10 : memref<32x128xf32, #tpu.memory_space<vmem>>) offsets(%dma_start3A_12 : memref<32xi32, #tpu.memory_space<vmem>>) semaphore(%arg16 : memref<!tpu.dma_semaphore, #tpu.memory_space<semaphore_mem>>)
    %dma_start3A_16 = arith.constant 0 : i32
    %dma_start3A_17 = arith.constant 64 : i32
    %dma_start3A_18 = tpu.memref_slice %arg7[%dma_start3A_16, %dma_start3A_17] : memref<88x128xi32, #tpu.memory_space<vmem>> -> memref<1x32xi32, #tpu.memory_space<vmem>>
    %dma_start3A_19 = tpu.memref_squeeze %dma_start3A_18 : memref<1x32xi32, #tpu.memory_space<vmem>> -> memref<32xi32, #tpu.memory_space<vmem>>
    %dma_start3A_20 = arith.constant 0 : i32
    %dma_start3A_21 = arith.constant 0 : i32
    %dma_start3A_22 = tpu.memref_slice %arg2[%dma_start3A_20, %dma_start3A_21] : memref<10000x128xf32, #tpu.memory_space<hbm>> -> memref<10000x128xf32, #tpu.memory_space<hbm>>
    tpu.enqueue_indirect_dma source(%dma_start3A_22 : memref<10000x128xf32, #tpu.memory_space<hbm>>) target(%arg11 : memref<32x128xf32, #tpu.memory_space<vmem>>) offsets(%dma_start3A_19 : memref<32xi32, #tpu.memory_space<vmem>>) semaphore(%arg17 : memref<!tpu.dma_semaphore, #tpu.memory_space<semaphore_mem>>)
    %dma_start3A_23 = arith.constant 0 : i32
    %dma_start3A_24 = arith.constant 96 : i32
    %dma_start3A_25 = tpu.memref_slice %arg7[%dma_start3A_23, %dma_start3A_24] : memref<88x128xi32, #tpu.memory_space<vmem>> -> memref<1x32xi32, #tpu.memory_space<vmem>>
    %dma_start3A_26 = tpu.memref_squeeze %dma_start3A_25 : memref<1x32xi32, #tpu.memory_space<vmem>> -> memref<32xi32, #tpu.memory_space<vmem>>
    %dma_start3A_27 = arith.constant 0 : i32
    %dma_start3A_28 = arith.constant 0 : i32
    %dma_start3A_29 = tpu.memref_slice %arg2[%dma_start3A_27, %dma_start3A_28] : memref<10000x128xf32, #tpu.memory_space<hbm>> -> memref<10000x128xf32, #tpu.memory_space<hbm>>
    tpu.enqueue_indirect_dma source(%dma_start3A_29 : memref<10000x128xf32, #tpu.memory_space<hbm>>) target(%arg12 : memref<32x128xf32, #tpu.memory_space<vmem>>) offsets(%dma_start3A_26 : memref<32xi32, #tpu.memory_space<vmem>>) semaphore(%arg18 : memref<!tpu.dma_semaphore, #tpu.memory_space<semaphore_mem>>)
    %dma_start3A_30 = arith.constant 1 : i32
    %dma_start3A_31 = arith.constant 0 : i32
    %dma_start3A_32 = tpu.memref_slice %arg7[%dma_start3A_30, %dma_start3A_31] : memref<88x128xi32, #tpu.memory_space<vmem>> -> memref<1x32xi32, #tpu.memory_space<vmem>>
    %dma_start3A_33 = tpu.memref_squeeze %dma_start3A_32 : memref<1x32xi32, #tpu.memory_space<vmem>> -> memref<32xi32, #tpu.memory_space<vmem>>
    %dma_start3A_34 = arith.constant 0 : i32
    %dma_start3A_35 = arith.constant 0 : i32
    %dma_start3A_36 = tpu.memref_slice %arg2[%dma_start3A_34, %dma_start3A_35] : memref<10000x128xf32, #tpu.memory_space<hbm>> -> memref<10000x128xf32, #tpu.memory_space<hbm>>
    tpu.enqueue_indirect_dma source(%dma_start3A_36 : memref<10000x128xf32, #tpu.memory_space<hbm>>) target(%arg13 : memref<32x128xf32, #tpu.memory_space<vmem>>) offsets(%dma_start3A_33 : memref<32xi32, #tpu.memory_space<vmem>>) semaphore(%arg19 : memref<!tpu.dma_semaphore, #tpu.memory_space<semaphore_mem>>)
    %scan3A = arith.constant 0 : i32
    %scan3A_37 = arith.constant 0 : i32
    %scan3A_38 = arith.constant 16 : i32
    %scan3A_39 = arith.addi %scan3A_37, %scan3A_38 : i32
    %scan3A_40 = arith.constant 1 : i32
    scf.for %scan3A_81 = %scan3A_37 to %scan3A_39 step %scan3A_40  : i32 {
      %mul3A_82 = arith.constant 5 : i32
      %mul3A_83 = arith.muli %scan3A_81, %mul3A_82 : i32
      %add3A_84 = arith.constant 0 : i32
      %add3A_85 = arith.addi %mul3A_83, %add3A_84 : i32
      %dma_wait3A_86 = arith.constant 0 : i32
      %dma_wait3A_87 = tpu.memref_slice %arg7[%add3A_85, %dma_wait3A_86] : memref<88x128xi32, #tpu.memory_space<vmem>> -> memref<1x32xi32, #tpu.memory_space<vmem>>
      %dma_wait3A_88 = tpu.memref_squeeze %dma_wait3A_87 : memref<1x32xi32, #tpu.memory_space<vmem>> -> memref<32xi32, #tpu.memory_space<vmem>>
      %dma_wait3A_89 = arith.constant 0 : i32
      %dma_wait3A_90 = arith.constant 0 : i32
      %dma_wait3A_91 = tpu.memref_slice %arg2[%dma_wait3A_89, %dma_wait3A_90] : memref<10000x128xf32, #tpu.memory_space<hbm>> -> memref<10000x128xf32, #tpu.memory_space<hbm>>
      tpu.wait_indirect_dma semaphore(%arg15 : memref<!tpu.dma_semaphore, #tpu.memory_space<semaphore_mem>>) src(%dma_wait3A_91 : memref<10000x128xf32, #tpu.memory_space<hbm>>) dst(%arg9 : memref<32x128xf32, #tpu.memory_space<vmem>>)
      %add3A_92 = arith.constant 0 : i32
      %add3A_93 = arith.addi %mul3A_83, %add3A_92 : i32
      "tpu.region"() ({
        %run_scoped3A = tpu.sem_alloc : memref<!tpu.dma_semaphore, #tpu.memory_space<semaphore_mem>>
        %dma_start3A_444 = arith.constant 0 : i32
        %dma_start3A_445 = tpu.memref_slice %arg8[%add3A_93, %dma_start3A_444] : memref<88x128xi32, #tpu.memory_space<vmem>> -> memref<1x32xi32, #tpu.memory_space<vmem>>
        %dma_start3A_446 = tpu.memref_squeeze %dma_start3A_445 : memref<1x32xi32, #tpu.memory_space<vmem>> -> memref<32xi32, #tpu.memory_space<vmem>>
        %dma_start3A_447 = arith.constant 0 : i32
        %dma_start3A_448 = arith.constant 0 : i32
        %dma_start3A_449 = tpu.memref_slice %arg14[%dma_start3A_447, %dma_start3A_448] : memref<10112x128xf32, #tpu.memory_space<vmem_shared>> -> memref<10112x128xf32, #tpu.memory_space<vmem_shared>>
        tpu.enqueue_indirect_dma source(%arg9 : memref<32x128xf32, #tpu.memory_space<vmem>>) target(%dma_start3A_449 : memref<10112x128xf32, #tpu.memory_space<vmem_shared>>) offsets(%dma_start3A_446 : memref<32xi32, #tpu.memory_space<vmem>>) semaphore(%run_scoped3A : memref<!tpu.dma_semaphore, #tpu.memory_space<semaphore_mem>>) {add = true}
        %dma_wait3A_450 = arith.constant 0 : i32
        %dma_wait3A_451 = tpu.memref_slice %arg8[%add3A_93, %dma_wait3A_450] : memref<88x128xi32, #tpu.memory_space<vmem>> -> memref<1x32xi32, #tpu.memory_space<vmem>>
        %dma_wait3A_452 = tpu.memref_squeeze %dma_wait3A_451 : memref<1x32xi32, #tpu.memory_space<vmem>> -> memref<32xi32, #tpu.memory_space<vmem>>
        %dma_wait3A_453 = arith.constant 0 : i32
        %dma_wait3A_454 = arith.constant 0 : i32
        %dma_wait3A_455 = tpu.memref_slice %arg14[%dma_wait3A_453, %dma_wait3A_454] : memref<10112x128xf32, #tpu.memory_space<vmem_shared>> -> memref<10112x128xf32, #tpu.memory_space<vmem_shared>>
        tpu.wait_indirect_dma semaphore(%run_scoped3A : memref<!tpu.dma_semaphore, #tpu.memory_space<semaphore_mem>>) src(%arg9 : memref<32x128xf32, #tpu.memory_space<vmem>>) dst(%dma_wait3A_455 : memref<10112x128xf32, #tpu.memory_space<vmem_shared>>)
        tpu.yield
      }) : () -> ()
      %add3A_94 = arith.constant 1 : i32
      %add3A_95 = arith.addi %mul3A_83, %add3A_94 : i32
      %dma_start3A_96 = arith.constant 32 : i32
      %dma_start3A_97 = tpu.memref_slice %arg7[%add3A_95, %dma_start3A_96] : memref<88x128xi32, #tpu.memory_space<vmem>> -> memref<1x32xi32, #tpu.memory_space<vmem>>
      %dma_start3A_98 = tpu.memref_squeeze %dma_start3A_97 : memref<1x32xi32, #tpu.memory_space<vmem>> -> memref<32xi32, #tpu.memory_space<vmem>>
      %dma_start3A_99 = arith.constant 0 : i32
      %dma_start3A_100 = arith.constant 0 : i32
      %dma_start3A_101 = tpu.memref_slice %arg2[%dma_start3A_99, %dma_start3A_100] : memref<10000x128xf32, #tpu.memory_space<hbm>> -> memref<10000x128xf32, #tpu.memory_space<hbm>>
      tpu.enqueue_indirect_dma source(%dma_start3A_101 : memref<10000x128xf32, #tpu.memory_space<hbm>>) target(%arg9 : memref<32x128xf32, #tpu.memory_space<vmem>>) offsets(%dma_start3A_98 : memref<32xi32, #tpu.memory_space<vmem>>) semaphore(%arg15 : memref<!tpu.dma_semaphore, #tpu.memory_space<semaphore_mem>>)
      %add3A_102 = arith.constant 0 : i32
      %add3A_103 = arith.addi %mul3A_83, %add3A_102 : i32
      %dma_wait3A_104 = arith.constant 32 : i32
      %dma_wait3A_105 = tpu.memref_slice %arg7[%add3A_103, %dma_wait3A_104] : memref<88x128xi32, #tpu.memory_space<vmem>> -> memref<1x32xi32, #tpu.memory_space<vmem>>
      %dma_wait3A_106 = tpu.memref_squeeze %dma_wait3A_105 : memref<1x32xi32, #tpu.memory_space<vmem>> -> memref<32xi32, #tpu.memory_space<vmem>>
      %dma_wait3A_107 = arith.constant 0 : i32
      %dma_wait3A_108 = arith.constant 0 : i32
      %dma_wait3A_109 = tpu.memref_slice %arg2[%dma_wait3A_107, %dma_wait3A_108] : memref<10000x128xf32, #tpu.memory_space<hbm>> -> memref<10000x128xf32, #tpu.memory_space<hbm>>
      tpu.wait_indirect_dma semaphore(%arg16 : memref<!tpu.dma_semaphore, #tpu.memory_space<semaphore_mem>>) src(%dma_wait3A_109 : memref<10000x128xf32, #tpu.memory_space<hbm>>) dst(%arg10 : memref<32x128xf32, #tpu.memory_space<vmem>>)
      %add3A_110 = arith.constant 0 : i32
      %add3A_111 = arith.addi %mul3A_83, %add3A_110 : i32
      "tpu.region"() ({
        %run_scoped3A = tpu.sem_alloc : memref<!tpu.dma_semaphore, #tpu.memory_space<semaphore_mem>>
        %dma_start3A_444 = arith.constant 32 : i32
        %dma_start3A_445 = tpu.memref_slice %arg8[%add3A_111, %dma_start3A_444] : memref<88x128xi32, #tpu.memory_space<vmem>> -> memref<1x32xi32, #tpu.memory_space<vmem>>
        %dma_start3A_446 = tpu.memref_squeeze %dma_start3A_445 : memref<1x32xi32, #tpu.memory_space<vmem>> -> memref<32xi32, #tpu.memory_space<vmem>>
        %dma_start3A_447 = arith.constant 0 : i32
        %dma_start3A_448 = arith.constant 0 : i32
        %dma_start3A_449 = tpu.memref_slice %arg14[%dma_start3A_447, %dma_start3A_448] : memref<10112x128xf32, #tpu.memory_space<vmem_shared>> -> memref<10112x128xf32, #tpu.memory_space<vmem_shared>>
        tpu.enqueue_indirect_dma source(%arg10 : memref<32x128xf32, #tpu.memory_space<vmem>>) target(%dma_start3A_449 : memref<10112x128xf32, #tpu.memory_space<vmem_shared>>) offsets(%dma_start3A_446 : memref<32xi32, #tpu.memory_space<vmem>>) semaphore(%run_scoped3A : memref<!tpu.dma_semaphore, #tpu.memory_space<semaphore_mem>>) {add = true}
        %dma_wait3A_450 = arith.constant 32 : i32
        %dma_wait3A_451 = tpu.memref_slice %arg8[%add3A_111, %dma_wait3A_450] : memref<88x128xi32, #tpu.memory_space<vmem>> -> memref<1x32xi32, #tpu.memory_space<vmem>>
        %dma_wait3A_452 = tpu.memref_squeeze %dma_wait3A_451 : memref<1x32xi32, #tpu.memory_space<vmem>> -> memref<32xi32, #tpu.memory_space<vmem>>
        %dma_wait3A_453 = arith.constant 0 : i32
        %dma_wait3A_454 = arith.constant 0 : i32
        %dma_wait3A_455 = tpu.memref_slice %arg14[%dma_wait3A_453, %dma_wait3A_454] : memref<10112x128xf32, #tpu.memory_space<vmem_shared>> -> memref<10112x128xf32, #tpu.memory_space<vmem_shared>>
        tpu.wait_indirect_dma semaphore(%run_scoped3A : memref<!tpu.dma_semaphore, #tpu.memory_space<semaphore_mem>>) src(%arg10 : memref<32x128xf32, #tpu.memory_space<vmem>>) dst(%dma_wait3A_455 : memref<10112x128xf32, #tpu.memory_space<vmem_shared>>)
        tpu.yield
      }) : () -> ()
      %add3A_112 = arith.constant 1 : i32
      %add3A_113 = arith.addi %mul3A_83, %add3A_112 : i32
      %dma_start3A_114 = arith.constant 64 : i32
      %dma_start3A_115 = tpu.memref_slice %arg7[%add3A_113, %dma_start3A_114] : memref<88x128xi32, #tpu.memory_space<vmem>> -> memref<1x32xi32, #tpu.memory_space<vmem>>
      %dma_start3A_116 = tpu.memref_squeeze %dma_start3A_115 : memref<1x32xi32, #tpu.memory_space<vmem>> -> memref<32xi32, #tpu.memory_space<vmem>>
      %dma_start3A_117 = arith.constant 0 : i32
      %dma_start3A_118 = arith.constant 0 : i32
      %dma_start3A_119 = tpu.memref_slice %arg2[%dma_start3A_117, %dma_start3A_118] : memref<10000x128xf32, #tpu.memory_space<hbm>> -> memref<10000x128xf32, #tpu.memory_space<hbm>>
      tpu.enqueue_indirect_dma source(%dma_start3A_119 : memref<10000x128xf32, #tpu.memory_space<hbm>>) target(%arg10 : memref<32x128xf32, #tpu.memory_space<vmem>>) offsets(%dma_start3A_116 : memref<32xi32, #tpu.memory_space<vmem>>) semaphore(%arg16 : memref<!tpu.dma_semaphore, #tpu.memory_space<semaphore_mem>>)
      %add3A_120 = arith.constant 0 : i32
      %add3A_121 = arith.addi %mul3A_83, %add3A_120 : i32
      %dma_wait3A_122 = arith.constant 64 : i32
      %dma_wait3A_123 = tpu.memref_slice %arg7[%add3A_121, %dma_wait3A_122] : memref<88x128xi32, #tpu.memory_space<vmem>> -> memref<1x32xi32, #tpu.memory_space<vmem>>
      %dma_wait3A_124 = tpu.memref_squeeze %dma_wait3A_123 : memref<1x32xi32, #tpu.memory_space<vmem>> -> memref<32xi32, #tpu.memory_space<vmem>>
      %dma_wait3A_125 = arith.constant 0 : i32
      %dma_wait3A_126 = arith.constant 0 : i32
      %dma_wait3A_127 = tpu.memref_slice %arg2[%dma_wait3A_125, %dma_wait3A_126] : memref<10000x128xf32, #tpu.memory_space<hbm>> -> memref<10000x128xf32, #tpu.memory_space<hbm>>
      tpu.wait_indirect_dma semaphore(%arg17 : memref<!tpu.dma_semaphore, #tpu.memory_space<semaphore_mem>>) src(%dma_wait3A_127 : memref<10000x128xf32, #tpu.memory_space<hbm>>) dst(%arg11 : memref<32x128xf32, #tpu.memory_space<vmem>>)
      %add3A_128 = arith.constant 0 : i32
      %add3A_129 = arith.addi %mul3A_83, %add3A_128 : i32
      "tpu.region"() ({
        %run_scoped3A = tpu.sem_alloc : memref<!tpu.dma_semaphore, #tpu.memory_space<semaphore_mem>>
        %dma_start3A_444 = arith.constant 64 : i32
        %dma_start3A_445 = tpu.memref_slice %arg8[%add3A_129, %dma_start3A_444] : memref<88x128xi32, #tpu.memory_space<vmem>> -> memref<1x32xi32, #tpu.memory_space<vmem>>
        %dma_start3A_446 = tpu.memref_squeeze %dma_start3A_445 : memref<1x32xi32, #tpu.memory_space<vmem>> -> memref<32xi32, #tpu.memory_space<vmem>>
        %dma_start3A_447 = arith.constant 0 : i32
        %dma_start3A_448 = arith.constant 0 : i32
        %dma_start3A_449 = tpu.memref_slice %arg14[%dma_start3A_447, %dma_start3A_448] : memref<10112x128xf32, #tpu.memory_space<vmem_shared>> -> memref<10112x128xf32, #tpu.memory_space<vmem_shared>>
        tpu.enqueue_indirect_dma source(%arg11 : memref<32x128xf32, #tpu.memory_space<vmem>>) target(%dma_start3A_449 : memref<10112x128xf32, #tpu.memory_space<vmem_shared>>) offsets(%dma_start3A_446 : memref<32xi32, #tpu.memory_space<vmem>>) semaphore(%run_scoped3A : memref<!tpu.dma_semaphore, #tpu.memory_space<semaphore_mem>>) {add = true}
        %dma_wait3A_450 = arith.constant 64 : i32
        %dma_wait3A_451 = tpu.memref_slice %arg8[%add3A_129, %dma_wait3A_450] : memref<88x128xi32, #tpu.memory_space<vmem>> -> memref<1x32xi32, #tpu.memory_space<vmem>>
        %dma_wait3A_452 = tpu.memref_squeeze %dma_wait3A_451 : memref<1x32xi32, #tpu.memory_space<vmem>> -> memref<32xi32, #tpu.memory_space<vmem>>
        %dma_wait3A_453 = arith.constant 0 : i32
        %dma_wait3A_454 = arith.constant 0 : i32
        %dma_wait3A_455 = tpu.memref_slice %arg14[%dma_wait3A_453, %dma_wait3A_454] : memref<10112x128xf32, #tpu.memory_space<vmem_shared>> -> memref<10112x128xf32, #tpu.memory_space<vmem_shared>>
        tpu.wait_indirect_dma semaphore(%run_scoped3A : memref<!tpu.dma_semaphore, #tpu.memory_space<semaphore_mem>>) src(%arg11 : memref<32x128xf32, #tpu.memory_space<vmem>>) dst(%dma_wait3A_455 : memref<10112x128xf32, #tpu.memory_space<vmem_shared>>)
        tpu.yield
      }) : () -> ()
      %add3A_130 = arith.constant 1 : i32
      %add3A_131 = arith.addi %mul3A_83, %add3A_130 : i32
      %dma_start3A_132 = arith.constant 96 : i32
      %dma_start3A_133 = tpu.memref_slice %arg7[%add3A_131, %dma_start3A_132] : memref<88x128xi32, #tpu.memory_space<vmem>> -> memref<1x32xi32, #tpu.memory_space<vmem>>
      %dma_start3A_134 = tpu.memref_squeeze %dma_start3A_133 : memref<1x32xi32, #tpu.memory_space<vmem>> -> memref<32xi32, #tpu.memory_space<vmem>>
      %dma_start3A_135 = arith.constant 0 : i32
      %dma_start3A_136 = arith.constant 0 : i32
      %dma_start3A_137 = tpu.memref_slice %arg2[%dma_start3A_135, %dma_start3A_136] : memref<10000x128xf32, #tpu.memory_space<hbm>> -> memref<10000x128xf32, #tpu.memory_space<hbm>>
      tpu.enqueue_indirect_dma source(%dma_start3A_137 : memref<10000x128xf32, #tpu.memory_space<hbm>>) target(%arg11 : memref<32x128xf32, #tpu.memory_space<vmem>>) offsets(%dma_start3A_134 : memref<32xi32, #tpu.memory_space<vmem>>) semaphore(%arg17 : memref<!tpu.dma_semaphore, #tpu.memory_space<semaphore_mem>>)
      %add3A_138 = arith.constant 0 : i32
      %add3A_139 = arith.addi %mul3A_83, %add3A_138 : i32
      %dma_wait3A_140 = arith.constant 96 : i32
      %dma_wait3A_141 = tpu.memref_slice %arg7[%add3A_139, %dma_wait3A_140] : memref<88x128xi32, #tpu.memory_space<vmem>> -> memref<1x32xi32, #tpu.memory_space<vmem>>
      %dma_wait3A_142 = tpu.memref_squeeze %dma_wait3A_141 : memref<1x32xi32, #tpu.memory_space<vmem>> -> memref<32xi32, #tpu.memory_space<vmem>>
      %dma_wait3A_143 = arith.constant 0 : i32
      %dma_wait3A_144 = arith.constant 0 : i32
      %dma_wait3A_145 = tpu.memref_slice %arg2[%dma_wait3A_143, %dma_wait3A_144] : memref<10000x128xf32, #tpu.memory_space<hbm>> -> memref<10000x128xf32, #tpu.memory_space<hbm>>
      tpu.wait_indirect_dma semaphore(%arg18 : memref<!tpu.dma_semaphore, #tpu.memory_space<semaphore_mem>>) src(%dma_wait3A_145 : memref<10000x128xf32, #tpu.memory_space<hbm>>) dst(%arg12 : memref<32x128xf32, #tpu.memory_space<vmem>>)
      %add3A_146 = arith.constant 0 : i32
      %add3A_147 = arith.addi %mul3A_83, %add3A_146 : i32
      "tpu.region"() ({
        %run_scoped3A = tpu.sem_alloc : memref<!tpu.dma_semaphore, #tpu.memory_space<semaphore_mem>>
        %dma_start3A_444 = arith.constant 96 : i32
        %dma_start3A_445 = tpu.memref_slice %arg8[%add3A_147, %dma_start3A_444] : memref<88x128xi32, #tpu.memory_space<vmem>> -> memref<1x32xi32, #tpu.memory_space<vmem>>
        %dma_start3A_446 = tpu.memref_squeeze %dma_start3A_445 : memref<1x32xi32, #tpu.memory_space<vmem>> -> memref<32xi32, #tpu.memory_space<vmem>>
        %dma_start3A_447 = arith.constant 0 : i32
        %dma_start3A_448 = arith.constant 0 : i32
        %dma_start3A_449 = tpu.memref_slice %arg14[%dma_start3A_447, %dma_start3A_448] : memref<10112x128xf32, #tpu.memory_space<vmem_shared>> -> memref<10112x128xf32, #tpu.memory_space<vmem_shared>>
        tpu.enqueue_indirect_dma source(%arg12 : memref<32x128xf32, #tpu.memory_space<vmem>>) target(%dma_start3A_449 : memref<10112x128xf32, #tpu.memory_space<vmem_shared>>) offsets(%dma_start3A_446 : memref<32xi32, #tpu.memory_space<vmem>>) semaphore(%run_scoped3A : memref<!tpu.dma_semaphore, #tpu.memory_space<semaphore_mem>>) {add = true}
        %dma_wait3A_450 = arith.constant 96 : i32
        %dma_wait3A_451 = tpu.memref_slice %arg8[%add3A_147, %dma_wait3A_450] : memref<88x128xi32, #tpu.memory_space<vmem>> -> memref<1x32xi32, #tpu.memory_space<vmem>>
        %dma_wait3A_452 = tpu.memref_squeeze %dma_wait3A_451 : memref<1x32xi32, #tpu.memory_space<vmem>> -> memref<32xi32, #tpu.memory_space<vmem>>
        %dma_wait3A_453 = arith.constant 0 : i32
        %dma_wait3A_454 = arith.constant 0 : i32
        %dma_wait3A_455 = tpu.memref_slice %arg14[%dma_wait3A_453, %dma_wait3A_454] : memref<10112x128xf32, #tpu.memory_space<vmem_shared>> -> memref<10112x128xf32, #tpu.memory_space<vmem_shared>>
        tpu.wait_indirect_dma semaphore(%run_scoped3A : memref<!tpu.dma_semaphore, #tpu.memory_space<semaphore_mem>>) src(%arg12 : memref<32x128xf32, #tpu.memory_space<vmem>>) dst(%dma_wait3A_455 : memref<10112x128xf32, #tpu.memory_space<vmem_shared>>)
        tpu.yield
      }) : () -> ()
      %add3A_148 = arith.constant 2 : i32
      %add3A_149 = arith.addi %mul3A_83, %add3A_148 : i32
      %dma_start3A_150 = arith.constant 0 : i32
      %dma_start3A_151 = tpu.memref_slice %arg7[%add3A_149, %dma_start3A_150] : memref<88x128xi32, #tpu.memory_space<vmem>> -> memref<1x32xi32, #tpu.memory_space<vmem>>
      %dma_start3A_152 = tpu.memref_squeeze %dma_start3A_151 : memref<1x32xi32, #tpu.memory_space<vmem>> -> memref<32xi32, #tpu.memory_space<vmem>>
      %dma_start3A_153 = arith.constant 0 : i32
      %dma_start3A_154 = arith.constant 0 : i32
      %dma_start3A_155 = tpu.memref_slice %arg2[%dma_start3A_153, %dma_start3A_154] : memref<10000x128xf32, #tpu.memory_space<hbm>> -> memref<10000x128xf32, #tpu.memory_space<hbm>>
      tpu.enqueue_indirect_dma source(%dma_start3A_155 : memref<10000x128xf32, #tpu.memory_space<hbm>>) target(%arg12 : memref<32x128xf32, #tpu.memory_space<vmem>>) offsets(%dma_start3A_152 : memref<32xi32, #tpu.memory_space<vmem>>) semaphore(%arg18 : memref<!tpu.dma_semaphore, #tpu.memory_space<semaphore_mem>>)
      %add3A_156 = arith.constant 1 : i32
      %add3A_157 = arith.addi %mul3A_83, %add3A_156 : i32
      %dma_wait3A_158 = arith.constant 0 : i32
      %dma_wait3A_159 = tpu.memref_slice %arg7[%add3A_157, %dma_wait3A_158] : memref<88x128xi32, #tpu.memory_space<vmem>> -> memref<1x32xi32, #tpu.memory_space<vmem>>
      %dma_wait3A_160 = tpu.memref_squeeze %dma_wait3A_159 : memref<1x32xi32, #tpu.memory_space<vmem>> -> memref<32xi32, #tpu.memory_space<vmem>>
      %dma_wait3A_161 = arith.constant 0 : i32
      %dma_wait3A_162 = arith.constant 0 : i32
      %dma_wait3A_163 = tpu.memref_slice %arg2[%dma_wait3A_161, %dma_wait3A_162] : memref<10000x128xf32, #tpu.memory_space<hbm>> -> memref<10000x128xf32, #tpu.memory_space<hbm>>
      tpu.wait_indirect_dma semaphore(%arg19 : memref<!tpu.dma_semaphore, #tpu.memory_space<semaphore_mem>>) src(%dma_wait3A_163 : memref<10000x128xf32, #tpu.memory_space<hbm>>) dst(%arg13 : memref<32x128xf32, #tpu.memory_space<vmem>>)
      %add3A_164 = arith.constant 1 : i32
      %add3A_165 = arith.addi %mul3A_83, %add3A_164 : i32
      "tpu.region"() ({
        %run_scoped3A = tpu.sem_alloc : memref<!tpu.dma_semaphore, #tpu.memory_space<semaphore_mem>>
        %dma_start3A_444 = arith.constant 0 : i32
        %dma_start3A_445 = tpu.memref_slice %arg8[%add3A_165, %dma_start3A_444] : memref<88x128xi32, #tpu.memory_space<vmem>> -> memref<1x32xi32, #tpu.memory_space<vmem>>
        %dma_start3A_446 = tpu.memref_squeeze %dma_start3A_445 : memref<1x32xi32, #tpu.memory_space<vmem>> -> memref<32xi32, #tpu.memory_space<vmem>>
        %dma_start3A_447 = arith.constant 0 : i32
        %dma_start3A_448 = arith.constant 0 : i32
        %dma_start3A_449 = tpu.memref_slice %arg14[%dma_start3A_447, %dma_start3A_448] : memref<10112x128xf32, #tpu.memory_space<vmem_shared>> -> memref<10112x128xf32, #tpu.memory_space<vmem_shared>>
        tpu.enqueue_indirect_dma source(%arg13 : memref<32x128xf32, #tpu.memory_space<vmem>>) target(%dma_start3A_449 : memref<10112x128xf32, #tpu.memory_space<vmem_shared>>) offsets(%dma_start3A_446 : memref<32xi32, #tpu.memory_space<vmem>>) semaphore(%run_scoped3A : memref<!tpu.dma_semaphore, #tpu.memory_space<semaphore_mem>>) {add = true}
        %dma_wait3A_450 = arith.constant 0 : i32
        %dma_wait3A_451 = tpu.memref_slice %arg8[%add3A_165, %dma_wait3A_450] : memref<88x128xi32, #tpu.memory_space<vmem>> -> memref<1x32xi32, #tpu.memory_space<vmem>>
        %dma_wait3A_452 = tpu.memref_squeeze %dma_wait3A_451 : memref<1x32xi32, #tpu.memory_space<vmem>> -> memref<32xi32, #tpu.memory_space<vmem>>
        %dma_wait3A_453 = arith.constant 0 : i32
        %dma_wait3A_454 = arith.constant 0 : i32
        %dma_wait3A_455 = tpu.memref_slice %arg14[%dma_wait3A_453, %dma_wait3A_454] : memref<10112x128xf32, #tpu.memory_space<vmem_shared>> -> memref<10112x128xf32, #tpu.memory_space<vmem_shared>>
        tpu.wait_indirect_dma semaphore(%run_scoped3A : memref<!tpu.dma_semaphore, #tpu.memory_space<semaphore_mem>>) src(%arg13 : memref<32x128xf32, #tpu.memory_space<vmem>>) dst(%dma_wait3A_455 : memref<10112x128xf32, #tpu.memory_space<vmem_shared>>)
        tpu.yield
      }) : () -> ()
      %add3A_166 = arith.constant 2 : i32
      %add3A_167 = arith.addi %mul3A_83, %add3A_166 : i32
      %dma_start3A_168 = arith.constant 32 : i32
      %dma_start3A_169 = tpu.memref_slice %arg7[%add3A_167, %dma_start3A_168] : memref<88x128xi32, #tpu.memory_space<vmem>> -> memref<1x32xi32, #tpu.memory_space<vmem>>
      %dma_start3A_170 = tpu.memref_squeeze %dma_start3A_169 : memref<1x32xi32, #tpu.memory_space<vmem>> -> memref<32xi32, #tpu.memory_space<vmem>>
      %dma_start3A_171 = arith.constant 0 : i32
      %dma_start3A_172 = arith.constant 0 : i32
      %dma_start3A_173 = tpu.memref_slice %arg2[%dma_start3A_171, %dma_start3A_172] : memref<10000x128xf32, #tpu.memory_space<hbm>> -> memref<10000x128xf32, #tpu.memory_space<hbm>>
      tpu.enqueue_indirect_dma source(%dma_start3A_173 : memref<10000x128xf32, #tpu.memory_space<hbm>>) target(%arg13 : memref<32x128xf32, #tpu.memory_space<vmem>>) offsets(%dma_start3A_170 : memref<32xi32, #tpu.memory_space<vmem>>) semaphore(%arg19 : memref<!tpu.dma_semaphore, #tpu.memory_space<semaphore_mem>>)
      %add3A_174 = arith.constant 1 : i32
      %add3A_175 = arith.addi %mul3A_83, %add3A_174 : i32
      %dma_wait3A_176 = arith.constant 32 : i32
      %dma_wait3A_177 = tpu.memref_slice %arg7[%add3A_175, %dma_wait3A_176] : memref<88x128xi32, #tpu.memory_space<vmem>> -> memref<1x32xi32, #tpu.memory_space<vmem>>
      %dma_wait3A_178 = tpu.memref_squeeze %dma_wait3A_177 : memref<1x32xi32, #tpu.memory_space<vmem>> -> memref<32xi32, #tpu.memory_space<vmem>>
      %dma_wait3A_179 = arith.constant 0 : i32
      %dma_wait3A_180 = arith.constant 0 : i32
      %dma_wait3A_181 = tpu.memref_slice %arg2[%dma_wait3A_179, %dma_wait3A_180] : memref<10000x128xf32, #tpu.memory_space<hbm>> -> memref<10000x128xf32, #tpu.memory_space<hbm>>
      tpu.wait_indirect_dma semaphore(%arg15 : memref<!tpu.dma_semaphore, #tpu.memory_space<semaphore_mem>>) src(%dma_wait3A_181 : memref<10000x128xf32, #tpu.memory_space<hbm>>) dst(%arg9 : memref<32x128xf32, #tpu.memory_space<vmem>>)
      %add3A_182 = arith.constant 1 : i32
      %add3A_183 = arith.addi %mul3A_83, %add3A_182 : i32
      "tpu.region"() ({
        %run_scoped3A = tpu.sem_alloc : memref<!tpu.dma_semaphore, #tpu.memory_space<semaphore_mem>>
        %dma_start3A_444 = arith.constant 32 : i32
        %dma_start3A_445 = tpu.memref_slice %arg8[%add3A_183, %dma_start3A_444] : memref<88x128xi32, #tpu.memory_space<vmem>> -> memref<1x32xi32, #tpu.memory_space<vmem>>
        %dma_start3A_446 = tpu.memref_squeeze %dma_start3A_445 : memref<1x32xi32, #tpu.memory_space<vmem>> -> memref<32xi32, #tpu.memory_space<vmem>>
        %dma_start3A_447 = arith.constant 0 : i32
        %dma_start3A_448 = arith.constant 0 : i32
        %dma_start3A_449 = tpu.memref_slice %arg14[%dma_start3A_447, %dma_start3A_448] : memref<10112x128xf32, #tpu.memory_space<vmem_shared>> -> memref<10112x128xf32, #tpu.memory_space<vmem_shared>>
        tpu.enqueue_indirect_dma source(%arg9 : memref<32x128xf32, #tpu.memory_space<vmem>>) target(%dma_start3A_449 : memref<10112x128xf32, #tpu.memory_space<vmem_shared>>) offsets(%dma_start3A_446 : memref<32xi32, #tpu.memory_space<vmem>>) semaphore(%run_scoped3A : memref<!tpu.dma_semaphore, #tpu.memory_space<semaphore_mem>>) {add = true}
        %dma_wait3A_450 = arith.constant 32 : i32
        %dma_wait3A_451 = tpu.memref_slice %arg8[%add3A_183, %dma_wait3A_450] : memref<88x128xi32, #tpu.memory_space<vmem>> -> memref<1x32xi32, #tpu.memory_space<vmem>>
        %dma_wait3A_452 = tpu.memref_squeeze %dma_wait3A_451 : memref<1x32xi32, #tpu.memory_space<vmem>> -> memref<32xi32, #tpu.memory_space<vmem>>
        %dma_wait3A_453 = arith.constant 0 : i32
        %dma_wait3A_454 = arith.constant 0 : i32
        %dma_wait3A_455 = tpu.memref_slice %arg14[%dma_wait3A_453, %dma_wait3A_454] : memref<10112x128xf32, #tpu.memory_space<vmem_shared>> -> memref<10112x128xf32, #tpu.memory_space<vmem_shared>>
        tpu.wait_indirect_dma semaphore(%run_scoped3A : memref<!tpu.dma_semaphore, #tpu.memory_space<semaphore_mem>>) src(%arg9 : memref<32x128xf32, #tpu.memory_space<vmem>>) dst(%dma_wait3A_455 : memref<10112x128xf32, #tpu.memory_space<vmem_shared>>)
        tpu.yield
      }) : () -> ()
      %add3A_184 = arith.constant 2 : i32
      %add3A_185 = arith.addi %mul3A_83, %add3A_184 : i32
      %dma_start3A_186 = arith.constant 64 : i32
      %dma_start3A_187 = tpu.memref_slice %arg7[%add3A_185, %dma_start3A_186] : memref<88x128xi32, #tpu.memory_space<vmem>> -> memref<1x32xi32, #tpu.memory_space<vmem>>
      %dma_start3A_188 = tpu.memref_squeeze %dma_start3A_187 : memref<1x32xi32, #tpu.memory_space<vmem>> -> memref<32xi32, #tpu.memory_space<vmem>>
      %dma_start3A_189 = arith.constant 0 : i32
      %dma_start3A_190 = arith.constant 0 : i32
      %dma_start3A_191 = tpu.memref_slice %arg2[%dma_start3A_189, %dma_start3A_190] : memref<10000x128xf32, #tpu.memory_space<hbm>> -> memref<10000x128xf32, #tpu.memory_space<hbm>>
      tpu.enqueue_indirect_dma source(%dma_start3A_191 : memref<10000x128xf32, #tpu.memory_space<hbm>>) target(%arg9 : memref<32x128xf32, #tpu.memory_space<vmem>>) offsets(%dma_start3A_188 : memref<32xi32, #tpu.memory_space<vmem>>) semaphore(%arg15 : memref<!tpu.dma_semaphore, #tpu.memory_space<semaphore_mem>>)
      %add3A_192 = arith.constant 1 : i32
      %add3A_193 = arith.addi %mul3A_83, %add3A_192 : i32
      %dma_wait3A_194 = arith.constant 64 : i32
      %dma_wait3A_195 = tpu.memref_slice %arg7[%add3A_193, %dma_wait3A_194] : memref<88x128xi32, #tpu.memory_space<vmem>> -> memref<1x32xi32, #tpu.memory_space<vmem>>
      %dma_wait3A_196 = tpu.memref_squeeze %dma_wait3A_195 : memref<1x32xi32, #tpu.memory_space<vmem>> -> memref<32xi32, #tpu.memory_space<vmem>>
      %dma_wait3A_197 = arith.constant 0 : i32
      %dma_wait3A_198 = arith.constant 0 : i32
      %dma_wait3A_199 = tpu.memref_slice %arg2[%dma_wait3A_197, %dma_wait3A_198] : memref<10000x128xf32, #tpu.memory_space<hbm>> -> memref<10000x128xf32, #tpu.memory_space<hbm>>
      tpu.wait_indirect_dma semaphore(%arg16 : memref<!tpu.dma_semaphore, #tpu.memory_space<semaphore_mem>>) src(%dma_wait3A_199 : memref<10000x128xf32, #tpu.memory_space<hbm>>) dst(%arg10 : memref<32x128xf32, #tpu.memory_space<vmem>>)
      %add3A_200 = arith.constant 1 : i32
      %add3A_201 = arith.addi %mul3A_83, %add3A_200 : i32
      "tpu.region"() ({
        %run_scoped3A = tpu.sem_alloc : memref<!tpu.dma_semaphore, #tpu.memory_space<semaphore_mem>>
        %dma_start3A_444 = arith.constant 64 : i32
        %dma_start3A_445 = tpu.memref_slice %arg8[%add3A_201, %dma_start3A_444] : memref<88x128xi32, #tpu.memory_space<vmem>> -> memref<1x32xi32, #tpu.memory_space<vmem>>
        %dma_start3A_446 = tpu.memref_squeeze %dma_start3A_445 : memref<1x32xi32, #tpu.memory_space<vmem>> -> memref<32xi32, #tpu.memory_space<vmem>>
        %dma_start3A_447 = arith.constant 0 : i32
        %dma_start3A_448 = arith.constant 0 : i32
        %dma_start3A_449 = tpu.memref_slice %arg14[%dma_start3A_447, %dma_start3A_448] : memref<10112x128xf32, #tpu.memory_space<vmem_shared>> -> memref<10112x128xf32, #tpu.memory_space<vmem_shared>>
        tpu.enqueue_indirect_dma source(%arg10 : memref<32x128xf32, #tpu.memory_space<vmem>>) target(%dma_start3A_449 : memref<10112x128xf32, #tpu.memory_space<vmem_shared>>) offsets(%dma_start3A_446 : memref<32xi32, #tpu.memory_space<vmem>>) semaphore(%run_scoped3A : memref<!tpu.dma_semaphore, #tpu.memory_space<semaphore_mem>>) {add = true}
        %dma_wait3A_450 = arith.constant 64 : i32
        %dma_wait3A_451 = tpu.memref_slice %arg8[%add3A_201, %dma_wait3A_450] : memref<88x128xi32, #tpu.memory_space<vmem>> -> memref<1x32xi32, #tpu.memory_space<vmem>>
        %dma_wait3A_452 = tpu.memref_squeeze %dma_wait3A_451 : memref<1x32xi32, #tpu.memory_space<vmem>> -> memref<32xi32, #tpu.memory_space<vmem>>
        %dma_wait3A_453 = arith.constant 0 : i32
        %dma_wait3A_454 = arith.constant 0 : i32
        %dma_wait3A_455 = tpu.memref_slice %arg14[%dma_wait3A_453, %dma_wait3A_454] : memref<10112x128xf32, #tpu.memory_space<vmem_shared>> -> memref<10112x128xf32, #tpu.memory_space<vmem_shared>>
        tpu.wait_indirect_dma semaphore(%run_scoped3A : memref<!tpu.dma_semaphore, #tpu.memory_space<semaphore_mem>>) src(%arg10 : memref<32x128xf32, #tpu.memory_space<vmem>>) dst(%dma_wait3A_455 : memref<10112x128xf32, #tpu.memory_space<vmem_shared>>)
        tpu.yield
      }) : () -> ()
      %add3A_202 = arith.constant 2 : i32
      %add3A_203 = arith.addi %mul3A_83, %add3A_202 : i32
      %dma_start3A_204 = arith.constant 96 : i32
      %dma_start3A_205 = tpu.memref_slice %arg7[%add3A_203, %dma_start3A_204] : memref<88x128xi32, #tpu.memory_space<vmem>> -> memref<1x32xi32, #tpu.memory_space<vmem>>
      %dma_start3A_206 = tpu.memref_squeeze %dma_start3A_205 : memref<1x32xi32, #tpu.memory_space<vmem>> -> memref<32xi32, #tpu.memory_space<vmem>>
      %dma_start3A_207 = arith.constant 0 : i32
      %dma_start3A_208 = arith.constant 0 : i32
      %dma_start3A_209 = tpu.memref_slice %arg2[%dma_start3A_207, %dma_start3A_208] : memref<10000x128xf32, #tpu.memory_space<hbm>> -> memref<10000x128xf32, #tpu.memory_space<hbm>>
      tpu.enqueue_indirect_dma source(%dma_start3A_209 : memref<10000x128xf32, #tpu.memory_space<hbm>>) target(%arg10 : memref<32x128xf32, #tpu.memory_space<vmem>>) offsets(%dma_start3A_206 : memref<32xi32, #tpu.memory_space<vmem>>) semaphore(%arg16 : memref<!tpu.dma_semaphore, #tpu.memory_space<semaphore_mem>>)
      %add3A_210 = arith.constant 1 : i32
      %add3A_211 = arith.addi %mul3A_83, %add3A_210 : i32
      %dma_wait3A_212 = arith.constant 96 : i32
      %dma_wait3A_213 = tpu.memref_slice %arg7[%add3A_211, %dma_wait3A_212] : memref<88x128xi32, #tpu.memory_space<vmem>> -> memref<1x32xi32, #tpu.memory_space<vmem>>
      %dma_wait3A_214 = tpu.memref_squeeze %dma_wait3A_213 : memref<1x32xi32, #tpu.memory_space<vmem>> -> memref<32xi32, #tpu.memory_space<vmem>>
      %dma_wait3A_215 = arith.constant 0 : i32
      %dma_wait3A_216 = arith.constant 0 : i32
      %dma_wait3A_217 = tpu.memref_slice %arg2[%dma_wait3A_215, %dma_wait3A_216] : memref<10000x128xf32, #tpu.memory_space<hbm>> -> memref<10000x128xf32, #tpu.memory_space<hbm>>
      tpu.wait_indirect_dma semaphore(%arg17 : memref<!tpu.dma_semaphore, #tpu.memory_space<semaphore_mem>>) src(%dma_wait3A_217 : memref<10000x128xf32, #tpu.memory_space<hbm>>) dst(%arg11 : memref<32x128xf32, #tpu.memory_space<vmem>>)
      %add3A_218 = arith.constant 1 : i32
      %add3A_219 = arith.addi %mul3A_83, %add3A_218 : i32
      "tpu.region"() ({
        %run_scoped3A = tpu.sem_alloc : memref<!tpu.dma_semaphore, #tpu.memory_space<semaphore_mem>>
        %dma_start3A_444 = arith.constant 96 : i32
        %dma_start3A_445 = tpu.memref_slice %arg8[%add3A_219, %dma_start3A_444] : memref<88x128xi32, #tpu.memory_space<vmem>> -> memref<1x32xi32, #tpu.memory_space<vmem>>
        %dma_start3A_446 = tpu.memref_squeeze %dma_start3A_445 : memref<1x32xi32, #tpu.memory_space<vmem>> -> memref<32xi32, #tpu.memory_space<vmem>>
        %dma_start3A_447 = arith.constant 0 : i32
        %dma_start3A_448 = arith.constant 0 : i32
        %dma_start3A_449 = tpu.memref_slice %arg14[%dma_start3A_447, %dma_start3A_448] : memref<10112x128xf32, #tpu.memory_space<vmem_shared>> -> memref<10112x128xf32, #tpu.memory_space<vmem_shared>>
        tpu.enqueue_indirect_dma source(%arg11 : memref<32x128xf32, #tpu.memory_space<vmem>>) target(%dma_start3A_449 : memref<10112x128xf32, #tpu.memory_space<vmem_shared>>) offsets(%dma_start3A_446 : memref<32xi32, #tpu.memory_space<vmem>>) semaphore(%run_scoped3A : memref<!tpu.dma_semaphore, #tpu.memory_space<semaphore_mem>>) {add = true}
        %dma_wait3A_450 = arith.constant 96 : i32
        %dma_wait3A_451 = tpu.memref_slice %arg8[%add3A_219, %dma_wait3A_450] : memref<88x128xi32, #tpu.memory_space<vmem>> -> memref<1x32xi32, #tpu.memory_space<vmem>>
        %dma_wait3A_452 = tpu.memref_squeeze %dma_wait3A_451 : memref<1x32xi32, #tpu.memory_space<vmem>> -> memref<32xi32, #tpu.memory_space<vmem>>
        %dma_wait3A_453 = arith.constant 0 : i32
        %dma_wait3A_454 = arith.constant 0 : i32
        %dma_wait3A_455 = tpu.memref_slice %arg14[%dma_wait3A_453, %dma_wait3A_454] : memref<10112x128xf32, #tpu.memory_space<vmem_shared>> -> memref<10112x128xf32, #tpu.memory_space<vmem_shared>>
        tpu.wait_indirect_dma semaphore(%run_scoped3A : memref<!tpu.dma_semaphore, #tpu.memory_space<semaphore_mem>>) src(%arg11 : memref<32x128xf32, #tpu.memory_space<vmem>>) dst(%dma_wait3A_455 : memref<10112x128xf32, #tpu.memory_space<vmem_shared>>)
        tpu.yield
      }) : () -> ()
      %add3A_220 = arith.constant 3 : i32
      %add3A_221 = arith.addi %mul3A_83, %add3A_220 : i32
      %dma_start3A_222 = arith.constant 0 : i32
      %dma_start3A_223 = tpu.memref_slice %arg7[%add3A_221, %dma_start3A_222] : memref<88x128xi32, #tpu.memory_space<vmem>> -> memref<1x32xi32, #tpu.memory_space<vmem>>
      %dma_start3A_224 = tpu.memref_squeeze %dma_start3A_223 : memref<1x32xi32, #tpu.memory_space<vmem>> -> memref<32xi32, #tpu.memory_space<vmem>>
      %dma_start3A_225 = arith.constant 0 : i32
      %dma_start3A_226 = arith.constant 0 : i32
      %dma_start3A_227 = tpu.memref_slice %arg2[%dma_start3A_225, %dma_start3A_226] : memref<10000x128xf32, #tpu.memory_space<hbm>> -> memref<10000x128xf32, #tpu.memory_space<hbm>>
      tpu.enqueue_indirect_dma source(%dma_start3A_227 : memref<10000x128xf32, #tpu.memory_space<hbm>>) target(%arg11 : memref<32x128xf32, #tpu.memory_space<vmem>>) offsets(%dma_start3A_224 : memref<32xi32, #tpu.memory_space<vmem>>) semaphore(%arg17 : memref<!tpu.dma_semaphore, #tpu.memory_space<semaphore_mem>>)
      %add3A_228 = arith.constant 2 : i32
      %add3A_229 = arith.addi %mul3A_83, %add3A_228 : i32
      %dma_wait3A_230 = arith.constant 0 : i32
      %dma_wait3A_231 = tpu.memref_slice %arg7[%add3A_229, %dma_wait3A_230] : memref<88x128xi32, #tpu.memory_space<vmem>> -> memref<1x32xi32, #tpu.memory_space<vmem>>
      %dma_wait3A_232 = tpu.memref_squeeze %dma_wait3A_231 : memref<1x32xi32, #tpu.memory_space<vmem>> -> memref<32xi32, #tpu.memory_space<vmem>>
      %dma_wait3A_233 = arith.constant 0 : i32
      %dma_wait3A_234 = arith.constant 0 : i32
      %dma_wait3A_235 = tpu.memref_slice %arg2[%dma_wait3A_233, %dma_wait3A_234] : memref<10000x128xf32, #tpu.memory_space<hbm>> -> memref<10000x128xf32, #tpu.memory_space<hbm>>
      tpu.wait_indirect_dma semaphore(%arg18 : memref<!tpu.dma_semaphore, #tpu.memory_space<semaphore_mem>>) src(%dma_wait3A_235 : memref<10000x128xf32, #tpu.memory_space<hbm>>) dst(%arg12 : memref<32x128xf32, #tpu.memory_space<vmem>>)
      %add3A_236 = arith.constant 2 : i32
      %add3A_237 = arith.addi %mul3A_83, %add3A_236 : i32
      "tpu.region"() ({
        %run_scoped3A = tpu.sem_alloc : memref<!tpu.dma_semaphore, #tpu.memory_space<semaphore_mem>>
        %dma_start3A_444 = arith.constant 0 : i32
        %dma_start3A_445 = tpu.memref_slice %arg8[%add3A_237, %dma_start3A_444] : memref<88x128xi32, #tpu.memory_space<vmem>> -> memref<1x32xi32, #tpu.memory_space<vmem>>
        %dma_start3A_446 = tpu.memref_squeeze %dma_start3A_445 : memref<1x32xi32, #tpu.memory_space<vmem>> -> memref<32xi32, #tpu.memory_space<vmem>>
        %dma_start3A_447 = arith.constant 0 : i32
        %dma_start3A_448 = arith.constant 0 : i32
        %dma_start3A_449 = tpu.memref_slice %arg14[%dma_start3A_447, %dma_start3A_448] : memref<10112x128xf32, #tpu.memory_space<vmem_shared>> -> memref<10112x128xf32, #tpu.memory_space<vmem_shared>>
        tpu.enqueue_indirect_dma source(%arg12 : memref<32x128xf32, #tpu.memory_space<vmem>>) target(%dma_start3A_449 : memref<10112x128xf32, #tpu.memory_space<vmem_shared>>) offsets(%dma_start3A_446 : memref<32xi32, #tpu.memory_space<vmem>>) semaphore(%run_scoped3A : memref<!tpu.dma_semaphore, #tpu.memory_space<semaphore_mem>>) {add = true}
        %dma_wait3A_450 = arith.constant 0 : i32
        %dma_wait3A_451 = tpu.memref_slice %arg8[%add3A_237, %dma_wait3A_450] : memref<88x128xi32, #tpu.memory_space<vmem>> -> memref<1x32xi32, #tpu.memory_space<vmem>>
        %dma_wait3A_452 = tpu.memref_squeeze %dma_wait3A_451 : memref<1x32xi32, #tpu.memory_space<vmem>> -> memref<32xi32, #tpu.memory_space<vmem>>
        %dma_wait3A_453 = arith.constant 0 : i32
        %dma_wait3A_454 = arith.constant 0 : i32
        %dma_wait3A_455 = tpu.memref_slice %arg14[%dma_wait3A_453, %dma_wait3A_454] : memref<10112x128xf32, #tpu.memory_space<vmem_shared>> -> memref<10112x128xf32, #tpu.memory_space<vmem_shared>>
        tpu.wait_indirect_dma semaphore(%run_scoped3A : memref<!tpu.dma_semaphore, #tpu.memory_space<semaphore_mem>>) src(%arg12 : memref<32x128xf32, #tpu.memory_space<vmem>>) dst(%dma_wait3A_455 : memref<10112x128xf32, #tpu.memory_space<vmem_shared>>)
        tpu.yield
      }) : () -> ()
      %add3A_238 = arith.constant 3 : i32
      %add3A_239 = arith.addi %mul3A_83, %add3A_238 : i32
      %dma_start3A_240 = arith.constant 32 : i32
      %dma_start3A_241 = tpu.memref_slice %arg7[%add3A_239, %dma_start3A_240] : memref<88x128xi32, #tpu.memory_space<vmem>> -> memref<1x32xi32, #tpu.memory_space<vmem>>
      %dma_start3A_242 = tpu.memref_squeeze %dma_start3A_241 : memref<1x32xi32, #tpu.memory_space<vmem>> -> memref<32xi32, #tpu.memory_space<vmem>>
      %dma_start3A_243 = arith.constant 0 : i32
      %dma_start3A_244 = arith.constant 0 : i32
      %dma_start3A_245 = tpu.memref_slice %arg2[%dma_start3A_243, %dma_start3A_244] : memref<10000x128xf32, #tpu.memory_space<hbm>> -> memref<10000x128xf32, #tpu.memory_space<hbm>>
      tpu.enqueue_indirect_dma source(%dma_start3A_245 : memref<10000x128xf32, #tpu.memory_space<hbm>>) target(%arg12 : memref<32x128xf32, #tpu.memory_space<vmem>>) offsets(%dma_start3A_242 : memref<32xi32, #tpu.memory_space<vmem>>) semaphore(%arg18 : memref<!tpu.dma_semaphore, #tpu.memory_space<semaphore_mem>>)
      %add3A_246 = arith.constant 2 : i32
      %add3A_247 = arith.addi %mul3A_83, %add3A_246 : i32
      %dma_wait3A_248 = arith.constant 32 : i32
      %dma_wait3A_249 = tpu.memref_slice %arg7[%add3A_247, %dma_wait3A_248] : memref<88x128xi32, #tpu.memory_space<vmem>> -> memref<1x32xi32, #tpu.memory_space<vmem>>
      %dma_wait3A_250 = tpu.memref_squeeze %dma_wait3A_249 : memref<1x32xi32, #tpu.memory_space<vmem>> -> memref<32xi32, #tpu.memory_space<vmem>>
      %dma_wait3A_251 = arith.constant 0 : i32
      %dma_wait3A_252 = arith.constant 0 : i32
      %dma_wait3A_253 = tpu.memref_slice %arg2[%dma_wait3A_251, %dma_wait3A_252] : memref<10000x128xf32, #tpu.memory_space<hbm>> -> memref<10000x128xf32, #tpu.memory_space<hbm>>
      tpu.wait_indirect_dma semaphore(%arg19 : memref<!tpu.dma_semaphore, #tpu.memory_space<semaphore_mem>>) src(%dma_wait3A_253 : memref<10000x128xf32, #tpu.memory_space<hbm>>) dst(%arg13 : memref<32x128xf32, #tpu.memory_space<vmem>>)
      %add3A_254 = arith.constant 2 : i32
      %add3A_255 = arith.addi %mul3A_83, %add3A_254 : i32
      "tpu.region"() ({
        %run_scoped3A = tpu.sem_alloc : memref<!tpu.dma_semaphore, #tpu.memory_space<semaphore_mem>>
        %dma_start3A_444 = arith.constant 32 : i32
        %dma_start3A_445 = tpu.memref_slice %arg8[%add3A_255, %dma_start3A_444] : memref<88x128xi32, #tpu.memory_space<vmem>> -> memref<1x32xi32, #tpu.memory_space<vmem>>
        %dma_start3A_446 = tpu.memref_squeeze %dma_start3A_445 : memref<1x32xi32, #tpu.memory_space<vmem>> -> memref<32xi32, #tpu.memory_space<vmem>>
        %dma_start3A_447 = arith.constant 0 : i32
        %dma_start3A_448 = arith.constant 0 : i32
        %dma_start3A_449 = tpu.memref_slice %arg14[%dma_start3A_447, %dma_start3A_448] : memref<10112x128xf32, #tpu.memory_space<vmem_shared>> -> memref<10112x128xf32, #tpu.memory_space<vmem_shared>>
        tpu.enqueue_indirect_dma source(%arg13 : memref<32x128xf32, #tpu.memory_space<vmem>>) target(%dma_start3A_449 : memref<10112x128xf32, #tpu.memory_space<vmem_shared>>) offsets(%dma_start3A_446 : memref<32xi32, #tpu.memory_space<vmem>>) semaphore(%run_scoped3A : memref<!tpu.dma_semaphore, #tpu.memory_space<semaphore_mem>>) {add = true}
        %dma_wait3A_450 = arith.constant 32 : i32
        %dma_wait3A_451 = tpu.memref_slice %arg8[%add3A_255, %dma_wait3A_450] : memref<88x128xi32, #tpu.memory_space<vmem>> -> memref<1x32xi32, #tpu.memory_space<vmem>>
        %dma_wait3A_452 = tpu.memref_squeeze %dma_wait3A_451 : memref<1x32xi32, #tpu.memory_space<vmem>> -> memref<32xi32, #tpu.memory_space<vmem>>
        %dma_wait3A_453 = arith.constant 0 : i32
        %dma_wait3A_454 = arith.constant 0 : i32
        %dma_wait3A_455 = tpu.memref_slice %arg14[%dma_wait3A_453, %dma_wait3A_454] : memref<10112x128xf32, #tpu.memory_space<vmem_shared>> -> memref<10112x128xf32, #tpu.memory_space<vmem_shared>>
        tpu.wait_indirect_dma semaphore(%run_scoped3A : memref<!tpu.dma_semaphore, #tpu.memory_space<semaphore_mem>>) src(%arg13 : memref<32x128xf32, #tpu.memory_space<vmem>>) dst(%dma_wait3A_455 : memref<10112x128xf32, #tpu.memory_space<vmem_shared>>)
        tpu.yield
      }) : () -> ()
      %add3A_256 = arith.constant 3 : i32
      %add3A_257 = arith.addi %mul3A_83, %add3A_256 : i32
      %dma_start3A_258 = arith.constant 64 : i32
      %dma_start3A_259 = tpu.memref_slice %arg7[%add3A_257, %dma_start3A_258] : memref<88x128xi32, #tpu.memory_space<vmem>> -> memref<1x32xi32, #tpu.memory_space<vmem>>
      %dma_start3A_260 = tpu.memref_squeeze %dma_start3A_259 : memref<1x32xi32, #tpu.memory_space<vmem>> -> memref<32xi32, #tpu.memory_space<vmem>>
      %dma_start3A_261 = arith.constant 0 : i32
      %dma_start3A_262 = arith.constant 0 : i32
      %dma_start3A_263 = tpu.memref_slice %arg2[%dma_start3A_261, %dma_start3A_262] : memref<10000x128xf32, #tpu.memory_space<hbm>> -> memref<10000x128xf32, #tpu.memory_space<hbm>>
      tpu.enqueue_indirect_dma source(%dma_start3A_263 : memref<10000x128xf32, #tpu.memory_space<hbm>>) target(%arg13 : memref<32x128xf32, #tpu.memory_space<vmem>>) offsets(%dma_start3A_260 : memref<32xi32, #tpu.memory_space<vmem>>) semaphore(%arg19 : memref<!tpu.dma_semaphore, #tpu.memory_space<semaphore_mem>>)
      %add3A_264 = arith.constant 2 : i32
      %add3A_265 = arith.addi %mul3A_83, %add3A_264 : i32
      %dma_wait3A_266 = arith.constant 64 : i32
      %dma_wait3A_267 = tpu.memref_slice %arg7[%add3A_265, %dma_wait3A_266] : memref<88x128xi32, #tpu.memory_space<vmem>> -> memref<1x32xi32, #tpu.memory_space<vmem>>
      %dma_wait3A_268 = tpu.memref_squeeze %dma_wait3A_267 : memref<1x32xi32, #tpu.memory_space<vmem>> -> memref<32xi32, #tpu.memory_space<vmem>>
      %dma_wait3A_269 = arith.constant 0 : i32
      %dma_wait3A_270 = arith.constant 0 : i32
      %dma_wait3A_271 = tpu.memref_slice %arg2[%dma_wait3A_269, %dma_wait3A_270] : memref<10000x128xf32, #tpu.memory_space<hbm>> -> memref<10000x128xf32, #tpu.memory_space<hbm>>
      tpu.wait_indirect_dma semaphore(%arg15 : memref<!tpu.dma_semaphore, #tpu.memory_space<semaphore_mem>>) src(%dma_wait3A_271 : memref<10000x128xf32, #tpu.memory_space<hbm>>) dst(%arg9 : memref<32x128xf32, #tpu.memory_space<vmem>>)
      %add3A_272 = arith.constant 2 : i32
      %add3A_273 = arith.addi %mul3A_83, %add3A_272 : i32
      "tpu.region"() ({
        %run_scoped3A = tpu.sem_alloc : memref<!tpu.dma_semaphore, #tpu.memory_space<semaphore_mem>>
        %dma_start3A_444 = arith.constant 64 : i32
        %dma_start3A_445 = tpu.memref_slice %arg8[%add3A_273, %dma_start3A_444] : memref<88x128xi32, #tpu.memory_space<vmem>> -> memref<1x32xi32, #tpu.memory_space<vmem>>
        %dma_start3A_446 = tpu.memref_squeeze %dma_start3A_445 : memref<1x32xi32, #tpu.memory_space<vmem>> -> memref<32xi32, #tpu.memory_space<vmem>>
        %dma_start3A_447 = arith.constant 0 : i32
        %dma_start3A_448 = arith.constant 0 : i32
        %dma_start3A_449 = tpu.memref_slice %arg14[%dma_start3A_447, %dma_start3A_448] : memref<10112x128xf32, #tpu.memory_space<vmem_shared>> -> memref<10112x128xf32, #tpu.memory_space<vmem_shared>>
        tpu.enqueue_indirect_dma source(%arg9 : memref<32x128xf32, #tpu.memory_space<vmem>>) target(%dma_start3A_449 : memref<10112x128xf32, #tpu.memory_space<vmem_shared>>) offsets(%dma_start3A_446 : memref<32xi32, #tpu.memory_space<vmem>>) semaphore(%run_scoped3A : memref<!tpu.dma_semaphore, #tpu.memory_space<semaphore_mem>>) {add = true}
        %dma_wait3A_450 = arith.constant 64 : i32
        %dma_wait3A_451 = tpu.memref_slice %arg8[%add3A_273, %dma_wait3A_450] : memref<88x128xi32, #tpu.memory_space<vmem>> -> memref<1x32xi32, #tpu.memory_space<vmem>>
        %dma_wait3A_452 = tpu.memref_squeeze %dma_wait3A_451 : memref<1x32xi32, #tpu.memory_space<vmem>> -> memref<32xi32, #tpu.memory_space<vmem>>
        %dma_wait3A_453 = arith.constant 0 : i32
        %dma_wait3A_454 = arith.constant 0 : i32
        %dma_wait3A_455 = tpu.memref_slice %arg14[%dma_wait3A_453, %dma_wait3A_454] : memref<10112x128xf32, #tpu.memory_space<vmem_shared>> -> memref<10112x128xf32, #tpu.memory_space<vmem_shared>>
        tpu.wait_indirect_dma semaphore(%run_scoped3A : memref<!tpu.dma_semaphore, #tpu.memory_space<semaphore_mem>>) src(%arg9 : memref<32x128xf32, #tpu.memory_space<vmem>>) dst(%dma_wait3A_455 : memref<10112x128xf32, #tpu.memory_space<vmem_shared>>)
        tpu.yield
      }) : () -> ()
      %add3A_274 = arith.constant 3 : i32
      %add3A_275 = arith.addi %mul3A_83, %add3A_274 : i32
      %dma_start3A_276 = arith.constant 96 : i32
      %dma_start3A_277 = tpu.memref_slice %arg7[%add3A_275, %dma_start3A_276] : memref<88x128xi32, #tpu.memory_space<vmem>> -> memref<1x32xi32, #tpu.memory_space<vmem>>
      %dma_start3A_278 = tpu.memref_squeeze %dma_start3A_277 : memref<1x32xi32, #tpu.memory_space<vmem>> -> memref<32xi32, #tpu.memory_space<vmem>>
      %dma_start3A_279 = arith.constant 0 : i32
      %dma_start3A_280 = arith.constant 0 : i32
      %dma_start3A_281 = tpu.memref_slice %arg2[%dma_start3A_279, %dma_start3A_280] : memref<10000x128xf32, #tpu.memory_space<hbm>> -> memref<10000x128xf32, #tpu.memory_space<hbm>>
      tpu.enqueue_indirect_dma source(%dma_start3A_281 : memref<10000x128xf32, #tpu.memory_space<hbm>>) target(%arg9 : memref<32x128xf32, #tpu.memory_space<vmem>>) offsets(%dma_start3A_278 : memref<32xi32, #tpu.memory_space<vmem>>) semaphore(%arg15 : memref<!tpu.dma_semaphore, #tpu.memory_space<semaphore_mem>>)
      %add3A_282 = arith.constant 2 : i32
      %add3A_283 = arith.addi %mul3A_83, %add3A_282 : i32
      %dma_wait3A_284 = arith.constant 96 : i32
      %dma_wait3A_285 = tpu.memref_slice %arg7[%add3A_283, %dma_wait3A_284] : memref<88x128xi32, #tpu.memory_space<vmem>> -> memref<1x32xi32, #tpu.memory_space<vmem>>
      %dma_wait3A_286 = tpu.memref_squeeze %dma_wait3A_285 : memref<1x32xi32, #tpu.memory_space<vmem>> -> memref<32xi32, #tpu.memory_space<vmem>>
      %dma_wait3A_287 = arith.constant 0 : i32
      %dma_wait3A_288 = arith.constant 0 : i32
      %dma_wait3A_289 = tpu.memref_slice %arg2[%dma_wait3A_287, %dma_wait3A_288] : memref<10000x128xf32, #tpu.memory_space<hbm>> -> memref<10000x128xf32, #tpu.memory_space<hbm>>
      tpu.wait_indirect_dma semaphore(%arg16 : memref<!tpu.dma_semaphore, #tpu.memory_space<semaphore_mem>>) src(%dma_wait3A_289 : memref<10000x128xf32, #tpu.memory_space<hbm>>) dst(%arg10 : memref<32x128xf32, #tpu.memory_space<vmem>>)
      %add3A_290 = arith.constant 2 : i32
      %add3A_291 = arith.addi %mul3A_83, %add3A_290 : i32
      "tpu.region"() ({
        %run_scoped3A = tpu.sem_alloc : memref<!tpu.dma_semaphore, #tpu.memory_space<semaphore_mem>>
        %dma_start3A_444 = arith.constant 96 : i32
        %dma_start3A_445 = tpu.memref_slice %arg8[%add3A_291, %dma_start3A_444] : memref<88x128xi32, #tpu.memory_space<vmem>> -> memref<1x32xi32, #tpu.memory_space<vmem>>
        %dma_start3A_446 = tpu.memref_squeeze %dma_start3A_445 : memref<1x32xi32, #tpu.memory_space<vmem>> -> memref<32xi32, #tpu.memory_space<vmem>>
        %dma_start3A_447 = arith.constant 0 : i32
        %dma_start3A_448 = arith.constant 0 : i32
        %dma_start3A_449 = tpu.memref_slice %arg14[%dma_start3A_447, %dma_start3A_448] : memref<10112x128xf32, #tpu.memory_space<vmem_shared>> -> memref<10112x128xf32, #tpu.memory_space<vmem_shared>>
        tpu.enqueue_indirect_dma source(%arg10 : memref<32x128xf32, #tpu.memory_space<vmem>>) target(%dma_start3A_449 : memref<10112x128xf32, #tpu.memory_space<vmem_shared>>) offsets(%dma_start3A_446 : memref<32xi32, #tpu.memory_space<vmem>>) semaphore(%run_scoped3A : memref<!tpu.dma_semaphore, #tpu.memory_space<semaphore_mem>>) {add = true}
        %dma_wait3A_450 = arith.constant 96 : i32
        %dma_wait3A_451 = tpu.memref_slice %arg8[%add3A_291, %dma_wait3A_450] : memref<88x128xi32, #tpu.memory_space<vmem>> -> memref<1x32xi32, #tpu.memory_space<vmem>>
        %dma_wait3A_452 = tpu.memref_squeeze %dma_wait3A_451 : memref<1x32xi32, #tpu.memory_space<vmem>> -> memref<32xi32, #tpu.memory_space<vmem>>
        %dma_wait3A_453 = arith.constant 0 : i32
        %dma_wait3A_454 = arith.constant 0 : i32
        %dma_wait3A_455 = tpu.memref_slice %arg14[%dma_wait3A_453, %dma_wait3A_454] : memref<10112x128xf32, #tpu.memory_space<vmem_shared>> -> memref<10112x128xf32, #tpu.memory_space<vmem_shared>>
        tpu.wait_indirect_dma semaphore(%run_scoped3A : memref<!tpu.dma_semaphore, #tpu.memory_space<semaphore_mem>>) src(%arg10 : memref<32x128xf32, #tpu.memory_space<vmem>>) dst(%dma_wait3A_455 : memref<10112x128xf32, #tpu.memory_space<vmem_shared>>)
        tpu.yield
      }) : () -> ()
      %add3A_292 = arith.constant 4 : i32
      %add3A_293 = arith.addi %mul3A_83, %add3A_292 : i32
      %dma_start3A_294 = arith.constant 0 : i32
      %dma_start3A_295 = tpu.memref_slice %arg7[%add3A_293, %dma_start3A_294] : memref<88x128xi32, #tpu.memory_space<vmem>> -> memref<1x32xi32, #tpu.memory_space<vmem>>
      %dma_start3A_296 = tpu.memref_squeeze %dma_start3A_295 : memref<1x32xi32, #tpu.memory_space<vmem>> -> memref<32xi32, #tpu.memory_space<vmem>>
      %dma_start3A_297 = arith.constant 0 : i32
      %dma_start3A_298 = arith.constant 0 : i32
      %dma_start3A_299 = tpu.memref_slice %arg2[%dma_start3A_297, %dma_start3A_298] : memref<10000x128xf32, #tpu.memory_space<hbm>> -> memref<10000x128xf32, #tpu.memory_space<hbm>>
      tpu.enqueue_indirect_dma source(%dma_start3A_299 : memref<10000x128xf32, #tpu.memory_space<hbm>>) target(%arg10 : memref<32x128xf32, #tpu.memory_space<vmem>>) offsets(%dma_start3A_296 : memref<32xi32, #tpu.memory_space<vmem>>) semaphore(%arg16 : memref<!tpu.dma_semaphore, #tpu.memory_space<semaphore_mem>>)
      %add3A_300 = arith.constant 3 : i32
      %add3A_301 = arith.addi %mul3A_83, %add3A_300 : i32
      %dma_wait3A_302 = arith.constant 0 : i32
      %dma_wait3A_303 = tpu.memref_slice %arg7[%add3A_301, %dma_wait3A_302] : memref<88x128xi32, #tpu.memory_space<vmem>> -> memref<1x32xi32, #tpu.memory_space<vmem>>
      %dma_wait3A_304 = tpu.memref_squeeze %dma_wait3A_303 : memref<1x32xi32, #tpu.memory_space<vmem>> -> memref<32xi32, #tpu.memory_space<vmem>>
      %dma_wait3A_305 = arith.constant 0 : i32
      %dma_wait3A_306 = arith.constant 0 : i32
      %dma_wait3A_307 = tpu.memref_slice %arg2[%dma_wait3A_305, %dma_wait3A_306] : memref<10000x128xf32, #tpu.memory_space<hbm>> -> memref<10000x128xf32, #tpu.memory_space<hbm>>
      tpu.wait_indirect_dma semaphore(%arg17 : memref<!tpu.dma_semaphore, #tpu.memory_space<semaphore_mem>>) src(%dma_wait3A_307 : memref<10000x128xf32, #tpu.memory_space<hbm>>) dst(%arg11 : memref<32x128xf32, #tpu.memory_space<vmem>>)
      %add3A_308 = arith.constant 3 : i32
      %add3A_309 = arith.addi %mul3A_83, %add3A_308 : i32
      "tpu.region"() ({
        %run_scoped3A = tpu.sem_alloc : memref<!tpu.dma_semaphore, #tpu.memory_space<semaphore_mem>>
        %dma_start3A_444 = arith.constant 0 : i32
        %dma_start3A_445 = tpu.memref_slice %arg8[%add3A_309, %dma_start3A_444] : memref<88x128xi32, #tpu.memory_space<vmem>> -> memref<1x32xi32, #tpu.memory_space<vmem>>
        %dma_start3A_446 = tpu.memref_squeeze %dma_start3A_445 : memref<1x32xi32, #tpu.memory_space<vmem>> -> memref<32xi32, #tpu.memory_space<vmem>>
        %dma_start3A_447 = arith.constant 0 : i32
        %dma_start3A_448 = arith.constant 0 : i32
        %dma_start3A_449 = tpu.memref_slice %arg14[%dma_start3A_447, %dma_start3A_448] : memref<10112x128xf32, #tpu.memory_space<vmem_shared>> -> memref<10112x128xf32, #tpu.memory_space<vmem_shared>>
        tpu.enqueue_indirect_dma source(%arg11 : memref<32x128xf32, #tpu.memory_space<vmem>>) target(%dma_start3A_449 : memref<10112x128xf32, #tpu.memory_space<vmem_shared>>) offsets(%dma_start3A_446 : memref<32xi32, #tpu.memory_space<vmem>>) semaphore(%run_scoped3A : memref<!tpu.dma_semaphore, #tpu.memory_space<semaphore_mem>>) {add = true}
        %dma_wait3A_450 = arith.constant 0 : i32
        %dma_wait3A_451 = tpu.memref_slice %arg8[%add3A_309, %dma_wait3A_450] : memref<88x128xi32, #tpu.memory_space<vmem>> -> memref<1x32xi32, #tpu.memory_space<vmem>>
        %dma_wait3A_452 = tpu.memref_squeeze %dma_wait3A_451 : memref<1x32xi32, #tpu.memory_space<vmem>> -> memref<32xi32, #tpu.memory_space<vmem>>
        %dma_wait3A_453 = arith.constant 0 : i32
        %dma_wait3A_454 = arith.constant 0 : i32
        %dma_wait3A_455 = tpu.memref_slice %arg14[%dma_wait3A_453, %dma_wait3A_454] : memref<10112x128xf32, #tpu.memory_space<vmem_shared>> -> memref<10112x128xf32, #tpu.memory_space<vmem_shared>>
        tpu.wait_indirect_dma semaphore(%run_scoped3A : memref<!tpu.dma_semaphore, #tpu.memory_space<semaphore_mem>>) src(%arg11 : memref<32x128xf32, #tpu.memory_space<vmem>>) dst(%dma_wait3A_455 : memref<10112x128xf32, #tpu.memory_space<vmem_shared>>)
        tpu.yield
      }) : () -> ()
      %add3A_310 = arith.constant 4 : i32
      %add3A_311 = arith.addi %mul3A_83, %add3A_310 : i32
      %dma_start3A_312 = arith.constant 32 : i32
      %dma_start3A_313 = tpu.memref_slice %arg7[%add3A_311, %dma_start3A_312] : memref<88x128xi32, #tpu.memory_space<vmem>> -> memref<1x32xi32, #tpu.memory_space<vmem>>
      %dma_start3A_314 = tpu.memref_squeeze %dma_start3A_313 : memref<1x32xi32, #tpu.memory_space<vmem>> -> memref<32xi32, #tpu.memory_space<vmem>>
      %dma_start3A_315 = arith.constant 0 : i32
      %dma_start3A_316 = arith.constant 0 : i32
      %dma_start3A_317 = tpu.memref_slice %arg2[%dma_start3A_315, %dma_start3A_316] : memref<10000x128xf32, #tpu.memory_space<hbm>> -> memref<10000x128xf32, #tpu.memory_space<hbm>>
      tpu.enqueue_indirect_dma source(%dma_start3A_317 : memref<10000x128xf32, #tpu.memory_space<hbm>>) target(%arg11 : memref<32x128xf32, #tpu.memory_space<vmem>>) offsets(%dma_start3A_314 : memref<32xi32, #tpu.memory_space<vmem>>) semaphore(%arg17 : memref<!tpu.dma_semaphore, #tpu.memory_space<semaphore_mem>>)
      %add3A_318 = arith.constant 3 : i32
      %add3A_319 = arith.addi %mul3A_83, %add3A_318 : i32
      %dma_wait3A_320 = arith.constant 32 : i32
      %dma_wait3A_321 = tpu.memref_slice %arg7[%add3A_319, %dma_wait3A_320] : memref<88x128xi32, #tpu.memory_space<vmem>> -> memref<1x32xi32, #tpu.memory_space<vmem>>
      %dma_wait3A_322 = tpu.memref_squeeze %dma_wait3A_321 : memref<1x32xi32, #tpu.memory_space<vmem>> -> memref<32xi32, #tpu.memory_space<vmem>>
      %dma_wait3A_323 = arith.constant 0 : i32
      %dma_wait3A_324 = arith.constant 0 : i32
      %dma_wait3A_325 = tpu.memref_slice %arg2[%dma_wait3A_323, %dma_wait3A_324] : memref<10000x128xf32, #tpu.memory_space<hbm>> -> memref<10000x128xf32, #tpu.memory_space<hbm>>
      tpu.wait_indirect_dma semaphore(%arg18 : memref<!tpu.dma_semaphore, #tpu.memory_space<semaphore_mem>>) src(%dma_wait3A_325 : memref<10000x128xf32, #tpu.memory_space<hbm>>) dst(%arg12 : memref<32x128xf32, #tpu.memory_space<vmem>>)
      %add3A_326 = arith.constant 3 : i32
      %add3A_327 = arith.addi %mul3A_83, %add3A_326 : i32
      "tpu.region"() ({
        %run_scoped3A = tpu.sem_alloc : memref<!tpu.dma_semaphore, #tpu.memory_space<semaphore_mem>>
        %dma_start3A_444 = arith.constant 32 : i32
        %dma_start3A_445 = tpu.memref_slice %arg8[%add3A_327, %dma_start3A_444] : memref<88x128xi32, #tpu.memory_space<vmem>> -> memref<1x32xi32, #tpu.memory_space<vmem>>
        %dma_start3A_446 = tpu.memref_squeeze %dma_start3A_445 : memref<1x32xi32, #tpu.memory_space<vmem>> -> memref<32xi32, #tpu.memory_space<vmem>>
        %dma_start3A_447 = arith.constant 0 : i32
        %dma_start3A_448 = arith.constant 0 : i32
        %dma_start3A_449 = tpu.memref_slice %arg14[%dma_start3A_447, %dma_start3A_448] : memref<10112x128xf32, #tpu.memory_space<vmem_shared>> -> memref<10112x128xf32, #tpu.memory_space<vmem_shared>>
        tpu.enqueue_indirect_dma source(%arg12 : memref<32x128xf32, #tpu.memory_space<vmem>>) target(%dma_start3A_449 : memref<10112x128xf32, #tpu.memory_space<vmem_shared>>) offsets(%dma_start3A_446 : memref<32xi32, #tpu.memory_space<vmem>>) semaphore(%run_scoped3A : memref<!tpu.dma_semaphore, #tpu.memory_space<semaphore_mem>>) {add = true}
        %dma_wait3A_450 = arith.constant 32 : i32
        %dma_wait3A_451 = tpu.memref_slice %arg8[%add3A_327, %dma_wait3A_450] : memref<88x128xi32, #tpu.memory_space<vmem>> -> memref<1x32xi32, #tpu.memory_space<vmem>>
        %dma_wait3A_452 = tpu.memref_squeeze %dma_wait3A_451 : memref<1x32xi32, #tpu.memory_space<vmem>> -> memref<32xi32, #tpu.memory_space<vmem>>
        %dma_wait3A_453 = arith.constant 0 : i32
        %dma_wait3A_454 = arith.constant 0 : i32
        %dma_wait3A_455 = tpu.memref_slice %arg14[%dma_wait3A_453, %dma_wait3A_454] : memref<10112x128xf32, #tpu.memory_space<vmem_shared>> -> memref<10112x128xf32, #tpu.memory_space<vmem_shared>>
        tpu.wait_indirect_dma semaphore(%run_scoped3A : memref<!tpu.dma_semaphore, #tpu.memory_space<semaphore_mem>>) src(%arg12 : memref<32x128xf32, #tpu.memory_space<vmem>>) dst(%dma_wait3A_455 : memref<10112x128xf32, #tpu.memory_space<vmem_shared>>)
        tpu.yield
      }) : () -> ()
      %add3A_328 = arith.constant 4 : i32
      %add3A_329 = arith.addi %mul3A_83, %add3A_328 : i32
      %dma_start3A_330 = arith.constant 64 : i32
      %dma_start3A_331 = tpu.memref_slice %arg7[%add3A_329, %dma_start3A_330] : memref<88x128xi32, #tpu.memory_space<vmem>> -> memref<1x32xi32, #tpu.memory_space<vmem>>
      %dma_start3A_332 = tpu.memref_squeeze %dma_start3A_331 : memref<1x32xi32, #tpu.memory_space<vmem>> -> memref<32xi32, #tpu.memory_space<vmem>>
      %dma_start3A_333 = arith.constant 0 : i32
      %dma_start3A_334 = arith.constant 0 : i32
      %dma_start3A_335 = tpu.memref_slice %arg2[%dma_start3A_333, %dma_start3A_334] : memref<10000x128xf32, #tpu.memory_space<hbm>> -> memref<10000x128xf32, #tpu.memory_space<hbm>>
      tpu.enqueue_indirect_dma source(%dma_start3A_335 : memref<10000x128xf32, #tpu.memory_space<hbm>>) target(%arg12 : memref<32x128xf32, #tpu.memory_space<vmem>>) offsets(%dma_start3A_332 : memref<32xi32, #tpu.memory_space<vmem>>) semaphore(%arg18 : memref<!tpu.dma_semaphore, #tpu.memory_space<semaphore_mem>>)
      %add3A_336 = arith.constant 3 : i32
      %add3A_337 = arith.addi %mul3A_83, %add3A_336 : i32
      %dma_wait3A_338 = arith.constant 64 : i32
      %dma_wait3A_339 = tpu.memref_slice %arg7[%add3A_337, %dma_wait3A_338] : memref<88x128xi32, #tpu.memory_space<vmem>> -> memref<1x32xi32, #tpu.memory_space<vmem>>
      %dma_wait3A_340 = tpu.memref_squeeze %dma_wait3A_339 : memref<1x32xi32, #tpu.memory_space<vmem>> -> memref<32xi32, #tpu.memory_space<vmem>>
      %dma_wait3A_341 = arith.constant 0 : i32
      %dma_wait3A_342 = arith.constant 0 : i32
      %dma_wait3A_343 = tpu.memref_slice %arg2[%dma_wait3A_341, %dma_wait3A_342] : memref<10000x128xf32, #tpu.memory_space<hbm>> -> memref<10000x128xf32, #tpu.memory_space<hbm>>
      tpu.wait_indirect_dma semaphore(%arg19 : memref<!tpu.dma_semaphore, #tpu.memory_space<semaphore_mem>>) src(%dma_wait3A_343 : memref<10000x128xf32, #tpu.memory_space<hbm>>) dst(%arg13 : memref<32x128xf32, #tpu.memory_space<vmem>>)
      %add3A_344 = arith.constant 3 : i32
      %add3A_345 = arith.addi %mul3A_83, %add3A_344 : i32
      "tpu.region"() ({
        %run_scoped3A = tpu.sem_alloc : memref<!tpu.dma_semaphore, #tpu.memory_space<semaphore_mem>>
        %dma_start3A_444 = arith.constant 64 : i32
        %dma_start3A_445 = tpu.memref_slice %arg8[%add3A_345, %dma_start3A_444] : memref<88x128xi32, #tpu.memory_space<vmem>> -> memref<1x32xi32, #tpu.memory_space<vmem>>
        %dma_start3A_446 = tpu.memref_squeeze %dma_start3A_445 : memref<1x32xi32, #tpu.memory_space<vmem>> -> memref<32xi32, #tpu.memory_space<vmem>>
        %dma_start3A_447 = arith.constant 0 : i32
        %dma_start3A_448 = arith.constant 0 : i32
        %dma_start3A_449 = tpu.memref_slice %arg14[%dma_start3A_447, %dma_start3A_448] : memref<10112x128xf32, #tpu.memory_space<vmem_shared>> -> memref<10112x128xf32, #tpu.memory_space<vmem_shared>>
        tpu.enqueue_indirect_dma source(%arg13 : memref<32x128xf32, #tpu.memory_space<vmem>>) target(%dma_start3A_449 : memref<10112x128xf32, #tpu.memory_space<vmem_shared>>) offsets(%dma_start3A_446 : memref<32xi32, #tpu.memory_space<vmem>>) semaphore(%run_scoped3A : memref<!tpu.dma_semaphore, #tpu.memory_space<semaphore_mem>>) {add = true}
        %dma_wait3A_450 = arith.constant 64 : i32
        %dma_wait3A_451 = tpu.memref_slice %arg8[%add3A_345, %dma_wait3A_450] : memref<88x128xi32, #tpu.memory_space<vmem>> -> memref<1x32xi32, #tpu.memory_space<vmem>>
        %dma_wait3A_452 = tpu.memref_squeeze %dma_wait3A_451 : memref<1x32xi32, #tpu.memory_space<vmem>> -> memref<32xi32, #tpu.memory_space<vmem>>
        %dma_wait3A_453 = arith.constant 0 : i32
        %dma_wait3A_454 = arith.constant 0 : i32
        %dma_wait3A_455 = tpu.memref_slice %arg14[%dma_wait3A_453, %dma_wait3A_454] : memref<10112x128xf32, #tpu.memory_space<vmem_shared>> -> memref<10112x128xf32, #tpu.memory_space<vmem_shared>>
        tpu.wait_indirect_dma semaphore(%run_scoped3A : memref<!tpu.dma_semaphore, #tpu.memory_space<semaphore_mem>>) src(%arg13 : memref<32x128xf32, #tpu.memory_space<vmem>>) dst(%dma_wait3A_455 : memref<10112x128xf32, #tpu.memory_space<vmem_shared>>)
        tpu.yield
      }) : () -> ()
      %add3A_346 = arith.constant 4 : i32
      %add3A_347 = arith.addi %mul3A_83, %add3A_346 : i32
      %dma_start3A_348 = arith.constant 96 : i32
      %dma_start3A_349 = tpu.memref_slice %arg7[%add3A_347, %dma_start3A_348] : memref<88x128xi32, #tpu.memory_space<vmem>> -> memref<1x32xi32, #tpu.memory_space<vmem>>
      %dma_start3A_350 = tpu.memref_squeeze %dma_start3A_349 : memref<1x32xi32, #tpu.memory_space<vmem>> -> memref<32xi32, #tpu.memory_space<vmem>>
      %dma_start3A_351 = arith.constant 0 : i32
      %dma_start3A_352 = arith.constant 0 : i32
      %dma_start3A_353 = tpu.memref_slice %arg2[%dma_start3A_351, %dma_start3A_352] : memref<10000x128xf32, #tpu.memory_space<hbm>> -> memref<10000x128xf32, #tpu.memory_space<hbm>>
      tpu.enqueue_indirect_dma source(%dma_start3A_353 : memref<10000x128xf32, #tpu.memory_space<hbm>>) target(%arg13 : memref<32x128xf32, #tpu.memory_space<vmem>>) offsets(%dma_start3A_350 : memref<32xi32, #tpu.memory_space<vmem>>) semaphore(%arg19 : memref<!tpu.dma_semaphore, #tpu.memory_space<semaphore_mem>>)
      %add3A_354 = arith.constant 3 : i32
      %add3A_355 = arith.addi %mul3A_83, %add3A_354 : i32
      %dma_wait3A_356 = arith.constant 96 : i32
      %dma_wait3A_357 = tpu.memref_slice %arg7[%add3A_355, %dma_wait3A_356] : memref<88x128xi32, #tpu.memory_space<vmem>> -> memref<1x32xi32, #tpu.memory_space<vmem>>
      %dma_wait3A_358 = tpu.memref_squeeze %dma_wait3A_357 : memref<1x32xi32, #tpu.memory_space<vmem>> -> memref<32xi32, #tpu.memory_space<vmem>>
      %dma_wait3A_359 = arith.constant 0 : i32
      %dma_wait3A_360 = arith.constant 0 : i32
      %dma_wait3A_361 = tpu.memref_slice %arg2[%dma_wait3A_359, %dma_wait3A_360] : memref<10000x128xf32, #tpu.memory_space<hbm>> -> memref<10000x128xf32, #tpu.memory_space<hbm>>
      tpu.wait_indirect_dma semaphore(%arg15 : memref<!tpu.dma_semaphore, #tpu.memory_space<semaphore_mem>>) src(%dma_wait3A_361 : memref<10000x128xf32, #tpu.memory_space<hbm>>) dst(%arg9 : memref<32x128xf32, #tpu.memory_space<vmem>>)
      %add3A_362 = arith.constant 3 : i32
      %add3A_363 = arith.addi %mul3A_83, %add3A_362 : i32
      "tpu.region"() ({
        %run_scoped3A = tpu.sem_alloc : memref<!tpu.dma_semaphore, #tpu.memory_space<semaphore_mem>>
        %dma_start3A_444 = arith.constant 96 : i32
        %dma_start3A_445 = tpu.memref_slice %arg8[%add3A_363, %dma_start3A_444] : memref<88x128xi32, #tpu.memory_space<vmem>> -> memref<1x32xi32, #tpu.memory_space<vmem>>
        %dma_start3A_446 = tpu.memref_squeeze %dma_start3A_445 : memref<1x32xi32, #tpu.memory_space<vmem>> -> memref<32xi32, #tpu.memory_space<vmem>>
        %dma_start3A_447 = arith.constant 0 : i32
        %dma_start3A_448 = arith.constant 0 : i32
        %dma_start3A_449 = tpu.memref_slice %arg14[%dma_start3A_447, %dma_start3A_448] : memref<10112x128xf32, #tpu.memory_space<vmem_shared>> -> memref<10112x128xf32, #tpu.memory_space<vmem_shared>>
        tpu.enqueue_indirect_dma source(%arg9 : memref<32x128xf32, #tpu.memory_space<vmem>>) target(%dma_start3A_449 : memref<10112x128xf32, #tpu.memory_space<vmem_shared>>) offsets(%dma_start3A_446 : memref<32xi32, #tpu.memory_space<vmem>>) semaphore(%run_scoped3A : memref<!tpu.dma_semaphore, #tpu.memory_space<semaphore_mem>>) {add = true}
        %dma_wait3A_450 = arith.constant 96 : i32
        %dma_wait3A_451 = tpu.memref_slice %arg8[%add3A_363, %dma_wait3A_450] : memref<88x128xi32, #tpu.memory_space<vmem>> -> memref<1x32xi32, #tpu.memory_space<vmem>>
        %dma_wait3A_452 = tpu.memref_squeeze %dma_wait3A_451 : memref<1x32xi32, #tpu.memory_space<vmem>> -> memref<32xi32, #tpu.memory_space<vmem>>
        %dma_wait3A_453 = arith.constant 0 : i32
        %dma_wait3A_454 = arith.constant 0 : i32
        %dma_wait3A_455 = tpu.memref_slice %arg14[%dma_wait3A_453, %dma_wait3A_454] : memref<10112x128xf32, #tpu.memory_space<vmem_shared>> -> memref<10112x128xf32, #tpu.memory_space<vmem_shared>>
        tpu.wait_indirect_dma semaphore(%run_scoped3A : memref<!tpu.dma_semaphore, #tpu.memory_space<semaphore_mem>>) src(%arg9 : memref<32x128xf32, #tpu.memory_space<vmem>>) dst(%dma_wait3A_455 : memref<10112x128xf32, #tpu.memory_space<vmem_shared>>)
        tpu.yield
      }) : () -> ()
      %add3A_364 = arith.constant 5 : i32
      %add3A_365 = arith.addi %mul3A_83, %add3A_364 : i32
      %dma_start3A_366 = arith.constant 0 : i32
      %dma_start3A_367 = tpu.memref_slice %arg7[%add3A_365, %dma_start3A_366] : memref<88x128xi32, #tpu.memory_space<vmem>> -> memref<1x32xi32, #tpu.memory_space<vmem>>
      %dma_start3A_368 = tpu.memref_squeeze %dma_start3A_367 : memref<1x32xi32, #tpu.memory_space<vmem>> -> memref<32xi32, #tpu.memory_space<vmem>>
      %dma_start3A_369 = arith.constant 0 : i32
      %dma_start3A_370 = arith.constant 0 : i32
      %dma_start3A_371 = tpu.memref_slice %arg2[%dma_start3A_369, %dma_start3A_370] : memref<10000x128xf32, #tpu.memory_space<hbm>> -> memref<10000x128xf32, #tpu.memory_space<hbm>>
      tpu.enqueue_indirect_dma source(%dma_start3A_371 : memref<10000x128xf32, #tpu.memory_space<hbm>>) target(%arg9 : memref<32x128xf32, #tpu.memory_space<vmem>>) offsets(%dma_start3A_368 : memref<32xi32, #tpu.memory_space<vmem>>) semaphore(%arg15 : memref<!tpu.dma_semaphore, #tpu.memory_space<semaphore_mem>>)
      %add3A_372 = arith.constant 4 : i32
      %add3A_373 = arith.addi %mul3A_83, %add3A_372 : i32
      %dma_wait3A_374 = arith.constant 0 : i32
      %dma_wait3A_375 = tpu.memref_slice %arg7[%add3A_373, %dma_wait3A_374] : memref<88x128xi32, #tpu.memory_space<vmem>> -> memref<1x32xi32, #tpu.memory_space<vmem>>
      %dma_wait3A_376 = tpu.memref_squeeze %dma_wait3A_375 : memref<1x32xi32, #tpu.memory_space<vmem>> -> memref<32xi32, #tpu.memory_space<vmem>>
      %dma_wait3A_377 = arith.constant 0 : i32
      %dma_wait3A_378 = arith.constant 0 : i32
      %dma_wait3A_379 = tpu.memref_slice %arg2[%dma_wait3A_377, %dma_wait3A_378] : memref<10000x128xf32, #tpu.memory_space<hbm>> -> memref<10000x128xf32, #tpu.memory_space<hbm>>
      tpu.wait_indirect_dma semaphore(%arg16 : memref<!tpu.dma_semaphore, #tpu.memory_space<semaphore_mem>>) src(%dma_wait3A_379 : memref<10000x128xf32, #tpu.memory_space<hbm>>) dst(%arg10 : memref<32x128xf32, #tpu.memory_space<vmem>>)
      %add3A_380 = arith.constant 4 : i32
      %add3A_381 = arith.addi %mul3A_83, %add3A_380 : i32
      "tpu.region"() ({
        %run_scoped3A = tpu.sem_alloc : memref<!tpu.dma_semaphore, #tpu.memory_space<semaphore_mem>>
        %dma_start3A_444 = arith.constant 0 : i32
        %dma_start3A_445 = tpu.memref_slice %arg8[%add3A_381, %dma_start3A_444] : memref<88x128xi32, #tpu.memory_space<vmem>> -> memref<1x32xi32, #tpu.memory_space<vmem>>
        %dma_start3A_446 = tpu.memref_squeeze %dma_start3A_445 : memref<1x32xi32, #tpu.memory_space<vmem>> -> memref<32xi32, #tpu.memory_space<vmem>>
        %dma_start3A_447 = arith.constant 0 : i32
        %dma_start3A_448 = arith.constant 0 : i32
        %dma_start3A_449 = tpu.memref_slice %arg14[%dma_start3A_447, %dma_start3A_448] : memref<10112x128xf32, #tpu.memory_space<vmem_shared>> -> memref<10112x128xf32, #tpu.memory_space<vmem_shared>>
        tpu.enqueue_indirect_dma source(%arg10 : memref<32x128xf32, #tpu.memory_space<vmem>>) target(%dma_start3A_449 : memref<10112x128xf32, #tpu.memory_space<vmem_shared>>) offsets(%dma_start3A_446 : memref<32xi32, #tpu.memory_space<vmem>>) semaphore(%run_scoped3A : memref<!tpu.dma_semaphore, #tpu.memory_space<semaphore_mem>>) {add = true}
        %dma_wait3A_450 = arith.constant 0 : i32
        %dma_wait3A_451 = tpu.memref_slice %arg8[%add3A_381, %dma_wait3A_450] : memref<88x128xi32, #tpu.memory_space<vmem>> -> memref<1x32xi32, #tpu.memory_space<vmem>>
        %dma_wait3A_452 = tpu.memref_squeeze %dma_wait3A_451 : memref<1x32xi32, #tpu.memory_space<vmem>> -> memref<32xi32, #tpu.memory_space<vmem>>
        %dma_wait3A_453 = arith.constant 0 : i32
        %dma_wait3A_454 = arith.constant 0 : i32
        %dma_wait3A_455 = tpu.memref_slice %arg14[%dma_wait3A_453, %dma_wait3A_454] : memref<10112x128xf32, #tpu.memory_space<vmem_shared>> -> memref<10112x128xf32, #tpu.memory_space<vmem_shared>>
        tpu.wait_indirect_dma semaphore(%run_scoped3A : memref<!tpu.dma_semaphore, #tpu.memory_space<semaphore_mem>>) src(%arg10 : memref<32x128xf32, #tpu.memory_space<vmem>>) dst(%dma_wait3A_455 : memref<10112x128xf32, #tpu.memory_space<vmem_shared>>)
        tpu.yield
      }) : () -> ()
      %add3A_382 = arith.constant 5 : i32
      %add3A_383 = arith.addi %mul3A_83, %add3A_382 : i32
      %dma_start3A_384 = arith.constant 32 : i32
      %dma_start3A_385 = tpu.memref_slice %arg7[%add3A_383, %dma_start3A_384] : memref<88x128xi32, #tpu.memory_space<vmem>> -> memref<1x32xi32, #tpu.memory_space<vmem>>
      %dma_start3A_386 = tpu.memref_squeeze %dma_start3A_385 : memref<1x32xi32, #tpu.memory_space<vmem>> -> memref<32xi32, #tpu.memory_space<vmem>>
      %dma_start3A_387 = arith.constant 0 : i32
      %dma_start3A_388 = arith.constant 0 : i32
      %dma_start3A_389 = tpu.memref_slice %arg2[%dma_start3A_387, %dma_start3A_388] : memref<10000x128xf32, #tpu.memory_space<hbm>> -> memref<10000x128xf32, #tpu.memory_space<hbm>>
      tpu.enqueue_indirect_dma source(%dma_start3A_389 : memref<10000x128xf32, #tpu.memory_space<hbm>>) target(%arg10 : memref<32x128xf32, #tpu.memory_space<vmem>>) offsets(%dma_start3A_386 : memref<32xi32, #tpu.memory_space<vmem>>) semaphore(%arg16 : memref<!tpu.dma_semaphore, #tpu.memory_space<semaphore_mem>>)
      %add3A_390 = arith.constant 4 : i32
      %add3A_391 = arith.addi %mul3A_83, %add3A_390 : i32
      %dma_wait3A_392 = arith.constant 32 : i32
      %dma_wait3A_393 = tpu.memref_slice %arg7[%add3A_391, %dma_wait3A_392] : memref<88x128xi32, #tpu.memory_space<vmem>> -> memref<1x32xi32, #tpu.memory_space<vmem>>
      %dma_wait3A_394 = tpu.memref_squeeze %dma_wait3A_393 : memref<1x32xi32, #tpu.memory_space<vmem>> -> memref<32xi32, #tpu.memory_space<vmem>>
      %dma_wait3A_395 = arith.constant 0 : i32
      %dma_wait3A_396 = arith.constant 0 : i32
      %dma_wait3A_397 = tpu.memref_slice %arg2[%dma_wait3A_395, %dma_wait3A_396] : memref<10000x128xf32, #tpu.memory_space<hbm>> -> memref<10000x128xf32, #tpu.memory_space<hbm>>
      tpu.wait_indirect_dma semaphore(%arg17 : memref<!tpu.dma_semaphore, #tpu.memory_space<semaphore_mem>>) src(%dma_wait3A_397 : memref<10000x128xf32, #tpu.memory_space<hbm>>) dst(%arg11 : memref<32x128xf32, #tpu.memory_space<vmem>>)
      %add3A_398 = arith.constant 4 : i32
      %add3A_399 = arith.addi %mul3A_83, %add3A_398 : i32
      "tpu.region"() ({
        %run_scoped3A = tpu.sem_alloc : memref<!tpu.dma_semaphore, #tpu.memory_space<semaphore_mem>>
        %dma_start3A_444 = arith.constant 32 : i32
        %dma_start3A_445 = tpu.memref_slice %arg8[%add3A_399, %dma_start3A_444] : memref<88x128xi32, #tpu.memory_space<vmem>> -> memref<1x32xi32, #tpu.memory_space<vmem>>
        %dma_start3A_446 = tpu.memref_squeeze %dma_start3A_445 : memref<1x32xi32, #tpu.memory_space<vmem>> -> memref<32xi32, #tpu.memory_space<vmem>>
        %dma_start3A_447 = arith.constant 0 : i32
        %dma_start3A_448 = arith.constant 0 : i32
        %dma_start3A_449 = tpu.memref_slice %arg14[%dma_start3A_447, %dma_start3A_448] : memref<10112x128xf32, #tpu.memory_space<vmem_shared>> -> memref<10112x128xf32, #tpu.memory_space<vmem_shared>>
        tpu.enqueue_indirect_dma source(%arg11 : memref<32x128xf32, #tpu.memory_space<vmem>>) target(%dma_start3A_449 : memref<10112x128xf32, #tpu.memory_space<vmem_shared>>) offsets(%dma_start3A_446 : memref<32xi32, #tpu.memory_space<vmem>>) semaphore(%run_scoped3A : memref<!tpu.dma_semaphore, #tpu.memory_space<semaphore_mem>>) {add = true}
        %dma_wait3A_450 = arith.constant 32 : i32
        %dma_wait3A_451 = tpu.memref_slice %arg8[%add3A_399, %dma_wait3A_450] : memref<88x128xi32, #tpu.memory_space<vmem>> -> memref<1x32xi32, #tpu.memory_space<vmem>>
        %dma_wait3A_452 = tpu.memref_squeeze %dma_wait3A_451 : memref<1x32xi32, #tpu.memory_space<vmem>> -> memref<32xi32, #tpu.memory_space<vmem>>
        %dma_wait3A_453 = arith.constant 0 : i32
        %dma_wait3A_454 = arith.constant 0 : i32
        %dma_wait3A_455 = tpu.memref_slice %arg14[%dma_wait3A_453, %dma_wait3A_454] : memref<10112x128xf32, #tpu.memory_space<vmem_shared>> -> memref<10112x128xf32, #tpu.memory_space<vmem_shared>>
        tpu.wait_indirect_dma semaphore(%run_scoped3A : memref<!tpu.dma_semaphore, #tpu.memory_space<semaphore_mem>>) src(%arg11 : memref<32x128xf32, #tpu.memory_space<vmem>>) dst(%dma_wait3A_455 : memref<10112x128xf32, #tpu.memory_space<vmem_shared>>)
        tpu.yield
      }) : () -> ()
      %add3A_400 = arith.constant 5 : i32
      %add3A_401 = arith.addi %mul3A_83, %add3A_400 : i32
      %dma_start3A_402 = arith.constant 64 : i32
      %dma_start3A_403 = tpu.memref_slice %arg7[%add3A_401, %dma_start3A_402] : memref<88x128xi32, #tpu.memory_space<vmem>> -> memref<1x32xi32, #tpu.memory_space<vmem>>
      %dma_start3A_404 = tpu.memref_squeeze %dma_start3A_403 : memref<1x32xi32, #tpu.memory_space<vmem>> -> memref<32xi32, #tpu.memory_space<vmem>>
      %dma_start3A_405 = arith.constant 0 : i32
      %dma_start3A_406 = arith.constant 0 : i32
      %dma_start3A_407 = tpu.memref_slice %arg2[%dma_start3A_405, %dma_start3A_406] : memref<10000x128xf32, #tpu.memory_space<hbm>> -> memref<10000x128xf32, #tpu.memory_space<hbm>>
      tpu.enqueue_indirect_dma source(%dma_start3A_407 : memref<10000x128xf32, #tpu.memory_space<hbm>>) target(%arg11 : memref<32x128xf32, #tpu.memory_space<vmem>>) offsets(%dma_start3A_404 : memref<32xi32, #tpu.memory_space<vmem>>) semaphore(%arg17 : memref<!tpu.dma_semaphore, #tpu.memory_space<semaphore_mem>>)
      %add3A_408 = arith.constant 4 : i32
      %add3A_409 = arith.addi %mul3A_83, %add3A_408 : i32
      %dma_wait3A_410 = arith.constant 64 : i32
      %dma_wait3A_411 = tpu.memref_slice %arg7[%add3A_409, %dma_wait3A_410] : memref<88x128xi32, #tpu.memory_space<vmem>> -> memref<1x32xi32, #tpu.memory_space<vmem>>
      %dma_wait3A_412 = tpu.memref_squeeze %dma_wait3A_411 : memref<1x32xi32, #tpu.memory_space<vmem>> -> memref<32xi32, #tpu.memory_space<vmem>>
      %dma_wait3A_413 = arith.constant 0 : i32
      %dma_wait3A_414 = arith.constant 0 : i32
      %dma_wait3A_415 = tpu.memref_slice %arg2[%dma_wait3A_413, %dma_wait3A_414] : memref<10000x128xf32, #tpu.memory_space<hbm>> -> memref<10000x128xf32, #tpu.memory_space<hbm>>
      tpu.wait_indirect_dma semaphore(%arg18 : memref<!tpu.dma_semaphore, #tpu.memory_space<semaphore_mem>>) src(%dma_wait3A_415 : memref<10000x128xf32, #tpu.memory_space<hbm>>) dst(%arg12 : memref<32x128xf32, #tpu.memory_space<vmem>>)
      %add3A_416 = arith.constant 4 : i32
      %add3A_417 = arith.addi %mul3A_83, %add3A_416 : i32
      "tpu.region"() ({
        %run_scoped3A = tpu.sem_alloc : memref<!tpu.dma_semaphore, #tpu.memory_space<semaphore_mem>>
        %dma_start3A_444 = arith.constant 64 : i32
        %dma_start3A_445 = tpu.memref_slice %arg8[%add3A_417, %dma_start3A_444] : memref<88x128xi32, #tpu.memory_space<vmem>> -> memref<1x32xi32, #tpu.memory_space<vmem>>
        %dma_start3A_446 = tpu.memref_squeeze %dma_start3A_445 : memref<1x32xi32, #tpu.memory_space<vmem>> -> memref<32xi32, #tpu.memory_space<vmem>>
        %dma_start3A_447 = arith.constant 0 : i32
        %dma_start3A_448 = arith.constant 0 : i32
        %dma_start3A_449 = tpu.memref_slice %arg14[%dma_start3A_447, %dma_start3A_448] : memref<10112x128xf32, #tpu.memory_space<vmem_shared>> -> memref<10112x128xf32, #tpu.memory_space<vmem_shared>>
        tpu.enqueue_indirect_dma source(%arg12 : memref<32x128xf32, #tpu.memory_space<vmem>>) target(%dma_start3A_449 : memref<10112x128xf32, #tpu.memory_space<vmem_shared>>) offsets(%dma_start3A_446 : memref<32xi32, #tpu.memory_space<vmem>>) semaphore(%run_scoped3A : memref<!tpu.dma_semaphore, #tpu.memory_space<semaphore_mem>>) {add = true}
        %dma_wait3A_450 = arith.constant 64 : i32
        %dma_wait3A_451 = tpu.memref_slice %arg8[%add3A_417, %dma_wait3A_450] : memref<88x128xi32, #tpu.memory_space<vmem>> -> memref<1x32xi32, #tpu.memory_space<vmem>>
        %dma_wait3A_452 = tpu.memref_squeeze %dma_wait3A_451 : memref<1x32xi32, #tpu.memory_space<vmem>> -> memref<32xi32, #tpu.memory_space<vmem>>
        %dma_wait3A_453 = arith.constant 0 : i32
        %dma_wait3A_454 = arith.constant 0 : i32
        %dma_wait3A_455 = tpu.memref_slice %arg14[%dma_wait3A_453, %dma_wait3A_454] : memref<10112x128xf32, #tpu.memory_space<vmem_shared>> -> memref<10112x128xf32, #tpu.memory_space<vmem_shared>>
        tpu.wait_indirect_dma semaphore(%run_scoped3A : memref<!tpu.dma_semaphore, #tpu.memory_space<semaphore_mem>>) src(%arg12 : memref<32x128xf32, #tpu.memory_space<vmem>>) dst(%dma_wait3A_455 : memref<10112x128xf32, #tpu.memory_space<vmem_shared>>)
        tpu.yield
      }) : () -> ()
      %add3A_418 = arith.constant 5 : i32
      %add3A_419 = arith.addi %mul3A_83, %add3A_418 : i32
      %dma_start3A_420 = arith.constant 96 : i32
      %dma_start3A_421 = tpu.memref_slice %arg7[%add3A_419, %dma_start3A_420] : memref<88x128xi32, #tpu.memory_space<vmem>> -> memref<1x32xi32, #tpu.memory_space<vmem>>
      %dma_start3A_422 = tpu.memref_squeeze %dma_start3A_421 : memref<1x32xi32, #tpu.memory_space<vmem>> -> memref<32xi32, #tpu.memory_space<vmem>>
      %dma_start3A_423 = arith.constant 0 : i32
      %dma_start3A_424 = arith.constant 0 : i32
      %dma_start3A_425 = tpu.memref_slice %arg2[%dma_start3A_423, %dma_start3A_424] : memref<10000x128xf32, #tpu.memory_space<hbm>> -> memref<10000x128xf32, #tpu.memory_space<hbm>>
      tpu.enqueue_indirect_dma source(%dma_start3A_425 : memref<10000x128xf32, #tpu.memory_space<hbm>>) target(%arg12 : memref<32x128xf32, #tpu.memory_space<vmem>>) offsets(%dma_start3A_422 : memref<32xi32, #tpu.memory_space<vmem>>) semaphore(%arg18 : memref<!tpu.dma_semaphore, #tpu.memory_space<semaphore_mem>>)
      %add3A_426 = arith.constant 4 : i32
      %add3A_427 = arith.addi %mul3A_83, %add3A_426 : i32
      %dma_wait3A_428 = arith.constant 96 : i32
      %dma_wait3A_429 = tpu.memref_slice %arg7[%add3A_427, %dma_wait3A_428] : memref<88x128xi32, #tpu.memory_space<vmem>> -> memref<1x32xi32, #tpu.memory_space<vmem>>
      %dma_wait3A_430 = tpu.memref_squeeze %dma_wait3A_429 : memref<1x32xi32, #tpu.memory_space<vmem>> -> memref<32xi32, #tpu.memory_space<vmem>>
      %dma_wait3A_431 = arith.constant 0 : i32
      %dma_wait3A_432 = arith.constant 0 : i32
      %dma_wait3A_433 = tpu.memref_slice %arg2[%dma_wait3A_431, %dma_wait3A_432] : memref<10000x128xf32, #tpu.memory_space<hbm>> -> memref<10000x128xf32, #tpu.memory_space<hbm>>
      tpu.wait_indirect_dma semaphore(%arg19 : memref<!tpu.dma_semaphore, #tpu.memory_space<semaphore_mem>>) src(%dma_wait3A_433 : memref<10000x128xf32, #tpu.memory_space<hbm>>) dst(%arg13 : memref<32x128xf32, #tpu.memory_space<vmem>>)
      %add3A_434 = arith.constant 4 : i32
      %add3A_435 = arith.addi %mul3A_83, %add3A_434 : i32
      "tpu.region"() ({
        %run_scoped3A = tpu.sem_alloc : memref<!tpu.dma_semaphore, #tpu.memory_space<semaphore_mem>>
        %dma_start3A_444 = arith.constant 96 : i32
        %dma_start3A_445 = tpu.memref_slice %arg8[%add3A_435, %dma_start3A_444] : memref<88x128xi32, #tpu.memory_space<vmem>> -> memref<1x32xi32, #tpu.memory_space<vmem>>
        %dma_start3A_446 = tpu.memref_squeeze %dma_start3A_445 : memref<1x32xi32, #tpu.memory_space<vmem>> -> memref<32xi32, #tpu.memory_space<vmem>>
        %dma_start3A_447 = arith.constant 0 : i32
        %dma_start3A_448 = arith.constant 0 : i32
        %dma_start3A_449 = tpu.memref_slice %arg14[%dma_start3A_447, %dma_start3A_448] : memref<10112x128xf32, #tpu.memory_space<vmem_shared>> -> memref<10112x128xf32, #tpu.memory_space<vmem_shared>>
        tpu.enqueue_indirect_dma source(%arg13 : memref<32x128xf32, #tpu.memory_space<vmem>>) target(%dma_start3A_449 : memref<10112x128xf32, #tpu.memory_space<vmem_shared>>) offsets(%dma_start3A_446 : memref<32xi32, #tpu.memory_space<vmem>>) semaphore(%run_scoped3A : memref<!tpu.dma_semaphore, #tpu.memory_space<semaphore_mem>>) {add = true}
        %dma_wait3A_450 = arith.constant 96 : i32
        %dma_wait3A_451 = tpu.memref_slice %arg8[%add3A_435, %dma_wait3A_450] : memref<88x128xi32, #tpu.memory_space<vmem>> -> memref<1x32xi32, #tpu.memory_space<vmem>>
        %dma_wait3A_452 = tpu.memref_squeeze %dma_wait3A_451 : memref<1x32xi32, #tpu.memory_space<vmem>> -> memref<32xi32, #tpu.memory_space<vmem>>
        %dma_wait3A_453 = arith.constant 0 : i32
        %dma_wait3A_454 = arith.constant 0 : i32
        %dma_wait3A_455 = tpu.memref_slice %arg14[%dma_wait3A_453, %dma_wait3A_454] : memref<10112x128xf32, #tpu.memory_space<vmem_shared>> -> memref<10112x128xf32, #tpu.memory_space<vmem_shared>>
        tpu.wait_indirect_dma semaphore(%run_scoped3A : memref<!tpu.dma_semaphore, #tpu.memory_space<semaphore_mem>>) src(%arg13 : memref<32x128xf32, #tpu.memory_space<vmem>>) dst(%dma_wait3A_455 : memref<10112x128xf32, #tpu.memory_space<vmem_shared>>)
        tpu.yield
      }) : () -> ()
      %add3A_436 = arith.constant 6 : i32
      %add3A_437 = arith.addi %mul3A_83, %add3A_436 : i32
      %dma_start3A_438 = arith.constant 0 : i32
      %dma_start3A_439 = tpu.memref_slice %arg7[%add3A_437, %dma_start3A_438] : memref<88x128xi32, #tpu.memory_space<vmem>> -> memref<1x32xi32, #tpu.memory_space<vmem>>
      %dma_start3A_440 = tpu.memref_squeeze %dma_start3A_439 : memref<1x32xi32, #tpu.memory_space<vmem>> -> memref<32xi32, #tpu.memory_space<vmem>>
      %dma_start3A_441 = arith.constant 0 : i32
      %dma_start3A_442 = arith.constant 0 : i32
      %dma_start3A_443 = tpu.memref_slice %arg2[%dma_start3A_441, %dma_start3A_442] : memref<10000x128xf32, #tpu.memory_space<hbm>> -> memref<10000x128xf32, #tpu.memory_space<hbm>>
      tpu.enqueue_indirect_dma source(%dma_start3A_443 : memref<10000x128xf32, #tpu.memory_space<hbm>>) target(%arg13 : memref<32x128xf32, #tpu.memory_space<vmem>>) offsets(%dma_start3A_440 : memref<32xi32, #tpu.memory_space<vmem>>) semaphore(%arg19 : memref<!tpu.dma_semaphore, #tpu.memory_space<semaphore_mem>>)
    }
    %scan3A_41 = arith.constant 16 : i32
    %dma_wait3A = arith.constant 80 : i32
    %dma_wait3A_42 = arith.constant 0 : i32
    %dma_wait3A_43 = tpu.memref_slice %arg7[%dma_wait3A, %dma_wait3A_42] : memref<88x128xi32, #tpu.memory_space<vmem>> -> memref<1x32xi32, #tpu.memory_space<vmem>>
    %dma_wait3A_44 = tpu.memref_squeeze %dma_wait3A_43 : memref<1x32xi32, #tpu.memory_space<vmem>> -> memref<32xi32, #tpu.memory_space<vmem>>
    %dma_wait3A_45 = arith.constant 0 : i32
    %dma_wait3A_46 = arith.constant 0 : i32
    %dma_wait3A_47 = tpu.memref_slice %arg2[%dma_wait3A_45, %dma_wait3A_46] : memref<10000x128xf32, #tpu.memory_space<hbm>> -> memref<10000x128xf32, #tpu.memory_space<hbm>>
    tpu.wait_indirect_dma semaphore(%arg15 : memref<!tpu.dma_semaphore, #tpu.memory_space<semaphore_mem>>) src(%dma_wait3A_47 : memref<10000x128xf32, #tpu.memory_space<hbm>>) dst(%arg9 : memref<32x128xf32, #tpu.memory_space<vmem>>)
    %dma_wait3A_48 = arith.constant 80 : i32
    %dma_wait3A_49 = arith.constant 32 : i32
    %dma_wait3A_50 = tpu.memref_slice %arg7[%dma_wait3A_48, %dma_wait3A_49] : memref<88x128xi32, #tpu.memory_space<vmem>> -> memref<1x32xi32, #tpu.memory_space<vmem>>
    %dma_wait3A_51 = tpu.memref_squeeze %dma_wait3A_50 : memref<1x32xi32, #tpu.memory_space<vmem>> -> memref<32xi32, #tpu.memory_space<vmem>>
    %dma_wait3A_52 = arith.constant 0 : i32
    %dma_wait3A_53 = arith.constant 0 : i32
    %dma_wait3A_54 = tpu.memref_slice %arg2[%dma_wait3A_52, %dma_wait3A_53] : memref<10000x128xf32, #tpu.memory_space<hbm>> -> memref<10000x128xf32, #tpu.memory_space<hbm>>
    tpu.wait_indirect_dma semaphore(%arg16 : memref<!tpu.dma_semaphore, #tpu.memory_space<semaphore_mem>>) src(%dma_wait3A_54 : memref<10000x128xf32, #tpu.memory_space<hbm>>) dst(%arg10 : memref<32x128xf32, #tpu.memory_space<vmem>>)
    %dma_wait3A_55 = arith.constant 80 : i32
    %dma_wait3A_56 = arith.constant 64 : i32
    %dma_wait3A_57 = tpu.memref_slice %arg7[%dma_wait3A_55, %dma_wait3A_56] : memref<88x128xi32, #tpu.memory_space<vmem>> -> memref<1x32xi32, #tpu.memory_space<vmem>>
    %dma_wait3A_58 = tpu.memref_squeeze %dma_wait3A_57 : memref<1x32xi32, #tpu.memory_space<vmem>> -> memref<32xi32, #tpu.memory_space<vmem>>
    %dma_wait3A_59 = arith.constant 0 : i32
    %dma_wait3A_60 = arith.constant 0 : i32
    %dma_wait3A_61 = tpu.memref_slice %arg2[%dma_wait3A_59, %dma_wait3A_60] : memref<10000x128xf32, #tpu.memory_space<hbm>> -> memref<10000x128xf32, #tpu.memory_space<hbm>>
    tpu.wait_indirect_dma semaphore(%arg17 : memref<!tpu.dma_semaphore, #tpu.memory_space<semaphore_mem>>) src(%dma_wait3A_61 : memref<10000x128xf32, #tpu.memory_space<hbm>>) dst(%arg11 : memref<32x128xf32, #tpu.memory_space<vmem>>)
    %dma_wait3A_62 = arith.constant 80 : i32
    %dma_wait3A_63 = arith.constant 96 : i32
    %dma_wait3A_64 = tpu.memref_slice %arg7[%dma_wait3A_62, %dma_wait3A_63] : memref<88x128xi32, #tpu.memory_space<vmem>> -> memref<1x32xi32, #tpu.memory_space<vmem>>
    %dma_wait3A_65 = tpu.memref_squeeze %dma_wait3A_64 : memref<1x32xi32, #tpu.memory_space<vmem>> -> memref<32xi32, #tpu.memory_space<vmem>>
    %dma_wait3A_66 = arith.constant 0 : i32
    %dma_wait3A_67 = arith.constant 0 : i32
    %dma_wait3A_68 = tpu.memref_slice %arg2[%dma_wait3A_66, %dma_wait3A_67] : memref<10000x128xf32, #tpu.memory_space<hbm>> -> memref<10000x128xf32, #tpu.memory_space<hbm>>
    tpu.wait_indirect_dma semaphore(%arg18 : memref<!tpu.dma_semaphore, #tpu.memory_space<semaphore_mem>>) src(%dma_wait3A_68 : memref<10000x128xf32, #tpu.memory_space<hbm>>) dst(%arg12 : memref<32x128xf32, #tpu.memory_space<vmem>>)
    %dma_wait3A_69 = arith.constant 81 : i32
    %dma_wait3A_70 = arith.constant 0 : i32
    %dma_wait3A_71 = tpu.memref_slice %arg7[%dma_wait3A_69, %dma_wait3A_70] : memref<88x128xi32, #tpu.memory_space<vmem>> -> memref<1x32xi32, #tpu.memory_space<vmem>>
    %dma_wait3A_72 = tpu.memref_squeeze %dma_wait3A_71 : memref<1x32xi32, #tpu.memory_space<vmem>> -> memref<32xi32, #tpu.memory_space<vmem>>
    %dma_wait3A_73 = arith.constant 0 : i32
    %dma_wait3A_74 = arith.constant 0 : i32
    %dma_wait3A_75 = tpu.memref_slice %arg2[%dma_wait3A_73, %dma_wait3A_74] : memref<10000x128xf32, #tpu.memory_space<hbm>> -> memref<10000x128xf32, #tpu.memory_space<hbm>>
    tpu.wait_indirect_dma semaphore(%arg19 : memref<!tpu.dma_semaphore, #tpu.memory_space<semaphore_mem>>) src(%dma_wait3A_75 : memref<10000x128xf32, #tpu.memory_space<hbm>>) dst(%arg13 : memref<32x128xf32, #tpu.memory_space<vmem>>)
    %barrier3A_76 = arith.constant 0 : index
    tpu.barrier barrier_id(%barrier3A_76)
    %mul3A_77 = arith.constant 632 : i32
    %mul3A_78 = arith.muli %arg1, %mul3A_77 : i32
    %mul3A_79 = arith.constant 632 : i32
    %mul3A_80 = arith.muli %arg1, %mul3A_79 : i32
    "tpu.region"() ({
      %run_scoped3A = tpu.sem_alloc : memref<!tpu.dma_semaphore, #tpu.memory_space<semaphore_mem>>
      %dma_start3A_81 = arith.constant 0 : i32
      %dma_start3A_82 = tpu.memref_slice %arg6[%arg0, %mul3A_80, %dma_start3A_81] : memref<2x10112x128xf32, #tpu.memory_space<hbm>> -> memref<1x632x128xf32, #tpu.memory_space<hbm>>
      %dma_start3A_83 = tpu.memref_squeeze %dma_start3A_82 : memref<1x632x128xf32, #tpu.memory_space<hbm>> -> memref<632x128xf32, #tpu.memory_space<hbm>>
      %dma_start3A_84 = arith.constant 0 : i32
      %dma_start3A_85 = tpu.memref_slice %arg14[%mul3A_78, %dma_start3A_84] : memref<10112x128xf32, #tpu.memory_space<vmem_shared>> -> memref<632x128xf32, #tpu.memory_space<vmem_shared>>
      tpu.enqueue_dma source(%dma_start3A_85 : memref<632x128xf32, #tpu.memory_space<vmem_shared>>) target(%dma_start3A_83 : memref<632x128xf32, #tpu.memory_space<hbm>>) target_semaphore(%run_scoped3A : memref<!tpu.dma_semaphore, #tpu.memory_space<semaphore_mem>>)
      %dma_wait3A_86 = arith.constant 0 : i32
      %dma_wait3A_87 = tpu.memref_slice %arg6[%arg0, %mul3A_80, %dma_wait3A_86] : memref<2x10112x128xf32, #tpu.memory_space<hbm>> -> memref<1x632x128xf32, #tpu.memory_space<hbm>>
      %dma_wait3A_88 = tpu.memref_squeeze %dma_wait3A_87 : memref<1x632x128xf32, #tpu.memory_space<hbm>> -> memref<632x128xf32, #tpu.memory_space<hbm>>
      %dma_wait3A_89 = arith.constant 0 : i32
      %dma_wait3A_90 = tpu.memref_slice %arg14[%mul3A_78, %dma_wait3A_89] : memref<10112x128xf32, #tpu.memory_space<vmem_shared>> -> memref<632x128xf32, #tpu.memory_space<vmem_shared>>
      tpu.wait_dma2 semaphore(%run_scoped3A : memref<!tpu.dma_semaphore, #tpu.memory_space<semaphore_mem>>) src(%dma_wait3A_90 : memref<632x128xf32, #tpu.memory_space<vmem_shared>>) dst(%dma_wait3A_88 : memref<632x128xf32, #tpu.memory_space<hbm>>)
      tpu.yield
    }) : () -> ()
    return
  }
}

module attributes {stable_mosaic.version = 14 : i64} {
  func.func @_tc_xd_body(%arg0: i32, %arg1: memref<2x1000x128xf32, #tpu.memory_space<vmem>>, %arg2: memref<1000x128xf32, #tpu.memory_space<vmem>>, %arg3: memref<1000x128xf32, #tpu.memory_space<vmem>>) attributes {dimension_semantics = [#tpu.dimension_semantics<arbitrary>], iteration_bounds = array<i64: 10>, scalar_prefetch = 0 : i64, scratch_operands = 0 : i64, tpu.core_type = #tpu.core_type<tc>, window_params = [{transform_indices = @transform_0, window_bounds = array<i64: 2, 1000, 128>}, {transform_indices = @transform_1, window_bounds = array<i64: 1000, 128>}, {transform_indices = @transform_2, window_bounds = array<i64: 1000, 128>}]} {
    %get3A = arith.constant 0 : index
    %get3A_0 = arith.constant 0 : index
    %get3A_1 = arith.constant 0 : index
    %get3A_2 = vector.load %arg1[%get3A, %get3A_0, %get3A_1] : memref<2x1000x128xf32, #tpu.memory_space<vmem>>, vector<1x1000x128xf32>
    %get3A_3 = vector.shape_cast %get3A_2 : vector<1x1000x128xf32> to vector<1000x128xf32>
    %slice3A = vector.extract_strided_slice %get3A_3 {offsets = [0, 0], sizes = [1000, 1], strides = [1, 1]} : vector<1000x128xf32> to vector<1000x1xf32>
    %get3A_4 = arith.constant 1 : index
    %get3A_5 = arith.constant 0 : index
    %get3A_6 = arith.constant 0 : index
    %get3A_7 = vector.load %arg1[%get3A_4, %get3A_5, %get3A_6] : memref<2x1000x128xf32, #tpu.memory_space<vmem>>, vector<1x1000x128xf32>
    %get3A_8 = vector.shape_cast %get3A_7 : vector<1x1000x128xf32> to vector<1000x128xf32>
    %slice3A_9 = vector.extract_strided_slice %get3A_8 {offsets = [0, 0], sizes = [1000, 1], strides = [1, 1]} : vector<1000x128xf32> to vector<1000x1xf32>
    %add3A = arith.addf %slice3A, %slice3A_9 : vector<1000x1xf32>
    %gt3A = arith.constant 0.000000e+00 : f32
    %gt3A_10 = vector.broadcast %gt3A : f32 to vector<1000x1xf32>
    %gt3A_11 = arith.cmpf ogt, %add3A, %gt3A_10 : vector<1000x1xf32>
    %rsqrt3A = math.rsqrt %add3A : vector<1000x1xf32>
    %jit3A = arith.constant 0.000000e+00 : f32
    %broadcast_in_dim3A = vector.broadcast %jit3A : f32 to vector<1000x1xf32>
    %select_n3A = arith.select %gt3A_11, %rsqrt3A, %broadcast_in_dim3A : vector<1000x1xi1>, vector<1000x1xf32>
    %get3A_12 = arith.constant 0 : index
    %get3A_13 = arith.constant 0 : index
    %get3A_14 = vector.load %arg2[%get3A_12, %get3A_13] : memref<1000x128xf32, #tpu.memory_space<vmem>>, vector<1000x128xf32>
    %mul3A = vector.broadcast %select_n3A : vector<1000x1xf32> to vector<1000x128xf32>
    %mul3A_15 = arith.mulf %get3A_14, %mul3A : vector<1000x128xf32>
    %swap3A = arith.constant 0 : index
    %swap3A_16 = arith.constant 0 : index
    %swap3A_17 = vector.load %arg3[%swap3A, %swap3A_16] : memref<1000x128xf32, #tpu.memory_space<vmem>>, vector<1000x128xf32>
    tpu.vector_store %arg3[%swap3A, %swap3A_16], %mul3A_15 {strides = array<i32>} : memref<1000x128xf32, #tpu.memory_space<vmem>>, vector<1000x128xf32>,
    return
  }
  func.func @transform_0(%arg0: i32) -> (i32, i32, i32) {
    %c0_i32 = arith.constant 0 : i32
    %c0_i32_0 = arith.constant 0 : i32
    %c0_i32_1 = arith.constant 0 : i32
    return %c0_i32, %arg0, %c0_i32_0 : i32, i32, i32
  }
  func.func @transform_1(%arg0: i32) -> (i32, i32) {
    %c0_i32 = arith.constant 0 : i32
    %c0_i32_0 = arith.constant 0 : i32
    return %arg0, %c0_i32 : i32, i32
  }
  func.func @transform_2(%arg0: i32) -> (i32, i32) {
    %c0_i32 = arith.constant 0 : i32
    %c0_i32_0 = arith.constant 0 : i32
    return %arg0, %c0_i32 : i32, i32
  }
}

module attributes {stable_mosaic.version = 14 : i64} {
  func.func @_tc_dense1_body(%arg0: i32, %arg1: memref<2x1000x128xf32, #tpu.memory_space<vmem>>, %arg2: memref<2x1000x128xf32, #tpu.memory_space<vmem>>, %arg3: memref<1000x128xf32, #tpu.memory_space<vmem>>, %arg4: memref<128x128xf32, #tpu.memory_space<vmem>>, %arg5: memref<128x128xf32, #tpu.memory_space<vmem>>, %arg6: memref<128x128xf32, #tpu.memory_space<vmem>>, %arg7: memref<128x128xf32, #tpu.memory_space<vmem>>, %arg8: memref<1000x128xf32, #tpu.memory_space<vmem>>, %arg9: memref<1000x128xf32, #tpu.memory_space<vmem>>) attributes {dimension_semantics = [#tpu.dimension_semantics<arbitrary>], iteration_bounds = array<i64: 10>, scalar_prefetch = 0 : i64, scratch_operands = 0 : i64, tpu.core_type = #tpu.core_type<tc>, window_params = [{transform_indices = @transform_0, window_bounds = array<i64: 2, 1000, 128>}, {transform_indices = @transform_1, window_bounds = array<i64: 2, 1000, 128>}, {transform_indices = @transform_2, window_bounds = array<i64: 1000, 128>}, {pipeline_mode = #tpu.pipeline_mode<synchronous>, transform_indices = @transform_3, window_bounds = array<i64: 128, 128>}, {pipeline_mode = #tpu.pipeline_mode<synchronous>, transform_indices = @transform_4, window_bounds = array<i64: 128, 128>}, {pipeline_mode = #tpu.pipeline_mode<synchronous>, transform_indices = @transform_5, window_bounds = array<i64: 128, 128>}, {pipeline_mode = #tpu.pipeline_mode<synchronous>, transform_indices = @transform_6, window_bounds = array<i64: 128, 128>}, {transform_indices = @transform_7, window_bounds = array<i64: 1000, 128>}, {transform_indices = @transform_8, window_bounds = array<i64: 1000, 128>}]} {
    %get3A = arith.constant 0 : index
    %get3A_0 = arith.constant 0 : index
    %get3A_1 = arith.constant 0 : index
    %get3A_2 = vector.load %arg2[%get3A, %get3A_0, %get3A_1] : memref<2x1000x128xf32, #tpu.memory_space<vmem>>, vector<1x1000x128xf32>
    %get3A_3 = vector.shape_cast %get3A_2 : vector<1x1000x128xf32> to vector<1000x128xf32>
    %slice3A = vector.extract_strided_slice %get3A_3 {offsets = [0, 0], sizes = [1000, 1], strides = [1, 1]} : vector<1000x128xf32> to vector<1000x1xf32>
    %get3A_4 = arith.constant 1 : index
    %get3A_5 = arith.constant 0 : index
    %get3A_6 = arith.constant 0 : index
    %get3A_7 = vector.load %arg2[%get3A_4, %get3A_5, %get3A_6] : memref<2x1000x128xf32, #tpu.memory_space<vmem>>, vector<1x1000x128xf32>
    %get3A_8 = vector.shape_cast %get3A_7 : vector<1x1000x128xf32> to vector<1000x128xf32>
    %slice3A_9 = vector.extract_strided_slice %get3A_8 {offsets = [0, 0], sizes = [1000, 1], strides = [1, 1]} : vector<1000x128xf32> to vector<1000x1xf32>
    %add3A = arith.addf %slice3A, %slice3A_9 : vector<1000x1xf32>
    %gt3A = arith.constant 0.000000e+00 : f32
    %gt3A_10 = vector.broadcast %gt3A : f32 to vector<1000x1xf32>
    %gt3A_11 = arith.cmpf ogt, %add3A, %gt3A_10 : vector<1000x1xf32>
    %rsqrt3A = math.rsqrt %add3A : vector<1000x1xf32>
    %jit3A = arith.constant 0.000000e+00 : f32
    %broadcast_in_dim3A = vector.broadcast %jit3A : f32 to vector<1000x1xf32>
    %select_n3A = arith.select %gt3A_11, %rsqrt3A, %broadcast_in_dim3A : vector<1000x1xi1>, vector<1000x1xf32>
    %get3A_12 = arith.constant 0 : index
    %get3A_13 = arith.constant 0 : index
    %get3A_14 = vector.load %arg3[%get3A_12, %get3A_13] : memref<1000x128xf32, #tpu.memory_space<vmem>>, vector<1000x128xf32>
    %get3A_15 = arith.constant 0 : index
    %get3A_16 = arith.constant 0 : index
    %get3A_17 = arith.constant 0 : index
    %get3A_18 = vector.load %arg1[%get3A_15, %get3A_16, %get3A_17] : memref<2x1000x128xf32, #tpu.memory_space<vmem>>, vector<1x1000x128xf32>
    %get3A_19 = vector.shape_cast %get3A_18 : vector<1x1000x128xf32> to vector<1000x128xf32>
    %get3A_20 = arith.constant 1 : index
    %get3A_21 = arith.constant 0 : index
    %get3A_22 = arith.constant 0 : index
    %get3A_23 = vector.load %arg1[%get3A_20, %get3A_21, %get3A_22] : memref<2x1000x128xf32, #tpu.memory_space<vmem>>, vector<1x1000x128xf32>
    %get3A_24 = vector.shape_cast %get3A_23 : vector<1x1000x128xf32> to vector<1000x128xf32>
    %add3A_25 = arith.addf %get3A_19, %get3A_24 : vector<1000x128xf32>
    %mul3A = vector.broadcast %select_n3A : vector<1000x1xf32> to vector<1000x128xf32>
    %mul3A_26 = arith.mulf %mul3A, %add3A_25 : vector<1000x128xf32>
    %sub3A = arith.subf %get3A_14, %mul3A_26 : vector<1000x128xf32>
    %get3A_27 = arith.constant 0 : index
    %get3A_28 = arith.constant 0 : index
    %get3A_29 = vector.load %arg4[%get3A_27, %get3A_28] : memref<128x128xf32, #tpu.memory_space<vmem>>, vector<128x128xf32>
    %dot_general3A = arith.constant dense<0.000000e+00> : vector<1000x128xf32>
    %dot_general3A_30 = tpu.matmul %get3A_14, %get3A_29, %dot_general3A {dimension_numbers = #tpu.dot_dimension_numbers<[1], [0], [0], [1], [0, 0, 1, 1], [], []>, transpose_lhs_hint = false} : vector<1000x128xf32>, vector<128x128xf32>, vector<1000x128xf32> -> vector<1000x128xf32>
    %get3A_31 = arith.constant 0 : index
    %get3A_32 = arith.constant 0 : index
    %get3A_33 = vector.load %arg5[%get3A_31, %get3A_32] : memref<128x128xf32, #tpu.memory_space<vmem>>, vector<128x128xf32>
    %dot_general3A_34 = arith.constant dense<0.000000e+00> : vector<1000x128xf32>
    %dot_general3A_35 = tpu.matmul %sub3A, %get3A_33, %dot_general3A_34 {dimension_numbers = #tpu.dot_dimension_numbers<[1], [0], [0], [1], [0, 0, 1, 1], [], []>, transpose_lhs_hint = false} : vector<1000x128xf32>, vector<128x128xf32>, vector<1000x128xf32> -> vector<1000x128xf32>
    %add3A_36 = arith.addf %dot_general3A_30, %dot_general3A_35 : vector<1000x128xf32>
    %swap3A = arith.constant 0 : index
    %swap3A_37 = arith.constant 0 : index
    %swap3A_38 = vector.load %arg8[%swap3A, %swap3A_37] : memref<1000x128xf32, #tpu.memory_space<vmem>>, vector<1000x128xf32>
    tpu.vector_store %arg8[%swap3A, %swap3A_37], %add3A_36 {strides = array<i32>} : memref<1000x128xf32, #tpu.memory_space<vmem>>, vector<1000x128xf32>,
    %get3A_39 = arith.constant 0 : index
    %get3A_40 = arith.constant 0 : index
    %get3A_41 = vector.load %arg6[%get3A_39, %get3A_40] : memref<128x128xf32, #tpu.memory_space<vmem>>, vector<128x128xf32>
    %dot_general3A_42 = arith.constant dense<0.000000e+00> : vector<1000x128xf32>
    %dot_general3A_43 = tpu.matmul %get3A_14, %get3A_41, %dot_general3A_42 {dimension_numbers = #tpu.dot_dimension_numbers<[1], [0], [0], [1], [0, 0, 1, 1], [], []>, transpose_lhs_hint = false} : vector<1000x128xf32>, vector<128x128xf32>, vector<1000x128xf32> -> vector<1000x128xf32>
    %get3A_44 = arith.constant 0 : index
    %get3A_45 = arith.constant 0 : index
    %get3A_46 = vector.load %arg7[%get3A_44, %get3A_45] : memref<128x128xf32, #tpu.memory_space<vmem>>, vector<128x128xf32>
    %dot_general3A_47 = arith.constant dense<0.000000e+00> : vector<1000x128xf32>
    %dot_general3A_48 = tpu.matmul %sub3A, %get3A_46, %dot_general3A_47 {dimension_numbers = #tpu.dot_dimension_numbers<[1], [0], [0], [1], [0, 0, 1, 1], [], []>, transpose_lhs_hint = false} : vector<1000x128xf32>, vector<128x128xf32>, vector<1000x128xf32> -> vector<1000x128xf32>
    %add3A_49 = arith.addf %dot_general3A_43, %dot_general3A_48 : vector<1000x128xf32>
    %swap3A_50 = arith.constant 0 : index
    %swap3A_51 = arith.constant 0 : index
    %swap3A_52 = vector.load %arg9[%swap3A_50, %swap3A_51] : memref<1000x128xf32, #tpu.memory_space<vmem>>, vector<1000x128xf32>
    tpu.vector_store %arg9[%swap3A_50, %swap3A_51], %add3A_49 {strides = array<i32>} : memref<1000x128xf32, #tpu.memory_space<vmem>>, vector<1000x128xf32>,
    return
  }
  func.func @transform_0(%arg0: i32) -> (i32, i32, i32) {
    %c0_i32 = arith.constant 0 : i32
    %c0_i32_0 = arith.constant 0 : i32
    %c0_i32_1 = arith.constant 0 : i32
    return %c0_i32, %arg0, %c0_i32_0 : i32, i32, i32
  }
  func.func @transform_1(%arg0: i32) -> (i32, i32, i32) {
    %c0_i32 = arith.constant 0 : i32
    %c0_i32_0 = arith.constant 0 : i32
    %c0_i32_1 = arith.constant 0 : i32
    return %c0_i32, %arg0, %c0_i32_0 : i32, i32, i32
  }
  func.func @transform_2(%arg0: i32) -> (i32, i32) {
    %c0_i32 = arith.constant 0 : i32
    %c0_i32_0 = arith.constant 0 : i32
    return %arg0, %c0_i32 : i32, i32
  }
  func.func @transform_3(%arg0: i32) -> (i32, i32) {
    %c0_i32 = arith.constant 0 : i32
    %c0_i32_0 = arith.constant 0 : i32
    %c0_i32_1 = arith.constant 0 : i32
    return %c0_i32, %c0_i32_0 : i32, i32
  }
  func.func @transform_4(%arg0: i32) -> (i32, i32) {
    %c0_i32 = arith.constant 0 : i32
    %c0_i32_0 = arith.constant 0 : i32
    %c0_i32_1 = arith.constant 0 : i32
    return %c0_i32, %c0_i32_0 : i32, i32
  }
  func.func @transform_5(%arg0: i32) -> (i32, i32) {
    %c0_i32 = arith.constant 0 : i32
    %c0_i32_0 = arith.constant 0 : i32
    %c0_i32_1 = arith.constant 0 : i32
    return %c0_i32, %c0_i32_0 : i32, i32
  }
  func.func @transform_6(%arg0: i32) -> (i32, i32) {
    %c0_i32 = arith.constant 0 : i32
    %c0_i32_0 = arith.constant 0 : i32
    %c0_i32_1 = arith.constant 0 : i32
    return %c0_i32, %c0_i32_0 : i32, i32
  }
  func.func @transform_7(%arg0: i32) -> (i32, i32) {
    %c0_i32 = arith.constant 0 : i32
    %c0_i32_0 = arith.constant 0 : i32
    return %arg0, %c0_i32 : i32, i32
  }
  func.func @transform_8(%arg0: i32) -> (i32, i32) {
    %c0_i32 = arith.constant 0 : i32
    %c0_i32_0 = arith.constant 0 : i32
    return %arg0, %c0_i32 : i32, i32
  }
}

module attributes {stable_mosaic.version = 14 : i64} {
  func.func @_tc_dense2_body(%arg0: i32, %arg1: memref<2x1000x128xf32, #tpu.memory_space<vmem>>, %arg2: memref<2x1000x128xf32, #tpu.memory_space<vmem>>, %arg3: memref<1000x128xf32, #tpu.memory_space<vmem>>, %arg4: memref<1x128xf32, #tpu.memory_space<vmem>>, %arg5: memref<128x128xf32, #tpu.memory_space<vmem>>, %arg6: memref<128x128xf32, #tpu.memory_space<vmem>>, %arg7: memref<1000x128xf32, #tpu.memory_space<vmem>>, %arg8: memref<1000x128xf32, #tpu.memory_space<vmem>>) attributes {dimension_semantics = [#tpu.dimension_semantics<arbitrary>], iteration_bounds = array<i64: 10>, scalar_prefetch = 0 : i64, scratch_operands = 0 : i64, tpu.core_type = #tpu.core_type<tc>, window_params = [{transform_indices = @transform_0, window_bounds = array<i64: 2, 1000, 128>}, {transform_indices = @transform_1, window_bounds = array<i64: 2, 1000, 128>}, {transform_indices = @transform_2, window_bounds = array<i64: 1000, 128>}, {pipeline_mode = #tpu.pipeline_mode<synchronous>, transform_indices = @transform_3, window_bounds = array<i64: 1, 128>}, {pipeline_mode = #tpu.pipeline_mode<synchronous>, transform_indices = @transform_4, window_bounds = array<i64: 128, 128>}, {pipeline_mode = #tpu.pipeline_mode<synchronous>, transform_indices = @transform_5, window_bounds = array<i64: 128, 128>}, {transform_indices = @transform_6, window_bounds = array<i64: 1000, 128>}, {transform_indices = @transform_7, window_bounds = array<i64: 1000, 128>}]} {
    %get3A = arith.constant 0 : index
    %get3A_0 = arith.constant 0 : index
    %get3A_1 = arith.constant 0 : index
    %get3A_2 = vector.load %arg2[%get3A, %get3A_0, %get3A_1] : memref<2x1000x128xf32, #tpu.memory_space<vmem>>, vector<1x1000x128xf32>
    %get3A_3 = vector.shape_cast %get3A_2 : vector<1x1000x128xf32> to vector<1000x128xf32>
    %slice3A = vector.extract_strided_slice %get3A_3 {offsets = [0, 0], sizes = [1000, 1], strides = [1, 1]} : vector<1000x128xf32> to vector<1000x1xf32>
    %get3A_4 = arith.constant 1 : index
    %get3A_5 = arith.constant 0 : index
    %get3A_6 = arith.constant 0 : index
    %get3A_7 = vector.load %arg2[%get3A_4, %get3A_5, %get3A_6] : memref<2x1000x128xf32, #tpu.memory_space<vmem>>, vector<1x1000x128xf32>
    %get3A_8 = vector.shape_cast %get3A_7 : vector<1x1000x128xf32> to vector<1000x128xf32>
    %slice3A_9 = vector.extract_strided_slice %get3A_8 {offsets = [0, 0], sizes = [1000, 1], strides = [1, 1]} : vector<1000x128xf32> to vector<1000x1xf32>
    %add3A = arith.addf %slice3A, %slice3A_9 : vector<1000x1xf32>
    %max3A = arith.constant 1.000000e+00 : f32
    %max3A_10 = vector.broadcast %max3A : f32 to vector<1000x1xf32>
    %max3A_11 = arith.maximumf %add3A, %max3A_10 : vector<1000x1xf32>
    %get3A_12 = arith.constant 0 : index
    %get3A_13 = arith.constant 0 : index
    %get3A_14 = arith.constant 0 : index
    %get3A_15 = vector.load %arg1[%get3A_12, %get3A_13, %get3A_14] : memref<2x1000x128xf32, #tpu.memory_space<vmem>>, vector<1x1000x128xf32>
    %get3A_16 = vector.shape_cast %get3A_15 : vector<1x1000x128xf32> to vector<1000x128xf32>
    %get3A_17 = arith.constant 1 : index
    %get3A_18 = arith.constant 0 : index
    %get3A_19 = arith.constant 0 : index
    %get3A_20 = vector.load %arg1[%get3A_17, %get3A_18, %get3A_19] : memref<2x1000x128xf32, #tpu.memory_space<vmem>>, vector<1x1000x128xf32>
    %get3A_21 = vector.shape_cast %get3A_20 : vector<1x1000x128xf32> to vector<1000x128xf32>
    %add3A_22 = arith.addf %get3A_16, %get3A_21 : vector<1000x128xf32>
    %div3A = vector.broadcast %max3A_11 : vector<1000x1xf32> to vector<1000x128xf32>
    %div3A_23 = arith.divf %add3A_22, %div3A : vector<1000x128xf32>
    %get3A_24 = arith.constant 0 : index
    %get3A_25 = arith.constant 0 : index
    %get3A_26 = vector.load %arg4[%get3A_24, %get3A_25] : memref<1x128xf32, #tpu.memory_space<vmem>>, vector<1x128xf32>
    %add3A_27 = vector.broadcast %get3A_26 : vector<1x128xf32> to vector<1000x128xf32>
    %add3A_28 = arith.addf %div3A_23, %add3A_27 : vector<1000x128xf32>
    %get3A_29 = arith.constant 0 : index
    %get3A_30 = arith.constant 0 : index
    %get3A_31 = vector.load %arg3[%get3A_29, %get3A_30] : memref<1000x128xf32, #tpu.memory_space<vmem>>, vector<1000x128xf32>
    %add3A_32 = arith.addf %add3A_28, %get3A_31 : vector<1000x128xf32>
    %mul3A = arith.constant 5.000000e-01 : f32
    %mul3A_33 = vector.broadcast %mul3A : f32 to vector<1000x128xf32>
    %mul3A_34 = arith.mulf %mul3A_33, %add3A_32 : vector<1000x128xf32>
    %mul3A_35 = arith.constant 0.707106769 : f32
    %mul3A_36 = vector.broadcast %mul3A_35 : f32 to vector<1000x128xf32>
    %mul3A_37 = arith.mulf %add3A_32, %mul3A_36 : vector<1000x128xf32>
    %erf3A = math.erf %mul3A_37 : vector<1000x128xf32>
    %add3A_38 = arith.constant 1.000000e+00 : f32
    %add3A_39 = vector.broadcast %add3A_38 : f32 to vector<1000x128xf32>
    %add3A_40 = arith.addf %add3A_39, %erf3A : vector<1000x128xf32>
    %mul3A_41 = arith.mulf %mul3A_34, %add3A_40 : vector<1000x128xf32>
    %get3A_42 = arith.constant 0 : index
    %get3A_43 = arith.constant 0 : index
    %get3A_44 = vector.load %arg5[%get3A_42, %get3A_43] : memref<128x128xf32, #tpu.memory_space<vmem>>, vector<128x128xf32>
    %dot_general3A = arith.constant dense<0.000000e+00> : vector<1000x128xf32>
    %dot_general3A_45 = tpu.matmul %mul3A_41, %get3A_44, %dot_general3A {dimension_numbers = #tpu.dot_dimension_numbers<[1], [0], [0], [1], [0, 0, 1, 1], [], []>, transpose_lhs_hint = false} : vector<1000x128xf32>, vector<128x128xf32>, vector<1000x128xf32> -> vector<1000x128xf32>
    %swap3A = arith.constant 0 : index
    %swap3A_46 = arith.constant 0 : index
    %swap3A_47 = vector.load %arg7[%swap3A, %swap3A_46] : memref<1000x128xf32, #tpu.memory_space<vmem>>, vector<1000x128xf32>
    tpu.vector_store %arg7[%swap3A, %swap3A_46], %dot_general3A_45 {strides = array<i32>} : memref<1000x128xf32, #tpu.memory_space<vmem>>, vector<1000x128xf32>,
    %get3A_48 = arith.constant 0 : index
    %get3A_49 = arith.constant 0 : index
    %get3A_50 = vector.load %arg6[%get3A_48, %get3A_49] : memref<128x128xf32, #tpu.memory_space<vmem>>, vector<128x128xf32>
    %dot_general3A_51 = arith.constant dense<0.000000e+00> : vector<1000x128xf32>
    %dot_general3A_52 = tpu.matmul %mul3A_41, %get3A_50, %dot_general3A_51 {dimension_numbers = #tpu.dot_dimension_numbers<[1], [0], [0], [1], [0, 0, 1, 1], [], []>, transpose_lhs_hint = false} : vector<1000x128xf32>, vector<128x128xf32>, vector<1000x128xf32> -> vector<1000x128xf32>
    %swap3A_53 = arith.constant 0 : index
    %swap3A_54 = arith.constant 0 : index
    %swap3A_55 = vector.load %arg8[%swap3A_53, %swap3A_54] : memref<1000x128xf32, #tpu.memory_space<vmem>>, vector<1000x128xf32>
    tpu.vector_store %arg8[%swap3A_53, %swap3A_54], %dot_general3A_52 {strides = array<i32>} : memref<1000x128xf32, #tpu.memory_space<vmem>>, vector<1000x128xf32>,
    return
  }
  func.func @transform_0(%arg0: i32) -> (i32, i32, i32) {
    %c0_i32 = arith.constant 0 : i32
    %c0_i32_0 = arith.constant 0 : i32
    %c0_i32_1 = arith.constant 0 : i32
    return %c0_i32, %arg0, %c0_i32_0 : i32, i32, i32
  }
  func.func @transform_1(%arg0: i32) -> (i32, i32, i32) {
    %c0_i32 = arith.constant 0 : i32
    %c0_i32_0 = arith.constant 0 : i32
    %c0_i32_1 = arith.constant 0 : i32
    return %c0_i32, %arg0, %c0_i32_0 : i32, i32, i32
  }
  func.func @transform_2(%arg0: i32) -> (i32, i32) {
    %c0_i32 = arith.constant 0 : i32
    %c0_i32_0 = arith.constant 0 : i32
    return %arg0, %c0_i32 : i32, i32
  }
  func.func @transform_3(%arg0: i32) -> (i32, i32) {
    %c0_i32 = arith.constant 0 : i32
    %c0_i32_0 = arith.constant 0 : i32
    %c0_i32_1 = arith.constant 0 : i32
    return %c0_i32, %c0_i32_0 : i32, i32
  }
  func.func @transform_4(%arg0: i32) -> (i32, i32) {
    %c0_i32 = arith.constant 0 : i32
    %c0_i32_0 = arith.constant 0 : i32
    %c0_i32_1 = arith.constant 0 : i32
    return %c0_i32, %c0_i32_0 : i32, i32
  }
  func.func @transform_5(%arg0: i32) -> (i32, i32) {
    %c0_i32 = arith.constant 0 : i32
    %c0_i32_0 = arith.constant 0 : i32
    %c0_i32_1 = arith.constant 0 : i32
    return %c0_i32, %c0_i32_0 : i32, i32
  }
  func.func @transform_6(%arg0: i32) -> (i32, i32) {
    %c0_i32 = arith.constant 0 : i32
    %c0_i32_0 = arith.constant 0 : i32
    return %arg0, %c0_i32 : i32, i32
  }
  func.func @transform_7(%arg0: i32) -> (i32, i32) {
    %c0_i32 = arith.constant 0 : i32
    %c0_i32_0 = arith.constant 0 : i32
    return %arg0, %c0_i32 : i32, i32
  }
}

module attributes {stable_mosaic.version = 14 : i64} {
  func.func @_tc_pool_body(%arg0: i32, %arg1: memref<2x1000x128xf32, #tpu.memory_space<vmem>>, %arg2: memref<2x1000x128xf32, #tpu.memory_space<vmem>>, %arg3: memref<1000x128xf32, #tpu.memory_space<vmem>>, %arg4: memref<1x128xf32, #tpu.memory_space<vmem>>, %arg5: memref<1x1x1000xi32, #tpu.memory_space<vmem>>, %arg6: memref<16x128xf32, #tpu.memory_space<vmem>>, %arg7: memref<16x128xf32, #tpu.memory_space<vmem>>, %arg8: memref<16x1xf32, #tpu.memory_space<vmem>>) attributes {dimension_semantics = [#tpu.dimension_semantics<arbitrary>], iteration_bounds = array<i64: 10>, scalar_prefetch = 0 : i64, scratch_operands = 2 : i64, tpu.core_type = #tpu.core_type<tc>, window_params = [{transform_indices = @transform_0, window_bounds = array<i64: 2, 1000, 128>}, {transform_indices = @transform_1, window_bounds = array<i64: 2, 1000, 128>}, {transform_indices = @transform_2, window_bounds = array<i64: 1000, 128>}, {pipeline_mode = #tpu.pipeline_mode<synchronous>, transform_indices = @transform_3, window_bounds = array<i64: 1, 128>}, {transform_indices = @transform_4, window_bounds = array<i64: 1, 1, 1000>}, {pipeline_mode = #tpu.pipeline_mode<synchronous>, transform_indices = @transform_5, window_bounds = array<i64: 16, 128>}]} {
    %get3A = arith.constant 0 : index
    %get3A_0 = arith.constant 0 : index
    %get3A_1 = arith.constant 0 : index
    %get3A_2 = vector.load %arg2[%get3A, %get3A_0, %get3A_1] : memref<2x1000x128xf32, #tpu.memory_space<vmem>>, vector<1x1000x128xf32>
    %get3A_3 = vector.shape_cast %get3A_2 : vector<1x1000x128xf32> to vector<1000x128xf32>
    %slice3A = vector.extract_strided_slice %get3A_3 {offsets = [0, 0], sizes = [1000, 1], strides = [1, 1]} : vector<1000x128xf32> to vector<1000x1xf32>
    %get3A_4 = arith.constant 1 : index
    %get3A_5 = arith.constant 0 : index
    %get3A_6 = arith.constant 0 : index
    %get3A_7 = vector.load %arg2[%get3A_4, %get3A_5, %get3A_6] : memref<2x1000x128xf32, #tpu.memory_space<vmem>>, vector<1x1000x128xf32>
    %get3A_8 = vector.shape_cast %get3A_7 : vector<1x1000x128xf32> to vector<1000x128xf32>
    %slice3A_9 = vector.extract_strided_slice %get3A_8 {offsets = [0, 0], sizes = [1000, 1], strides = [1, 1]} : vector<1000x128xf32> to vector<1000x1xf32>
    %add3A = arith.addf %slice3A, %slice3A_9 : vector<1000x1xf32>
    %max3A = arith.constant 1.000000e+00 : f32
    %max3A_10 = vector.broadcast %max3A : f32 to vector<1000x1xf32>
    %max3A_11 = arith.maximumf %add3A, %max3A_10 : vector<1000x1xf32>
    %get3A_12 = arith.constant 0 : index
    %get3A_13 = arith.constant 0 : index
    %get3A_14 = arith.constant 0 : index
    %get3A_15 = vector.load %arg1[%get3A_12, %get3A_13, %get3A_14] : memref<2x1000x128xf32, #tpu.memory_space<vmem>>, vector<1x1000x128xf32>
    %get3A_16 = vector.shape_cast %get3A_15 : vector<1x1000x128xf32> to vector<1000x128xf32>
    %get3A_17 = arith.constant 1 : index
    %get3A_18 = arith.constant 0 : index
    %get3A_19 = arith.constant 0 : index
    %get3A_20 = vector.load %arg1[%get3A_17, %get3A_18, %get3A_19] : memref<2x1000x128xf32, #tpu.memory_space<vmem>>, vector<1x1000x128xf32>
    %get3A_21 = vector.shape_cast %get3A_20 : vector<1x1000x128xf32> to vector<1000x128xf32>
    %add3A_22 = arith.addf %get3A_16, %get3A_21 : vector<1000x128xf32>
    %div3A = vector.broadcast %max3A_11 : vector<1000x1xf32> to vector<1000x128xf32>
    %div3A_23 = arith.divf %add3A_22, %div3A : vector<1000x128xf32>
    %get3A_24 = arith.constant 0 : index
    %get3A_25 = arith.constant 0 : index
    %get3A_26 = vector.load %arg4[%get3A_24, %get3A_25] : memref<1x128xf32, #tpu.memory_space<vmem>>, vector<1x128xf32>
    %add3A_27 = vector.broadcast %get3A_26 : vector<1x128xf32> to vector<1000x128xf32>
    %add3A_28 = arith.addf %div3A_23, %add3A_27 : vector<1000x128xf32>
    %get3A_29 = arith.constant 0 : index
    %get3A_30 = arith.constant 0 : index
    %get3A_31 = vector.load %arg3[%get3A_29, %get3A_30] : memref<1000x128xf32, #tpu.memory_space<vmem>>, vector<1000x128xf32>
    %add3A_32 = arith.addf %add3A_28, %get3A_31 : vector<1000x128xf32>
    %get3A_33 = arith.constant 0 : index
    %get3A_34 = arith.constant 0 : index
    %get3A_35 = arith.constant 0 : index
    %get3A_36 = vector.load %arg5[%get3A_33, %get3A_34, %get3A_35] : memref<1x1x1000xi32, #tpu.memory_space<vmem>>, vector<1x1x1000xi32>
    %get3A_37 = vector.shape_cast %get3A_36 : vector<1x1x1000xi32> to vector<1x1000xi32>
    %iota3A = tpu.iota {dimensions = array<i32: 0>} : vector<16x1000xi32>
    %eq3A = vector.broadcast %get3A_37 : vector<1x1000xi32> to vector<16x1000xi32>
    %eq3A_38 = arith.cmpi eq, %eq3A, %iota3A : vector<16x1000xi32>
    %convert_element_type3A = arith.extui %eq3A_38 : vector<16x1000xi1> to vector<16x1000xi32>
    %convert_element_type3A_39 = arith.sitofp %convert_element_type3A : vector<16x1000xi32> to vector<16x1000xf32>
    %dot_general3A = arith.constant dense<0.000000e+00> : vector<16x128xf32>
    %dot_general3A_40 = tpu.matmul %convert_element_type3A_39, %add3A_32, %dot_general3A {dimension_numbers = #tpu.dot_dimension_numbers<[1], [0], [0], [1], [0, 0, 1, 1], [], []>, transpose_lhs_hint = false} : vector<16x1000xf32>, vector<1000x128xf32>, vector<16x128xf32> -> vector<16x128xf32>
    %reduce_sum3A = arith.constant dense<0.000000e+00> : vector<16xf32>
    %reduce_sum3A_41 = vector.multi_reduction <add>, %convert_element_type3A_39, %reduce_sum3A [1] : vector<16x1000xf32> to vector<16xf32>
    %broadcast_in_dim3A = vector.shape_cast %reduce_sum3A_41 : vector<16xf32> to vector<16x1xf32>
    %eq3A_42 = arith.constant 0 : i32
    %eq3A_43 = arith.cmpi eq, %arg0, %eq3A_42 : i32
    %convert_element_type3A_44 = arith.extui %eq3A_43 : i1 to i32
    %cond3A = arith.constant 0 : i32
    %cond3A_45 = arith.cmpi ne, %convert_element_type3A_44, %cond3A : i32
    scf.if %cond3A_45 {
      %swap3A = arith.constant 0 : index
      %swap3A_55 = arith.constant 0 : index
      %swap3A_56 = vector.load %arg7[%swap3A, %swap3A_55] : memref<16x128xf32, #tpu.memory_space<vmem>>, vector<16x128xf32>
      tpu.vector_store %arg7[%swap3A, %swap3A_55], %dot_general3A_40 {strides = array<i32>} : memref<16x128xf32, #tpu.memory_space<vmem>>, vector<16x128xf32>,
      %broadcast_in_dim3A_57 = arith.constant 0.000000e+00 : f32
      %broadcast_in_dim3A_58 = vector.broadcast %broadcast_in_dim3A_57 : f32 to vector<16x1xf32>
      %add3A_59 = arith.addf %broadcast_in_dim3A_58, %broadcast_in_dim3A : vector<16x1xf32>
      %swap3A_60 = arith.constant 0 : index
      %swap3A_61 = arith.constant 0 : index
      %swap3A_62 = vector.load %arg8[%swap3A_60, %swap3A_61] : memref<16x1xf32, #tpu.memory_space<vmem>>, vector<16x1xf32>
      tpu.vector_store %arg8[%swap3A_60, %swap3A_61], %add3A_59 {strides = array<i32>} : memref<16x1xf32, #tpu.memory_space<vmem>>, vector<16x1xf32>,
    } else {
    }
    %gt3A = arith.constant 0 : i32
    %gt3A_46 = arith.cmpi sgt, %arg0, %gt3A : i32
    %convert_element_type3A_47 = arith.extui %gt3A_46 : i1 to i32
    %cond3A_48 = arith.constant 0 : i32
    %cond3A_49 = arith.cmpi ne, %convert_element_type3A_47, %cond3A_48 : i32
    scf.if %cond3A_49 {
      %get3A_55 = arith.constant 0 : index
      %get3A_56 = arith.constant 0 : index
      %get3A_57 = vector.load %arg7[%get3A_55, %get3A_56] : memref<16x128xf32, #tpu.memory_space<vmem>>, vector<16x128xf32>
      %add3A_58 = arith.addf %get3A_57, %dot_general3A_40 : vector<16x128xf32>
      %swap3A = arith.constant 0 : index
      %swap3A_59 = arith.constant 0 : index
      %swap3A_60 = vector.load %arg7[%swap3A, %swap3A_59] : memref<16x128xf32, #tpu.memory_space<vmem>>, vector<16x128xf32>
      tpu.vector_store %arg7[%swap3A, %swap3A_59], %add3A_58 {strides = array<i32>} : memref<16x128xf32, #tpu.memory_space<vmem>>, vector<16x128xf32>,
      %get3A_61 = arith.constant 0 : index
      %get3A_62 = arith.constant 0 : index
      %get3A_63 = vector.load %arg8[%get3A_61, %get3A_62] : memref<16x1xf32, #tpu.memory_space<vmem>>, vector<16x1xf32>
      %add3A_64 = arith.addf %get3A_63, %broadcast_in_dim3A : vector<16x1xf32>
      %swap3A_65 = arith.constant 0 : index
      %swap3A_66 = arith.constant 0 : index
      %swap3A_67 = vector.load %arg8[%swap3A_65, %swap3A_66] : memref<16x1xf32, #tpu.memory_space<vmem>>, vector<16x1xf32>
      tpu.vector_store %arg8[%swap3A_65, %swap3A_66], %add3A_64 {strides = array<i32>} : memref<16x1xf32, #tpu.memory_space<vmem>>, vector<16x1xf32>,
    } else {
    }
    %eq3A_50 = arith.constant 9 : i32
    %eq3A_51 = arith.cmpi eq, %arg0, %eq3A_50 : i32
    %convert_element_type3A_52 = arith.extui %eq3A_51 : i1 to i32
    %cond3A_53 = arith.constant 0 : i32
    %cond3A_54 = arith.cmpi ne, %convert_element_type3A_52, %cond3A_53 : i32
    scf.if %cond3A_54 {
      %get3A_55 = arith.constant 0 : index
      %get3A_56 = arith.constant 0 : index
      %get3A_57 = vector.load %arg7[%get3A_55, %get3A_56] : memref<16x128xf32, #tpu.memory_space<vmem>>, vector<16x128xf32>
      %get3A_58 = arith.constant 0 : index
      %get3A_59 = arith.constant 0 : index
      %get3A_60 = vector.load %arg8[%get3A_58, %get3A_59] : memref<16x1xf32, #tpu.memory_space<vmem>>, vector<16x1xf32>
      %max3A_61 = arith.constant 1.000000e+00 : f32
      %max3A_62 = vector.broadcast %max3A_61 : f32 to vector<16x1xf32>
      %max3A_63 = arith.maximumf %get3A_60, %max3A_62 : vector<16x1xf32>
      %div3A_64 = vector.broadcast %max3A_63 : vector<16x1xf32> to vector<16x128xf32>
      %div3A_65 = arith.divf %get3A_57, %div3A_64 : vector<16x128xf32>
      %swap3A = arith.constant 0 : index
      %swap3A_66 = arith.constant 0 : index
      %swap3A_67 = vector.load %arg6[%swap3A, %swap3A_66] : memref<16x128xf32, #tpu.memory_space<vmem>>, vector<16x128xf32>
      tpu.vector_store %arg6[%swap3A, %swap3A_66], %div3A_65 {strides = array<i32>} : memref<16x128xf32, #tpu.memory_space<vmem>>, vector<16x128xf32>,
    } else {
    }
    return
  }
  func.func @transform_0(%arg0: i32) -> (i32, i32, i32) {
    %c0_i32 = arith.constant 0 : i32
    %c0_i32_0 = arith.constant 0 : i32
    %c0_i32_1 = arith.constant 0 : i32
    return %c0_i32, %arg0, %c0_i32_0 : i32, i32, i32
  }
  func.func @transform_1(%arg0: i32) -> (i32, i32, i32) {
    %c0_i32 = arith.constant 0 : i32
    %c0_i32_0 = arith.constant 0 : i32
    %c0_i32_1 = arith.constant 0 : i32
    return %c0_i32, %arg0, %c0_i32_0 : i32, i32, i32
  }
  func.func @transform_2(%arg0: i32) -> (i32, i32) {
    %c0_i32 = arith.constant 0 : i32
    %c0_i32_0 = arith.constant 0 : i32
    return %arg0, %c0_i32 : i32, i32
  }
  func.func @transform_3(%arg0: i32) -> (i32, i32) {
    %c0_i32 = arith.constant 0 : i32
    %c0_i32_0 = arith.constant 0 : i32
    %c0_i32_1 = arith.constant 0 : i32
    return %c0_i32, %c0_i32_0 : i32, i32
  }
  func.func @transform_4(%arg0: i32) -> (i32, i32, i32) {
    %c0_i32 = arith.constant 0 : i32
    %c0_i32_0 = arith.constant 0 : i32
    %c0_i32_1 = arith.constant 0 : i32
    return %arg0, %c0_i32, %c0_i32_0 : i32, i32, i32
  }
  func.func @transform_5(%arg0: i32) -> (i32, i32) {
    %c0_i32 = arith.constant 0 : i32
    %c0_i32_0 = arith.constant 0 : i32
    %c0_i32_1 = arith.constant 0 : i32
    return %c0_i32, %c0_i32_0 : i32, i32
  }
}

</mosaic_0001>

<sc_bundles>
// kernel: kernel.11.cloned.1.call-start
scs
__scs_entry_jumppad:
0x0: {  	(pc) =	sbr.rel $0x88, $3  }
0x1: {  	(tag) =	ssettag $0x0;
	lr =	simm.s32 $0x1  }
0x2: {  	[smem:$0x3F98] =	sst lr;
	_ =	strace $0xD0000000  }
0x3: {  	_ = 	snop  }
0x4: {  	_ = 	snop  }
0x5: {  	_ = 	snop  }
0x6: {  	_ = 	snop  }
0x7: {  	_ = 	snop  }
__scs_overlays_trampoline_lowered:
0x8: {  	[smem:$0x3FA7] =	sst s0  }
0x9: {  	[smem:$0x3FA8] =	sst s1  }
0xa: {  	[smem:$0x3FA9] =	sst s2  }
0xb: {  	[smem:$0x3FAA] =	sst s3  }
0xc: {  	[smem:$0x3FAB] =	sst s4  }
0xd: {  	[smem:$0x3FAC] =	sst s5  }
0xe: {  	[smem:$0x3FAD] =	sst s6  }
0xf: {  	[smem:$0x3FAE] =	sst s7  }
0x10: {  	[smem:$0x3FAF] =	sst s8  }
0x11: {  	[smem:$0x3FB0] =	sst s9;
	s0 =	simm.s32 @!p0 $0x0  }
0x12: {  	s1 =	sld [smem:$0x3F96];
	s0 =	simm.s32 @p0 $0x1  }
0x13: {  	[smem:$0x3FB1] =	sst s0;
	s0 =	simm.s32 @!p1 $0x0  }
0x14: {  	s2 =	sld [smem:$0x3F95];
	s0 =	simm.s32 @p1 $0x1  }
0x15: {  	[smem:$0x3FB2] =	sst s0;
	s0 =	simm.s32 @!p2 $0x0  }
0x16: {  	s3 =	sld [smem:$0x3FDB];
	s0 =	simm.s32 @p2 $0x1  }
0x17: {  	s4 =	simm.s32 $0x1BF5;
	[smem:$0x3FB4] =	sst s0  }
0x18: {  	s0 =	sld [smem:$0x3F97];
	_ =	swait.ge [sflag:s4], $0x0  }
0x19: {  	s7 =	sld [smem:$0x3F98]  }
0x1a: {  	s8 =	sadd.s32 $0xFFFFE003, lr  }
0x1b: {  	s9 =	sadd.s32 $0xFFFFFEF7, lr;
	s5 =	simm.s32 $0xFFFFFFFF;
	p2 =	slt.u32 s8, $0xFFFFF086  }
0x1c: {  	p1 =	slt.u32 s9, $0xF7A;
	s5 =	simm.s32 @!p2 $0x0  }
0x1d: {  	s5 =	simm.s32 @p1 $0x1;
	p0 =	seq.s32 s7, s2  }
0x1e: {  	s7 =	smul.u32 @!p0 $0xF7A, s2;
	p2 =	seq.s32 @!p0 s5, $0x0  }
0x1f: {  	s9 =	smul.u32 $0xF7A, s1;
	s8 =	simm.s32 @!p0 $0x1BF5;
	p2 =	por !p2, p0  }
0x20: {  	[sflag:s8] =	ssyncset.s32 @!p0 $0xFFFFF086;
	s6 =	sadd.s32 @!p0 s3, s7;
	s7 =	simm.s32 @!p0 $0x108  }
0x21: {  	s3 =	sadd.s32 s3, s9;
	s6 =	sadd.s32 @!p0 $0x88, s6;
	s7 =	simm.s32 @p2 $0x1082  }
0x22: {  	[simem:s7], [sflag:s8] =	dma.local @!p0 [hbm:s6], $0xF7A  }
0x23: {  	s9 =	sor.u32 $0xD0000000, s2;
	s6 =	simm.s32 $0x108;
	_ =	swait.ge @!p0 [sflag:s8], $0x0  }
0x24: {  	s3 =	sadd.s32 $0x88, s3;
	s6 =	simm.s32 @!p1 $0x1082;
	[sflag:s4] =	ssyncset.s32 $0xFFFFF086  }
0x25: {  	[simem:s6], [sflag:s4] =	dma.local [hbm:s3], $0xF7A  }
0x26: {  	[smem:$0x3F98] =	sst s1;
	(tag) =	ssettag s2;
	_ =	strace s9  }
0x27: {  	s1 =	sld [smem:$0x3FA8]  }
0x28: {  	s2 =	sld [smem:$0x3FA9]  }
0x29: {  	s4 =	sld [smem:$0x3FAB]  }
0x2a: {  	p0 =	seq.s32 s5, $0x0;
	s5 =	sld [smem:$0x3FAC]  }
0x2b: {  	s6 =	sld [smem:$0x3FAD]  }
0x2c: {  	s7 =	sld [smem:$0x3FAE]  }
0x2d: {  	s3 =	simm.s32 $0x108;
	s8 =	sld [smem:$0x3FAF]  }
0x2e: {  	s3 =	simm.s32 @!p0 $0x1082;
	s9 =	sld [smem:$0x3FB0]  }
0x2f: {  	lr =	sadd.s32 s0, s3;
	s0 =	sld [smem:$0x3FA7]  }
0x30: {  	s3 =	sld [smem:$0x3FAA]  }
0x31: {  	[smem:$0x3FB3] =	sst s10  }
0x32: {  	s10 =	sld [smem:$0x3FB1];
	_ =	sdelay $0x3  }
0x33: {  	p0 =	seq.s32 s10, $0x1;
	s10 =	sld [smem:$0x3FB3];
	_ =	sdelay $0x3  }
0x34: {  	[smem:$0x3FB3] =	sst s10  }
0x35: {  	s10 =	sld [smem:$0x3FB2];
	_ =	sdelay $0x3  }
0x36: {  	p1 =	seq.s32 s10, $0x1;
	s10 =	sld [smem:$0x3FB3];
	_ =	sdelay $0x3  }
0x37: {  	[smem:$0x3FB3] =	sst s10  }
0x38: {  	s10 =	sld [smem:$0x3FB4]  }
0x39: {  	_ = 	snop;
	(pc) =	sbr.ind lr, $3  }
0x3a: {  	_ = 	snop  }
0x3b: {  	_ = 	snop  }
0x3c: {  	p2 =	seq.s32 s10, $0x1;
	s10 =	sld [smem:$0x3FB3]  }
0x3d: {  	_ =	shalt  }
0x3e: {  	_ =	shalt  }
0x3f: {  	_ =	shalt  }
0x40: {  	_ =	shalt  }
0x41: {  	_ =	shalt  }
0x42: {  	_ =	shalt  }
0x43: {  	_ =	shalt  }
0x44: {  	_ =	shalt  }
0x45: {  	_ =	shalt  }
0x46: {  	_ =	shalt  }
0x47: {  	_ =	shalt  }
0x48: {  	_ =	shalt  }
0x49: {  	_ =	shalt  }
0x4a: {  	_ =	shalt  }
0x4b: {  	_ =	shalt  }
0x4c: {  	_ =	shalt  }
0x4d: {  	_ =	shalt  }
0x4e: {  	_ =	shalt  }
0x4f: {  	_ =	shalt  }
0x50: {  	_ =	shalt  }
0x51: {  	_ =	shalt  }
0x52: {  	_ =	shalt  }
0x53: {  	_ =	shalt  }
0x54: {  	_ =	shalt  }
0x55: {  	_ =	shalt  }
0x56: {  	_ =	shalt  }
0x57: {  	_ =	shalt  }
0x58: {  	_ =	shalt  }
0x59: {  	_ =	shalt  }
0x5a: {  	_ =	shalt  }
0x5b: {  	_ =	shalt  }
0x5c: {  	_ =	shalt  }
0x5d: {  	_ =	shalt  }
0x5e: {  	_ =	shalt  }
0x5f: {  	_ =	shalt  }
0x60: {  	_ =	shalt  }
0x61: {  	_ =	shalt  }
0x62: {  	_ =	shalt  }
0x63: {  	_ =	shalt  }
0x64: {  	_ =	shalt  }
0x65: {  	_ =	shalt  }
0x66: {  	_ =	shalt  }
0x67: {  	_ =	shalt  }
0x68: {  	_ =	shalt  }
0x69: {  	_ =	shalt  }
0x6a: {  	_ =	shalt  }
0x6b: {  	_ =	shalt  }
0x6c: {  	_ =	shalt  }
0x6d: {  	_ =	shalt  }
0x6e: {  	_ =	shalt  }
0x6f: {  	_ =	shalt  }
0x70: {  	_ =	shalt  }
0x71: {  	_ =	shalt  }
0x72: {  	_ =	shalt  }
0x73: {  	_ =	shalt  }
0x74: {  	_ =	shalt  }
0x75: {  	_ =	shalt  }
0x76: {  	_ =	shalt  }
0x77: {  	_ =	shalt  }
0x78: {  	_ =	shalt  }
0x79: {  	_ =	shalt  }
0x7a: {  	_ =	shalt  }
0x7b: {  	_ =	shalt  }
0x7c: {  	_ =	shalt  }
0x7d: {  	_ =	shalt  }
0x7e: {  	_ =	shalt  }
0x7f: {  	_ =	shalt  }
0x80: {  	_ =	shalt  }
0x81: {  	_ =	shalt  }
0x82: {  	_ =	shalt  }
0x83: {  	_ =	shalt  }
0x84: {  	_ =	shalt  }
0x85: {  	_ =	shalt  }
0x86: {  	_ =	shalt  }
0x87: {  	_ =	shalt  }
.Lfunc_end0:
.L_simem_size_0:
called_computation_lowered:
.L_overlay_start_0:
0x88: {  	s2 =	sld [smem:$0x3FD9]  }
0x89: {  	s3 =	sld [smem:$0x3FFE];
	_ =	sdelay $0x1  }
0x8a: {  	s1 =	srdreg.scid  }
0x8b: {  	s0 =	sand.u32 $0x1, s1  }
0x8c: {  	s16 =	sshll.u32 s0, $0xA;
	s2 =	sadd.s32 s3, s2  }
0x8d: {  	s2 =	sadd.s32 s2, s16  }
0x8e: {  	[smem:$0x3FBF] =	sst s2  }
0x8f: {  	_ = 	snop  }
0x90: {  	(tm) =	ssettm $0x1  }
0x91: {  	s17 =	sld [smem:$0x3FFB];
	_ =	sdelay $0x3  }
0x92: {  	_ =	strace s17  }
0x93: {  	s2 =	sld [smem:$0x3FFC];
	_ =	sdelay $0x3  }
0x94: {  	_ =	strace s2  }
0x95: {  	s2 =	sld [smem:$0x3FFD];
	_ =	sdelay $0x3  }
0x96: {  	_ =	strace s2  }
0x97: {  	_ =	strace $0x8FFFFFFF  }
0x98: {  	s18 =	sld [smem:$0x3FDB];
	_ =	sdelay $0x1  }
0x99: {  	s19 =	simm.s32 $_scs_section_size  }
0x9a: {  	s4 =	simm.s32 $_size__tile_overlayer_lowered;
	s5 =	simm.s32 $_tile_overlayer_lowered  }
0x9b: {  	s22 =	simm.s32 $0x1BFF;
	s21 =	sshll.u32 s5, $0x1;
	s2 =	sadd.s32 s19, s18  }
0x9c: {  	s6 =	simm.s32 $0x0;
	s20 =	sshll.u32 s4, $0x1;
	s4 =	sadd.s32 s21, s2  }
0x9d: {  	[timem:s6], [sflag:s22] =	dma.local [hbm:s4], s20  }
0x9e: {  	_ =	swait.ge [sflag:s22], s20  }
0x9f: {  	s3 =	ssub.s32 $0x0, s20;
	[sflag:s22] =	ssyncset.done $0x0  }
0xa0: {  	[sflag:s22] =	ssyncadd.s32 s3;
	_ =	sdelay $0x1  }
0xa1: {  	s23 =	simm.s32 $0x1B8B  }
0xa2: {  	_ =	swait.ge [sflag:s23], $0x1  }
0xa3: {  	[sflag:s23] =	ssyncset.done $0x0  }
0xa4: {  	s25 =	simm.s32 $0x1B8E;
	s24 =	sld [smem:$0x3FFE];
	[sflag:s23] =	ssyncadd.s32 $0xFFFFFFFF  }
0xa5: {  	s26 =	simm.s32 $execute0_lowered;
	[smem:$0x3FD2] =	sst s25  }
0xa6: {  	s4 =	sshll.u32 s26, $0x1;
	_ =	strace $0x80000046;
	[dreg:$0x1] =	wrdreg $0xFFFFFFFF  }
0xa7: {  	s28 =	simm.s32 $_size_execute0_lowered;
	s2 =	sadd.s32 s2, s4;
	[dreg:$0x0] =	wrdreg $0x0  }
0xa8: {  	s4 =	sshll.u32 s28, $0x1;
	[dreg:$0x2] =	wrdreg s2  }
0xa9: {  	[dreg:$0x3] =	wrdreg s4  }
0xaa: {  	[dreg:$0x4] =	wrdreg $0xC0  }
0xab: {  	_ =	task [dreg:s6], $0x5FFFF  }
0xac: {  	[dreg:$0x1] =	wrdreg $0xFFFFFFFF  }
0xad: {  	[dreg:$0x0] =	wrdreg $0x60  }
0xae: {  	[dreg:$0x2] =	wrdreg s24  }
0xaf: {  	[dreg:$0x3] =	wrdreg $0x68000  }
0xb0: {  	[dreg:$0x4] =	wrdreg $0x9  }
0xb1: {  	_ =	task.clear_ibuf [dreg:s6], $0x5FFFF;
	_ =	strace $0x90000046  }
0xb2: {  	s29 =	simm.s32 $0x9;
	_ =	strace $0x80000048  }
0xb3: {  	_ =	swait.ge [sflag:s29], $0x1  }
0xb4: {  	[sflag:s29] =	ssyncadd.s32 $0xFFFFFFFF  }
0xb5: {  	_ =	strace $0x90000048  }
0xb6: {  	_ =	sfence  }
0xb7: {  	s30 =	sld [smem:$0x0];
	_ =	sdelay $0x2  }
0xb8: {  	s31 =	sshll.u32 s1, $0xD;
	s1 =	sshrl.u32 s1, $0x2  }
0xb9: {  	s3 =	sand.u32 $0x4000, s31;
	s1 =	sadd.s32 s1, s30  }
0xba: {  	s0 =	sor.u32 s3, s0;
	s1 =	sshll.u32 s1, $0x11  }
0xbb: {  	s0 =	sor.u32 s1, s0  }
0xbc: {  	s0 =	sadd.s32 $0x8F2B, s0  }
0xbd: {  	[sflag:s0] =	ssyncadd.remote.s32 $0x1  }
0xbe: {  	_ =	sfence.sel $0xFFFF  }
0xbf: {  	[dreg:$0x0] =	wrdreg $0xFFFFFFFF;
	(pc) =	sbr.abs _section_cstart, $3  }
0xc0: {  	[dreg:$0x1] =	wrdreg $0xFFFFFFFF  }
0xc1: {  	_ =	task.clear_ibuf [dreg:s6], $0x2FFFF;
	_ =	strace $0x9FFFFFFF  }
0xc2: {  	(tm) =	ssettm $0x7FFFFFFF  }
0xc3: {  	_ =	shalt  }
tec
execute0_lowered:
.L_overlay_start_1:
0x0: {  	(tag) =	ssettag $0x1  }
0x1: {  	s7 =	rddreg [dreg:$0x0]  }
0x2: {  	s0 =	srdreg.scid;
	s2 =	rddreg [dreg:$0x1]  }
0x3: {  	s3 =	simm.s32 $0x0;
	s13 =	simm.s32 $0x80;
	s6 =	sand.u32 $0x1, s0  }
0x4: {  	s14 =	simm.s32 $0x0;
	s0 =	stileid.u32;
	s5 =	smul.u32 $0x13C000, s6  }
0x5: {  	[smem:$0x7FF] =	sst s3;
	s1 =	sshll.u32 s6, $0x4;
	s8 =	smul.u32 $0x13C00, s0  }
0x6: {  	s10 =	smul.u32 $0x4F000, s0;
	s6 =	ssub.s32 $0x2, s6;
	s11 =	sshll.u32 s0, $0x6  }
0x7: {  	s1 =	sor.u32 s0, s1;
	s31 =	sshrl.u32 s6, $0x1;
	s11 =	sor.u32 $0x1C01, s11  }
0x8: {  	s4 =	smul.u32 $0x500, s1;
	s1 =	rddreg [dreg:$0x2];
	_ =	strace $0x80000047  }
0x9: {  	s8 =	sadd.s32 s8, s5;
	s5 =	sadd.s32 $0xD600, s7;
	s10 =	sshrl.u32 s10, $0x2  }
0xa: {  	s8 =	sshrl.u32 s8, $0x3;
	s12 =	sadd.s32 s10, s2;
	s10 =	simm.s32 $0x2800  }
0xb: {  	s9 =	sadd.s32 s4, s7;
	s4 =	sadd.s32 $0xFE00, s7;
	s7 =	sadd.s32 s8, s7  }
0xc: {  	s8 =	ssub.s32 s6, s31;
	s12 =	sshrl.u32 s12, $0x3;
	s6 =	sadd.s32 $0x3600, s9  }
0xd: {  	s7 =	sadd.s32 $0x10600, s7;
	s8 =	smax.u32 s8, $0x1;
	s9 =	simm.s32 $0x1  }
.LBB2_1:
0xe: {  	[tilespmem:s3], [sflag:$0x1] =	stream.linear.gather [hbm4b:s6+s3], $0x2800, $0x38;
	[tilespmem:$0x1A400] =	vst v63  }
0xf: {  	_ =	swait.ge [sflag:s9], $0x2800  }
0x10: {  	[sflag:s9] =	ssyncset.done $0x0  }
0x11: {  	[sflag:s9] =	ssyncadd.s32 $0xFFFFD800  }
0x12: {  	[tilespmem:s10], [sflag:$0x1] =	stream.linear.gather [hbm4b:s4+s3], $0x4000, $0x38;
	[tilespmem:$0x1A400] =	vst v63  }
0x13: {  	_ =	swait.ge [sflag:s9], $0x4000  }
0x14: {  	[sflag:s9] =	ssyncset.done $0x0  }
0x15: {  	[sflag:s9] =	ssyncadd.s32 $0xFFFFC000  }
0x16: {  	[spmem:s12], [sflag:s11] =	dma.local [hbm:s5], $0x2780  }
0x17: {  	_ =	swait.ge [sflag:s9], $0x2780  }
0x18: {  	[sflag:s9] =	ssyncset.done $0x0  }
0x19: {  	[sflag:s9] =	ssyncadd.s32 $0xFFFFD880  }
0x1a: {  	s15 =	simm.s32 $0x0;
	[bflag:$0x0] =	sbarrier.arrive $0xFFFF  }
0x1b: {  	[spmem:s2] =	stream.indirect.scatter.add.f32 [tilespmem:s10], [sflag:$0x1], $0x80, s15, s13, $0xb8;
	[tilespmem:$0x1A400] =	vst v63  }
0x1c: {  	_ =	swait.ge [sflag:s9], $0x4000  }
0x1d: {  	s15 =	simm.s32 $0x200;
	[sflag:s9] =	ssyncset.done $0x0  }
.LBB2_2:
0x1e: {  	s16 =	sshra.s32 s15, $0x2;
	[sflag:s9] =	ssyncadd.s32 $0xFFFFC000;
	p0 =	sne.s32 s15, $0x9E00  }
0x1f: {  	[spmem:s2] =	stream.indirect.scatter.add.f32 [tilespmem:s10], [sflag:$0x1], $0x80, s16, s13, $0xb8;
	[tilespmem:$0x1A400] =	vst v63  }
.Ltmp0:
0x20: {  	_ = 	snop;
	(pc) =	sbr.rel @p0 .LBB2_2-.Ltmp0, $4  }
0x21: {  	_ = 	snop  }
0x22: {  	s15 =	sadd.s32 $0x200, s15  }
0x23: {  	_ =	swait.ge [sflag:s9], $0x4000  }
0x24: {  	[sflag:s9] =	ssyncset.done $0x0  }
0x25: {  	s14 =	sadd.s32 $0x1, s14  }
0x26: {  	[sflag:s9] =	ssyncadd.s32 $0xFFFFC000;
	p0 =	sne.s32 s14, s8  }
.Ltmp1:
0x27: {  	[bflag:$0x0] =	sbarrier.arrive $0xFFFF;
	(pc) =	sbr.rel @p0 .LBB2_1-.Ltmp1, $4  }
0x28: {  	[hbm:s7], [sflag:s11] =	dma.local [spmem:s12], $0x2780  }
0x29: {  	_ =	swait.ge [sflag:s9], $0x2780  }
0x2a: {  	[sflag:s9] =	ssyncset.done $0x0  }
0x2b: {  	[sflag:s9] =	ssyncadd.s32 $0xFFFFD880  }
0x2c: {  	_ =	sfence.sel $0x180000  }
0x2d: {  	[bflag:$0x0] =	sbarrier.arrive $0xFFFF  }
0x2e: {  	p0 =	sne.s32 s0, $0x0;
	_ =	strace $0x90000047  }
0x2f: {  	s0 =	sadd.s32 @!p0 $0x100000, s1;
	[bflag:$0x2] =	sbarrier.arrive $0xFFFF  }
0x30: {  	[sflag:s0] =	ssyncadd.tile.s32 @!p0 $0x1;
	_ =	shalt  }
.Lfunc_end2:
_tile_overlayer_lowered:
.L_overlay_start_2:
0x31: {  	(tag) =	ssettag $0x2  }
0x32: {  	s0 =	rddreg [dreg:$0x0];
	s2 =	stileid.u32  }
0x33: {  	s1 =	rddreg [dreg:$0x1];
	p0 =	sne.s32 s2, $0x0  }
0x34: {  	s3 =	rddreg [dreg:$0x2];
	[bflag:$0x3] =	sbarrier.arrive $0xFFFF;
	s2 =	simm.s32 @!p0 $0x1C01  }
0x35: {  	[timem:s3], [sflag:s2] =	dma.local @!p0 [hbm:s0], s1  }
0x36: {  	s0 =	simm.s32 @!p0 $0x1  }
0x37: {  	_ =	swait.ge @!p0 [sflag:s0], s1  }
0x38: {  	s1 =	ssub.s32 @!p0 $0x0, s1;
	[sflag:s0] =	ssyncset.done @!p0 $0x0  }
0x39: {  	[sflag:s0] =	ssyncadd.s32 @!p0 s1  }
0x3a: {  	[bflag:$0x3] =	sbarrier.arrive $0xFFFF  }
0x3b: {  	_ =	shalt  }

// kernel: kernel.14.cloned.1.call-start
scs
__scs_entry_jumppad:
0x0: {  	(pc) =	sbr.rel $0x88, $3  }
0x1: {  	(tag) =	ssettag $0x0;
	lr =	simm.s32 $0x1  }
0x2: {  	[smem:$0x3F98] =	sst lr;
	_ =	strace $0xD0000000  }
0x3: {  	_ = 	snop  }
0x4: {  	_ = 	snop  }
0x5: {  	_ = 	snop  }
0x6: {  	_ = 	snop  }
0x7: {  	_ = 	snop  }
__scs_overlays_trampoline_lowered:
0x8: {  	[smem:$0x3FA7] =	sst s0  }
0x9: {  	[smem:$0x3FA8] =	sst s1  }
0xa: {  	[smem:$0x3FA9] =	sst s2  }
0xb: {  	[smem:$0x3FAA] =	sst s3  }
0xc: {  	[smem:$0x3FAB] =	sst s4  }
0xd: {  	[smem:$0x3FAC] =	sst s5  }
0xe: {  	[smem:$0x3FAD] =	sst s6  }
0xf: {  	[smem:$0x3FAE] =	sst s7  }
0x10: {  	[smem:$0x3FAF] =	sst s8  }
0x11: {  	[smem:$0x3FB0] =	sst s9;
	s0 =	simm.s32 @!p0 $0x0  }
0x12: {  	s1 =	sld [smem:$0x3F96];
	s0 =	simm.s32 @p0 $0x1  }
0x13: {  	[smem:$0x3FB1] =	sst s0;
	s0 =	simm.s32 @!p1 $0x0  }
0x14: {  	s2 =	sld [smem:$0x3F95];
	s0 =	simm.s32 @p1 $0x1  }
0x15: {  	[smem:$0x3FB2] =	sst s0;
	s0 =	simm.s32 @!p2 $0x0  }
0x16: {  	s3 =	sld [smem:$0x3FDB];
	s0 =	simm.s32 @p2 $0x1  }
0x17: {  	s4 =	simm.s32 $0x1BF5;
	[smem:$0x3FB4] =	sst s0  }
0x18: {  	s0 =	sld [smem:$0x3F97];
	_ =	swait.ge [sflag:s4], $0x0  }
0x19: {  	s7 =	sld [smem:$0x3F98]  }
0x1a: {  	s8 =	sadd.s32 $0xFFFFE003, lr  }
0x1b: {  	s9 =	sadd.s32 $0xFFFFFEF7, lr;
	s5 =	simm.s32 $0xFFFFFFFF;
	p2 =	slt.u32 s8, $0xFFFFF086  }
0x1c: {  	p1 =	slt.u32 s9, $0xF7A;
	s5 =	simm.s32 @!p2 $0x0  }
0x1d: {  	s5 =	simm.s32 @p1 $0x1;
	p0 =	seq.s32 s7, s2  }
0x1e: {  	s7 =	smul.u32 @!p0 $0xF7A, s2;
	p2 =	seq.s32 @!p0 s5, $0x0  }
0x1f: {  	s9 =	smul.u32 $0xF7A, s1;
	s8 =	simm.s32 @!p0 $0x1BF5;
	p2 =	por !p2, p0  }
0x20: {  	[sflag:s8] =	ssyncset.s32 @!p0 $0xFFFFF086;
	s6 =	sadd.s32 @!p0 s3, s7;
	s7 =	simm.s32 @!p0 $0x108  }
0x21: {  	s3 =	sadd.s32 s3, s9;
	s6 =	sadd.s32 @!p0 $0x88, s6;
	s7 =	simm.s32 @p2 $0x1082  }
0x22: {  	[simem:s7], [sflag:s8] =	dma.local @!p0 [hbm:s6], $0xF7A  }
0x23: {  	s9 =	sor.u32 $0xD0000000, s2;
	s6 =	simm.s32 $0x108;
	_ =	swait.ge @!p0 [sflag:s8], $0x0  }
0x24: {  	s3 =	sadd.s32 $0x88, s3;
	s6 =	simm.s32 @!p1 $0x1082;
	[sflag:s4] =	ssyncset.s32 $0xFFFFF086  }
0x25: {  	[simem:s6], [sflag:s4] =	dma.local [hbm:s3], $0xF7A  }
0x26: {  	[smem:$0x3F98] =	sst s1;
	(tag) =	ssettag s2;
	_ =	strace s9  }
0x27: {  	s1 =	sld [smem:$0x3FA8]  }
0x28: {  	s2 =	sld [smem:$0x3FA9]  }
0x29: {  	s4 =	sld [smem:$0x3FAB]  }
0x2a: {  	p0 =	seq.s32 s5, $0x0;
	s5 =	sld [smem:$0x3FAC]  }
0x2b: {  	s6 =	sld [smem:$0x3FAD]  }
0x2c: {  	s7 =	sld [smem:$0x3FAE]  }
0x2d: {  	s3 =	simm.s32 $0x108;
	s8 =	sld [smem:$0x3FAF]  }
0x2e: {  	s3 =	simm.s32 @!p0 $0x1082;
	s9 =	sld [smem:$0x3FB0]  }
0x2f: {  	lr =	sadd.s32 s0, s3;
	s0 =	sld [smem:$0x3FA7]  }
0x30: {  	s3 =	sld [smem:$0x3FAA]  }
0x31: {  	[smem:$0x3FB3] =	sst s10  }
0x32: {  	s10 =	sld [smem:$0x3FB1];
	_ =	sdelay $0x3  }
0x33: {  	p0 =	seq.s32 s10, $0x1;
	s10 =	sld [smem:$0x3FB3];
	_ =	sdelay $0x3  }
0x34: {  	[smem:$0x3FB3] =	sst s10  }
0x35: {  	s10 =	sld [smem:$0x3FB2];
	_ =	sdelay $0x3  }
0x36: {  	p1 =	seq.s32 s10, $0x1;
	s10 =	sld [smem:$0x3FB3];
	_ =	sdelay $0x3  }
0x37: {  	[smem:$0x3FB3] =	sst s10  }
0x38: {  	s10 =	sld [smem:$0x3FB4]  }
0x39: {  	_ = 	snop;
	(pc) =	sbr.ind lr, $3  }
0x3a: {  	_ = 	snop  }
0x3b: {  	_ = 	snop  }
0x3c: {  	p2 =	seq.s32 s10, $0x1;
	s10 =	sld [smem:$0x3FB3]  }
0x3d: {  	_ =	shalt  }
0x3e: {  	_ =	shalt  }
0x3f: {  	_ =	shalt  }
0x40: {  	_ =	shalt  }
0x41: {  	_ =	shalt  }
0x42: {  	_ =	shalt  }
0x43: {  	_ =	shalt  }
0x44: {  	_ =	shalt  }
0x45: {  	_ =	shalt  }
0x46: {  	_ =	shalt  }
0x47: {  	_ =	shalt  }
0x48: {  	_ =	shalt  }
0x49: {  	_ =	shalt  }
0x4a: {  	_ =	shalt  }
0x4b: {  	_ =	shalt  }
0x4c: {  	_ =	shalt  }
0x4d: {  	_ =	shalt  }
0x4e: {  	_ =	shalt  }
0x4f: {  	_ =	shalt  }
0x50: {  	_ =	shalt  }
0x51: {  	_ =	shalt  }
0x52: {  	_ =	shalt  }
0x53: {  	_ =	shalt  }
0x54: {  	_ =	shalt  }
0x55: {  	_ =	shalt  }
0x56: {  	_ =	shalt  }
0x57: {  	_ =	shalt  }
0x58: {  	_ =	shalt  }
0x59: {  	_ =	shalt  }
0x5a: {  	_ =	shalt  }
0x5b: {  	_ =	shalt  }
0x5c: {  	_ =	shalt  }
0x5d: {  	_ =	shalt  }
0x5e: {  	_ =	shalt  }
0x5f: {  	_ =	shalt  }
0x60: {  	_ =	shalt  }
0x61: {  	_ =	shalt  }
0x62: {  	_ =	shalt  }
0x63: {  	_ =	shalt  }
0x64: {  	_ =	shalt  }
0x65: {  	_ =	shalt  }
0x66: {  	_ =	shalt  }
0x67: {  	_ =	shalt  }
0x68: {  	_ =	shalt  }
0x69: {  	_ =	shalt  }
0x6a: {  	_ =	shalt  }
0x6b: {  	_ =	shalt  }
0x6c: {  	_ =	shalt  }
0x6d: {  	_ =	shalt  }
0x6e: {  	_ =	shalt  }
0x6f: {  	_ =	shalt  }
0x70: {  	_ =	shalt  }
0x71: {  	_ =	shalt  }
0x72: {  	_ =	shalt  }
0x73: {  	_ =	shalt  }
0x74: {  	_ =	shalt  }
0x75: {  	_ =	shalt  }
0x76: {  	_ =	shalt  }
0x77: {  	_ =	shalt  }
0x78: {  	_ =	shalt  }
0x79: {  	_ =	shalt  }
0x7a: {  	_ =	shalt  }
0x7b: {  	_ =	shalt  }
0x7c: {  	_ =	shalt  }
0x7d: {  	_ =	shalt  }
0x7e: {  	_ =	shalt  }
0x7f: {  	_ =	shalt  }
0x80: {  	_ =	shalt  }
0x81: {  	_ =	shalt  }
0x82: {  	_ =	shalt  }
0x83: {  	_ =	shalt  }
0x84: {  	_ =	shalt  }
0x85: {  	_ =	shalt  }
0x86: {  	_ =	shalt  }
0x87: {  	_ =	shalt  }
.Lfunc_end0:
.L_simem_size_0:
called_computation.1_lowered:
.L_overlay_start_0:
0x88: {  	s2 =	sld [smem:$0x3FD9]  }
0x89: {  	s3 =	sld [smem:$0x3FFE];
	_ =	sdelay $0x1  }
0x8a: {  	s1 =	srdreg.scid  }
0x8b: {  	s0 =	sand.u32 $0x1, s1  }
0x8c: {  	s17 =	sshll.u32 s0, $0xA;
	s2 =	sadd.s32 s3, s2  }
0x8d: {  	s2 =	sadd.s32 s2, s17  }
0x8e: {  	[smem:$0x3FBF] =	sst s2  }
0x8f: {  	_ = 	snop  }
0x90: {  	(tm) =	ssettm $0x1  }
0x91: {  	s18 =	sld [smem:$0x3FFB];
	_ =	sdelay $0x3  }
0x92: {  	_ =	strace s18  }
0x93: {  	s2 =	sld [smem:$0x3FFC];
	_ =	sdelay $0x3  }
0x94: {  	_ =	strace s2  }
0x95: {  	s2 =	sld [smem:$0x3FFD];
	_ =	sdelay $0x3  }
0x96: {  	_ =	strace s2  }
0x97: {  	_ =	strace $0x8FFFFFFF  }
0x98: {  	s19 =	sld [smem:$0x3FDB];
	_ =	sdelay $0x1  }
0x99: {  	s20 =	simm.s32 $_scs_section_size  }
0x9a: {  	s4 =	simm.s32 $_size__tile_overlayer_lowered;
	s5 =	simm.s32 $_tile_overlayer_lowered  }
0x9b: {  	s6 =	simm.s32 $0x1BFF;
	s21 =	sshll.u32 s5, $0x1;
	s3 =	sadd.s32 s20, s19  }
0x9c: {  	s22 =	simm.s32 $0x0;
	s4 =	sshll.u32 s4, $0x1;
	s5 =	sadd.s32 s21, s3  }
0x9d: {  	[timem:s22], [sflag:s6] =	dma.local [hbm:s5], s4  }
0x9e: {  	_ =	swait.ge [sflag:s6], s4  }
0x9f: {  	s4 =	ssub.s32 $0x0, s4;
	[sflag:s6] =	ssyncset.done $0x0  }
0xa0: {  	[sflag:s6] =	ssyncadd.s32 s4;
	_ =	sdelay $0x1  }
0xa1: {  	s23 =	simm.s32 $0x1B8B  }
0xa2: {  	_ =	swait.ge [sflag:s23], $0x1  }
0xa3: {  	[sflag:s23] =	ssyncset.done $0x0  }
0xa4: {  	[sflag:s23] =	ssyncadd.s32 $0xFFFFFFFF  }
0xa5: {  	s4 =	sld [smem:$0x0]  }
0xa6: {  	s5 =	sand.u32 $0xFFFFFFFE, s1  }
0xa7: {  	p0 =	sne.s32 s1, s5  }
0xa8: {  	s5 =	sshll.u32 @p0 s5, $0xE  }
0xa9: {  	s5 =	sadd.s32 @p0 $0x11B8D, s5;
	s6 =	sshll.u32 @p0 s4, $0x11  }
0xaa: {  	s5 =	sor.u32 @p0 s6, s5  }
0xab: {  	[sflag:s5] =	ssyncadd.remote.s32 @p0 $0x1;
	_ =	sdelay $0x1  }
0xac: {  	s5 =	simm.s32 @p0 $0x1B8D  }
0xad: {  	_ =	swait.eq @p0 [sflag:s5], $0x1  }
0xae: {  	[sflag:s5] =	ssyncadd.s32 @p0 $0xFFFFFFFF  }
0xaf: {  	s6 =	sshll.u32 @!p0 s1, $0xE  }
0xb0: {  	s6 =	sor.u32 @!p0 $0x4000, s6;
	s5 =	simm.s32 @!p0 $0x1B8D  }
0xb1: {  	s4 =	sshll.u32 @!p0 s4, $0x11;
	s6 =	sadd.s32 @!p0 $0x11B8D, s6;
	_ =	swait.eq @!p0 [sflag:s5], $0x1  }
0xb2: {  	s4 =	sor.u32 @!p0 s4, s6;
	[sflag:s5] =	ssyncadd.s32 @!p0 $0xFFFFFFFF  }
0xb3: {  	s25 =	simm.s32 $0x1B8E;
	s24 =	sld [smem:$0x3FFE];
	[sflag:s4] =	ssyncadd.remote.s32 @!p0 $0x1  }
0xb4: {  	s26 =	simm.s32 $execute0_lowered;
	[smem:$0x3FD2] =	sst s25  }
0xb5: {  	s5 =	sshll.u32 s26, $0x1;
	_ =	strace $0x8000004C;
	[dreg:$0x1] =	wrdreg $0xFFFFFFFF  }
0xb6: {  	s28 =	simm.s32 $_size_execute0_lowered;
	s3 =	sadd.s32 s3, s5;
	[dreg:$0x0] =	wrdreg $0x0  }
0xb7: {  	s5 =	sshll.u32 s28, $0x1;
	[dreg:$0x2] =	wrdreg s3  }
0xb8: {  	[dreg:$0x3] =	wrdreg s5  }
0xb9: {  	[dreg:$0x4] =	wrdreg $0xC0  }
0xba: {  	_ =	task [dreg:s22], $0x5FFFF  }
0xbb: {  	[dreg:$0x1] =	wrdreg $0xFFFFFFFF  }
0xbc: {  	[dreg:$0x0] =	wrdreg $0x60  }
0xbd: {  	[dreg:$0x2] =	wrdreg s24  }
0xbe: {  	[dreg:$0x3] =	wrdreg $0x68000  }
0xbf: {  	[dreg:$0x4] =	wrdreg $0x9  }
0xc0: {  	_ =	task.clear_ibuf [dreg:s22], $0x5FFFF;
	_ =	strace $0x9000004C  }
0xc1: {  	s29 =	simm.s32 $0x9;
	_ =	strace $0x8000004E  }
0xc2: {  	_ =	swait.ge [sflag:s29], $0x1  }
0xc3: {  	[sflag:s29] =	ssyncadd.s32 $0xFFFFFFFF  }
0xc4: {  	_ =	strace $0x9000004E  }
0xc5: {  	_ =	sfence  }
0xc6: {  	s30 =	sld [smem:$0x0];
	_ =	sdelay $0x2  }
0xc7: {  	s31 =	sshll.u32 s1, $0xD;
	s1 =	sshrl.u32 s1, $0x2  }
0xc8: {  	s4 =	sand.u32 $0x4000, s31;
	s1 =	sadd.s32 s1, s30  }
0xc9: {  	s0 =	sor.u32 s4, s0;
	s1 =	sshll.u32 s1, $0x11  }
0xca: {  	s0 =	sor.u32 s1, s0  }
0xcb: {  	s0 =	sadd.s32 $0x8F2B, s0  }
0xcc: {  	[sflag:s0] =	ssyncadd.remote.s32 $0x1  }
0xcd: {  	_ =	sfence.sel $0xFFFF  }
0xce: {  	[dreg:$0x0] =	wrdreg $0xFFFFFFFF;
	(pc) =	sbr.abs _section_cstart, $3  }
0xcf: {  	[dreg:$0x1] =	wrdreg $0xFFFFFFFF  }
0xd0: {  	_ =	task.clear_ibuf [dreg:s22], $0x2FFFF;
	_ =	strace $0x9FFFFFFF  }
0xd1: {  	(tm) =	ssettm $0x7FFFFFFF  }
tec
execute0_lowered:
.L_overlay_start_1:
0x0: {  	(tag) =	ssettag $0x1  }
0x1: {  	s7 =	rddreg [dreg:$0x0]  }
0x2: {  	s0 =	srdreg.scid;
	s2 =	rddreg [dreg:$0x1]  }
0x3: {  	s3 =	simm.s32 $0x0;
	s13 =	simm.s32 $0x80;
	s6 =	sand.u32 $0x1, s0  }
0x4: {  	s14 =	simm.s32 $0x0;
	s0 =	stileid.u32;
	s5 =	smul.u32 $0x13C000, s6  }
0x5: {  	[smem:$0x7FF] =	sst s3;
	s1 =	sshll.u32 s6, $0x4;
	s8 =	smul.u32 $0x13C00, s0  }
0x6: {  	s10 =	smul.u32 $0x4F000, s0;
	s6 =	ssub.s32 $0x2, s6;
	s11 =	sshll.u32 s0, $0x6  }
0x7: {  	s1 =	sor.u32 s0, s1;
	s31 =	sshrl.u32 s6, $0x1;
	s11 =	sor.u32 $0x1C01, s11  }
0x8: {  	s4 =	smul.u32 $0x500, s1;
	s1 =	rddreg [dreg:$0x2];
	_ =	strace $0x8000004D  }
0x9: {  	s8 =	sadd.s32 s8, s5;
	s5 =	sadd.s32 $0xD600, s7;
	s10 =	sshrl.u32 s10, $0x2  }
0xa: {  	s8 =	sshrl.u32 s8, $0x3;
	s12 =	sadd.s32 s10, s2;
	s10 =	simm.s32 $0x2800  }
0xb: {  	s9 =	sadd.s32 s4, s7;
	s4 =	sadd.s32 $0xFE00, s7;
	s7 =	sadd.s32 s8, s7  }
0xc: {  	s8 =	ssub.s32 s6, s31;
	s12 =	sshrl.u32 s12, $0x3;
	s6 =	sadd.s32 $0x3600, s9  }
0xd: {  	s7 =	sadd.s32 $0xEB800, s7;
	s8 =	smax.u32 s8, $0x1;
	s9 =	simm.s32 $0x1  }
.LBB2_1:
0xe: {  	[tilespmem:s3], [sflag:$0x1] =	stream.linear.gather [hbm4b:s6+s3], $0x2800, $0x38;
	[tilespmem:$0x1A400] =	vst v63  }
0xf: {  	_ =	swait.ge [sflag:s9], $0x2800  }
0x10: {  	[sflag:s9] =	ssyncset.done $0x0  }
0x11: {  	[sflag:s9] =	ssyncadd.s32 $0xFFFFD800  }
0x12: {  	[tilespmem:s10], [sflag:$0x1] =	stream.linear.gather [hbm4b:s4+s3], $0x4000, $0x38;
	[tilespmem:$0x1A400] =	vst v63  }
0x13: {  	_ =	swait.ge [sflag:s9], $0x4000  }
0x14: {  	[sflag:s9] =	ssyncset.done $0x0  }
0x15: {  	[sflag:s9] =	ssyncadd.s32 $0xFFFFC000  }
0x16: {  	[spmem:s12], [sflag:s11] =	dma.local [hbm:s5], $0x2780  }
0x17: {  	_ =	swait.ge [sflag:s9], $0x2780  }
0x18: {  	[sflag:s9] =	ssyncset.done $0x0  }
0x19: {  	[sflag:s9] =	ssyncadd.s32 $0xFFFFD880  }
0x1a: {  	s15 =	simm.s32 $0x0;
	[bflag:$0x0] =	sbarrier.arrive $0xFFFF  }
0x1b: {  	[spmem:s2] =	stream.indirect.scatter.add.f32 [tilespmem:s10], [sflag:$0x1], $0x80, s15, s13, $0xb8;
	[tilespmem:$0x1A400] =	vst v63  }
0x1c: {  	_ =	swait.ge [sflag:s9], $0x4000  }
0x1d: {  	s15 =	simm.s32 $0x200;
	[sflag:s9] =	ssyncset.done $0x0  }
.LBB2_2:
0x1e: {  	s16 =	sshra.s32 s15, $0x2;
	[sflag:s9] =	ssyncadd.s32 $0xFFFFC000;
	p0 =	sne.s32 s15, $0x9E00  }
0x1f: {  	[spmem:s2] =	stream.indirect.scatter.add.f32 [tilespmem:s10], [sflag:$0x1], $0x80, s16, s13, $0xb8;
	[tilespmem:$0x1A400] =	vst v63  }
.Ltmp0:
0x20: {  	_ = 	snop;
	(pc) =	sbr.rel @p0 .LBB2_2-.Ltmp0, $4  }
0x21: {  	_ = 	snop  }
0x22: {  	s15 =	sadd.s32 $0x200, s15  }
0x23: {  	_ =	swait.ge [sflag:s9], $0x4000  }
0x24: {  	[sflag:s9] =	ssyncset.done $0x0  }
0x25: {  	s14 =	sadd.s32 $0x1, s14  }
0x26: {  	[sflag:s9] =	ssyncadd.s32 $0xFFFFC000;
	p0 =	sne.s32 s14, s8  }
.Ltmp1:
0x27: {  	[bflag:$0x0] =	sbarrier.arrive $0xFFFF;
	(pc) =	sbr.rel @p0 .LBB2_1-.Ltmp1, $4  }
0x28: {  	[hbm:s7], [sflag:s11] =	dma.local [spmem:s12], $0x2780  }
0x29: {  	_ =	swait.ge [sflag:s9], $0x2780  }
0x2a: {  	[sflag:s9] =	ssyncset.done $0x0  }
0x2b: {  	[sflag:s9] =	ssyncadd.s32 $0xFFFFD880  }
0x2c: {  	_ =	sfence.sel $0x180000  }
0x2d: {  	[bflag:$0x0] =	sbarrier.arrive $0xFFFF  }
0x2e: {  	p0 =	sne.s32 s0, $0x0;
	_ =	strace $0x9000004D  }
0x2f: {  	s0 =	sadd.s32 @!p0 $0x100000, s1;
	[bflag:$0x2] =	sbarrier.arrive $0xFFFF  }
0x30: {  	[sflag:s0] =	ssyncadd.tile.s32 @!p0 $0x1;
	_ =	shalt  }
.Lfunc_end2:
_tile_overlayer_lowered:
.L_overlay_start_2:
0x31: {  	(tag) =	ssettag $0x2  }
0x32: {  	s0 =	rddreg [dreg:$0x0];
	s2 =	stileid.u32  }
0x33: {  	s1 =	rddreg [dreg:$0x1];
	p0 =	sne.s32 s2, $0x0  }
0x34: {  	s3 =	rddreg [dreg:$0x2];
	[bflag:$0x3] =	sbarrier.arrive $0xFFFF;
	s2 =	simm.s32 @!p0 $0x1C01  }
0x35: {  	[timem:s3], [sflag:s2] =	dma.local @!p0 [hbm:s0], s1  }
0x36: {  	s0 =	simm.s32 @!p0 $0x1  }
0x37: {  	_ =	swait.ge @!p0 [sflag:s0], s1  }
0x38: {  	s1 =	ssub.s32 @!p0 $0x0, s1;
	[sflag:s0] =	ssyncset.done @!p0 $0x0  }
0x39: {  	[sflag:s0] =	ssyncadd.s32 @!p0 s1  }
0x3a: {  	[bflag:$0x3] =	sbarrier.arrive $0xFFFF  }
0x3b: {  	_ =	shalt  }

// kernel: kernel.17.cloned.1.call-start
scs
__scs_entry_jumppad:
0x0: {  	(pc) =	sbr.rel $0x88, $3  }
0x1: {  	(tag) =	ssettag $0x0;
	lr =	simm.s32 $0x1  }
0x2: {  	[smem:$0x3F98] =	sst lr;
	_ =	strace $0xD0000000  }
0x3: {  	_ = 	snop  }
0x4: {  	_ = 	snop  }
0x5: {  	_ = 	snop  }
0x6: {  	_ = 	snop  }
0x7: {  	_ = 	snop  }
__scs_overlays_trampoline_lowered:
0x8: {  	[smem:$0x3FA7] =	sst s0  }
0x9: {  	[smem:$0x3FA8] =	sst s1  }
0xa: {  	[smem:$0x3FA9] =	sst s2  }
0xb: {  	[smem:$0x3FAA] =	sst s3  }
0xc: {  	[smem:$0x3FAB] =	sst s4  }
0xd: {  	[smem:$0x3FAC] =	sst s5  }
0xe: {  	[smem:$0x3FAD] =	sst s6  }
0xf: {  	[smem:$0x3FAE] =	sst s7  }
0x10: {  	[smem:$0x3FAF] =	sst s8  }
0x11: {  	[smem:$0x3FB0] =	sst s9;
	s0 =	simm.s32 @!p0 $0x0  }
0x12: {  	s1 =	sld [smem:$0x3F96];
	s0 =	simm.s32 @p0 $0x1  }
0x13: {  	[smem:$0x3FB1] =	sst s0;
	s0 =	simm.s32 @!p1 $0x0  }
0x14: {  	s2 =	sld [smem:$0x3F95];
	s0 =	simm.s32 @p1 $0x1  }
0x15: {  	[smem:$0x3FB2] =	sst s0;
	s0 =	simm.s32 @!p2 $0x0  }
0x16: {  	s3 =	sld [smem:$0x3FDB];
	s0 =	simm.s32 @p2 $0x1  }
0x17: {  	s4 =	simm.s32 $0x1BF5;
	[smem:$0x3FB4] =	sst s0  }
0x18: {  	s0 =	sld [smem:$0x3F97];
	_ =	swait.ge [sflag:s4], $0x0  }
0x19: {  	s7 =	sld [smem:$0x3F98]  }
0x1a: {  	s8 =	sadd.s32 $0xFFFFE003, lr  }
0x1b: {  	s9 =	sadd.s32 $0xFFFFFEF7, lr;
	s5 =	simm.s32 $0xFFFFFFFF;
	p2 =	slt.u32 s8, $0xFFFFF086  }
0x1c: {  	p1 =	slt.u32 s9, $0xF7A;
	s5 =	simm.s32 @!p2 $0x0  }
0x1d: {  	s5 =	simm.s32 @p1 $0x1;
	p0 =	seq.s32 s7, s2  }
0x1e: {  	s7 =	smul.u32 @!p0 $0xF7A, s2;
	p2 =	seq.s32 @!p0 s5, $0x0  }
0x1f: {  	s9 =	smul.u32 $0xF7A, s1;
	s8 =	simm.s32 @!p0 $0x1BF5;
	p2 =	por !p2, p0  }
0x20: {  	[sflag:s8] =	ssyncset.s32 @!p0 $0xFFFFF086;
	s6 =	sadd.s32 @!p0 s3, s7;
	s7 =	simm.s32 @!p0 $0x108  }
0x21: {  	s3 =	sadd.s32 s3, s9;
	s6 =	sadd.s32 @!p0 $0x88, s6;
	s7 =	simm.s32 @p2 $0x1082  }
0x22: {  	[simem:s7], [sflag:s8] =	dma.local @!p0 [hbm:s6], $0xF7A  }
0x23: {  	s9 =	sor.u32 $0xD0000000, s2;
	s6 =	simm.s32 $0x108;
	_ =	swait.ge @!p0 [sflag:s8], $0x0  }
0x24: {  	s3 =	sadd.s32 $0x88, s3;
	s6 =	simm.s32 @!p1 $0x1082;
	[sflag:s4] =	ssyncset.s32 $0xFFFFF086  }
0x25: {  	[simem:s6], [sflag:s4] =	dma.local [hbm:s3], $0xF7A  }
0x26: {  	[smem:$0x3F98] =	sst s1;
	(tag) =	ssettag s2;
	_ =	strace s9  }
0x27: {  	s1 =	sld [smem:$0x3FA8]  }
0x28: {  	s2 =	sld [smem:$0x3FA9]  }
0x29: {  	s4 =	sld [smem:$0x3FAB]  }
0x2a: {  	p0 =	seq.s32 s5, $0x0;
	s5 =	sld [smem:$0x3FAC]  }
0x2b: {  	s6 =	sld [smem:$0x3FAD]  }
0x2c: {  	s7 =	sld [smem:$0x3FAE]  }
0x2d: {  	s3 =	simm.s32 $0x108;
	s8 =	sld [smem:$0x3FAF]  }
0x2e: {  	s3 =	simm.s32 @!p0 $0x1082;
	s9 =	sld [smem:$0x3FB0]  }
0x2f: {  	lr =	sadd.s32 s0, s3;
	s0 =	sld [smem:$0x3FA7]  }
0x30: {  	s3 =	sld [smem:$0x3FAA]  }
0x31: {  	[smem:$0x3FB3] =	sst s10  }
0x32: {  	s10 =	sld [smem:$0x3FB1];
	_ =	sdelay $0x3  }
0x33: {  	p0 =	seq.s32 s10, $0x1;
	s10 =	sld [smem:$0x3FB3];
	_ =	sdelay $0x3  }
0x34: {  	[smem:$0x3FB3] =	sst s10  }
0x35: {  	s10 =	sld [smem:$0x3FB2];
	_ =	sdelay $0x3  }
0x36: {  	p1 =	seq.s32 s10, $0x1;
	s10 =	sld [smem:$0x3FB3];
	_ =	sdelay $0x3  }
0x37: {  	[smem:$0x3FB3] =	sst s10  }
0x38: {  	s10 =	sld [smem:$0x3FB4]  }
0x39: {  	_ = 	snop;
	(pc) =	sbr.ind lr, $3  }
0x3a: {  	_ = 	snop  }
0x3b: {  	_ = 	snop  }
0x3c: {  	p2 =	seq.s32 s10, $0x1;
	s10 =	sld [smem:$0x3FB3]  }
0x3d: {  	_ =	shalt  }
0x3e: {  	_ =	shalt  }
0x3f: {  	_ =	shalt  }
0x40: {  	_ =	shalt  }
0x41: {  	_ =	shalt  }
0x42: {  	_ =	shalt  }
0x43: {  	_ =	shalt  }
0x44: {  	_ =	shalt  }
0x45: {  	_ =	shalt  }
0x46: {  	_ =	shalt  }
0x47: {  	_ =	shalt  }
0x48: {  	_ =	shalt  }
0x49: {  	_ =	shalt  }
0x4a: {  	_ =	shalt  }
0x4b: {  	_ =	shalt  }
0x4c: {  	_ =	shalt  }
0x4d: {  	_ =	shalt  }
0x4e: {  	_ =	shalt  }
0x4f: {  	_ =	shalt  }
0x50: {  	_ =	shalt  }
0x51: {  	_ =	shalt  }
0x52: {  	_ =	shalt  }
0x53: {  	_ =	shalt  }
0x54: {  	_ =	shalt  }
0x55: {  	_ =	shalt  }
0x56: {  	_ =	shalt  }
0x57: {  	_ =	shalt  }
0x58: {  	_ =	shalt  }
0x59: {  	_ =	shalt  }
0x5a: {  	_ =	shalt  }
0x5b: {  	_ =	shalt  }
0x5c: {  	_ =	shalt  }
0x5d: {  	_ =	shalt  }
0x5e: {  	_ =	shalt  }
0x5f: {  	_ =	shalt  }
0x60: {  	_ =	shalt  }
0x61: {  	_ =	shalt  }
0x62: {  	_ =	shalt  }
0x63: {  	_ =	shalt  }
0x64: {  	_ =	shalt  }
0x65: {  	_ =	shalt  }
0x66: {  	_ =	shalt  }
0x67: {  	_ =	shalt  }
0x68: {  	_ =	shalt  }
0x69: {  	_ =	shalt  }
0x6a: {  	_ =	shalt  }
0x6b: {  	_ =	shalt  }
0x6c: {  	_ =	shalt  }
0x6d: {  	_ =	shalt  }
0x6e: {  	_ =	shalt  }
0x6f: {  	_ =	shalt  }
0x70: {  	_ =	shalt  }
0x71: {  	_ =	shalt  }
0x72: {  	_ =	shalt  }
0x73: {  	_ =	shalt  }
0x74: {  	_ =	shalt  }
0x75: {  	_ =	shalt  }
0x76: {  	_ =	shalt  }
0x77: {  	_ =	shalt  }
0x78: {  	_ =	shalt  }
0x79: {  	_ =	shalt  }
0x7a: {  	_ =	shalt  }
0x7b: {  	_ =	shalt  }
0x7c: {  	_ =	shalt  }
0x7d: {  	_ =	shalt  }
0x7e: {  	_ =	shalt  }
0x7f: {  	_ =	shalt  }
0x80: {  	_ =	shalt  }
0x81: {  	_ =	shalt  }
0x82: {  	_ =	shalt  }
0x83: {  	_ =	shalt  }
0x84: {  	_ =	shalt  }
0x85: {  	_ =	shalt  }
0x86: {  	_ =	shalt  }
0x87: {  	_ =	shalt  }
.Lfunc_end0:
.L_simem_size_0:
called_computation.2_lowered:
.L_overlay_start_0:
0x88: {  	s2 =	sld [smem:$0x3FD9]  }
0x89: {  	s3 =	sld [smem:$0x3FFE];
	_ =	sdelay $0x1  }
0x8a: {  	s1 =	srdreg.scid  }
0x8b: {  	s0 =	sand.u32 $0x1, s1  }
0x8c: {  	s16 =	sshll.u32 s0, $0xA;
	s2 =	sadd.s32 s3, s2  }
0x8d: {  	s2 =	sadd.s32 s2, s16  }
0x8e: {  	[smem:$0x3FBF] =	sst s2  }
0x8f: {  	_ = 	snop  }
0x90: {  	(tm) =	ssettm $0x1  }
0x91: {  	s17 =	sld [smem:$0x3FFB];
	_ =	sdelay $0x3  }
0x92: {  	_ =	strace s17  }
0x93: {  	s2 =	sld [smem:$0x3FFC];
	_ =	sdelay $0x3  }
0x94: {  	_ =	strace s2  }
0x95: {  	s2 =	sld [smem:$0x3FFD];
	_ =	sdelay $0x3  }
0x96: {  	_ =	strace s2  }
0x97: {  	_ =	strace $0x8FFFFFFF  }
0x98: {  	s18 =	sld [smem:$0x3FDB];
	_ =	sdelay $0x1  }
0x99: {  	s19 =	simm.s32 $_scs_section_size  }
0x9a: {  	s4 =	simm.s32 $_size__tile_overlayer_lowered;
	s5 =	simm.s32 $_tile_overlayer_lowered  }
0x9b: {  	s22 =	simm.s32 $0x1BFF;
	s21 =	sshll.u32 s5, $0x1;
	s2 =	sadd.s32 s19, s18  }
0x9c: {  	s6 =	simm.s32 $0x0;
	s20 =	sshll.u32 s4, $0x1;
	s4 =	sadd.s32 s21, s2  }
0x9d: {  	[timem:s6], [sflag:s22] =	dma.local [hbm:s4], s20  }
0x9e: {  	_ =	swait.ge [sflag:s22], s20  }
0x9f: {  	s3 =	ssub.s32 $0x0, s20;
	[sflag:s22] =	ssyncset.done $0x0  }
0xa0: {  	[sflag:s22] =	ssyncadd.s32 s3;
	_ =	sdelay $0x1  }
0xa1: {  	s23 =	simm.s32 $0x1B8B  }
0xa2: {  	_ =	swait.ge [sflag:s23], $0x1  }
0xa3: {  	[sflag:s23] =	ssyncset.done $0x0  }
0xa4: {  	s25 =	simm.s32 $0x1B8E;
	s24 =	sld [smem:$0x3FFE];
	[sflag:s23] =	ssyncadd.s32 $0xFFFFFFFF  }
0xa5: {  	s26 =	simm.s32 $execute0_lowered;
	[smem:$0x3FD2] =	sst s25  }
0xa6: {  	s4 =	sshll.u32 s26, $0x1;
	_ =	strace $0x80000049;
	[dreg:$0x1] =	wrdreg $0xFFFFFFFF  }
0xa7: {  	s28 =	simm.s32 $_size_execute0_lowered;
	s2 =	sadd.s32 s2, s4;
	[dreg:$0x0] =	wrdreg $0x0  }
0xa8: {  	s4 =	sshll.u32 s28, $0x1;
	[dreg:$0x2] =	wrdreg s2  }
0xa9: {  	[dreg:$0x3] =	wrdreg s4  }
0xaa: {  	[dreg:$0x4] =	wrdreg $0xC0  }
0xab: {  	_ =	task [dreg:s6], $0x5FFFF  }
0xac: {  	[dreg:$0x1] =	wrdreg $0xFFFFFFFF  }
0xad: {  	[dreg:$0x0] =	wrdreg $0x60  }
0xae: {  	[dreg:$0x2] =	wrdreg s24  }
0xaf: {  	[dreg:$0x3] =	wrdreg $0xA8000  }
0xb0: {  	[dreg:$0x4] =	wrdreg $0xA  }
0xb1: {  	_ =	task.clear_ibuf [dreg:s6], $0x5FFFF;
	_ =	strace $0x90000049  }
0xb2: {  	s29 =	simm.s32 $0xA;
	_ =	strace $0x8000004B  }
0xb3: {  	_ =	swait.ge [sflag:s29], $0x1  }
0xb4: {  	[sflag:s29] =	ssyncadd.s32 $0xFFFFFFFF  }
0xb5: {  	_ =	strace $0x9000004B  }
0xb6: {  	_ =	sfence  }
0xb7: {  	s30 =	sld [smem:$0x0];
	_ =	sdelay $0x2  }
0xb8: {  	s31 =	sshll.u32 s1, $0xD;
	s1 =	sshrl.u32 s1, $0x2  }
0xb9: {  	s3 =	sand.u32 $0x4000, s31;
	s1 =	sadd.s32 s1, s30  }
0xba: {  	s0 =	sor.u32 s3, s0;
	s1 =	sshll.u32 s1, $0x11  }
0xbb: {  	s0 =	sor.u32 s1, s0  }
0xbc: {  	s0 =	sadd.s32 $0x8F2B, s0  }
0xbd: {  	[sflag:s0] =	ssyncadd.remote.s32 $0x1  }
0xbe: {  	_ =	sfence.sel $0xFFFF  }
0xbf: {  	[dreg:$0x0] =	wrdreg $0xFFFFFFFF;
	(pc) =	sbr.abs _section_cstart, $3  }
0xc0: {  	[dreg:$0x1] =	wrdreg $0xFFFFFFFF  }
0xc1: {  	_ =	task.clear_ibuf [dreg:s6], $0x2FFFF;
	_ =	strace $0x9FFFFFFF  }
0xc2: {  	(tm) =	ssettm $0x7FFFFFFF  }
0xc3: {  	_ =	shalt  }
tec
execute0_lowered:
.L_overlay_start_1:
0x0: {  	(tag) =	ssettag $0x1  }
0x1: {  	s6 =	rddreg [dreg:$0x0]  }
0x2: {  	s0 =	srdreg.scid;
	s2 =	rddreg [dreg:$0x1];
	s3 =	simm.s32 $0x0  }
0x3: {  	s11 =	simm.s32 $0x2C00;
	s14 =	simm.s32 $0x20;
	s15 =	simm.s32 $0x5800  }
0x4: {  	s16 =	simm.s32 $0x6800;
	s17 =	simm.s32 $0x40;
	s18 =	simm.s32 $0x7800  }
0x5: {  	s19 =	simm.s32 $0x60;
	s20 =	simm.s32 $0x8800;
	s21 =	simm.s32 $0x80  }
0x6: {  	s22 =	simm.s32 $0x9800;
	s23 =	simm.s32 $0x1;
	s24 =	simm.s32 $0x2  }
0x7: {  	s25 =	simm.s32 $0x3;
	s26 =	simm.s32 $0x4;
	s28 =	simm.s32 $0x5  }
0x8: {  	s29 =	simm.s32 $0x0;
	s5 =	sand.u32 $0x1, s0;
	s0 =	stileid.u32  }
0x9: {  	[smem:$0x7FF] =	sst s3;
	s4 =	sadd.s32 $0x75600, s6;
	s8 =	smul.u32 $0x13C000, s5  }
0xa: {  	s1 =	sshll.u32 s5, $0x4;
	s9 =	smul.u32 $0x13C00, s0;
	_ =	strace $0x8000004A  }
0xb: {  	s30 =	ssub.s32 $0x2, s5;
	s10 =	smul.u32 $0x4F000, s0;
	s5 =	sadd.s32 $0xD600, s6  }
0xc: {  	s12 =	sshll.u32 s0, $0x6;
	s1 =	sor.u32 s0, s1;
	s31 =	sshrl.u32 s30, $0x1  }
0xd: {  	s12 =	sor.u32 $0x1C06, s12;
	s7 =	smul.u32 $0x580, s1;
	s8 =	sadd.s32 s9, s8  }
0xe: {  	s9 =	ssub.s32 s30, s31;
	s10 =	sshrl.u32 s10, $0x2;
	s8 =	sshrl.u32 s8, $0x3  }
0xf: {  	s13 =	sadd.s32 s10, s2;
	s9 =	smax.u32 s9, $0x1;
	s10 =	simm.s32 $0x6  }
0x10: {  	s7 =	sadd.s32 s7, s6;
	s8 =	sadd.s32 s8, s6;
	s13 =	sshrl.u32 s13, $0x3  }
0x11: {  	s6 =	sadd.s32 $0x5F600, s7;
	s7 =	sadd.s32 $0x6A600, s7;
	s8 =	sadd.s32 $0x9C800, s8  }
.LBB2_1:
0x12: {  	[tilespmem:s3], [sflag:$0x6] =	stream.linear.gather [hbm4b:s6+s3], $0x2C00, $0x38;
	[tilespmem:$0x1E400] =	vst v63  }
0x13: {  	_ =	swait.ge [sflag:s10], $0x2C00  }
0x14: {  	[sflag:s10] =	ssyncset.done $0x0  }
0x15: {  	[sflag:s10] =	ssyncadd.s32 $0xFFFFD400  }
0x16: {  	[tilespmem:s11], [sflag:$0x6] =	stream.linear.gather [hbm4b:s7+s3], $0x2C00, $0x38;
	[tilespmem:$0x1E400] =	vst v63  }
0x17: {  	_ =	swait.ge [sflag:s10], $0x2C00  }
0x18: {  	[sflag:s10] =	ssyncset.done $0x0  }
0x19: {  	[sflag:s10] =	ssyncadd.s32 $0xFFFFD400  }
0x1a: {  	[spmem:s13], [sflag:s12] =	dma.local [hbm:s5], $0x2780  }
0x1b: {  	_ =	swait.ge [sflag:s10], $0x2780  }
0x1c: {  	[sflag:s10] =	ssyncset.done $0x0  }
0x1d: {  	[sflag:s10] =	ssyncadd.s32 $0xFFFFD880  }
0x1e: {  	[bflag:$0x0] =	sbarrier.arrive $0xFFFF  }
0x1f: {  	[tilespmem:s15], [sflag:$0x1] =	stream.indirect.gather [hbm4b:s4+s14], $0x80, s3, s14, $0xb8;
	[tilespmem:$0x1E400] =	vst v63  }
0x20: {  	_ = 	snop  }
0x21: {  	[tilespmem:s16], [sflag:$0x2] =	stream.indirect.gather [hbm4b:s4+s14], $0x80, s14, s14, $0xb8;
	[tilespmem:$0x1E400] =	vst v63  }
0x22: {  	_ = 	snop  }
0x23: {  	[tilespmem:s18], [sflag:$0x3] =	stream.indirect.gather [hbm4b:s4+s14], $0x80, s17, s14, $0xb8;
	[tilespmem:$0x1E400] =	vst v63  }
0x24: {  	_ = 	snop  }
0x25: {  	[tilespmem:s20], [sflag:$0x4] =	stream.indirect.gather [hbm4b:s4+s14], $0x80, s19, s14, $0xb8;
	[tilespmem:$0x1E400] =	vst v63  }
0x26: {  	_ = 	snop  }
0x27: {  	[tilespmem:s22], [sflag:$0x5] =	stream.indirect.gather [hbm4b:s4+s14], $0x80, s21, s14, $0xb8;
	[tilespmem:$0x1E400] =	vst v63  }
0x28: {  	_ =	swait.ge [sflag:s23], $0x1000  }
0x29: {  	[sflag:s23] =	ssyncset.done $0x0  }
0x2a: {  	s30 =	simm.s32 $0x2C00;
	[sflag:s23] =	ssyncadd.s32 $0xFFFFF000  }
0x2b: {  	[spmem:s2] =	stream.indirect.scatter.add.f32 [tilespmem:s15], [sflag:$0x6], $0x80, s30, s14, $0xb8;
	[tilespmem:$0x1E400] =	vst v63  }
0x2c: {  	_ =	swait.ge [sflag:s10], $0x1000  }
0x2d: {  	[sflag:s10] =	ssyncset.done $0x0  }
0x2e: {  	s30 =	simm.s32 $0xA0;
	[sflag:s10] =	ssyncadd.s32 $0xFFFFF000  }
0x2f: {  	[tilespmem:s15], [sflag:$0x1] =	stream.indirect.gather [hbm4b:s4+s14], $0x80, s30, s14, $0xb8;
	[tilespmem:$0x1E400] =	vst v63  }
0x30: {  	_ =	swait.ge [sflag:s24], $0x1000  }
0x31: {  	[sflag:s24] =	ssyncset.done $0x0  }
0x32: {  	s30 =	simm.s32 $0x2C20;
	[sflag:s24] =	ssyncadd.s32 $0xFFFFF000  }
0x33: {  	[spmem:s2] =	stream.indirect.scatter.add.f32 [tilespmem:s16], [sflag:$0x6], $0x80, s30, s14, $0xb8;
	[tilespmem:$0x1E400] =	vst v63  }
0x34: {  	_ =	swait.ge [sflag:s10], $0x1000  }
0x35: {  	[sflag:s10] =	ssyncset.done $0x0  }
0x36: {  	s30 =	simm.s32 $0xC0;
	[sflag:s10] =	ssyncadd.s32 $0xFFFFF000  }
0x37: {  	[tilespmem:s16], [sflag:$0x2] =	stream.indirect.gather [hbm4b:s4+s14], $0x80, s30, s14, $0xb8;
	[tilespmem:$0x1E400] =	vst v63  }
0x38: {  	_ =	swait.ge [sflag:s25], $0x1000  }
0x39: {  	[sflag:s25] =	ssyncset.done $0x0  }
0x3a: {  	s30 =	simm.s32 $0x2C40;
	[sflag:s25] =	ssyncadd.s32 $0xFFFFF000  }
0x3b: {  	[spmem:s2] =	stream.indirect.scatter.add.f32 [tilespmem:s18], [sflag:$0x6], $0x80, s30, s14, $0xb8;
	[tilespmem:$0x1E400] =	vst v63  }
0x3c: {  	_ =	swait.ge [sflag:s10], $0x1000  }
0x3d: {  	[sflag:s10] =	ssyncset.done $0x0  }
0x3e: {  	s30 =	simm.s32 $0xE0;
	[sflag:s10] =	ssyncadd.s32 $0xFFFFF000  }
0x3f: {  	[tilespmem:s18], [sflag:$0x3] =	stream.indirect.gather [hbm4b:s4+s14], $0x80, s30, s14, $0xb8;
	[tilespmem:$0x1E400] =	vst v63  }
0x40: {  	_ =	swait.ge [sflag:s26], $0x1000  }
0x41: {  	[sflag:s26] =	ssyncset.done $0x0  }
0x42: {  	s30 =	simm.s32 $0x2C60;
	[sflag:s26] =	ssyncadd.s32 $0xFFFFF000  }
0x43: {  	[spmem:s2] =	stream.indirect.scatter.add.f32 [tilespmem:s20], [sflag:$0x6], $0x80, s30, s14, $0xb8;
	[tilespmem:$0x1E400] =	vst v63  }
0x44: {  	_ =	swait.ge [sflag:s10], $0x1000  }
0x45: {  	[sflag:s10] =	ssyncset.done $0x0  }
0x46: {  	s30 =	simm.s32 $0x100;
	[sflag:s10] =	ssyncadd.s32 $0xFFFFF000  }
0x47: {  	[tilespmem:s20], [sflag:$0x4] =	stream.indirect.gather [hbm4b:s4+s14], $0x80, s30, s14, $0xb8;
	[tilespmem:$0x1E400] =	vst v63  }
0x48: {  	_ =	swait.ge [sflag:s28], $0x1000  }
0x49: {  	[sflag:s28] =	ssyncset.done $0x0  }
0x4a: {  	s30 =	simm.s32 $0x2C80;
	[sflag:s28] =	ssyncadd.s32 $0xFFFFF000  }
0x4b: {  	[spmem:s2] =	stream.indirect.scatter.add.f32 [tilespmem:s22], [sflag:$0x6], $0x80, s30, s14, $0xb8;
	[tilespmem:$0x1E400] =	vst v63  }
0x4c: {  	_ =	swait.ge [sflag:s10], $0x1000  }
0x4d: {  	[sflag:s10] =	ssyncset.done $0x0  }
0x4e: {  	s30 =	simm.s32 $0x120;
	[sflag:s10] =	ssyncadd.s32 $0xFFFFF000  }
0x4f: {  	[tilespmem:s22], [sflag:$0x5] =	stream.indirect.gather [hbm4b:s4+s14], $0x80, s30, s14, $0xb8;
	[tilespmem:$0x1E400] =	vst v63  }
0x50: {  	_ =	swait.ge [sflag:s23], $0x1000  }
0x51: {  	[sflag:s23] =	ssyncset.done $0x0  }
0x52: {  	s30 =	simm.s32 $0x2CA0;
	[sflag:s23] =	ssyncadd.s32 $0xFFFFF000  }
0x53: {  	[spmem:s2] =	stream.indirect.scatter.add.f32 [tilespmem:s15], [sflag:$0x6], $0x80, s30, s14, $0xb8;
	[tilespmem:$0x1E400] =	vst v63  }
0x54: {  	_ =	swait.ge [sflag:s10], $0x1000  }
0x55: {  	[sflag:s10] =	ssyncset.done $0x0  }
0x56: {  	s30 =	simm.s32 $0x140;
	[sflag:s10] =	ssyncadd.s32 $0xFFFFF000  }
0x57: {  	[tilespmem:s15], [sflag:$0x1] =	stream.indirect.gather [hbm4b:s4+s14], $0x80, s30, s14, $0xb8;
	[tilespmem:$0x1E400] =	vst v63  }
0x58: {  	_ =	swait.ge [sflag:s24], $0x1000  }
0x59: {  	[sflag:s24] =	ssyncset.done $0x0  }
0x5a: {  	s30 =	simm.s32 $0x2CC0;
	[sflag:s24] =	ssyncadd.s32 $0xFFFFF000  }
0x5b: {  	[spmem:s2] =	stream.indirect.scatter.add.f32 [tilespmem:s16], [sflag:$0x6], $0x80, s30, s14, $0xb8;
	[tilespmem:$0x1E400] =	vst v63  }
0x5c: {  	_ =	swait.ge [sflag:s10], $0x1000  }
0x5d: {  	[sflag:s10] =	ssyncset.done $0x0  }
0x5e: {  	s30 =	simm.s32 $0x160;
	[sflag:s10] =	ssyncadd.s32 $0xFFFFF000  }
0x5f: {  	[tilespmem:s16], [sflag:$0x2] =	stream.indirect.gather [hbm4b:s4+s14], $0x80, s30, s14, $0xb8;
	[tilespmem:$0x1E400] =	vst v63  }
0x60: {  	_ =	swait.ge [sflag:s25], $0x1000  }
0x61: {  	[sflag:s25] =	ssyncset.done $0x0  }
0x62: {  	s30 =	simm.s32 $0x2CE0;
	[sflag:s25] =	ssyncadd.s32 $0xFFFFF000  }
0x63: {  	[spmem:s2] =	stream.indirect.scatter.add.f32 [tilespmem:s18], [sflag:$0x6], $0x80, s30, s14, $0xb8;
	[tilespmem:$0x1E400] =	vst v63  }
0x64: {  	_ =	swait.ge [sflag:s10], $0x1000  }
0x65: {  	[sflag:s10] =	ssyncset.done $0x0  }
0x66: {  	s30 =	simm.s32 $0x180;
	[sflag:s10] =	ssyncadd.s32 $0xFFFFF000  }
0x67: {  	[tilespmem:s18], [sflag:$0x3] =	stream.indirect.gather [hbm4b:s4+s14], $0x80, s30, s14, $0xb8;
	[tilespmem:$0x1E400] =	vst v63  }
0x68: {  	_ =	swait.ge [sflag:s26], $0x1000  }
0x69: {  	[sflag:s26] =	ssyncset.done $0x0  }
0x6a: {  	s30 =	simm.s32 $0x2D00;
	[sflag:s26] =	ssyncadd.s32 $0xFFFFF000  }
0x6b: {  	[spmem:s2] =	stream.indirect.scatter.add.f32 [tilespmem:s20], [sflag:$0x6], $0x80, s30, s14, $0xb8;
	[tilespmem:$0x1E400] =	vst v63  }
0x6c: {  	_ =	swait.ge [sflag:s10], $0x1000  }
0x6d: {  	[sflag:s10] =	ssyncset.done $0x0  }
0x6e: {  	s30 =	simm.s32 $0x1A0;
	[sflag:s10] =	ssyncadd.s32 $0xFFFFF000  }
0x6f: {  	[tilespmem:s20], [sflag:$0x4] =	stream.indirect.gather [hbm4b:s4+s14], $0x80, s30, s14, $0xb8;
	[tilespmem:$0x1E400] =	vst v63  }
0x70: {  	_ =	swait.ge [sflag:s28], $0x1000  }
0x71: {  	[sflag:s28] =	ssyncset.done $0x0  }
0x72: {  	s30 =	simm.s32 $0x2D20;
	[sflag:s28] =	ssyncadd.s32 $0xFFFFF000  }
0x73: {  	[spmem:s2] =	stream.indirect.scatter.add.f32 [tilespmem:s22], [sflag:$0x6], $0x80, s30, s14, $0xb8;
	[tilespmem:$0x1E400] =	vst v63  }
0x74: {  	_ =	swait.ge [sflag:s10], $0x1000  }
0x75: {  	[sflag:s10] =	ssyncset.done $0x0  }
0x76: {  	s30 =	simm.s32 $0x1C0;
	[sflag:s10] =	ssyncadd.s32 $0xFFFFF000  }
0x77: {  	[tilespmem:s22], [sflag:$0x5] =	stream.indirect.gather [hbm4b:s4+s14], $0x80, s30, s14, $0xb8;
	[tilespmem:$0x1E400] =	vst v63  }
0x78: {  	_ =	swait.ge [sflag:s23], $0x1000  }
0x79: {  	[sflag:s23] =	ssyncset.done $0x0  }
0x7a: {  	s30 =	simm.s32 $0x2D40;
	[sflag:s23] =	ssyncadd.s32 $0xFFFFF000  }
0x7b: {  	[spmem:s2] =	stream.indirect.scatter.add.f32 [tilespmem:s15], [sflag:$0x6], $0x80, s30, s14, $0xb8;
	[tilespmem:$0x1E400] =	vst v63  }
0x7c: {  	_ =	swait.ge [sflag:s10], $0x1000  }
0x7d: {  	[sflag:s10] =	ssyncset.done $0x0  }
0x7e: {  	s30 =	simm.s32 $0x1E0;
	[sflag:s10] =	ssyncadd.s32 $0xFFFFF000  }
0x7f: {  	[tilespmem:s15], [sflag:$0x1] =	stream.indirect.gather [hbm4b:s4+s14], $0x80, s30, s14, $0xb8;
	[tilespmem:$0x1E400] =	vst v63  }
0x80: {  	_ =	swait.ge [sflag:s24], $0x1000  }
0x81: {  	[sflag:s24] =	ssyncset.done $0x0  }
0x82: {  	s30 =	simm.s32 $0x2D60;
	[sflag:s24] =	ssyncadd.s32 $0xFFFFF000  }
0x83: {  	[spmem:s2] =	stream.indirect.scatter.add.f32 [tilespmem:s16], [sflag:$0x6], $0x80, s30, s14, $0xb8;
	[tilespmem:$0x1E400] =	vst v63  }
0x84: {  	_ =	swait.ge [sflag:s10], $0x1000  }
0x85: {  	[sflag:s10] =	ssyncset.done $0x0  }
0x86: {  	s30 =	simm.s32 $0x200;
	[sflag:s10] =	ssyncadd.s32 $0xFFFFF000  }
0x87: {  	[tilespmem:s16], [sflag:$0x2] =	stream.indirect.gather [hbm4b:s4+s14], $0x80, s30, s14, $0xb8;
	[tilespmem:$0x1E400] =	vst v63  }
0x88: {  	_ =	swait.ge [sflag:s25], $0x1000  }
0x89: {  	[sflag:s25] =	ssyncset.done $0x0  }
0x8a: {  	s30 =	simm.s32 $0x2D80;
	[sflag:s25] =	ssyncadd.s32 $0xFFFFF000  }
0x8b: {  	[spmem:s2] =	stream.indirect.scatter.add.f32 [tilespmem:s18], [sflag:$0x6], $0x80, s30, s14, $0xb8;
	[tilespmem:$0x1E400] =	vst v63  }
0x8c: {  	_ =	swait.ge [sflag:s10], $0x1000  }
0x8d: {  	[sflag:s10] =	ssyncset.done $0x0  }
0x8e: {  	s30 =	simm.s32 $0x220;
	[sflag:s10] =	ssyncadd.s32 $0xFFFFF000  }
0x8f: {  	[tilespmem:s18], [sflag:$0x3] =	stream.indirect.gather [hbm4b:s4+s14], $0x80, s30, s14, $0xb8;
	[tilespmem:$0x1E400] =	vst v63  }
0x90: {  	_ =	swait.ge [sflag:s26], $0x1000  }
0x91: {  	[sflag:s26] =	ssyncset.done $0x0  }
0x92: {  	s30 =	simm.s32 $0x2DA0;
	[sflag:s26] =	ssyncadd.s32 $0xFFFFF000  }
0x93: {  	[spmem:s2] =	stream.indirect.scatter.add.f32 [tilespmem:s20], [sflag:$0x6], $0x80, s30, s14, $0xb8;
	[tilespmem:$0x1E400] =	vst v63  }
0x94: {  	_ =	swait.ge [sflag:s10], $0x1000  }
0x95: {  	[sflag:s10] =	ssyncset.done $0x0  }
0x96: {  	s30 =	simm.s32 $0x240;
	[sflag:s10] =	ssyncadd.s32 $0xFFFFF000  }
0x97: {  	[tilespmem:s20], [sflag:$0x4] =	stream.indirect.gather [hbm4b:s4+s14], $0x80, s30, s14, $0xb8;
	[tilespmem:$0x1E400] =	vst v63  }
0x98: {  	_ =	swait.ge [sflag:s28], $0x1000  }
0x99: {  	[sflag:s28] =	ssyncset.done $0x0  }
0x9a: {  	s30 =	simm.s32 $0x2DC0;
	[sflag:s28] =	ssyncadd.s32 $0xFFFFF000  }
0x9b: {  	[spmem:s2] =	stream.indirect.scatter.add.f32 [tilespmem:s22], [sflag:$0x6], $0x80, s30, s14, $0xb8;
	[tilespmem:$0x1E400] =	vst v63  }
0x9c: {  	_ =	swait.ge [sflag:s10], $0x1000  }
0x9d: {  	[sflag:s10] =	ssyncset.done $0x0  }
0x9e: {  	s30 =	simm.s32 $0x260;
	[sflag:s10] =	ssyncadd.s32 $0xFFFFF000  }
0x9f: {  	[tilespmem:s22], [sflag:$0x5] =	stream.indirect.gather [hbm4b:s4+s14], $0x80, s30, s14, $0xb8;
	[tilespmem:$0x1E400] =	vst v63  }
0xa0: {  	_ =	swait.ge [sflag:s23], $0x1000  }
0xa1: {  	[sflag:s23] =	ssyncset.done $0x0  }
0xa2: {  	s30 =	simm.s32 $0x2DE0;
	[sflag:s23] =	ssyncadd.s32 $0xFFFFF000  }
0xa3: {  	[spmem:s2] =	stream.indirect.scatter.add.f32 [tilespmem:s15], [sflag:$0x6], $0x80, s30, s14, $0xb8;
	[tilespmem:$0x1E400] =	vst v63  }
0xa4: {  	_ =	swait.ge [sflag:s10], $0x1000  }
0xa5: {  	[sflag:s10] =	ssyncset.done $0x0  }
0xa6: {  	s30 =	simm.s32 $0x280;
	[sflag:s10] =	ssyncadd.s32 $0xFFFFF000  }
0xa7: {  	[tilespmem:s15], [sflag:$0x1] =	stream.indirect.gather [hbm4b:s4+s14], $0x80, s30, s14, $0xb8;
	[tilespmem:$0x1E400] =	vst v63  }
0xa8: {  	_ =	swait.ge [sflag:s24], $0x1000  }
0xa9: {  	[sflag:s24] =	ssyncset.done $0x0  }
0xaa: {  	s30 =	simm.s32 $0x2E00;
	[sflag:s24] =	ssyncadd.s32 $0xFFFFF000  }
0xab: {  	[spmem:s2] =	stream.indirect.scatter.add.f32 [tilespmem:s16], [sflag:$0x6], $0x80, s30, s14, $0xb8;
	[tilespmem:$0x1E400] =	vst v63  }
0xac: {  	_ =	swait.ge [sflag:s10], $0x1000  }
0xad: {  	[sflag:s10] =	ssyncset.done $0x0  }
0xae: {  	s30 =	simm.s32 $0x2A0;
	[sflag:s10] =	ssyncadd.s32 $0xFFFFF000  }
0xaf: {  	[tilespmem:s16], [sflag:$0x2] =	stream.indirect.gather [hbm4b:s4+s14], $0x80, s30, s14, $0xb8;
	[tilespmem:$0x1E400] =	vst v63  }
0xb0: {  	_ =	swait.ge [sflag:s25], $0x1000  }
0xb1: {  	[sflag:s25] =	ssyncset.done $0x0  }
0xb2: {  	s30 =	simm.s32 $0x2E20;
	[sflag:s25] =	ssyncadd.s32 $0xFFFFF000  }
0xb3: {  	[spmem:s2] =	stream.indirect.scatter.add.f32 [tilespmem:s18], [sflag:$0x6], $0x80, s30, s14, $0xb8;
	[tilespmem:$0x1E400] =	vst v63  }
0xb4: {  	_ =	swait.ge [sflag:s10], $0x1000  }
0xb5: {  	[sflag:s10] =	ssyncset.done $0x0  }
0xb6: {  	s30 =	simm.s32 $0x2C0;
	[sflag:s10] =	ssyncadd.s32 $0xFFFFF000  }
0xb7: {  	[tilespmem:s18], [sflag:$0x3] =	stream.indirect.gather [hbm4b:s4+s14], $0x80, s30, s14, $0xb8;
	[tilespmem:$0x1E400] =	vst v63  }
0xb8: {  	_ =	swait.ge [sflag:s26], $0x1000  }
0xb9: {  	[sflag:s26] =	ssyncset.done $0x0  }
0xba: {  	s30 =	simm.s32 $0x2E40;
	[sflag:s26] =	ssyncadd.s32 $0xFFFFF000  }
0xbb: {  	[spmem:s2] =	stream.indirect.scatter.add.f32 [tilespmem:s20], [sflag:$0x6], $0x80, s30, s14, $0xb8;
	[tilespmem:$0x1E400] =	vst v63  }
0xbc: {  	_ =	swait.ge [sflag:s10], $0x1000  }
0xbd: {  	[sflag:s10] =	ssyncset.done $0x0  }
0xbe: {  	s30 =	simm.s32 $0x2E0;
	[sflag:s10] =	ssyncadd.s32 $0xFFFFF000  }
0xbf: {  	[tilespmem:s20], [sflag:$0x4] =	stream.indirect.gather [hbm4b:s4+s14], $0x80, s30, s14, $0xb8;
	[tilespmem:$0x1E400] =	vst v63  }
0xc0: {  	_ =	swait.ge [sflag:s28], $0x1000  }
0xc1: {  	[sflag:s28] =	ssyncset.done $0x0  }
0xc2: {  	s30 =	simm.s32 $0x2E60;
	[sflag:s28] =	ssyncadd.s32 $0xFFFFF000  }
0xc3: {  	[spmem:s2] =	stream.indirect.scatter.add.f32 [tilespmem:s22], [sflag:$0x6], $0x80, s30, s14, $0xb8;
	[tilespmem:$0x1E400] =	vst v63  }
0xc4: {  	_ =	swait.ge [sflag:s10], $0x1000  }
0xc5: {  	[sflag:s10] =	ssyncset.done $0x0  }
0xc6: {  	s31 =	simm.s32 $0x300;
	s30 =	simm.s32 $0xA00;
	[sflag:s10] =	ssyncadd.s32 $0xFFFFF000  }
.LBB2_2:
0xc7: {  	[tilespmem:s22], [sflag:$0x5] =	stream.indirect.gather [hbm4b:s4+s14], $0x80, s31, s14, $0xb8;
	[tilespmem:$0x1E400] =	vst v63  }
0xc8: {  	s31 =	smov.u32 s30  }
0xc9: {  	p0 =	sne.s32 s30, $0x9600;
	s30 =	sadd.s32 $0xA00, s30;
	_ =	swait.ge [sflag:s23], $0x1000  }
0xca: {  	s31 =	sshra.s32 s31, $0x2;
	[sflag:s23] =	ssyncset.done $0x0  }
0xcb: {  	s1 =	sadd.s32 $0x2C00, s31;
	[sflag:s23] =	ssyncadd.s32 $0xFFFFF000  }
0xcc: {  	[spmem:s2] =	stream.indirect.scatter.add.f32 [tilespmem:s15], [sflag:$0x6], $0x80, s1, s14, $0xb8;
	[tilespmem:$0x1E400] =	vst v63  }
0xcd: {  	_ =	swait.ge [sflag:s10], $0x1000  }
0xce: {  	[sflag:s10] =	ssyncset.done $0x0  }
0xcf: {  	s1 =	sadd.s32 $0xA0, s31;
	[sflag:s10] =	ssyncadd.s32 $0xFFFFF000  }
0xd0: {  	[tilespmem:s15], [sflag:$0x1] =	stream.indirect.gather [hbm4b:s4+s14], $0x80, s1, s14, $0xb8;
	[tilespmem:$0x1E400] =	vst v63  }
0xd1: {  	_ =	swait.ge [sflag:s24], $0x1000  }
0xd2: {  	[sflag:s24] =	ssyncset.done $0x0  }
0xd3: {  	s1 =	sadd.s32 $0x2C20, s31;
	[sflag:s24] =	ssyncadd.s32 $0xFFFFF000  }
0xd4: {  	[spmem:s2] =	stream.indirect.scatter.add.f32 [tilespmem:s16], [sflag:$0x6], $0x80, s1, s14, $0xb8;
	[tilespmem:$0x1E400] =	vst v63  }
0xd5: {  	_ =	swait.ge [sflag:s10], $0x1000  }
0xd6: {  	[sflag:s10] =	ssyncset.done $0x0  }
0xd7: {  	s1 =	sadd.s32 $0xC0, s31;
	[sflag:s10] =	ssyncadd.s32 $0xFFFFF000  }
0xd8: {  	[tilespmem:s16], [sflag:$0x2] =	stream.indirect.gather [hbm4b:s4+s14], $0x80, s1, s14, $0xb8;
	[tilespmem:$0x1E400] =	vst v63  }
0xd9: {  	_ =	swait.ge [sflag:s25], $0x1000  }
0xda: {  	[sflag:s25] =	ssyncset.done $0x0  }
0xdb: {  	s1 =	sadd.s32 $0x2C40, s31;
	[sflag:s25] =	ssyncadd.s32 $0xFFFFF000  }
0xdc: {  	[spmem:s2] =	stream.indirect.scatter.add.f32 [tilespmem:s18], [sflag:$0x6], $0x80, s1, s14, $0xb8;
	[tilespmem:$0x1E400] =	vst v63  }
0xdd: {  	_ =	swait.ge [sflag:s10], $0x1000  }
0xde: {  	[sflag:s10] =	ssyncset.done $0x0  }
0xdf: {  	s1 =	sadd.s32 $0xE0, s31;
	[sflag:s10] =	ssyncadd.s32 $0xFFFFF000  }
0xe0: {  	[tilespmem:s18], [sflag:$0x3] =	stream.indirect.gather [hbm4b:s4+s14], $0x80, s1, s14, $0xb8;
	[tilespmem:$0x1E400] =	vst v63  }
0xe1: {  	_ =	swait.ge [sflag:s26], $0x1000  }
0xe2: {  	[sflag:s26] =	ssyncset.done $0x0  }
0xe3: {  	s1 =	sadd.s32 $0x2C60, s31;
	[sflag:s26] =	ssyncadd.s32 $0xFFFFF000  }
0xe4: {  	[spmem:s2] =	stream.indirect.scatter.add.f32 [tilespmem:s20], [sflag:$0x6], $0x80, s1, s14, $0xb8;
	[tilespmem:$0x1E400] =	vst v63  }
0xe5: {  	_ =	swait.ge [sflag:s10], $0x1000  }
0xe6: {  	[sflag:s10] =	ssyncset.done $0x0  }
0xe7: {  	s1 =	sadd.s32 $0x100, s31;
	[sflag:s10] =	ssyncadd.s32 $0xFFFFF000  }
0xe8: {  	[tilespmem:s20], [sflag:$0x4] =	stream.indirect.gather [hbm4b:s4+s14], $0x80, s1, s14, $0xb8;
	[tilespmem:$0x1E400] =	vst v63  }
0xe9: {  	_ =	swait.ge [sflag:s28], $0x1000  }
0xea: {  	[sflag:s28] =	ssyncset.done $0x0  }
0xeb: {  	s1 =	sadd.s32 $0x2C80, s31;
	[sflag:s28] =	ssyncadd.s32 $0xFFFFF000  }
0xec: {  	[spmem:s2] =	stream.indirect.scatter.add.f32 [tilespmem:s22], [sflag:$0x6], $0x80, s1, s14, $0xb8;
	[tilespmem:$0x1E400] =	vst v63  }
0xed: {  	_ =	swait.ge [sflag:s10], $0x1000  }
0xee: {  	[sflag:s10] =	ssyncset.done $0x0  }
0xef: {  	s1 =	sadd.s32 $0x120, s31;
	[sflag:s10] =	ssyncadd.s32 $0xFFFFF000  }
0xf0: {  	[tilespmem:s22], [sflag:$0x5] =	stream.indirect.gather [hbm4b:s4+s14], $0x80, s1, s14, $0xb8;
	[tilespmem:$0x1E400] =	vst v63  }
0xf1: {  	_ =	swait.ge [sflag:s23], $0x1000  }
0xf2: {  	[sflag:s23] =	ssyncset.done $0x0  }
0xf3: {  	s1 =	sadd.s32 $0x2CA0, s31;
	[sflag:s23] =	ssyncadd.s32 $0xFFFFF000  }
0xf4: {  	[spmem:s2] =	stream.indirect.scatter.add.f32 [tilespmem:s15], [sflag:$0x6], $0x80, s1, s14, $0xb8;
	[tilespmem:$0x1E400] =	vst v63  }
0xf5: {  	_ =	swait.ge [sflag:s10], $0x1000  }
0xf6: {  	[sflag:s10] =	ssyncset.done $0x0  }
0xf7: {  	s1 =	sadd.s32 $0x140, s31;
	[sflag:s10] =	ssyncadd.s32 $0xFFFFF000  }
0xf8: {  	[tilespmem:s15], [sflag:$0x1] =	stream.indirect.gather [hbm4b:s4+s14], $0x80, s1, s14, $0xb8;
	[tilespmem:$0x1E400] =	vst v63  }
0xf9: {  	_ =	swait.ge [sflag:s24], $0x1000  }
0xfa: {  	[sflag:s24] =	ssyncset.done $0x0  }
0xfb: {  	s1 =	sadd.s32 $0x2CC0, s31;
	[sflag:s24] =	ssyncadd.s32 $0xFFFFF000  }
0xfc: {  	[spmem:s2] =	stream.indirect.scatter.add.f32 [tilespmem:s16], [sflag:$0x6], $0x80, s1, s14, $0xb8;
	[tilespmem:$0x1E400] =	vst v63  }
0xfd: {  	_ =	swait.ge [sflag:s10], $0x1000  }
0xfe: {  	[sflag:s10] =	ssyncset.done $0x0  }
0xff: {  	s1 =	sadd.s32 $0x160, s31;
	[sflag:s10] =	ssyncadd.s32 $0xFFFFF000  }
0x100: {  	[tilespmem:s16], [sflag:$0x2] =	stream.indirect.gather [hbm4b:s4+s14], $0x80, s1, s14, $0xb8;
	[tilespmem:$0x1E400] =	vst v63  }
0x101: {  	_ =	swait.ge [sflag:s25], $0x1000  }
0x102: {  	[sflag:s25] =	ssyncset.done $0x0  }
0x103: {  	s1 =	sadd.s32 $0x2CE0, s31;
	[sflag:s25] =	ssyncadd.s32 $0xFFFFF000  }
0x104: {  	[spmem:s2] =	stream.indirect.scatter.add.f32 [tilespmem:s18], [sflag:$0x6], $0x80, s1, s14, $0xb8;
	[tilespmem:$0x1E400] =	vst v63  }
0x105: {  	_ =	swait.ge [sflag:s10], $0x1000  }
0x106: {  	[sflag:s10] =	ssyncset.done $0x0  }
0x107: {  	s1 =	sadd.s32 $0x180, s31;
	[sflag:s10] =	ssyncadd.s32 $0xFFFFF000  }
0x108: {  	[tilespmem:s18], [sflag:$0x3] =	stream.indirect.gather [hbm4b:s4+s14], $0x80, s1, s14, $0xb8;
	[tilespmem:$0x1E400] =	vst v63  }
0x109: {  	_ =	swait.ge [sflag:s26], $0x1000  }
0x10a: {  	[sflag:s26] =	ssyncset.done $0x0  }
0x10b: {  	s1 =	sadd.s32 $0x2D00, s31;
	[sflag:s26] =	ssyncadd.s32 $0xFFFFF000  }
0x10c: {  	[spmem:s2] =	stream.indirect.scatter.add.f32 [tilespmem:s20], [sflag:$0x6], $0x80, s1, s14, $0xb8;
	[tilespmem:$0x1E400] =	vst v63  }
0x10d: {  	_ =	swait.ge [sflag:s10], $0x1000  }
0x10e: {  	[sflag:s10] =	ssyncset.done $0x0  }
0x10f: {  	s1 =	sadd.s32 $0x1A0, s31;
	[sflag:s10] =	ssyncadd.s32 $0xFFFFF000  }
0x110: {  	[tilespmem:s20], [sflag:$0x4] =	stream.indirect.gather [hbm4b:s4+s14], $0x80, s1, s14, $0xb8;
	[tilespmem:$0x1E400] =	vst v63  }
0x111: {  	_ =	swait.ge [sflag:s28], $0x1000  }
0x112: {  	[sflag:s28] =	ssyncset.done $0x0  }
0x113: {  	s1 =	sadd.s32 $0x2D20, s31;
	[sflag:s28] =	ssyncadd.s32 $0xFFFFF000  }
0x114: {  	[spmem:s2] =	stream.indirect.scatter.add.f32 [tilespmem:s22], [sflag:$0x6], $0x80, s1, s14, $0xb8;
	[tilespmem:$0x1E400] =	vst v63  }
0x115: {  	_ =	swait.ge [sflag:s10], $0x1000  }
0x116: {  	[sflag:s10] =	ssyncset.done $0x0  }
0x117: {  	s1 =	sadd.s32 $0x1C0, s31;
	[sflag:s10] =	ssyncadd.s32 $0xFFFFF000  }
0x118: {  	[tilespmem:s22], [sflag:$0x5] =	stream.indirect.gather [hbm4b:s4+s14], $0x80, s1, s14, $0xb8;
	[tilespmem:$0x1E400] =	vst v63  }
0x119: {  	_ =	swait.ge [sflag:s23], $0x1000  }
0x11a: {  	[sflag:s23] =	ssyncset.done $0x0  }
0x11b: {  	s1 =	sadd.s32 $0x2D40, s31;
	[sflag:s23] =	ssyncadd.s32 $0xFFFFF000  }
0x11c: {  	[spmem:s2] =	stream.indirect.scatter.add.f32 [tilespmem:s15], [sflag:$0x6], $0x80, s1, s14, $0xb8;
	[tilespmem:$0x1E400] =	vst v63  }
0x11d: {  	_ =	swait.ge [sflag:s10], $0x1000  }
0x11e: {  	[sflag:s10] =	ssyncset.done $0x0  }
0x11f: {  	s1 =	sadd.s32 $0x1E0, s31;
	[sflag:s10] =	ssyncadd.s32 $0xFFFFF000  }
0x120: {  	[tilespmem:s15], [sflag:$0x1] =	stream.indirect.gather [hbm4b:s4+s14], $0x80, s1, s14, $0xb8;
	[tilespmem:$0x1E400] =	vst v63  }
0x121: {  	_ =	swait.ge [sflag:s24], $0x1000  }
0x122: {  	[sflag:s24] =	ssyncset.done $0x0  }
0x123: {  	s1 =	sadd.s32 $0x2D60, s31;
	[sflag:s24] =	ssyncadd.s32 $0xFFFFF000  }
0x124: {  	[spmem:s2] =	stream.indirect.scatter.add.f32 [tilespmem:s16], [sflag:$0x6], $0x80, s1, s14, $0xb8;
	[tilespmem:$0x1E400] =	vst v63  }
0x125: {  	_ =	swait.ge [sflag:s10], $0x1000  }
0x126: {  	[sflag:s10] =	ssyncset.done $0x0  }
0x127: {  	s1 =	sadd.s32 $0x200, s31;
	[sflag:s10] =	ssyncadd.s32 $0xFFFFF000  }
0x128: {  	[tilespmem:s16], [sflag:$0x2] =	stream.indirect.gather [hbm4b:s4+s14], $0x80, s1, s14, $0xb8;
	[tilespmem:$0x1E400] =	vst v63  }
0x129: {  	_ =	swait.ge [sflag:s25], $0x1000  }
0x12a: {  	[sflag:s25] =	ssyncset.done $0x0  }
0x12b: {  	s1 =	sadd.s32 $0x2D80, s31;
	[sflag:s25] =	ssyncadd.s32 $0xFFFFF000  }
0x12c: {  	[spmem:s2] =	stream.indirect.scatter.add.f32 [tilespmem:s18], [sflag:$0x6], $0x80, s1, s14, $0xb8;
	[tilespmem:$0x1E400] =	vst v63  }
0x12d: {  	_ =	swait.ge [sflag:s10], $0x1000  }
0x12e: {  	[sflag:s10] =	ssyncset.done $0x0  }
0x12f: {  	s1 =	sadd.s32 $0x220, s31;
	[sflag:s10] =	ssyncadd.s32 $0xFFFFF000  }
0x130: {  	[tilespmem:s18], [sflag:$0x3] =	stream.indirect.gather [hbm4b:s4+s14], $0x80, s1, s14, $0xb8;
	[tilespmem:$0x1E400] =	vst v63  }
0x131: {  	_ =	swait.ge [sflag:s26], $0x1000  }
0x132: {  	[sflag:s26] =	ssyncset.done $0x0  }
0x133: {  	s1 =	sadd.s32 $0x2DA0, s31;
	[sflag:s26] =	ssyncadd.s32 $0xFFFFF000  }
0x134: {  	[spmem:s2] =	stream.indirect.scatter.add.f32 [tilespmem:s20], [sflag:$0x6], $0x80, s1, s14, $0xb8;
	[tilespmem:$0x1E400] =	vst v63  }
0x135: {  	_ =	swait.ge [sflag:s10], $0x1000  }
0x136: {  	[sflag:s10] =	ssyncset.done $0x0  }
0x137: {  	s1 =	sadd.s32 $0x240, s31;
	[sflag:s10] =	ssyncadd.s32 $0xFFFFF000  }
0x138: {  	[tilespmem:s20], [sflag:$0x4] =	stream.indirect.gather [hbm4b:s4+s14], $0x80, s1, s14, $0xb8;
	[tilespmem:$0x1E400] =	vst v63  }
0x139: {  	_ =	swait.ge [sflag:s28], $0x1000  }
0x13a: {  	[sflag:s28] =	ssyncset.done $0x0  }
0x13b: {  	s1 =	sadd.s32 $0x2DC0, s31;
	[sflag:s28] =	ssyncadd.s32 $0xFFFFF000  }
0x13c: {  	[spmem:s2] =	stream.indirect.scatter.add.f32 [tilespmem:s22], [sflag:$0x6], $0x80, s1, s14, $0xb8;
	[tilespmem:$0x1E400] =	vst v63  }
0x13d: {  	_ =	swait.ge [sflag:s10], $0x1000  }
0x13e: {  	[sflag:s10] =	ssyncset.done $0x0  }
0x13f: {  	s1 =	sadd.s32 $0x260, s31;
	[sflag:s10] =	ssyncadd.s32 $0xFFFFF000  }
0x140: {  	[tilespmem:s22], [sflag:$0x5] =	stream.indirect.gather [hbm4b:s4+s14], $0x80, s1, s14, $0xb8;
	[tilespmem:$0x1E400] =	vst v63  }
0x141: {  	_ =	swait.ge [sflag:s23], $0x1000  }
0x142: {  	[sflag:s23] =	ssyncset.done $0x0  }
0x143: {  	s1 =	sadd.s32 $0x2DE0, s31;
	[sflag:s23] =	ssyncadd.s32 $0xFFFFF000  }
0x144: {  	[spmem:s2] =	stream.indirect.scatter.add.f32 [tilespmem:s15], [sflag:$0x6], $0x80, s1, s14, $0xb8;
	[tilespmem:$0x1E400] =	vst v63  }
0x145: {  	_ =	swait.ge [sflag:s10], $0x1000  }
0x146: {  	[sflag:s10] =	ssyncset.done $0x0  }
0x147: {  	s1 =	sadd.s32 $0x280, s31;
	[sflag:s10] =	ssyncadd.s32 $0xFFFFF000  }
0x148: {  	[tilespmem:s15], [sflag:$0x1] =	stream.indirect.gather [hbm4b:s4+s14], $0x80, s1, s14, $0xb8;
	[tilespmem:$0x1E400] =	vst v63  }
0x149: {  	_ =	swait.ge [sflag:s24], $0x1000  }
0x14a: {  	[sflag:s24] =	ssyncset.done $0x0  }
0x14b: {  	s1 =	sadd.s32 $0x2E00, s31;
	[sflag:s24] =	ssyncadd.s32 $0xFFFFF000  }
0x14c: {  	[spmem:s2] =	stream.indirect.scatter.add.f32 [tilespmem:s16], [sflag:$0x6], $0x80, s1, s14, $0xb8;
	[tilespmem:$0x1E400] =	vst v63  }
0x14d: {  	_ =	swait.ge [sflag:s10], $0x1000  }
0x14e: {  	[sflag:s10] =	ssyncset.done $0x0  }
0x14f: {  	s1 =	sadd.s32 $0x2A0, s31;
	[sflag:s10] =	ssyncadd.s32 $0xFFFFF000  }
0x150: {  	[tilespmem:s16], [sflag:$0x2] =	stream.indirect.gather [hbm4b:s4+s14], $0x80, s1, s14, $0xb8;
	[tilespmem:$0x1E400] =	vst v63  }
0x151: {  	_ =	swait.ge [sflag:s25], $0x1000  }
0x152: {  	[sflag:s25] =	ssyncset.done $0x0  }
0x153: {  	s1 =	sadd.s32 $0x2E20, s31;
	[sflag:s25] =	ssyncadd.s32 $0xFFFFF000  }
0x154: {  	[spmem:s2] =	stream.indirect.scatter.add.f32 [tilespmem:s18], [sflag:$0x6], $0x80, s1, s14, $0xb8;
	[tilespmem:$0x1E400] =	vst v63  }
0x155: {  	_ =	swait.ge [sflag:s10], $0x1000  }
0x156: {  	[sflag:s10] =	ssyncset.done $0x0  }
0x157: {  	s1 =	sadd.s32 $0x2C0, s31;
	[sflag:s10] =	ssyncadd.s32 $0xFFFFF000  }
0x158: {  	[tilespmem:s18], [sflag:$0x3] =	stream.indirect.gather [hbm4b:s4+s14], $0x80, s1, s14, $0xb8;
	[tilespmem:$0x1E400] =	vst v63  }
0x159: {  	_ =	swait.ge [sflag:s26], $0x1000  }
0x15a: {  	[sflag:s26] =	ssyncset.done $0x0  }
0x15b: {  	s1 =	sadd.s32 $0x2E40, s31;
	[sflag:s26] =	ssyncadd.s32 $0xFFFFF000  }
0x15c: {  	[spmem:s2] =	stream.indirect.scatter.add.f32 [tilespmem:s20], [sflag:$0x6], $0x80, s1, s14, $0xb8;
	[tilespmem:$0x1E400] =	vst v63  }
0x15d: {  	_ =	swait.ge [sflag:s10], $0x1000  }
0x15e: {  	[sflag:s10] =	ssyncset.done $0x0  }
0x15f: {  	s1 =	sadd.s32 $0x2E0, s31;
	[sflag:s10] =	ssyncadd.s32 $0xFFFFF000  }
0x160: {  	[tilespmem:s20], [sflag:$0x4] =	stream.indirect.gather [hbm4b:s4+s14], $0x80, s1, s14, $0xb8;
	[tilespmem:$0x1E400] =	vst v63  }
0x161: {  	_ =	swait.ge [sflag:s28], $0x1000  }
0x162: {  	[sflag:s28] =	ssyncset.done $0x0  }
.Ltmp0:
0x163: {  	s1 =	sadd.s32 $0x2E60, s31;
	[sflag:s28] =	ssyncadd.s32 $0xFFFFF000;
	(pc) =	sbr.rel @p0 .LBB2_2-.Ltmp0, $4  }
0x164: {  	[spmem:s2] =	stream.indirect.scatter.add.f32 [tilespmem:s22], [sflag:$0x6], $0x80, s1, s14, $0xb8;
	[tilespmem:$0x1E400] =	vst v63  }
0x165: {  	_ =	swait.ge [sflag:s10], $0x1000  }
0x166: {  	[sflag:s10] =	ssyncset.done $0x0  }
0x167: {  	s31 =	sadd.s32 $0x300, s31;
	[sflag:s10] =	ssyncadd.s32 $0xFFFFF000  }
0x168: {  	[tilespmem:s22], [sflag:$0x5] =	stream.indirect.gather [hbm4b:s4+s14], $0x80, s31, s14, $0xb8;
	[tilespmem:$0x1E400] =	vst v63  }
0x169: {  	_ =	swait.ge [sflag:s23], $0x1000  }
0x16a: {  	[sflag:s23] =	ssyncset.done $0x0  }
0x16b: {  	[sflag:s23] =	ssyncadd.s32 $0xFFFFF000  }
0x16c: {  	_ =	swait.ge [sflag:s24], $0x1000  }
0x16d: {  	[sflag:s24] =	ssyncset.done $0x0  }
0x16e: {  	[sflag:s24] =	ssyncadd.s32 $0xFFFFF000  }
0x16f: {  	_ =	swait.ge [sflag:s25], $0x1000  }
0x170: {  	[sflag:s25] =	ssyncset.done $0x0  }
0x171: {  	[sflag:s25] =	ssyncadd.s32 $0xFFFFF000  }
0x172: {  	_ =	swait.ge [sflag:s26], $0x1000  }
0x173: {  	[sflag:s26] =	ssyncset.done $0x0  }
0x174: {  	[sflag:s26] =	ssyncadd.s32 $0xFFFFF000  }
0x175: {  	_ =	swait.ge [sflag:s28], $0x1000  }
0x176: {  	s29 =	sadd.s32 $0x1, s29;
	[sflag:s28] =	ssyncset.done $0x0  }
0x177: {  	p0 =	sne.s32 s29, s9;
	[sflag:s28] =	ssyncadd.s32 $0xFFFFF000  }
.Ltmp1:
0x178: {  	[bflag:$0x0] =	sbarrier.arrive $0xFFFF;
	(pc) =	sbr.rel @p0 .LBB2_1-.Ltmp1, $4  }
0x179: {  	[hbm:s8], [sflag:s12] =	dma.local [spmem:s13], $0x2780  }
0x17a: {  	_ =	swait.ge [sflag:s10], $0x2780  }
0x17b: {  	[sflag:s10] =	ssyncset.done $0x0  }
0x17c: {  	[sflag:s10] =	ssyncadd.s32 $0xFFFFD880  }
0x17d: {  	_ =	sfence.sel $0x180000  }
0x17e: {  	[bflag:$0x0] =	sbarrier.arrive $0xFFFF  }
0x17f: {  	_ =	strace $0x9000004A  }
0x180: {  	[bflag:$0x2] =	sbarrier.arrive $0xFFFF  }
0x181: {  	p0 =	sne.s32 s0, $0x0;
	s0 =	rddreg [dreg:$0x2]  }
0x182: {  	s0 =	sadd.s32 @!p0 $0x100000, s0  }
0x183: {  	[sflag:s0] =	ssyncadd.tile.s32 @!p0 $0x1;
	_ =	shalt  }
.Lfunc_end2:
_tile_overlayer_lowered:
.L_overlay_start_2:
0x184: {  	(tag) =	ssettag $0x2  }
0x185: {  	s0 =	rddreg [dreg:$0x0];
	s2 =	stileid.u32  }
0x186: {  	s1 =	rddreg [dreg:$0x1];
	p0 =	sne.s32 s2, $0x0  }
0x187: {  	s3 =	rddreg [dreg:$0x2];
	[bflag:$0x3] =	sbarrier.arrive $0xFFFF;
	s2 =	simm.s32 @!p0 $0x1C06  }
0x188: {  	[timem:s3], [sflag:s2] =	dma.local @!p0 [hbm:s0], s1  }
0x189: {  	s0 =	simm.s32 @!p0 $0x6  }
0x18a: {  	_ =	swait.ge @!p0 [sflag:s0], s1  }
0x18b: {  	s1 =	ssub.s32 @!p0 $0x0, s1;
	[sflag:s0] =	ssyncset.done @!p0 $0x0  }
0x18c: {  	[sflag:s0] =	ssyncadd.s32 @!p0 s1  }
0x18d: {  	[bflag:$0x3] =	sbarrier.arrive $0xFFFF  }
0x18e: {  	_ =	shalt  }

// kernel: kernel.20.cloned.1.call-start
scs
__scs_entry_jumppad:
0x0: {  	(pc) =	sbr.rel $0x88, $3  }
0x1: {  	(tag) =	ssettag $0x0;
	lr =	simm.s32 $0x1  }
0x2: {  	[smem:$0x3F98] =	sst lr;
	_ =	strace $0xD0000000  }
0x3: {  	_ = 	snop  }
0x4: {  	_ = 	snop  }
0x5: {  	_ = 	snop  }
0x6: {  	_ = 	snop  }
0x7: {  	_ = 	snop  }
__scs_overlays_trampoline_lowered:
0x8: {  	[smem:$0x3FA7] =	sst s0  }
0x9: {  	[smem:$0x3FA8] =	sst s1  }
0xa: {  	[smem:$0x3FA9] =	sst s2  }
0xb: {  	[smem:$0x3FAA] =	sst s3  }
0xc: {  	[smem:$0x3FAB] =	sst s4  }
0xd: {  	[smem:$0x3FAC] =	sst s5  }
0xe: {  	[smem:$0x3FAD] =	sst s6  }
0xf: {  	[smem:$0x3FAE] =	sst s7  }
0x10: {  	[smem:$0x3FAF] =	sst s8  }
0x11: {  	[smem:$0x3FB0] =	sst s9;
	s0 =	simm.s32 @!p0 $0x0  }
0x12: {  	s1 =	sld [smem:$0x3F96];
	s0 =	simm.s32 @p0 $0x1  }
0x13: {  	[smem:$0x3FB1] =	sst s0;
	s0 =	simm.s32 @!p1 $0x0  }
0x14: {  	s2 =	sld [smem:$0x3F95];
	s0 =	simm.s32 @p1 $0x1  }
0x15: {  	[smem:$0x3FB2] =	sst s0;
	s0 =	simm.s32 @!p2 $0x0  }
0x16: {  	s3 =	sld [smem:$0x3FDB];
	s0 =	simm.s32 @p2 $0x1  }
0x17: {  	s4 =	simm.s32 $0x1BF5;
	[smem:$0x3FB4] =	sst s0  }
0x18: {  	s0 =	sld [smem:$0x3F97];
	_ =	swait.ge [sflag:s4], $0x0  }
0x19: {  	s7 =	sld [smem:$0x3F98]  }
0x1a: {  	s8 =	sadd.s32 $0xFFFFE003, lr  }
0x1b: {  	s9 =	sadd.s32 $0xFFFFFEF7, lr;
	s5 =	simm.s32 $0xFFFFFFFF;
	p2 =	slt.u32 s8, $0xFFFFF086  }
0x1c: {  	p1 =	slt.u32 s9, $0xF7A;
	s5 =	simm.s32 @!p2 $0x0  }
0x1d: {  	s5 =	simm.s32 @p1 $0x1;
	p0 =	seq.s32 s7, s2  }
0x1e: {  	s7 =	smul.u32 @!p0 $0xF7A, s2;
	p2 =	seq.s32 @!p0 s5, $0x0  }
0x1f: {  	s9 =	smul.u32 $0xF7A, s1;
	s8 =	simm.s32 @!p0 $0x1BF5;
	p2 =	por !p2, p0  }
0x20: {  	[sflag:s8] =	ssyncset.s32 @!p0 $0xFFFFF086;
	s6 =	sadd.s32 @!p0 s3, s7;
	s7 =	simm.s32 @!p0 $0x108  }
0x21: {  	s3 =	sadd.s32 s3, s9;
	s6 =	sadd.s32 @!p0 $0x88, s6;
	s7 =	simm.s32 @p2 $0x1082  }
0x22: {  	[simem:s7], [sflag:s8] =	dma.local @!p0 [hbm:s6], $0xF7A  }
0x23: {  	s9 =	sor.u32 $0xD0000000, s2;
	s6 =	simm.s32 $0x108;
	_ =	swait.ge @!p0 [sflag:s8], $0x0  }
0x24: {  	s3 =	sadd.s32 $0x88, s3;
	s6 =	simm.s32 @!p1 $0x1082;
	[sflag:s4] =	ssyncset.s32 $0xFFFFF086  }
0x25: {  	[simem:s6], [sflag:s4] =	dma.local [hbm:s3], $0xF7A  }
0x26: {  	[smem:$0x3F98] =	sst s1;
	(tag) =	ssettag s2;
	_ =	strace s9  }
0x27: {  	s1 =	sld [smem:$0x3FA8]  }
0x28: {  	s2 =	sld [smem:$0x3FA9]  }
0x29: {  	s4 =	sld [smem:$0x3FAB]  }
0x2a: {  	p0 =	seq.s32 s5, $0x0;
	s5 =	sld [smem:$0x3FAC]  }
0x2b: {  	s6 =	sld [smem:$0x3FAD]  }
0x2c: {  	s7 =	sld [smem:$0x3FAE]  }
0x2d: {  	s3 =	simm.s32 $0x108;
	s8 =	sld [smem:$0x3FAF]  }
0x2e: {  	s3 =	simm.s32 @!p0 $0x1082;
	s9 =	sld [smem:$0x3FB0]  }
0x2f: {  	lr =	sadd.s32 s0, s3;
	s0 =	sld [smem:$0x3FA7]  }
0x30: {  	s3 =	sld [smem:$0x3FAA]  }
0x31: {  	[smem:$0x3FB3] =	sst s10  }
0x32: {  	s10 =	sld [smem:$0x3FB1];
	_ =	sdelay $0x3  }
0x33: {  	p0 =	seq.s32 s10, $0x1;
	s10 =	sld [smem:$0x3FB3];
	_ =	sdelay $0x3  }
0x34: {  	[smem:$0x3FB3] =	sst s10  }
0x35: {  	s10 =	sld [smem:$0x3FB2];
	_ =	sdelay $0x3  }
0x36: {  	p1 =	seq.s32 s10, $0x1;
	s10 =	sld [smem:$0x3FB3];
	_ =	sdelay $0x3  }
0x37: {  	[smem:$0x3FB3] =	sst s10  }
0x38: {  	s10 =	sld [smem:$0x3FB4]  }
0x39: {  	_ = 	snop;
	(pc) =	sbr.ind lr, $3  }
0x3a: {  	_ = 	snop  }
0x3b: {  	_ = 	snop  }
0x3c: {  	p2 =	seq.s32 s10, $0x1;
	s10 =	sld [smem:$0x3FB3]  }
0x3d: {  	_ =	shalt  }
0x3e: {  	_ =	shalt  }
0x3f: {  	_ =	shalt  }
0x40: {  	_ =	shalt  }
0x41: {  	_ =	shalt  }
0x42: {  	_ =	shalt  }
0x43: {  	_ =	shalt  }
0x44: {  	_ =	shalt  }
0x45: {  	_ =	shalt  }
0x46: {  	_ =	shalt  }
0x47: {  	_ =	shalt  }
0x48: {  	_ =	shalt  }
0x49: {  	_ =	shalt  }
0x4a: {  	_ =	shalt  }
0x4b: {  	_ =	shalt  }
0x4c: {  	_ =	shalt  }
0x4d: {  	_ =	shalt  }
0x4e: {  	_ =	shalt  }
0x4f: {  	_ =	shalt  }
0x50: {  	_ =	shalt  }
0x51: {  	_ =	shalt  }
0x52: {  	_ =	shalt  }
0x53: {  	_ =	shalt  }
0x54: {  	_ =	shalt  }
0x55: {  	_ =	shalt  }
0x56: {  	_ =	shalt  }
0x57: {  	_ =	shalt  }
0x58: {  	_ =	shalt  }
0x59: {  	_ =	shalt  }
0x5a: {  	_ =	shalt  }
0x5b: {  	_ =	shalt  }
0x5c: {  	_ =	shalt  }
0x5d: {  	_ =	shalt  }
0x5e: {  	_ =	shalt  }
0x5f: {  	_ =	shalt  }
0x60: {  	_ =	shalt  }
0x61: {  	_ =	shalt  }
0x62: {  	_ =	shalt  }
0x63: {  	_ =	shalt  }
0x64: {  	_ =	shalt  }
0x65: {  	_ =	shalt  }
0x66: {  	_ =	shalt  }
0x67: {  	_ =	shalt  }
0x68: {  	_ =	shalt  }
0x69: {  	_ =	shalt  }
0x6a: {  	_ =	shalt  }
0x6b: {  	_ =	shalt  }
0x6c: {  	_ =	shalt  }
0x6d: {  	_ =	shalt  }
0x6e: {  	_ =	shalt  }
0x6f: {  	_ =	shalt  }
0x70: {  	_ =	shalt  }
0x71: {  	_ =	shalt  }
0x72: {  	_ =	shalt  }
0x73: {  	_ =	shalt  }
0x74: {  	_ =	shalt  }
0x75: {  	_ =	shalt  }
0x76: {  	_ =	shalt  }
0x77: {  	_ =	shalt  }
0x78: {  	_ =	shalt  }
0x79: {  	_ =	shalt  }
0x7a: {  	_ =	shalt  }
0x7b: {  	_ =	shalt  }
0x7c: {  	_ =	shalt  }
0x7d: {  	_ =	shalt  }
0x7e: {  	_ =	shalt  }
0x7f: {  	_ =	shalt  }
0x80: {  	_ =	shalt  }
0x81: {  	_ =	shalt  }
0x82: {  	_ =	shalt  }
0x83: {  	_ =	shalt  }
0x84: {  	_ =	shalt  }
0x85: {  	_ =	shalt  }
0x86: {  	_ =	shalt  }
0x87: {  	_ =	shalt  }
.Lfunc_end0:
.L_simem_size_0:
called_computation.3_lowered:
.L_overlay_start_0:
0x88: {  	s2 =	sld [smem:$0x3FD9]  }
0x89: {  	s3 =	sld [smem:$0x3FFE];
	_ =	sdelay $0x1  }
0x8a: {  	s1 =	srdreg.scid  }
0x8b: {  	s0 =	sand.u32 $0x1, s1  }
0x8c: {  	s17 =	sshll.u32 s0, $0xA;
	s2 =	sadd.s32 s3, s2  }
0x8d: {  	s2 =	sadd.s32 s2, s17  }
0x8e: {  	[smem:$0x3FBF] =	sst s2  }
0x8f: {  	_ = 	snop  }
0x90: {  	(tm) =	ssettm $0x1  }
0x91: {  	s18 =	sld [smem:$0x3FFB];
	_ =	sdelay $0x3  }
0x92: {  	_ =	strace s18  }
0x93: {  	s2 =	sld [smem:$0x3FFC];
	_ =	sdelay $0x3  }
0x94: {  	_ =	strace s2  }
0x95: {  	s2 =	sld [smem:$0x3FFD];
	_ =	sdelay $0x3  }
0x96: {  	_ =	strace s2  }
0x97: {  	_ =	strace $0x8FFFFFFF  }
0x98: {  	s19 =	sld [smem:$0x3FDB];
	_ =	sdelay $0x1  }
0x99: {  	s20 =	simm.s32 $_scs_section_size  }
0x9a: {  	s4 =	simm.s32 $_size__tile_overlayer_lowered;
	s5 =	simm.s32 $_tile_overlayer_lowered  }
0x9b: {  	s6 =	simm.s32 $0x1BFF;
	s21 =	sshll.u32 s5, $0x1;
	s3 =	sadd.s32 s20, s19  }
0x9c: {  	s22 =	simm.s32 $0x0;
	s4 =	sshll.u32 s4, $0x1;
	s5 =	sadd.s32 s21, s3  }
0x9d: {  	[timem:s22], [sflag:s6] =	dma.local [hbm:s5], s4  }
0x9e: {  	_ =	swait.ge [sflag:s6], s4  }
0x9f: {  	s4 =	ssub.s32 $0x0, s4;
	[sflag:s6] =	ssyncset.done $0x0  }
0xa0: {  	[sflag:s6] =	ssyncadd.s32 s4;
	_ =	sdelay $0x1  }
0xa1: {  	s23 =	simm.s32 $0x1B8B  }
0xa2: {  	_ =	swait.ge [sflag:s23], $0x1  }
0xa3: {  	[sflag:s23] =	ssyncset.done $0x0  }
0xa4: {  	[sflag:s23] =	ssyncadd.s32 $0xFFFFFFFF  }
0xa5: {  	s4 =	sld [smem:$0x0]  }
0xa6: {  	s5 =	sand.u32 $0xFFFFFFFE, s1  }
0xa7: {  	p0 =	sne.s32 s1, s5  }
0xa8: {  	s5 =	sshll.u32 @p0 s5, $0xE  }
0xa9: {  	s5 =	sadd.s32 @p0 $0x11B8D, s5;
	s6 =	sshll.u32 @p0 s4, $0x11  }
0xaa: {  	s5 =	sor.u32 @p0 s6, s5  }
0xab: {  	[sflag:s5] =	ssyncadd.remote.s32 @p0 $0x1;
	_ =	sdelay $0x1  }
0xac: {  	s5 =	simm.s32 @p0 $0x1B8D  }
0xad: {  	_ =	swait.eq @p0 [sflag:s5], $0x1  }
0xae: {  	[sflag:s5] =	ssyncadd.s32 @p0 $0xFFFFFFFF  }
0xaf: {  	s6 =	sshll.u32 @!p0 s1, $0xE  }
0xb0: {  	s6 =	sor.u32 @!p0 $0x4000, s6;
	s5 =	simm.s32 @!p0 $0x1B8D  }
0xb1: {  	s4 =	sshll.u32 @!p0 s4, $0x11;
	s6 =	sadd.s32 @!p0 $0x11B8D, s6;
	_ =	swait.eq @!p0 [sflag:s5], $0x1  }
0xb2: {  	s4 =	sor.u32 @!p0 s4, s6;
	[sflag:s5] =	ssyncadd.s32 @!p0 $0xFFFFFFFF  }
0xb3: {  	s25 =	simm.s32 $0x1B8E;
	s24 =	sld [smem:$0x3FFE];
	[sflag:s4] =	ssyncadd.remote.s32 @!p0 $0x1  }
0xb4: {  	s26 =	simm.s32 $execute0_lowered;
	[smem:$0x3FD2] =	sst s25  }
0xb5: {  	s5 =	sshll.u32 s26, $0x1;
	_ =	strace $0x8000004F;
	[dreg:$0x1] =	wrdreg $0xFFFFFFFF  }
0xb6: {  	s28 =	simm.s32 $_size_execute0_lowered;
	s3 =	sadd.s32 s3, s5;
	[dreg:$0x0] =	wrdreg $0x0  }
0xb7: {  	s5 =	sshll.u32 s28, $0x1;
	[dreg:$0x2] =	wrdreg s3  }
0xb8: {  	[dreg:$0x3] =	wrdreg s5  }
0xb9: {  	[dreg:$0x4] =	wrdreg $0xC0  }
0xba: {  	_ =	task [dreg:s22], $0x5FFFF  }
0xbb: {  	[dreg:$0x1] =	wrdreg $0xFFFFFFFF  }
0xbc: {  	[dreg:$0x0] =	wrdreg $0x60  }
0xbd: {  	[dreg:$0x2] =	wrdreg s24  }
0xbe: {  	[dreg:$0x3] =	wrdreg $0xA8000  }
0xbf: {  	[dreg:$0x4] =	wrdreg $0xA  }
0xc0: {  	_ =	task.clear_ibuf [dreg:s22], $0x5FFFF;
	_ =	strace $0x9000004F  }
0xc1: {  	s29 =	simm.s32 $0xA;
	_ =	strace $0x80000051  }
0xc2: {  	_ =	swait.ge [sflag:s29], $0x1  }
0xc3: {  	[sflag:s29] =	ssyncadd.s32 $0xFFFFFFFF  }
0xc4: {  	_ =	strace $0x90000051  }
0xc5: {  	_ =	sfence  }
0xc6: {  	s30 =	sld [smem:$0x0];
	_ =	sdelay $0x2  }
0xc7: {  	s31 =	sshll.u32 s1, $0xD;
	s1 =	sshrl.u32 s1, $0x2  }
0xc8: {  	s4 =	sand.u32 $0x4000, s31;
	s1 =	sadd.s32 s1, s30  }
0xc9: {  	s0 =	sor.u32 s4, s0;
	s1 =	sshll.u32 s1, $0x11  }
0xca: {  	s0 =	sor.u32 s1, s0  }
0xcb: {  	s0 =	sadd.s32 $0x8F2B, s0  }
0xcc: {  	[sflag:s0] =	ssyncadd.remote.s32 $0x1  }
0xcd: {  	_ =	sfence.sel $0xFFFF  }
0xce: {  	[dreg:$0x0] =	wrdreg $0xFFFFFFFF;
	(pc) =	sbr.abs _section_cstart, $3  }
0xcf: {  	[dreg:$0x1] =	wrdreg $0xFFFFFFFF  }
0xd0: {  	_ =	task.clear_ibuf [dreg:s22], $0x2FFFF;
	_ =	strace $0x9FFFFFFF  }
0xd1: {  	(tm) =	ssettm $0x7FFFFFFF  }
tec
execute0_lowered:
.L_overlay_start_1:
0x0: {  	(tag) =	ssettag $0x1  }
0x1: {  	s6 =	rddreg [dreg:$0x0]  }
0x2: {  	s0 =	srdreg.scid;
	s2 =	rddreg [dreg:$0x1];
	s3 =	simm.s32 $0x0  }
0x3: {  	s11 =	simm.s32 $0x2C00;
	s14 =	simm.s32 $0x20;
	s15 =	simm.s32 $0x5800  }
0x4: {  	s16 =	simm.s32 $0x6800;
	s17 =	simm.s32 $0x40;
	s18 =	simm.s32 $0x7800  }
0x5: {  	s19 =	simm.s32 $0x60;
	s20 =	simm.s32 $0x8800;
	s21 =	simm.s32 $0x80  }
0x6: {  	s22 =	simm.s32 $0x9800;
	s23 =	simm.s32 $0x1;
	s24 =	simm.s32 $0x2  }
0x7: {  	s25 =	simm.s32 $0x3;
	s26 =	simm.s32 $0x4;
	s28 =	simm.s32 $0x5  }
0x8: {  	s29 =	simm.s32 $0x0;
	s5 =	sand.u32 $0x1, s0;
	s0 =	stileid.u32  }
0x9: {  	[smem:$0x7FF] =	sst s3;
	s4 =	sadd.s32 $0x10600, s6;
	s8 =	smul.u32 $0x13C000, s5  }
0xa: {  	s1 =	sshll.u32 s5, $0x4;
	s9 =	smul.u32 $0x13C00, s0;
	_ =	strace $0x80000050  }
0xb: {  	s30 =	ssub.s32 $0x2, s5;
	s10 =	smul.u32 $0x4F000, s0;
	s5 =	sadd.s32 $0xD600, s6  }
0xc: {  	s12 =	sshll.u32 s0, $0x6;
	s1 =	sor.u32 s0, s1;
	s31 =	sshrl.u32 s30, $0x1  }
0xd: {  	s12 =	sor.u32 $0x1C06, s12;
	s7 =	smul.u32 $0x580, s1;
	s8 =	sadd.s32 s9, s8  }
0xe: {  	s9 =	ssub.s32 s30, s31;
	s10 =	sshrl.u32 s10, $0x2;
	s8 =	sshrl.u32 s8, $0x3  }
0xf: {  	s13 =	sadd.s32 s10, s2;
	s9 =	smax.u32 s9, $0x1;
	s7 =	sadd.s32 s7, s6  }
0x10: {  	s10 =	simm.s32 $0x6;
	s8 =	sadd.s32 s8, s6;
	s6 =	sadd.s32 $0x145800, s7  }
0x11: {  	s13 =	sshrl.u32 s13, $0x3;
	s7 =	sadd.s32 $0x13A800, s7;
	s8 =	sadd.s32 $0x37800, s8  }
.LBB2_1:
0x12: {  	[tilespmem:s3], [sflag:$0x6] =	stream.linear.gather [hbm4b:s6+s3], $0x2C00, $0x38;
	[tilespmem:$0x1E400] =	vst v63  }
0x13: {  	_ =	swait.ge [sflag:s10], $0x2C00  }
0x14: {  	[sflag:s10] =	ssyncset.done $0x0  }
0x15: {  	[sflag:s10] =	ssyncadd.s32 $0xFFFFD400  }
0x16: {  	[tilespmem:s11], [sflag:$0x6] =	stream.linear.gather [hbm4b:s7+s3], $0x2C00, $0x38;
	[tilespmem:$0x1E400] =	vst v63  }
0x17: {  	_ =	swait.ge [sflag:s10], $0x2C00  }
0x18: {  	[sflag:s10] =	ssyncset.done $0x0  }
0x19: {  	[sflag:s10] =	ssyncadd.s32 $0xFFFFD400  }
0x1a: {  	[spmem:s13], [sflag:s12] =	dma.local [hbm:s5], $0x2780  }
0x1b: {  	_ =	swait.ge [sflag:s10], $0x2780  }
0x1c: {  	[sflag:s10] =	ssyncset.done $0x0  }
0x1d: {  	[sflag:s10] =	ssyncadd.s32 $0xFFFFD880  }
0x1e: {  	[bflag:$0x0] =	sbarrier.arrive $0xFFFF  }
0x1f: {  	[tilespmem:s15], [sflag:$0x1] =	stream.indirect.gather [hbm4b:s4+s14], $0x80, s3, s14, $0xb8;
	[tilespmem:$0x1E400] =	vst v63  }
0x20: {  	_ = 	snop  }
0x21: {  	[tilespmem:s16], [sflag:$0x2] =	stream.indirect.gather [hbm4b:s4+s14], $0x80, s14, s14, $0xb8;
	[tilespmem:$0x1E400] =	vst v63  }
0x22: {  	_ = 	snop  }
0x23: {  	[tilespmem:s18], [sflag:$0x3] =	stream.indirect.gather [hbm4b:s4+s14], $0x80, s17, s14, $0xb8;
	[tilespmem:$0x1E400] =	vst v63  }
0x24: {  	_ = 	snop  }
0x25: {  	[tilespmem:s20], [sflag:$0x4] =	stream.indirect.gather [hbm4b:s4+s14], $0x80, s19, s14, $0xb8;
	[tilespmem:$0x1E400] =	vst v63  }
0x26: {  	_ = 	snop  }
0x27: {  	[tilespmem:s22], [sflag:$0x5] =	stream.indirect.gather [hbm4b:s4+s14], $0x80, s21, s14, $0xb8;
	[tilespmem:$0x1E400] =	vst v63  }
0x28: {  	_ =	swait.ge [sflag:s23], $0x1000  }
0x29: {  	[sflag:s23] =	ssyncset.done $0x0  }
0x2a: {  	s30 =	simm.s32 $0x2C00;
	[sflag:s23] =	ssyncadd.s32 $0xFFFFF000  }
0x2b: {  	[spmem:s2] =	stream.indirect.scatter.add.f32 [tilespmem:s15], [sflag:$0x6], $0x80, s30, s14, $0xb8;
	[tilespmem:$0x1E400] =	vst v63  }
0x2c: {  	_ =	swait.ge [sflag:s10], $0x1000  }
0x2d: {  	[sflag:s10] =	ssyncset.done $0x0  }
0x2e: {  	s30 =	simm.s32 $0xA0;
	[sflag:s10] =	ssyncadd.s32 $0xFFFFF000  }
0x2f: {  	[tilespmem:s15], [sflag:$0x1] =	stream.indirect.gather [hbm4b:s4+s14], $0x80, s30, s14, $0xb8;
	[tilespmem:$0x1E400] =	vst v63  }
0x30: {  	_ =	swait.ge [sflag:s24], $0x1000  }
0x31: {  	[sflag:s24] =	ssyncset.done $0x0  }
0x32: {  	s30 =	simm.s32 $0x2C20;
	[sflag:s24] =	ssyncadd.s32 $0xFFFFF000  }
0x33: {  	[spmem:s2] =	stream.indirect.scatter.add.f32 [tilespmem:s16], [sflag:$0x6], $0x80, s30, s14, $0xb8;
	[tilespmem:$0x1E400] =	vst v63  }
0x34: {  	_ =	swait.ge [sflag:s10], $0x1000  }
0x35: {  	[sflag:s10] =	ssyncset.done $0x0  }
0x36: {  	s30 =	simm.s32 $0xC0;
	[sflag:s10] =	ssyncadd.s32 $0xFFFFF000  }
0x37: {  	[tilespmem:s16], [sflag:$0x2] =	stream.indirect.gather [hbm4b:s4+s14], $0x80, s30, s14, $0xb8;
	[tilespmem:$0x1E400] =	vst v63  }
0x38: {  	_ =	swait.ge [sflag:s25], $0x1000  }
0x39: {  	[sflag:s25] =	ssyncset.done $0x0  }
0x3a: {  	s30 =	simm.s32 $0x2C40;
	[sflag:s25] =	ssyncadd.s32 $0xFFFFF000  }
0x3b: {  	[spmem:s2] =	stream.indirect.scatter.add.f32 [tilespmem:s18], [sflag:$0x6], $0x80, s30, s14, $0xb8;
	[tilespmem:$0x1E400] =	vst v63  }
0x3c: {  	_ =	swait.ge [sflag:s10], $0x1000  }
0x3d: {  	[sflag:s10] =	ssyncset.done $0x0  }
0x3e: {  	s30 =	simm.s32 $0xE0;
	[sflag:s10] =	ssyncadd.s32 $0xFFFFF000  }
0x3f: {  	[tilespmem:s18], [sflag:$0x3] =	stream.indirect.gather [hbm4b:s4+s14], $0x80, s30, s14, $0xb8;
	[tilespmem:$0x1E400] =	vst v63  }
0x40: {  	_ =	swait.ge [sflag:s26], $0x1000  }
0x41: {  	[sflag:s26] =	ssyncset.done $0x0  }
0x42: {  	s30 =	simm.s32 $0x2C60;
	[sflag:s26] =	ssyncadd.s32 $0xFFFFF000  }
0x43: {  	[spmem:s2] =	stream.indirect.scatter.add.f32 [tilespmem:s20], [sflag:$0x6], $0x80, s30, s14, $0xb8;
	[tilespmem:$0x1E400] =	vst v63  }
0x44: {  	_ =	swait.ge [sflag:s10], $0x1000  }
0x45: {  	[sflag:s10] =	ssyncset.done $0x0  }
0x46: {  	s30 =	simm.s32 $0x100;
	[sflag:s10] =	ssyncadd.s32 $0xFFFFF000  }
0x47: {  	[tilespmem:s20], [sflag:$0x4] =	stream.indirect.gather [hbm4b:s4+s14], $0x80, s30, s14, $0xb8;
	[tilespmem:$0x1E400] =	vst v63  }
0x48: {  	_ =	swait.ge [sflag:s28], $0x1000  }
0x49: {  	[sflag:s28] =	ssyncset.done $0x0  }
0x4a: {  	s30 =	simm.s32 $0x2C80;
	[sflag:s28] =	ssyncadd.s32 $0xFFFFF000  }
0x4b: {  	[spmem:s2] =	stream.indirect.scatter.add.f32 [tilespmem:s22], [sflag:$0x6], $0x80, s30, s14, $0xb8;
	[tilespmem:$0x1E400] =	vst v63  }
0x4c: {  	_ =	swait.ge [sflag:s10], $0x1000  }
0x4d: {  	[sflag:s10] =	ssyncset.done $0x0  }
0x4e: {  	s30 =	simm.s32 $0x120;
	[sflag:s10] =	ssyncadd.s32 $0xFFFFF000  }
0x4f: {  	[tilespmem:s22], [sflag:$0x5] =	stream.indirect.gather [hbm4b:s4+s14], $0x80, s30, s14, $0xb8;
	[tilespmem:$0x1E400] =	vst v63  }
0x50: {  	_ =	swait.ge [sflag:s23], $0x1000  }
0x51: {  	[sflag:s23] =	ssyncset.done $0x0  }
0x52: {  	s30 =	simm.s32 $0x2CA0;
	[sflag:s23] =	ssyncadd.s32 $0xFFFFF000  }
0x53: {  	[spmem:s2] =	stream.indirect.scatter.add.f32 [tilespmem:s15], [sflag:$0x6], $0x80, s30, s14, $0xb8;
	[tilespmem:$0x1E400] =	vst v63  }
0x54: {  	_ =	swait.ge [sflag:s10], $0x1000  }
0x55: {  	[sflag:s10] =	ssyncset.done $0x0  }
0x56: {  	s30 =	simm.s32 $0x140;
	[sflag:s10] =	ssyncadd.s32 $0xFFFFF000  }
0x57: {  	[tilespmem:s15], [sflag:$0x1] =	stream.indirect.gather [hbm4b:s4+s14], $0x80, s30, s14, $0xb8;
	[tilespmem:$0x1E400] =	vst v63  }
0x58: {  	_ =	swait.ge [sflag:s24], $0x1000  }
0x59: {  	[sflag:s24] =	ssyncset.done $0x0  }
0x5a: {  	s30 =	simm.s32 $0x2CC0;
	[sflag:s24] =	ssyncadd.s32 $0xFFFFF000  }
0x5b: {  	[spmem:s2] =	stream.indirect.scatter.add.f32 [tilespmem:s16], [sflag:$0x6], $0x80, s30, s14, $0xb8;
	[tilespmem:$0x1E400] =	vst v63  }
0x5c: {  	_ =	swait.ge [sflag:s10], $0x1000  }
0x5d: {  	[sflag:s10] =	ssyncset.done $0x0  }
0x5e: {  	s30 =	simm.s32 $0x160;
	[sflag:s10] =	ssyncadd.s32 $0xFFFFF000  }
0x5f: {  	[tilespmem:s16], [sflag:$0x2] =	stream.indirect.gather [hbm4b:s4+s14], $0x80, s30, s14, $0xb8;
	[tilespmem:$0x1E400] =	vst v63  }
0x60: {  	_ =	swait.ge [sflag:s25], $0x1000  }
0x61: {  	[sflag:s25] =	ssyncset.done $0x0  }
0x62: {  	s30 =	simm.s32 $0x2CE0;
	[sflag:s25] =	ssyncadd.s32 $0xFFFFF000  }
0x63: {  	[spmem:s2] =	stream.indirect.scatter.add.f32 [tilespmem:s18], [sflag:$0x6], $0x80, s30, s14, $0xb8;
	[tilespmem:$0x1E400] =	vst v63  }
0x64: {  	_ =	swait.ge [sflag:s10], $0x1000  }
0x65: {  	[sflag:s10] =	ssyncset.done $0x0  }
0x66: {  	s30 =	simm.s32 $0x180;
	[sflag:s10] =	ssyncadd.s32 $0xFFFFF000  }
0x67: {  	[tilespmem:s18], [sflag:$0x3] =	stream.indirect.gather [hbm4b:s4+s14], $0x80, s30, s14, $0xb8;
	[tilespmem:$0x1E400] =	vst v63  }
0x68: {  	_ =	swait.ge [sflag:s26], $0x1000  }
0x69: {  	[sflag:s26] =	ssyncset.done $0x0  }
0x6a: {  	s30 =	simm.s32 $0x2D00;
	[sflag:s26] =	ssyncadd.s32 $0xFFFFF000  }
0x6b: {  	[spmem:s2] =	stream.indirect.scatter.add.f32 [tilespmem:s20], [sflag:$0x6], $0x80, s30, s14, $0xb8;
	[tilespmem:$0x1E400] =	vst v63  }
0x6c: {  	_ =	swait.ge [sflag:s10], $0x1000  }
0x6d: {  	[sflag:s10] =	ssyncset.done $0x0  }
0x6e: {  	s30 =	simm.s32 $0x1A0;
	[sflag:s10] =	ssyncadd.s32 $0xFFFFF000  }
0x6f: {  	[tilespmem:s20], [sflag:$0x4] =	stream.indirect.gather [hbm4b:s4+s14], $0x80, s30, s14, $0xb8;
	[tilespmem:$0x1E400] =	vst v63  }
0x70: {  	_ =	swait.ge [sflag:s28], $0x1000  }
0x71: {  	[sflag:s28] =	ssyncset.done $0x0  }
0x72: {  	s30 =	simm.s32 $0x2D20;
	[sflag:s28] =	ssyncadd.s32 $0xFFFFF000  }
0x73: {  	[spmem:s2] =	stream.indirect.scatter.add.f32 [tilespmem:s22], [sflag:$0x6], $0x80, s30, s14, $0xb8;
	[tilespmem:$0x1E400] =	vst v63  }
0x74: {  	_ =	swait.ge [sflag:s10], $0x1000  }
0x75: {  	[sflag:s10] =	ssyncset.done $0x0  }
0x76: {  	s30 =	simm.s32 $0x1C0;
	[sflag:s10] =	ssyncadd.s32 $0xFFFFF000  }
0x77: {  	[tilespmem:s22], [sflag:$0x5] =	stream.indirect.gather [hbm4b:s4+s14], $0x80, s30, s14, $0xb8;
	[tilespmem:$0x1E400] =	vst v63  }
0x78: {  	_ =	swait.ge [sflag:s23], $0x1000  }
0x79: {  	[sflag:s23] =	ssyncset.done $0x0  }
0x7a: {  	s30 =	simm.s32 $0x2D40;
	[sflag:s23] =	ssyncadd.s32 $0xFFFFF000  }
0x7b: {  	[spmem:s2] =	stream.indirect.scatter.add.f32 [tilespmem:s15], [sflag:$0x6], $0x80, s30, s14, $0xb8;
	[tilespmem:$0x1E400] =	vst v63  }
0x7c: {  	_ =	swait.ge [sflag:s10], $0x1000  }
0x7d: {  	[sflag:s10] =	ssyncset.done $0x0  }
0x7e: {  	s30 =	simm.s32 $0x1E0;
	[sflag:s10] =	ssyncadd.s32 $0xFFFFF000  }
0x7f: {  	[tilespmem:s15], [sflag:$0x1] =	stream.indirect.gather [hbm4b:s4+s14], $0x80, s30, s14, $0xb8;
	[tilespmem:$0x1E400] =	vst v63  }
0x80: {  	_ =	swait.ge [sflag:s24], $0x1000  }
0x81: {  	[sflag:s24] =	ssyncset.done $0x0  }
0x82: {  	s30 =	simm.s32 $0x2D60;
	[sflag:s24] =	ssyncadd.s32 $0xFFFFF000  }
0x83: {  	[spmem:s2] =	stream.indirect.scatter.add.f32 [tilespmem:s16], [sflag:$0x6], $0x80, s30, s14, $0xb8;
	[tilespmem:$0x1E400] =	vst v63  }
0x84: {  	_ =	swait.ge [sflag:s10], $0x1000  }
0x85: {  	[sflag:s10] =	ssyncset.done $0x0  }
0x86: {  	s30 =	simm.s32 $0x200;
	[sflag:s10] =	ssyncadd.s32 $0xFFFFF000  }
0x87: {  	[tilespmem:s16], [sflag:$0x2] =	stream.indirect.gather [hbm4b:s4+s14], $0x80, s30, s14, $0xb8;
	[tilespmem:$0x1E400] =	vst v63  }
0x88: {  	_ =	swait.ge [sflag:s25], $0x1000  }
0x89: {  	[sflag:s25] =	ssyncset.done $0x0  }
0x8a: {  	s30 =	simm.s32 $0x2D80;
	[sflag:s25] =	ssyncadd.s32 $0xFFFFF000  }
0x8b: {  	[spmem:s2] =	stream.indirect.scatter.add.f32 [tilespmem:s18], [sflag:$0x6], $0x80, s30, s14, $0xb8;
	[tilespmem:$0x1E400] =	vst v63  }
0x8c: {  	_ =	swait.ge [sflag:s10], $0x1000  }
0x8d: {  	[sflag:s10] =	ssyncset.done $0x0  }
0x8e: {  	s30 =	simm.s32 $0x220;
	[sflag:s10] =	ssyncadd.s32 $0xFFFFF000  }
0x8f: {  	[tilespmem:s18], [sflag:$0x3] =	stream.indirect.gather [hbm4b:s4+s14], $0x80, s30, s14, $0xb8;
	[tilespmem:$0x1E400] =	vst v63  }
0x90: {  	_ =	swait.ge [sflag:s26], $0x1000  }
0x91: {  	[sflag:s26] =	ssyncset.done $0x0  }
0x92: {  	s30 =	simm.s32 $0x2DA0;
	[sflag:s26] =	ssyncadd.s32 $0xFFFFF000  }
0x93: {  	[spmem:s2] =	stream.indirect.scatter.add.f32 [tilespmem:s20], [sflag:$0x6], $0x80, s30, s14, $0xb8;
	[tilespmem:$0x1E400] =	vst v63  }
0x94: {  	_ =	swait.ge [sflag:s10], $0x1000  }
0x95: {  	[sflag:s10] =	ssyncset.done $0x0  }
0x96: {  	s30 =	simm.s32 $0x240;
	[sflag:s10] =	ssyncadd.s32 $0xFFFFF000  }
0x97: {  	[tilespmem:s20], [sflag:$0x4] =	stream.indirect.gather [hbm4b:s4+s14], $0x80, s30, s14, $0xb8;
	[tilespmem:$0x1E400] =	vst v63  }
0x98: {  	_ =	swait.ge [sflag:s28], $0x1000  }
0x99: {  	[sflag:s28] =	ssyncset.done $0x0  }
0x9a: {  	s30 =	simm.s32 $0x2DC0;
	[sflag:s28] =	ssyncadd.s32 $0xFFFFF000  }
0x9b: {  	[spmem:s2] =	stream.indirect.scatter.add.f32 [tilespmem:s22], [sflag:$0x6], $0x80, s30, s14, $0xb8;
	[tilespmem:$0x1E400] =	vst v63  }
0x9c: {  	_ =	swait.ge [sflag:s10], $0x1000  }
0x9d: {  	[sflag:s10] =	ssyncset.done $0x0  }
0x9e: {  	s30 =	simm.s32 $0x260;
	[sflag:s10] =	ssyncadd.s32 $0xFFFFF000  }
0x9f: {  	[tilespmem:s22], [sflag:$0x5] =	stream.indirect.gather [hbm4b:s4+s14], $0x80, s30, s14, $0xb8;
	[tilespmem:$0x1E400] =	vst v63  }
0xa0: {  	_ =	swait.ge [sflag:s23], $0x1000  }
0xa1: {  	[sflag:s23] =	ssyncset.done $0x0  }
0xa2: {  	s30 =	simm.s32 $0x2DE0;
	[sflag:s23] =	ssyncadd.s32 $0xFFFFF000  }
0xa3: {  	[spmem:s2] =	stream.indirect.scatter.add.f32 [tilespmem:s15], [sflag:$0x6], $0x80, s30, s14, $0xb8;
	[tilespmem:$0x1E400] =	vst v63  }
0xa4: {  	_ =	swait.ge [sflag:s10], $0x1000  }
0xa5: {  	[sflag:s10] =	ssyncset.done $0x0  }
0xa6: {  	s30 =	simm.s32 $0x280;
	[sflag:s10] =	ssyncadd.s32 $0xFFFFF000  }
0xa7: {  	[tilespmem:s15], [sflag:$0x1] =	stream.indirect.gather [hbm4b:s4+s14], $0x80, s30, s14, $0xb8;
	[tilespmem:$0x1E400] =	vst v63  }
0xa8: {  	_ =	swait.ge [sflag:s24], $0x1000  }
0xa9: {  	[sflag:s24] =	ssyncset.done $0x0  }
0xaa: {  	s30 =	simm.s32 $0x2E00;
	[sflag:s24] =	ssyncadd.s32 $0xFFFFF000  }
0xab: {  	[spmem:s2] =	stream.indirect.scatter.add.f32 [tilespmem:s16], [sflag:$0x6], $0x80, s30, s14, $0xb8;
	[tilespmem:$0x1E400] =	vst v63  }
0xac: {  	_ =	swait.ge [sflag:s10], $0x1000  }
0xad: {  	[sflag:s10] =	ssyncset.done $0x0  }
0xae: {  	s30 =	simm.s32 $0x2A0;
	[sflag:s10] =	ssyncadd.s32 $0xFFFFF000  }
0xaf: {  	[tilespmem:s16], [sflag:$0x2] =	stream.indirect.gather [hbm4b:s4+s14], $0x80, s30, s14, $0xb8;
	[tilespmem:$0x1E400] =	vst v63  }
0xb0: {  	_ =	swait.ge [sflag:s25], $0x1000  }
0xb1: {  	[sflag:s25] =	ssyncset.done $0x0  }
0xb2: {  	s30 =	simm.s32 $0x2E20;
	[sflag:s25] =	ssyncadd.s32 $0xFFFFF000  }
0xb3: {  	[spmem:s2] =	stream.indirect.scatter.add.f32 [tilespmem:s18], [sflag:$0x6], $0x80, s30, s14, $0xb8;
	[tilespmem:$0x1E400] =	vst v63  }
0xb4: {  	_ =	swait.ge [sflag:s10], $0x1000  }
0xb5: {  	[sflag:s10] =	ssyncset.done $0x0  }
0xb6: {  	s30 =	simm.s32 $0x2C0;
	[sflag:s10] =	ssyncadd.s32 $0xFFFFF000  }
0xb7: {  	[tilespmem:s18], [sflag:$0x3] =	stream.indirect.gather [hbm4b:s4+s14], $0x80, s30, s14, $0xb8;
	[tilespmem:$0x1E400] =	vst v63  }
0xb8: {  	_ =	swait.ge [sflag:s26], $0x1000  }
0xb9: {  	[sflag:s26] =	ssyncset.done $0x0  }
0xba: {  	s30 =	simm.s32 $0x2E40;
	[sflag:s26] =	ssyncadd.s32 $0xFFFFF000  }
0xbb: {  	[spmem:s2] =	stream.indirect.scatter.add.f32 [tilespmem:s20], [sflag:$0x6], $0x80, s30, s14, $0xb8;
	[tilespmem:$0x1E400] =	vst v63  }
0xbc: {  	_ =	swait.ge [sflag:s10], $0x1000  }
0xbd: {  	[sflag:s10] =	ssyncset.done $0x0  }
0xbe: {  	s30 =	simm.s32 $0x2E0;
	[sflag:s10] =	ssyncadd.s32 $0xFFFFF000  }
0xbf: {  	[tilespmem:s20], [sflag:$0x4] =	stream.indirect.gather [hbm4b:s4+s14], $0x80, s30, s14, $0xb8;
	[tilespmem:$0x1E400] =	vst v63  }
0xc0: {  	_ =	swait.ge [sflag:s28], $0x1000  }
0xc1: {  	[sflag:s28] =	ssyncset.done $0x0  }
0xc2: {  	s30 =	simm.s32 $0x2E60;
	[sflag:s28] =	ssyncadd.s32 $0xFFFFF000  }
0xc3: {  	[spmem:s2] =	stream.indirect.scatter.add.f32 [tilespmem:s22], [sflag:$0x6], $0x80, s30, s14, $0xb8;
	[tilespmem:$0x1E400] =	vst v63  }
0xc4: {  	_ =	swait.ge [sflag:s10], $0x1000  }
0xc5: {  	[sflag:s10] =	ssyncset.done $0x0  }
0xc6: {  	s31 =	simm.s32 $0x300;
	s30 =	simm.s32 $0xA00;
	[sflag:s10] =	ssyncadd.s32 $0xFFFFF000  }
.LBB2_2:
0xc7: {  	[tilespmem:s22], [sflag:$0x5] =	stream.indirect.gather [hbm4b:s4+s14], $0x80, s31, s14, $0xb8;
	[tilespmem:$0x1E400] =	vst v63  }
0xc8: {  	s31 =	smov.u32 s30  }
0xc9: {  	p0 =	sne.s32 s30, $0x9600;
	s30 =	sadd.s32 $0xA00, s30;
	_ =	swait.ge [sflag:s23], $0x1000  }
0xca: {  	s31 =	sshra.s32 s31, $0x2;
	[sflag:s23] =	ssyncset.done $0x0  }
0xcb: {  	s1 =	sadd.s32 $0x2C00, s31;
	[sflag:s23] =	ssyncadd.s32 $0xFFFFF000  }
0xcc: {  	[spmem:s2] =	stream.indirect.scatter.add.f32 [tilespmem:s15], [sflag:$0x6], $0x80, s1, s14, $0xb8;
	[tilespmem:$0x1E400] =	vst v63  }
0xcd: {  	_ =	swait.ge [sflag:s10], $0x1000  }
0xce: {  	[sflag:s10] =	ssyncset.done $0x0  }
0xcf: {  	s1 =	sadd.s32 $0xA0, s31;
	[sflag:s10] =	ssyncadd.s32 $0xFFFFF000  }
0xd0: {  	[tilespmem:s15], [sflag:$0x1] =	stream.indirect.gather [hbm4b:s4+s14], $0x80, s1, s14, $0xb8;
	[tilespmem:$0x1E400] =	vst v63  }
0xd1: {  	_ =	swait.ge [sflag:s24], $0x1000  }
0xd2: {  	[sflag:s24] =	ssyncset.done $0x0  }
0xd3: {  	s1 =	sadd.s32 $0x2C20, s31;
	[sflag:s24] =	ssyncadd.s32 $0xFFFFF000  }
0xd4: {  	[spmem:s2] =	stream.indirect.scatter.add.f32 [tilespmem:s16], [sflag:$0x6], $0x80, s1, s14, $0xb8;
	[tilespmem:$0x1E400] =	vst v63  }
0xd5: {  	_ =	swait.ge [sflag:s10], $0x1000  }
0xd6: {  	[sflag:s10] =	ssyncset.done $0x0  }
0xd7: {  	s1 =	sadd.s32 $0xC0, s31;
	[sflag:s10] =	ssyncadd.s32 $0xFFFFF000  }
0xd8: {  	[tilespmem:s16], [sflag:$0x2] =	stream.indirect.gather [hbm4b:s4+s14], $0x80, s1, s14, $0xb8;
	[tilespmem:$0x1E400] =	vst v63  }
0xd9: {  	_ =	swait.ge [sflag:s25], $0x1000  }
0xda: {  	[sflag:s25] =	ssyncset.done $0x0  }
0xdb: {  	s1 =	sadd.s32 $0x2C40, s31;
	[sflag:s25] =	ssyncadd.s32 $0xFFFFF000  }
0xdc: {  	[spmem:s2] =	stream.indirect.scatter.add.f32 [tilespmem:s18], [sflag:$0x6], $0x80, s1, s14, $0xb8;
	[tilespmem:$0x1E400] =	vst v63  }
0xdd: {  	_ =	swait.ge [sflag:s10], $0x1000  }
0xde: {  	[sflag:s10] =	ssyncset.done $0x0  }
0xdf: {  	s1 =	sadd.s32 $0xE0, s31;
	[sflag:s10] =	ssyncadd.s32 $0xFFFFF000  }
0xe0: {  	[tilespmem:s18], [sflag:$0x3] =	stream.indirect.gather [hbm4b:s4+s14], $0x80, s1, s14, $0xb8;
	[tilespmem:$0x1E400] =	vst v63  }
0xe1: {  	_ =	swait.ge [sflag:s26], $0x1000  }
0xe2: {  	[sflag:s26] =	ssyncset.done $0x0  }
0xe3: {  	s1 =	sadd.s32 $0x2C60, s31;
	[sflag:s26] =	ssyncadd.s32 $0xFFFFF000  }
0xe4: {  	[spmem:s2] =	stream.indirect.scatter.add.f32 [tilespmem:s20], [sflag:$0x6], $0x80, s1, s14, $0xb8;
	[tilespmem:$0x1E400] =	vst v63  }
0xe5: {  	_ =	swait.ge [sflag:s10], $0x1000  }
0xe6: {  	[sflag:s10] =	ssyncset.done $0x0  }
0xe7: {  	s1 =	sadd.s32 $0x100, s31;
	[sflag:s10] =	ssyncadd.s32 $0xFFFFF000  }
0xe8: {  	[tilespmem:s20], [sflag:$0x4] =	stream.indirect.gather [hbm4b:s4+s14], $0x80, s1, s14, $0xb8;
	[tilespmem:$0x1E400] =	vst v63  }
0xe9: {  	_ =	swait.ge [sflag:s28], $0x1000  }
0xea: {  	[sflag:s28] =	ssyncset.done $0x0  }
0xeb: {  	s1 =	sadd.s32 $0x2C80, s31;
	[sflag:s28] =	ssyncadd.s32 $0xFFFFF000  }
0xec: {  	[spmem:s2] =	stream.indirect.scatter.add.f32 [tilespmem:s22], [sflag:$0x6], $0x80, s1, s14, $0xb8;
	[tilespmem:$0x1E400] =	vst v63  }
0xed: {  	_ =	swait.ge [sflag:s10], $0x1000  }
0xee: {  	[sflag:s10] =	ssyncset.done $0x0  }
0xef: {  	s1 =	sadd.s32 $0x120, s31;
	[sflag:s10] =	ssyncadd.s32 $0xFFFFF000  }
0xf0: {  	[tilespmem:s22], [sflag:$0x5] =	stream.indirect.gather [hbm4b:s4+s14], $0x80, s1, s14, $0xb8;
	[tilespmem:$0x1E400] =	vst v63  }
0xf1: {  	_ =	swait.ge [sflag:s23], $0x1000  }
0xf2: {  	[sflag:s23] =	ssyncset.done $0x0  }
0xf3: {  	s1 =	sadd.s32 $0x2CA0, s31;
	[sflag:s23] =	ssyncadd.s32 $0xFFFFF000  }
0xf4: {  	[spmem:s2] =	stream.indirect.scatter.add.f32 [tilespmem:s15], [sflag:$0x6], $0x80, s1, s14, $0xb8;
	[tilespmem:$0x1E400] =	vst v63  }
0xf5: {  	_ =	swait.ge [sflag:s10], $0x1000  }
0xf6: {  	[sflag:s10] =	ssyncset.done $0x0  }
0xf7: {  	s1 =	sadd.s32 $0x140, s31;
	[sflag:s10] =	ssyncadd.s32 $0xFFFFF000  }
0xf8: {  	[tilespmem:s15], [sflag:$0x1] =	stream.indirect.gather [hbm4b:s4+s14], $0x80, s1, s14, $0xb8;
	[tilespmem:$0x1E400] =	vst v63  }
0xf9: {  	_ =	swait.ge [sflag:s24], $0x1000  }
0xfa: {  	[sflag:s24] =	ssyncset.done $0x0  }
0xfb: {  	s1 =	sadd.s32 $0x2CC0, s31;
	[sflag:s24] =	ssyncadd.s32 $0xFFFFF000  }
0xfc: {  	[spmem:s2] =	stream.indirect.scatter.add.f32 [tilespmem:s16], [sflag:$0x6], $0x80, s1, s14, $0xb8;
	[tilespmem:$0x1E400] =	vst v63  }
0xfd: {  	_ =	swait.ge [sflag:s10], $0x1000  }
0xfe: {  	[sflag:s10] =	ssyncset.done $0x0  }
0xff: {  	s1 =	sadd.s32 $0x160, s31;
	[sflag:s10] =	ssyncadd.s32 $0xFFFFF000  }
0x100: {  	[tilespmem:s16], [sflag:$0x2] =	stream.indirect.gather [hbm4b:s4+s14], $0x80, s1, s14, $0xb8;
	[tilespmem:$0x1E400] =	vst v63  }
0x101: {  	_ =	swait.ge [sflag:s25], $0x1000  }
0x102: {  	[sflag:s25] =	ssyncset.done $0x0  }
0x103: {  	s1 =	sadd.s32 $0x2CE0, s31;
	[sflag:s25] =	ssyncadd.s32 $0xFFFFF000  }
0x104: {  	[spmem:s2] =	stream.indirect.scatter.add.f32 [tilespmem:s18], [sflag:$0x6], $0x80, s1, s14, $0xb8;
	[tilespmem:$0x1E400] =	vst v63  }
0x105: {  	_ =	swait.ge [sflag:s10], $0x1000  }
0x106: {  	[sflag:s10] =	ssyncset.done $0x0  }
0x107: {  	s1 =	sadd.s32 $0x180, s31;
	[sflag:s10] =	ssyncadd.s32 $0xFFFFF000  }
0x108: {  	[tilespmem:s18], [sflag:$0x3] =	stream.indirect.gather [hbm4b:s4+s14], $0x80, s1, s14, $0xb8;
	[tilespmem:$0x1E400] =	vst v63  }
0x109: {  	_ =	swait.ge [sflag:s26], $0x1000  }
0x10a: {  	[sflag:s26] =	ssyncset.done $0x0  }
0x10b: {  	s1 =	sadd.s32 $0x2D00, s31;
	[sflag:s26] =	ssyncadd.s32 $0xFFFFF000  }
0x10c: {  	[spmem:s2] =	stream.indirect.scatter.add.f32 [tilespmem:s20], [sflag:$0x6], $0x80, s1, s14, $0xb8;
	[tilespmem:$0x1E400] =	vst v63  }
0x10d: {  	_ =	swait.ge [sflag:s10], $0x1000  }
0x10e: {  	[sflag:s10] =	ssyncset.done $0x0  }
0x10f: {  	s1 =	sadd.s32 $0x1A0, s31;
	[sflag:s10] =	ssyncadd.s32 $0xFFFFF000  }
0x110: {  	[tilespmem:s20], [sflag:$0x4] =	stream.indirect.gather [hbm4b:s4+s14], $0x80, s1, s14, $0xb8;
	[tilespmem:$0x1E400] =	vst v63  }
0x111: {  	_ =	swait.ge [sflag:s28], $0x1000  }
0x112: {  	[sflag:s28] =	ssyncset.done $0x0  }
0x113: {  	s1 =	sadd.s32 $0x2D20, s31;
	[sflag:s28] =	ssyncadd.s32 $0xFFFFF000  }
0x114: {  	[spmem:s2] =	stream.indirect.scatter.add.f32 [tilespmem:s22], [sflag:$0x6], $0x80, s1, s14, $0xb8;
	[tilespmem:$0x1E400] =	vst v63  }
0x115: {  	_ =	swait.ge [sflag:s10], $0x1000  }
0x116: {  	[sflag:s10] =	ssyncset.done $0x0  }
0x117: {  	s1 =	sadd.s32 $0x1C0, s31;
	[sflag:s10] =	ssyncadd.s32 $0xFFFFF000  }
0x118: {  	[tilespmem:s22], [sflag:$0x5] =	stream.indirect.gather [hbm4b:s4+s14], $0x80, s1, s14, $0xb8;
	[tilespmem:$0x1E400] =	vst v63  }
0x119: {  	_ =	swait.ge [sflag:s23], $0x1000  }
0x11a: {  	[sflag:s23] =	ssyncset.done $0x0  }
0x11b: {  	s1 =	sadd.s32 $0x2D40, s31;
	[sflag:s23] =	ssyncadd.s32 $0xFFFFF000  }
0x11c: {  	[spmem:s2] =	stream.indirect.scatter.add.f32 [tilespmem:s15], [sflag:$0x6], $0x80, s1, s14, $0xb8;
	[tilespmem:$0x1E400] =	vst v63  }
0x11d: {  	_ =	swait.ge [sflag:s10], $0x1000  }
0x11e: {  	[sflag:s10] =	ssyncset.done $0x0  }
0x11f: {  	s1 =	sadd.s32 $0x1E0, s31;
	[sflag:s10] =	ssyncadd.s32 $0xFFFFF000  }
0x120: {  	[tilespmem:s15], [sflag:$0x1] =	stream.indirect.gather [hbm4b:s4+s14], $0x80, s1, s14, $0xb8;
	[tilespmem:$0x1E400] =	vst v63  }
0x121: {  	_ =	swait.ge [sflag:s24], $0x1000  }
0x122: {  	[sflag:s24] =	ssyncset.done $0x0  }
0x123: {  	s1 =	sadd.s32 $0x2D60, s31;
	[sflag:s24] =	ssyncadd.s32 $0xFFFFF000  }
0x124: {  	[spmem:s2] =	stream.indirect.scatter.add.f32 [tilespmem:s16], [sflag:$0x6], $0x80, s1, s14, $0xb8;
	[tilespmem:$0x1E400] =	vst v63  }
0x125: {  	_ =	swait.ge [sflag:s10], $0x1000  }
0x126: {  	[sflag:s10] =	ssyncset.done $0x0  }
0x127: {  	s1 =	sadd.s32 $0x200, s31;
	[sflag:s10] =	ssyncadd.s32 $0xFFFFF000  }
0x128: {  	[tilespmem:s16], [sflag:$0x2] =	stream.indirect.gather [hbm4b:s4+s14], $0x80, s1, s14, $0xb8;
	[tilespmem:$0x1E400] =	vst v63  }
0x129: {  	_ =	swait.ge [sflag:s25], $0x1000  }
0x12a: {  	[sflag:s25] =	ssyncset.done $0x0  }
0x12b: {  	s1 =	sadd.s32 $0x2D80, s31;
	[sflag:s25] =	ssyncadd.s32 $0xFFFFF000  }
0x12c: {  	[spmem:s2] =	stream.indirect.scatter.add.f32 [tilespmem:s18], [sflag:$0x6], $0x80, s1, s14, $0xb8;
	[tilespmem:$0x1E400] =	vst v63  }
0x12d: {  	_ =	swait.ge [sflag:s10], $0x1000  }
0x12e: {  	[sflag:s10] =	ssyncset.done $0x0  }
0x12f: {  	s1 =	sadd.s32 $0x220, s31;
	[sflag:s10] =	ssyncadd.s32 $0xFFFFF000  }
0x130: {  	[tilespmem:s18], [sflag:$0x3] =	stream.indirect.gather [hbm4b:s4+s14], $0x80, s1, s14, $0xb8;
	[tilespmem:$0x1E400] =	vst v63  }
0x131: {  	_ =	swait.ge [sflag:s26], $0x1000  }
0x132: {  	[sflag:s26] =	ssyncset.done $0x0  }
0x133: {  	s1 =	sadd.s32 $0x2DA0, s31;
	[sflag:s26] =	ssyncadd.s32 $0xFFFFF000  }
0x134: {  	[spmem:s2] =	stream.indirect.scatter.add.f32 [tilespmem:s20], [sflag:$0x6], $0x80, s1, s14, $0xb8;
	[tilespmem:$0x1E400] =	vst v63  }
0x135: {  	_ =	swait.ge [sflag:s10], $0x1000  }
0x136: {  	[sflag:s10] =	ssyncset.done $0x0  }
0x137: {  	s1 =	sadd.s32 $0x240, s31;
	[sflag:s10] =	ssyncadd.s32 $0xFFFFF000  }
0x138: {  	[tilespmem:s20], [sflag:$0x4] =	stream.indirect.gather [hbm4b:s4+s14], $0x80, s1, s14, $0xb8;
	[tilespmem:$0x1E400] =	vst v63  }
0x139: {  	_ =	swait.ge [sflag:s28], $0x1000  }
0x13a: {  	[sflag:s28] =	ssyncset.done $0x0  }
0x13b: {  	s1 =	sadd.s32 $0x2DC0, s31;
	[sflag:s28] =	ssyncadd.s32 $0xFFFFF000  }
0x13c: {  	[spmem:s2] =	stream.indirect.scatter.add.f32 [tilespmem:s22], [sflag:$0x6], $0x80, s1, s14, $0xb8;
	[tilespmem:$0x1E400] =	vst v63  }
0x13d: {  	_ =	swait.ge [sflag:s10], $0x1000  }
0x13e: {  	[sflag:s10] =	ssyncset.done $0x0  }
0x13f: {  	s1 =	sadd.s32 $0x260, s31;
	[sflag:s10] =	ssyncadd.s32 $0xFFFFF000  }
0x140: {  	[tilespmem:s22], [sflag:$0x5] =	stream.indirect.gather [hbm4b:s4+s14], $0x80, s1, s14, $0xb8;
	[tilespmem:$0x1E400] =	vst v63  }
0x141: {  	_ =	swait.ge [sflag:s23], $0x1000  }
0x142: {  	[sflag:s23] =	ssyncset.done $0x0  }
0x143: {  	s1 =	sadd.s32 $0x2DE0, s31;
	[sflag:s23] =	ssyncadd.s32 $0xFFFFF000  }
0x144: {  	[spmem:s2] =	stream.indirect.scatter.add.f32 [tilespmem:s15], [sflag:$0x6], $0x80, s1, s14, $0xb8;
	[tilespmem:$0x1E400] =	vst v63  }
0x145: {  	_ =	swait.ge [sflag:s10], $0x1000  }
0x146: {  	[sflag:s10] =	ssyncset.done $0x0  }
0x147: {  	s1 =	sadd.s32 $0x280, s31;
	[sflag:s10] =	ssyncadd.s32 $0xFFFFF000  }
0x148: {  	[tilespmem:s15], [sflag:$0x1] =	stream.indirect.gather [hbm4b:s4+s14], $0x80, s1, s14, $0xb8;
	[tilespmem:$0x1E400] =	vst v63  }
0x149: {  	_ =	swait.ge [sflag:s24], $0x1000  }
0x14a: {  	[sflag:s24] =	ssyncset.done $0x0  }
0x14b: {  	s1 =	sadd.s32 $0x2E00, s31;
	[sflag:s24] =	ssyncadd.s32 $0xFFFFF000  }
0x14c: {  	[spmem:s2] =	stream.indirect.scatter.add.f32 [tilespmem:s16], [sflag:$0x6], $0x80, s1, s14, $0xb8;
	[tilespmem:$0x1E400] =	vst v63  }
0x14d: {  	_ =	swait.ge [sflag:s10], $0x1000  }
0x14e: {  	[sflag:s10] =	ssyncset.done $0x0  }
0x14f: {  	s1 =	sadd.s32 $0x2A0, s31;
	[sflag:s10] =	ssyncadd.s32 $0xFFFFF000  }
0x150: {  	[tilespmem:s16], [sflag:$0x2] =	stream.indirect.gather [hbm4b:s4+s14], $0x80, s1, s14, $0xb8;
	[tilespmem:$0x1E400] =	vst v63  }
0x151: {  	_ =	swait.ge [sflag:s25], $0x1000  }
0x152: {  	[sflag:s25] =	ssyncset.done $0x0  }
0x153: {  	s1 =	sadd.s32 $0x2E20, s31;
	[sflag:s25] =	ssyncadd.s32 $0xFFFFF000  }
0x154: {  	[spmem:s2] =	stream.indirect.scatter.add.f32 [tilespmem:s18], [sflag:$0x6], $0x80, s1, s14, $0xb8;
	[tilespmem:$0x1E400] =	vst v63  }
0x155: {  	_ =	swait.ge [sflag:s10], $0x1000  }
0x156: {  	[sflag:s10] =	ssyncset.done $0x0  }
0x157: {  	s1 =	sadd.s32 $0x2C0, s31;
	[sflag:s10] =	ssyncadd.s32 $0xFFFFF000  }
0x158: {  	[tilespmem:s18], [sflag:$0x3] =	stream.indirect.gather [hbm4b:s4+s14], $0x80, s1, s14, $0xb8;
	[tilespmem:$0x1E400] =	vst v63  }
0x159: {  	_ =	swait.ge [sflag:s26], $0x1000  }
0x15a: {  	[sflag:s26] =	ssyncset.done $0x0  }
0x15b: {  	s1 =	sadd.s32 $0x2E40, s31;
	[sflag:s26] =	ssyncadd.s32 $0xFFFFF000  }
0x15c: {  	[spmem:s2] =	stream.indirect.scatter.add.f32 [tilespmem:s20], [sflag:$0x6], $0x80, s1, s14, $0xb8;
	[tilespmem:$0x1E400] =	vst v63  }
0x15d: {  	_ =	swait.ge [sflag:s10], $0x1000  }
0x15e: {  	[sflag:s10] =	ssyncset.done $0x0  }
0x15f: {  	s1 =	sadd.s32 $0x2E0, s31;
	[sflag:s10] =	ssyncadd.s32 $0xFFFFF000  }
0x160: {  	[tilespmem:s20], [sflag:$0x4] =	stream.indirect.gather [hbm4b:s4+s14], $0x80, s1, s14, $0xb8;
	[tilespmem:$0x1E400] =	vst v63  }
0x161: {  	_ =	swait.ge [sflag:s28], $0x1000  }
0x162: {  	[sflag:s28] =	ssyncset.done $0x0  }
.Ltmp0:
0x163: {  	s1 =	sadd.s32 $0x2E60, s31;
	[sflag:s28] =	ssyncadd.s32 $0xFFFFF000;
	(pc) =	sbr.rel @p0 .LBB2_2-.Ltmp0, $4  }
0x164: {  	[spmem:s2] =	stream.indirect.scatter.add.f32 [tilespmem:s22], [sflag:$0x6], $0x80, s1, s14, $0xb8;
	[tilespmem:$0x1E400] =	vst v63  }
0x165: {  	_ =	swait.ge [sflag:s10], $0x1000  }
0x166: {  	[sflag:s10] =	ssyncset.done $0x0  }
0x167: {  	s31 =	sadd.s32 $0x300, s31;
	[sflag:s10] =	ssyncadd.s32 $0xFFFFF000  }
0x168: {  	[tilespmem:s22], [sflag:$0x5] =	stream.indirect.gather [hbm4b:s4+s14], $0x80, s31, s14, $0xb8;
	[tilespmem:$0x1E400] =	vst v63  }
0x169: {  	_ =	swait.ge [sflag:s23], $0x1000  }
0x16a: {  	[sflag:s23] =	ssyncset.done $0x0  }
0x16b: {  	[sflag:s23] =	ssyncadd.s32 $0xFFFFF000  }
0x16c: {  	_ =	swait.ge [sflag:s24], $0x1000  }
0x16d: {  	[sflag:s24] =	ssyncset.done $0x0  }
0x16e: {  	[sflag:s24] =	ssyncadd.s32 $0xFFFFF000  }
0x16f: {  	_ =	swait.ge [sflag:s25], $0x1000  }
0x170: {  	[sflag:s25] =	ssyncset.done $0x0  }
0x171: {  	[sflag:s25] =	ssyncadd.s32 $0xFFFFF000  }
0x172: {  	_ =	swait.ge [sflag:s26], $0x1000  }
0x173: {  	[sflag:s26] =	ssyncset.done $0x0  }
0x174: {  	[sflag:s26] =	ssyncadd.s32 $0xFFFFF000  }
0x175: {  	_ =	swait.ge [sflag:s28], $0x1000  }
0x176: {  	s29 =	sadd.s32 $0x1, s29;
	[sflag:s28] =	ssyncset.done $0x0  }
0x177: {  	p0 =	sne.s32 s29, s9;
	[sflag:s28] =	ssyncadd.s32 $0xFFFFF000  }
.Ltmp1:
0x178: {  	[bflag:$0x0] =	sbarrier.arrive $0xFFFF;
	(pc) =	sbr.rel @p0 .LBB2_1-.Ltmp1, $4  }
0x179: {  	[hbm:s8], [sflag:s12] =	dma.local [spmem:s13], $0x2780  }
0x17a: {  	_ =	swait.ge [sflag:s10], $0x2780  }
0x17b: {  	[sflag:s10] =	ssyncset.done $0x0  }
0x17c: {  	[sflag:s10] =	ssyncadd.s32 $0xFFFFD880  }
0x17d: {  	_ =	sfence.sel $0x180000  }
0x17e: {  	[bflag:$0x0] =	sbarrier.arrive $0xFFFF  }
0x17f: {  	_ =	strace $0x90000050  }
0x180: {  	[bflag:$0x2] =	sbarrier.arrive $0xFFFF  }
0x181: {  	p0 =	sne.s32 s0, $0x0;
	s0 =	rddreg [dreg:$0x2]  }
0x182: {  	s0 =	sadd.s32 @!p0 $0x100000, s0  }
0x183: {  	[sflag:s0] =	ssyncadd.tile.s32 @!p0 $0x1;
	_ =	shalt  }
.Lfunc_end2:
_tile_overlayer_lowered:
.L_overlay_start_2:
0x184: {  	(tag) =	ssettag $0x2  }
0x185: {  	s0 =	rddreg [dreg:$0x0];
	s2 =	stileid.u32  }
0x186: {  	s1 =	rddreg [dreg:$0x1];
	p0 =	sne.s32 s2, $0x0  }
0x187: {  	s3 =	rddreg [dreg:$0x2];
	[bflag:$0x3] =	sbarrier.arrive $0xFFFF;
	s2 =	simm.s32 @!p0 $0x1C06  }
0x188: {  	[timem:s3], [sflag:s2] =	dma.local @!p0 [hbm:s0], s1  }
0x189: {  	s0 =	simm.s32 @!p0 $0x6  }
0x18a: {  	_ =	swait.ge @!p0 [sflag:s0], s1  }
0x18b: {  	s1 =	ssub.s32 @!p0 $0x0, s1;
	[sflag:s0] =	ssyncset.done @!p0 $0x0  }
0x18c: {  	[sflag:s0] =	ssyncadd.s32 @!p0 s1  }
0x18d: {  	[bflag:$0x3] =	sbarrier.arrive $0xFFFF  }
0x18e: {  	_ =	shalt  }

// kernel: kernel.23.cloned.1.call-start
scs
__scs_entry_jumppad:
0x0: {  	(pc) =	sbr.rel $0x88, $3  }
0x1: {  	(tag) =	ssettag $0x0;
	lr =	simm.s32 $0x1  }
0x2: {  	[smem:$0x3F98] =	sst lr;
	_ =	strace $0xD0000000  }
0x3: {  	_ = 	snop  }
0x4: {  	_ = 	snop  }
0x5: {  	_ = 	snop  }
0x6: {  	_ = 	snop  }
0x7: {  	_ = 	snop  }
__scs_overlays_trampoline_lowered:
0x8: {  	[smem:$0x3FA7] =	sst s0  }
0x9: {  	[smem:$0x3FA8] =	sst s1  }
0xa: {  	[smem:$0x3FA9] =	sst s2  }
0xb: {  	[smem:$0x3FAA] =	sst s3  }
0xc: {  	[smem:$0x3FAB] =	sst s4  }
0xd: {  	[smem:$0x3FAC] =	sst s5  }
0xe: {  	[smem:$0x3FAD] =	sst s6  }
0xf: {  	[smem:$0x3FAE] =	sst s7  }
0x10: {  	[smem:$0x3FAF] =	sst s8  }
0x11: {  	[smem:$0x3FB0] =	sst s9;
	s0 =	simm.s32 @!p0 $0x0  }
0x12: {  	s1 =	sld [smem:$0x3F96];
	s0 =	simm.s32 @p0 $0x1  }
0x13: {  	[smem:$0x3FB1] =	sst s0;
	s0 =	simm.s32 @!p1 $0x0  }
0x14: {  	s2 =	sld [smem:$0x3F95];
	s0 =	simm.s32 @p1 $0x1  }
0x15: {  	[smem:$0x3FB2] =	sst s0;
	s0 =	simm.s32 @!p2 $0x0  }
0x16: {  	s3 =	sld [smem:$0x3FDB];
	s0 =	simm.s32 @p2 $0x1  }
0x17: {  	s4 =	simm.s32 $0x1BF5;
	[smem:$0x3FB4] =	sst s0  }
0x18: {  	s0 =	sld [smem:$0x3F97];
	_ =	swait.ge [sflag:s4], $0x0  }
0x19: {  	s7 =	sld [smem:$0x3F98]  }
0x1a: {  	s8 =	sadd.s32 $0xFFFFE003, lr  }
0x1b: {  	s9 =	sadd.s32 $0xFFFFFEF7, lr;
	s5 =	simm.s32 $0xFFFFFFFF;
	p2 =	slt.u32 s8, $0xFFFFF086  }
0x1c: {  	p1 =	slt.u32 s9, $0xF7A;
	s5 =	simm.s32 @!p2 $0x0  }
0x1d: {  	s5 =	simm.s32 @p1 $0x1;
	p0 =	seq.s32 s7, s2  }
0x1e: {  	s7 =	smul.u32 @!p0 $0xF7A, s2;
	p2 =	seq.s32 @!p0 s5, $0x0  }
0x1f: {  	s9 =	smul.u32 $0xF7A, s1;
	s8 =	simm.s32 @!p0 $0x1BF5;
	p2 =	por !p2, p0  }
0x20: {  	[sflag:s8] =	ssyncset.s32 @!p0 $0xFFFFF086;
	s6 =	sadd.s32 @!p0 s3, s7;
	s7 =	simm.s32 @!p0 $0x108  }
0x21: {  	s3 =	sadd.s32 s3, s9;
	s6 =	sadd.s32 @!p0 $0x88, s6;
	s7 =	simm.s32 @p2 $0x1082  }
0x22: {  	[simem:s7], [sflag:s8] =	dma.local @!p0 [hbm:s6], $0xF7A  }
0x23: {  	s9 =	sor.u32 $0xD0000000, s2;
	s6 =	simm.s32 $0x108;
	_ =	swait.ge @!p0 [sflag:s8], $0x0  }
0x24: {  	s3 =	sadd.s32 $0x88, s3;
	s6 =	simm.s32 @!p1 $0x1082;
	[sflag:s4] =	ssyncset.s32 $0xFFFFF086  }
0x25: {  	[simem:s6], [sflag:s4] =	dma.local [hbm:s3], $0xF7A  }
0x26: {  	[smem:$0x3F98] =	sst s1;
	(tag) =	ssettag s2;
	_ =	strace s9  }
0x27: {  	s1 =	sld [smem:$0x3FA8]  }
0x28: {  	s2 =	sld [smem:$0x3FA9]  }
0x29: {  	s4 =	sld [smem:$0x3FAB]  }
0x2a: {  	p0 =	seq.s32 s5, $0x0;
	s5 =	sld [smem:$0x3FAC]  }
0x2b: {  	s6 =	sld [smem:$0x3FAD]  }
0x2c: {  	s7 =	sld [smem:$0x3FAE]  }
0x2d: {  	s3 =	simm.s32 $0x108;
	s8 =	sld [smem:$0x3FAF]  }
0x2e: {  	s3 =	simm.s32 @!p0 $0x1082;
	s9 =	sld [smem:$0x3FB0]  }
0x2f: {  	lr =	sadd.s32 s0, s3;
	s0 =	sld [smem:$0x3FA7]  }
0x30: {  	s3 =	sld [smem:$0x3FAA]  }
0x31: {  	[smem:$0x3FB3] =	sst s10  }
0x32: {  	s10 =	sld [smem:$0x3FB1];
	_ =	sdelay $0x3  }
0x33: {  	p0 =	seq.s32 s10, $0x1;
	s10 =	sld [smem:$0x3FB3];
	_ =	sdelay $0x3  }
0x34: {  	[smem:$0x3FB3] =	sst s10  }
0x35: {  	s10 =	sld [smem:$0x3FB2];
	_ =	sdelay $0x3  }
0x36: {  	p1 =	seq.s32 s10, $0x1;
	s10 =	sld [smem:$0x3FB3];
	_ =	sdelay $0x3  }
0x37: {  	[smem:$0x3FB3] =	sst s10  }
0x38: {  	s10 =	sld [smem:$0x3FB4]  }
0x39: {  	_ = 	snop;
	(pc) =	sbr.ind lr, $3  }
0x3a: {  	_ = 	snop  }
0x3b: {  	_ = 	snop  }
0x3c: {  	p2 =	seq.s32 s10, $0x1;
	s10 =	sld [smem:$0x3FB3]  }
0x3d: {  	_ =	shalt  }
0x3e: {  	_ =	shalt  }
0x3f: {  	_ =	shalt  }
0x40: {  	_ =	shalt  }
0x41: {  	_ =	shalt  }
0x42: {  	_ =	shalt  }
0x43: {  	_ =	shalt  }
0x44: {  	_ =	shalt  }
0x45: {  	_ =	shalt  }
0x46: {  	_ =	shalt  }
0x47: {  	_ =	shalt  }
0x48: {  	_ =	shalt  }
0x49: {  	_ =	shalt  }
0x4a: {  	_ =	shalt  }
0x4b: {  	_ =	shalt  }
0x4c: {  	_ =	shalt  }
0x4d: {  	_ =	shalt  }
0x4e: {  	_ =	shalt  }
0x4f: {  	_ =	shalt  }
0x50: {  	_ =	shalt  }
0x51: {  	_ =	shalt  }
0x52: {  	_ =	shalt  }
0x53: {  	_ =	shalt  }
0x54: {  	_ =	shalt  }
0x55: {  	_ =	shalt  }
0x56: {  	_ =	shalt  }
0x57: {  	_ =	shalt  }
0x58: {  	_ =	shalt  }
0x59: {  	_ =	shalt  }
0x5a: {  	_ =	shalt  }
0x5b: {  	_ =	shalt  }
0x5c: {  	_ =	shalt  }
0x5d: {  	_ =	shalt  }
0x5e: {  	_ =	shalt  }
0x5f: {  	_ =	shalt  }
0x60: {  	_ =	shalt  }
0x61: {  	_ =	shalt  }
0x62: {  	_ =	shalt  }
0x63: {  	_ =	shalt  }
0x64: {  	_ =	shalt  }
0x65: {  	_ =	shalt  }
0x66: {  	_ =	shalt  }
0x67: {  	_ =	shalt  }
0x68: {  	_ =	shalt  }
0x69: {  	_ =	shalt  }
0x6a: {  	_ =	shalt  }
0x6b: {  	_ =	shalt  }
0x6c: {  	_ =	shalt  }
0x6d: {  	_ =	shalt  }
0x6e: {  	_ =	shalt  }
0x6f: {  	_ =	shalt  }
0x70: {  	_ =	shalt  }
0x71: {  	_ =	shalt  }
0x72: {  	_ =	shalt  }
0x73: {  	_ =	shalt  }
0x74: {  	_ =	shalt  }
0x75: {  	_ =	shalt  }
0x76: {  	_ =	shalt  }
0x77: {  	_ =	shalt  }
0x78: {  	_ =	shalt  }
0x79: {  	_ =	shalt  }
0x7a: {  	_ =	shalt  }
0x7b: {  	_ =	shalt  }
0x7c: {  	_ =	shalt  }
0x7d: {  	_ =	shalt  }
0x7e: {  	_ =	shalt  }
0x7f: {  	_ =	shalt  }
0x80: {  	_ =	shalt  }
0x81: {  	_ =	shalt  }
0x82: {  	_ =	shalt  }
0x83: {  	_ =	shalt  }
0x84: {  	_ =	shalt  }
0x85: {  	_ =	shalt  }
0x86: {  	_ =	shalt  }
0x87: {  	_ =	shalt  }
.Lfunc_end0:
.L_simem_size_0:
called_computation.4_lowered:
.L_overlay_start_0:
0x88: {  	s2 =	sld [smem:$0x3FD9]  }
0x89: {  	s3 =	sld [smem:$0x3FFE];
	_ =	sdelay $0x1  }
0x8a: {  	s1 =	srdreg.scid  }
0x8b: {  	s0 =	sand.u32 $0x1, s1  }
0x8c: {  	s16 =	sshll.u32 s0, $0xA;
	s2 =	sadd.s32 s3, s2  }
0x8d: {  	s2 =	sadd.s32 s2, s16  }
0x8e: {  	[smem:$0x3FBF] =	sst s2  }
0x8f: {  	_ = 	snop  }
0x90: {  	(tm) =	ssettm $0x1  }
0x91: {  	s17 =	sld [smem:$0x3FFB];
	_ =	sdelay $0x3  }
0x92: {  	_ =	strace s17  }
0x93: {  	s2 =	sld [smem:$0x3FFC];
	_ =	sdelay $0x3  }
0x94: {  	_ =	strace s2  }
0x95: {  	s2 =	sld [smem:$0x3FFD];
	_ =	sdelay $0x3  }
0x96: {  	_ =	strace s2  }
0x97: {  	_ =	strace $0x8FFFFFFF  }
0x98: {  	s18 =	sld [smem:$0x3FDB];
	_ =	sdelay $0x1  }
0x99: {  	s19 =	simm.s32 $_scs_section_size  }
0x9a: {  	s4 =	simm.s32 $_size__tile_overlayer_lowered;
	s5 =	simm.s32 $_tile_overlayer_lowered  }
0x9b: {  	s22 =	simm.s32 $0x1BFF;
	s21 =	sshll.u32 s5, $0x1;
	s2 =	sadd.s32 s19, s18  }
0x9c: {  	s6 =	simm.s32 $0x0;
	s20 =	sshll.u32 s4, $0x1;
	s4 =	sadd.s32 s21, s2  }
0x9d: {  	[timem:s6], [sflag:s22] =	dma.local [hbm:s4], s20  }
0x9e: {  	_ =	swait.ge [sflag:s22], s20  }
0x9f: {  	s3 =	ssub.s32 $0x0, s20;
	[sflag:s22] =	ssyncset.done $0x0  }
0xa0: {  	[sflag:s22] =	ssyncadd.s32 s3;
	_ =	sdelay $0x1  }
0xa1: {  	s23 =	simm.s32 $0x1B8B  }
0xa2: {  	_ =	swait.ge [sflag:s23], $0x1  }
0xa3: {  	[sflag:s23] =	ssyncset.done $0x0  }
0xa4: {  	s25 =	simm.s32 $0x1B8E;
	s24 =	sld [smem:$0x3FFE];
	[sflag:s23] =	ssyncadd.s32 $0xFFFFFFFF  }
0xa5: {  	s26 =	simm.s32 $execute0_lowered;
	[smem:$0x3FD2] =	sst s25  }
0xa6: {  	s4 =	sshll.u32 s26, $0x1;
	_ =	strace $0x80000052;
	[dreg:$0x1] =	wrdreg $0xFFFFFFFF  }
0xa7: {  	s28 =	simm.s32 $_size_execute0_lowered;
	s2 =	sadd.s32 s2, s4;
	[dreg:$0x0] =	wrdreg $0x0  }
0xa8: {  	s4 =	sshll.u32 s28, $0x1;
	[dreg:$0x2] =	wrdreg s2  }
0xa9: {  	[dreg:$0x3] =	wrdreg s4  }
0xaa: {  	[dreg:$0x4] =	wrdreg $0xC0  }
0xab: {  	_ =	task [dreg:s6], $0x5FFFF  }
0xac: {  	[dreg:$0x1] =	wrdreg $0xFFFFFFFF  }
0xad: {  	[dreg:$0x0] =	wrdreg $0x60  }
0xae: {  	[dreg:$0x2] =	wrdreg s24  }
0xaf: {  	[dreg:$0x3] =	wrdreg $0xA8000  }
0xb0: {  	[dreg:$0x4] =	wrdreg $0x9  }
0xb1: {  	_ =	task.clear_ibuf [dreg:s6], $0x5FFFF;
	_ =	strace $0x90000052  }
0xb2: {  	s29 =	simm.s32 $0x9;
	_ =	strace $0x80000054  }
0xb3: {  	_ =	swait.ge [sflag:s29], $0x1  }
0xb4: {  	[sflag:s29] =	ssyncadd.s32 $0xFFFFFFFF  }
0xb5: {  	_ =	strace $0x90000054  }
0xb6: {  	_ =	sfence  }
0xb7: {  	s30 =	sld [smem:$0x0];
	_ =	sdelay $0x2  }
0xb8: {  	s31 =	sshll.u32 s1, $0xD;
	s1 =	sshrl.u32 s1, $0x2  }
0xb9: {  	s3 =	sand.u32 $0x4000, s31;
	s1 =	sadd.s32 s1, s30  }
0xba: {  	s0 =	sor.u32 s3, s0;
	s1 =	sshll.u32 s1, $0x11  }
0xbb: {  	s0 =	sor.u32 s1, s0  }
0xbc: {  	s0 =	sadd.s32 $0x8F2B, s0  }
0xbd: {  	[sflag:s0] =	ssyncadd.remote.s32 $0x1  }
0xbe: {  	_ =	sfence.sel $0xFFFF  }
0xbf: {  	[dreg:$0x0] =	wrdreg $0xFFFFFFFF;
	(pc) =	sbr.abs _section_cstart, $3  }
0xc0: {  	[dreg:$0x1] =	wrdreg $0xFFFFFFFF  }
0xc1: {  	_ =	task.clear_ibuf [dreg:s6], $0x2FFFF;
	_ =	strace $0x9FFFFFFF  }
0xc2: {  	(tm) =	ssettm $0x7FFFFFFF  }
0xc3: {  	_ =	shalt  }
tec
execute0_lowered:
.L_overlay_start_1:
0x0: {  	(tag) =	ssettag $0x1  }
0x1: {  	s6 =	rddreg [dreg:$0x0]  }
0x2: {  	s0 =	srdreg.scid;
	s2 =	rddreg [dreg:$0x1];
	s3 =	simm.s32 $0x0  }
0x3: {  	s11 =	simm.s32 $0x2C00;
	s14 =	simm.s32 $0x20;
	s15 =	simm.s32 $0x5800  }
0x4: {  	s16 =	simm.s32 $0x6800;
	s17 =	simm.s32 $0x40;
	s18 =	simm.s32 $0x7800  }
0x5: {  	s19 =	simm.s32 $0x60;
	s20 =	simm.s32 $0x8800;
	s21 =	simm.s32 $0x80  }
0x6: {  	s22 =	simm.s32 $0x9800;
	s23 =	simm.s32 $0x1;
	s24 =	simm.s32 $0x2  }
0x7: {  	s25 =	simm.s32 $0x3;
	s26 =	simm.s32 $0x4;
	s28 =	simm.s32 $0x5  }
0x8: {  	s29 =	simm.s32 $0x0;
	s5 =	sand.u32 $0x1, s0;
	s0 =	stileid.u32  }
0x9: {  	[smem:$0x7FF] =	sst s3;
	s4 =	sadd.s32 $0xFE00, s6;
	s8 =	smul.u32 $0x13C000, s5  }
0xa: {  	s1 =	sshll.u32 s5, $0x4;
	s9 =	smul.u32 $0x13C00, s0;
	_ =	strace $0x80000053  }
0xb: {  	s30 =	ssub.s32 $0x2, s5;
	s10 =	smul.u32 $0x4F000, s0;
	s5 =	sadd.s32 $0xD600, s6  }
0xc: {  	s12 =	sshll.u32 s0, $0x6;
	s1 =	sor.u32 s0, s1;
	s31 =	sshrl.u32 s30, $0x1  }
0xd: {  	s12 =	sor.u32 $0x1C06, s12;
	s7 =	smul.u32 $0x580, s1;
	s8 =	sadd.s32 s9, s8  }
0xe: {  	s9 =	ssub.s32 s30, s31;
	s10 =	sshrl.u32 s10, $0x2;
	s8 =	sshrl.u32 s8, $0x3  }
0xf: {  	s13 =	sadd.s32 s10, s2;
	s9 =	smax.u32 s9, $0x1;
	s7 =	sadd.s32 s7, s6  }
0x10: {  	s10 =	simm.s32 $0x6;
	s8 =	sadd.s32 s8, s6;
	s6 =	sadd.s32 $0x145800, s7  }
0x11: {  	s13 =	sshrl.u32 s13, $0x3;
	s7 =	sadd.s32 $0x13A800, s7;
	s8 =	sadd.s32 $0x37000, s8  }
.LBB2_1:
0x12: {  	[tilespmem:s3], [sflag:$0x6] =	stream.linear.gather [hbm4b:s6+s3], $0x2C00, $0x38;
	[tilespmem:$0x1E400] =	vst v63  }
0x13: {  	_ =	swait.ge [sflag:s10], $0x2C00  }
0x14: {  	[sflag:s10] =	ssyncset.done $0x0  }
0x15: {  	[sflag:s10] =	ssyncadd.s32 $0xFFFFD400  }
0x16: {  	[tilespmem:s11], [sflag:$0x6] =	stream.linear.gather [hbm4b:s7+s3], $0x2C00, $0x38;
	[tilespmem:$0x1E400] =	vst v63  }
0x17: {  	_ =	swait.ge [sflag:s10], $0x2C00  }
0x18: {  	[sflag:s10] =	ssyncset.done $0x0  }
0x19: {  	[sflag:s10] =	ssyncadd.s32 $0xFFFFD400  }
0x1a: {  	[spmem:s13], [sflag:s12] =	dma.local [hbm:s5], $0x2780  }
0x1b: {  	_ =	swait.ge [sflag:s10], $0x2780  }
0x1c: {  	[sflag:s10] =	ssyncset.done $0x0  }
0x1d: {  	[sflag:s10] =	ssyncadd.s32 $0xFFFFD880  }
0x1e: {  	[bflag:$0x0] =	sbarrier.arrive $0xFFFF  }
0x1f: {  	[tilespmem:s15], [sflag:$0x1] =	stream.indirect.gather [hbm4b:s4+s14], $0x80, s3, s14, $0xb8;
	[tilespmem:$0x1E400] =	vst v63  }
0x20: {  	_ = 	snop  }
0x21: {  	[tilespmem:s16], [sflag:$0x2] =	stream.indirect.gather [hbm4b:s4+s14], $0x80, s14, s14, $0xb8;
	[tilespmem:$0x1E400] =	vst v63  }
0x22: {  	_ = 	snop  }
0x23: {  	[tilespmem:s18], [sflag:$0x3] =	stream.indirect.gather [hbm4b:s4+s14], $0x80, s17, s14, $0xb8;
	[tilespmem:$0x1E400] =	vst v63  }
0x24: {  	_ = 	snop  }
0x25: {  	[tilespmem:s20], [sflag:$0x4] =	stream.indirect.gather [hbm4b:s4+s14], $0x80, s19, s14, $0xb8;
	[tilespmem:$0x1E400] =	vst v63  }
0x26: {  	_ = 	snop  }
0x27: {  	[tilespmem:s22], [sflag:$0x5] =	stream.indirect.gather [hbm4b:s4+s14], $0x80, s21, s14, $0xb8;
	[tilespmem:$0x1E400] =	vst v63  }
0x28: {  	_ =	swait.ge [sflag:s23], $0x1000  }
0x29: {  	[sflag:s23] =	ssyncset.done $0x0  }
0x2a: {  	s30 =	simm.s32 $0x2C00;
	[sflag:s23] =	ssyncadd.s32 $0xFFFFF000  }
0x2b: {  	[spmem:s2] =	stream.indirect.scatter.add.f32 [tilespmem:s15], [sflag:$0x6], $0x80, s30, s14, $0xb8;
	[tilespmem:$0x1E400] =	vst v63  }
0x2c: {  	_ =	swait.ge [sflag:s10], $0x1000  }
0x2d: {  	[sflag:s10] =	ssyncset.done $0x0  }
0x2e: {  	s30 =	simm.s32 $0xA0;
	[sflag:s10] =	ssyncadd.s32 $0xFFFFF000  }
0x2f: {  	[tilespmem:s15], [sflag:$0x1] =	stream.indirect.gather [hbm4b:s4+s14], $0x80, s30, s14, $0xb8;
	[tilespmem:$0x1E400] =	vst v63  }
0x30: {  	_ =	swait.ge [sflag:s24], $0x1000  }
0x31: {  	[sflag:s24] =	ssyncset.done $0x0  }
0x32: {  	s30 =	simm.s32 $0x2C20;
	[sflag:s24] =	ssyncadd.s32 $0xFFFFF000  }
0x33: {  	[spmem:s2] =	stream.indirect.scatter.add.f32 [tilespmem:s16], [sflag:$0x6], $0x80, s30, s14, $0xb8;
	[tilespmem:$0x1E400] =	vst v63  }
0x34: {  	_ =	swait.ge [sflag:s10], $0x1000  }
0x35: {  	[sflag:s10] =	ssyncset.done $0x0  }
0x36: {  	s30 =	simm.s32 $0xC0;
	[sflag:s10] =	ssyncadd.s32 $0xFFFFF000  }
0x37: {  	[tilespmem:s16], [sflag:$0x2] =	stream.indirect.gather [hbm4b:s4+s14], $0x80, s30, s14, $0xb8;
	[tilespmem:$0x1E400] =	vst v63  }
0x38: {  	_ =	swait.ge [sflag:s25], $0x1000  }
0x39: {  	[sflag:s25] =	ssyncset.done $0x0  }
0x3a: {  	s30 =	simm.s32 $0x2C40;
	[sflag:s25] =	ssyncadd.s32 $0xFFFFF000  }
0x3b: {  	[spmem:s2] =	stream.indirect.scatter.add.f32 [tilespmem:s18], [sflag:$0x6], $0x80, s30, s14, $0xb8;
	[tilespmem:$0x1E400] =	vst v63  }
0x3c: {  	_ =	swait.ge [sflag:s10], $0x1000  }
0x3d: {  	[sflag:s10] =	ssyncset.done $0x0  }
0x3e: {  	s30 =	simm.s32 $0xE0;
	[sflag:s10] =	ssyncadd.s32 $0xFFFFF000  }
0x3f: {  	[tilespmem:s18], [sflag:$0x3] =	stream.indirect.gather [hbm4b:s4+s14], $0x80, s30, s14, $0xb8;
	[tilespmem:$0x1E400] =	vst v63  }
0x40: {  	_ =	swait.ge [sflag:s26], $0x1000  }
0x41: {  	[sflag:s26] =	ssyncset.done $0x0  }
0x42: {  	s30 =	simm.s32 $0x2C60;
	[sflag:s26] =	ssyncadd.s32 $0xFFFFF000  }
0x43: {  	[spmem:s2] =	stream.indirect.scatter.add.f32 [tilespmem:s20], [sflag:$0x6], $0x80, s30, s14, $0xb8;
	[tilespmem:$0x1E400] =	vst v63  }
0x44: {  	_ =	swait.ge [sflag:s10], $0x1000  }
0x45: {  	[sflag:s10] =	ssyncset.done $0x0  }
0x46: {  	s30 =	simm.s32 $0x100;
	[sflag:s10] =	ssyncadd.s32 $0xFFFFF000  }
0x47: {  	[tilespmem:s20], [sflag:$0x4] =	stream.indirect.gather [hbm4b:s4+s14], $0x80, s30, s14, $0xb8;
	[tilespmem:$0x1E400] =	vst v63  }
0x48: {  	_ =	swait.ge [sflag:s28], $0x1000  }
0x49: {  	[sflag:s28] =	ssyncset.done $0x0  }
0x4a: {  	s30 =	simm.s32 $0x2C80;
	[sflag:s28] =	ssyncadd.s32 $0xFFFFF000  }
0x4b: {  	[spmem:s2] =	stream.indirect.scatter.add.f32 [tilespmem:s22], [sflag:$0x6], $0x80, s30, s14, $0xb8;
	[tilespmem:$0x1E400] =	vst v63  }
0x4c: {  	_ =	swait.ge [sflag:s10], $0x1000  }
0x4d: {  	[sflag:s10] =	ssyncset.done $0x0  }
0x4e: {  	s30 =	simm.s32 $0x120;
	[sflag:s10] =	ssyncadd.s32 $0xFFFFF000  }
0x4f: {  	[tilespmem:s22], [sflag:$0x5] =	stream.indirect.gather [hbm4b:s4+s14], $0x80, s30, s14, $0xb8;
	[tilespmem:$0x1E400] =	vst v63  }
0x50: {  	_ =	swait.ge [sflag:s23], $0x1000  }
0x51: {  	[sflag:s23] =	ssyncset.done $0x0  }
0x52: {  	s30 =	simm.s32 $0x2CA0;
	[sflag:s23] =	ssyncadd.s32 $0xFFFFF000  }
0x53: {  	[spmem:s2] =	stream.indirect.scatter.add.f32 [tilespmem:s15], [sflag:$0x6], $0x80, s30, s14, $0xb8;
	[tilespmem:$0x1E400] =	vst v63  }
0x54: {  	_ =	swait.ge [sflag:s10], $0x1000  }
0x55: {  	[sflag:s10] =	ssyncset.done $0x0  }
0x56: {  	s30 =	simm.s32 $0x140;
	[sflag:s10] =	ssyncadd.s32 $0xFFFFF000  }
0x57: {  	[tilespmem:s15], [sflag:$0x1] =	stream.indirect.gather [hbm4b:s4+s14], $0x80, s30, s14, $0xb8;
	[tilespmem:$0x1E400] =	vst v63  }
0x58: {  	_ =	swait.ge [sflag:s24], $0x1000  }
0x59: {  	[sflag:s24] =	ssyncset.done $0x0  }
0x5a: {  	s30 =	simm.s32 $0x2CC0;
	[sflag:s24] =	ssyncadd.s32 $0xFFFFF000  }
0x5b: {  	[spmem:s2] =	stream.indirect.scatter.add.f32 [tilespmem:s16], [sflag:$0x6], $0x80, s30, s14, $0xb8;
	[tilespmem:$0x1E400] =	vst v63  }
0x5c: {  	_ =	swait.ge [sflag:s10], $0x1000  }
0x5d: {  	[sflag:s10] =	ssyncset.done $0x0  }
0x5e: {  	s30 =	simm.s32 $0x160;
	[sflag:s10] =	ssyncadd.s32 $0xFFFFF000  }
0x5f: {  	[tilespmem:s16], [sflag:$0x2] =	stream.indirect.gather [hbm4b:s4+s14], $0x80, s30, s14, $0xb8;
	[tilespmem:$0x1E400] =	vst v63  }
0x60: {  	_ =	swait.ge [sflag:s25], $0x1000  }
0x61: {  	[sflag:s25] =	ssyncset.done $0x0  }
0x62: {  	s30 =	simm.s32 $0x2CE0;
	[sflag:s25] =	ssyncadd.s32 $0xFFFFF000  }
0x63: {  	[spmem:s2] =	stream.indirect.scatter.add.f32 [tilespmem:s18], [sflag:$0x6], $0x80, s30, s14, $0xb8;
	[tilespmem:$0x1E400] =	vst v63  }
0x64: {  	_ =	swait.ge [sflag:s10], $0x1000  }
0x65: {  	[sflag:s10] =	ssyncset.done $0x0  }
0x66: {  	s30 =	simm.s32 $0x180;
	[sflag:s10] =	ssyncadd.s32 $0xFFFFF000  }
0x67: {  	[tilespmem:s18], [sflag:$0x3] =	stream.indirect.gather [hbm4b:s4+s14], $0x80, s30, s14, $0xb8;
	[tilespmem:$0x1E400] =	vst v63  }
0x68: {  	_ =	swait.ge [sflag:s26], $0x1000  }
0x69: {  	[sflag:s26] =	ssyncset.done $0x0  }
0x6a: {  	s30 =	simm.s32 $0x2D00;
	[sflag:s26] =	ssyncadd.s32 $0xFFFFF000  }
0x6b: {  	[spmem:s2] =	stream.indirect.scatter.add.f32 [tilespmem:s20], [sflag:$0x6], $0x80, s30, s14, $0xb8;
	[tilespmem:$0x1E400] =	vst v63  }
0x6c: {  	_ =	swait.ge [sflag:s10], $0x1000  }
0x6d: {  	[sflag:s10] =	ssyncset.done $0x0  }
0x6e: {  	s30 =	simm.s32 $0x1A0;
	[sflag:s10] =	ssyncadd.s32 $0xFFFFF000  }
0x6f: {  	[tilespmem:s20], [sflag:$0x4] =	stream.indirect.gather [hbm4b:s4+s14], $0x80, s30, s14, $0xb8;
	[tilespmem:$0x1E400] =	vst v63  }
0x70: {  	_ =	swait.ge [sflag:s28], $0x1000  }
0x71: {  	[sflag:s28] =	ssyncset.done $0x0  }
0x72: {  	s30 =	simm.s32 $0x2D20;
	[sflag:s28] =	ssyncadd.s32 $0xFFFFF000  }
0x73: {  	[spmem:s2] =	stream.indirect.scatter.add.f32 [tilespmem:s22], [sflag:$0x6], $0x80, s30, s14, $0xb8;
	[tilespmem:$0x1E400] =	vst v63  }
0x74: {  	_ =	swait.ge [sflag:s10], $0x1000  }
0x75: {  	[sflag:s10] =	ssyncset.done $0x0  }
0x76: {  	s30 =	simm.s32 $0x1C0;
	[sflag:s10] =	ssyncadd.s32 $0xFFFFF000  }
0x77: {  	[tilespmem:s22], [sflag:$0x5] =	stream.indirect.gather [hbm4b:s4+s14], $0x80, s30, s14, $0xb8;
	[tilespmem:$0x1E400] =	vst v63  }
0x78: {  	_ =	swait.ge [sflag:s23], $0x1000  }
0x79: {  	[sflag:s23] =	ssyncset.done $0x0  }
0x7a: {  	s30 =	simm.s32 $0x2D40;
	[sflag:s23] =	ssyncadd.s32 $0xFFFFF000  }
0x7b: {  	[spmem:s2] =	stream.indirect.scatter.add.f32 [tilespmem:s15], [sflag:$0x6], $0x80, s30, s14, $0xb8;
	[tilespmem:$0x1E400] =	vst v63  }
0x7c: {  	_ =	swait.ge [sflag:s10], $0x1000  }
0x7d: {  	[sflag:s10] =	ssyncset.done $0x0  }
0x7e: {  	s30 =	simm.s32 $0x1E0;
	[sflag:s10] =	ssyncadd.s32 $0xFFFFF000  }
0x7f: {  	[tilespmem:s15], [sflag:$0x1] =	stream.indirect.gather [hbm4b:s4+s14], $0x80, s30, s14, $0xb8;
	[tilespmem:$0x1E400] =	vst v63  }
0x80: {  	_ =	swait.ge [sflag:s24], $0x1000  }
0x81: {  	[sflag:s24] =	ssyncset.done $0x0  }
0x82: {  	s30 =	simm.s32 $0x2D60;
	[sflag:s24] =	ssyncadd.s32 $0xFFFFF000  }
0x83: {  	[spmem:s2] =	stream.indirect.scatter.add.f32 [tilespmem:s16], [sflag:$0x6], $0x80, s30, s14, $0xb8;
	[tilespmem:$0x1E400] =	vst v63  }
0x84: {  	_ =	swait.ge [sflag:s10], $0x1000  }
0x85: {  	[sflag:s10] =	ssyncset.done $0x0  }
0x86: {  	s30 =	simm.s32 $0x200;
	[sflag:s10] =	ssyncadd.s32 $0xFFFFF000  }
0x87: {  	[tilespmem:s16], [sflag:$0x2] =	stream.indirect.gather [hbm4b:s4+s14], $0x80, s30, s14, $0xb8;
	[tilespmem:$0x1E400] =	vst v63  }
0x88: {  	_ =	swait.ge [sflag:s25], $0x1000  }
0x89: {  	[sflag:s25] =	ssyncset.done $0x0  }
0x8a: {  	s30 =	simm.s32 $0x2D80;
	[sflag:s25] =	ssyncadd.s32 $0xFFFFF000  }
0x8b: {  	[spmem:s2] =	stream.indirect.scatter.add.f32 [tilespmem:s18], [sflag:$0x6], $0x80, s30, s14, $0xb8;
	[tilespmem:$0x1E400] =	vst v63  }
0x8c: {  	_ =	swait.ge [sflag:s10], $0x1000  }
0x8d: {  	[sflag:s10] =	ssyncset.done $0x0  }
0x8e: {  	s30 =	simm.s32 $0x220;
	[sflag:s10] =	ssyncadd.s32 $0xFFFFF000  }
0x8f: {  	[tilespmem:s18], [sflag:$0x3] =	stream.indirect.gather [hbm4b:s4+s14], $0x80, s30, s14, $0xb8;
	[tilespmem:$0x1E400] =	vst v63  }
0x90: {  	_ =	swait.ge [sflag:s26], $0x1000  }
0x91: {  	[sflag:s26] =	ssyncset.done $0x0  }
0x92: {  	s30 =	simm.s32 $0x2DA0;
	[sflag:s26] =	ssyncadd.s32 $0xFFFFF000  }
0x93: {  	[spmem:s2] =	stream.indirect.scatter.add.f32 [tilespmem:s20], [sflag:$0x6], $0x80, s30, s14, $0xb8;
	[tilespmem:$0x1E400] =	vst v63  }
0x94: {  	_ =	swait.ge [sflag:s10], $0x1000  }
0x95: {  	[sflag:s10] =	ssyncset.done $0x0  }
0x96: {  	s30 =	simm.s32 $0x240;
	[sflag:s10] =	ssyncadd.s32 $0xFFFFF000  }
0x97: {  	[tilespmem:s20], [sflag:$0x4] =	stream.indirect.gather [hbm4b:s4+s14], $0x80, s30, s14, $0xb8;
	[tilespmem:$0x1E400] =	vst v63  }
0x98: {  	_ =	swait.ge [sflag:s28], $0x1000  }
0x99: {  	[sflag:s28] =	ssyncset.done $0x0  }
0x9a: {  	s30 =	simm.s32 $0x2DC0;
	[sflag:s28] =	ssyncadd.s32 $0xFFFFF000  }
0x9b: {  	[spmem:s2] =	stream.indirect.scatter.add.f32 [tilespmem:s22], [sflag:$0x6], $0x80, s30, s14, $0xb8;
	[tilespmem:$0x1E400] =	vst v63  }
0x9c: {  	_ =	swait.ge [sflag:s10], $0x1000  }
0x9d: {  	[sflag:s10] =	ssyncset.done $0x0  }
0x9e: {  	s30 =	simm.s32 $0x260;
	[sflag:s10] =	ssyncadd.s32 $0xFFFFF000  }
0x9f: {  	[tilespmem:s22], [sflag:$0x5] =	stream.indirect.gather [hbm4b:s4+s14], $0x80, s30, s14, $0xb8;
	[tilespmem:$0x1E400] =	vst v63  }
0xa0: {  	_ =	swait.ge [sflag:s23], $0x1000  }
0xa1: {  	[sflag:s23] =	ssyncset.done $0x0  }
0xa2: {  	s30 =	simm.s32 $0x2DE0;
	[sflag:s23] =	ssyncadd.s32 $0xFFFFF000  }
0xa3: {  	[spmem:s2] =	stream.indirect.scatter.add.f32 [tilespmem:s15], [sflag:$0x6], $0x80, s30, s14, $0xb8;
	[tilespmem:$0x1E400] =	vst v63  }
0xa4: {  	_ =	swait.ge [sflag:s10], $0x1000  }
0xa5: {  	[sflag:s10] =	ssyncset.done $0x0  }
0xa6: {  	s30 =	simm.s32 $0x280;
	[sflag:s10] =	ssyncadd.s32 $0xFFFFF000  }
0xa7: {  	[tilespmem:s15], [sflag:$0x1] =	stream.indirect.gather [hbm4b:s4+s14], $0x80, s30, s14, $0xb8;
	[tilespmem:$0x1E400] =	vst v63  }
0xa8: {  	_ =	swait.ge [sflag:s24], $0x1000  }
0xa9: {  	[sflag:s24] =	ssyncset.done $0x0  }
0xaa: {  	s30 =	simm.s32 $0x2E00;
	[sflag:s24] =	ssyncadd.s32 $0xFFFFF000  }
0xab: {  	[spmem:s2] =	stream.indirect.scatter.add.f32 [tilespmem:s16], [sflag:$0x6], $0x80, s30, s14, $0xb8;
	[tilespmem:$0x1E400] =	vst v63  }
0xac: {  	_ =	swait.ge [sflag:s10], $0x1000  }
0xad: {  	[sflag:s10] =	ssyncset.done $0x0  }
0xae: {  	s30 =	simm.s32 $0x2A0;
	[sflag:s10] =	ssyncadd.s32 $0xFFFFF000  }
0xaf: {  	[tilespmem:s16], [sflag:$0x2] =	stream.indirect.gather [hbm4b:s4+s14], $0x80, s30, s14, $0xb8;
	[tilespmem:$0x1E400] =	vst v63  }
0xb0: {  	_ =	swait.ge [sflag:s25], $0x1000  }
0xb1: {  	[sflag:s25] =	ssyncset.done $0x0  }
0xb2: {  	s30 =	simm.s32 $0x2E20;
	[sflag:s25] =	ssyncadd.s32 $0xFFFFF000  }
0xb3: {  	[spmem:s2] =	stream.indirect.scatter.add.f32 [tilespmem:s18], [sflag:$0x6], $0x80, s30, s14, $0xb8;
	[tilespmem:$0x1E400] =	vst v63  }
0xb4: {  	_ =	swait.ge [sflag:s10], $0x1000  }
0xb5: {  	[sflag:s10] =	ssyncset.done $0x0  }
0xb6: {  	s30 =	simm.s32 $0x2C0;
	[sflag:s10] =	ssyncadd.s32 $0xFFFFF000  }
0xb7: {  	[tilespmem:s18], [sflag:$0x3] =	stream.indirect.gather [hbm4b:s4+s14], $0x80, s30, s14, $0xb8;
	[tilespmem:$0x1E400] =	vst v63  }
0xb8: {  	_ =	swait.ge [sflag:s26], $0x1000  }
0xb9: {  	[sflag:s26] =	ssyncset.done $0x0  }
0xba: {  	s30 =	simm.s32 $0x2E40;
	[sflag:s26] =	ssyncadd.s32 $0xFFFFF000  }
0xbb: {  	[spmem:s2] =	stream.indirect.scatter.add.f32 [tilespmem:s20], [sflag:$0x6], $0x80, s30, s14, $0xb8;
	[tilespmem:$0x1E400] =	vst v63  }
0xbc: {  	_ =	swait.ge [sflag:s10], $0x1000  }
0xbd: {  	[sflag:s10] =	ssyncset.done $0x0  }
0xbe: {  	s30 =	simm.s32 $0x2E0;
	[sflag:s10] =	ssyncadd.s32 $0xFFFFF000  }
0xbf: {  	[tilespmem:s20], [sflag:$0x4] =	stream.indirect.gather [hbm4b:s4+s14], $0x80, s30, s14, $0xb8;
	[tilespmem:$0x1E400] =	vst v63  }
0xc0: {  	_ =	swait.ge [sflag:s28], $0x1000  }
0xc1: {  	[sflag:s28] =	ssyncset.done $0x0  }
0xc2: {  	s30 =	simm.s32 $0x2E60;
	[sflag:s28] =	ssyncadd.s32 $0xFFFFF000  }
0xc3: {  	[spmem:s2] =	stream.indirect.scatter.add.f32 [tilespmem:s22], [sflag:$0x6], $0x80, s30, s14, $0xb8;
	[tilespmem:$0x1E400] =	vst v63  }
0xc4: {  	_ =	swait.ge [sflag:s10], $0x1000  }
0xc5: {  	[sflag:s10] =	ssyncset.done $0x0  }
0xc6: {  	s31 =	simm.s32 $0x300;
	s30 =	simm.s32 $0xA00;
	[sflag:s10] =	ssyncadd.s32 $0xFFFFF000  }
.LBB2_2:
0xc7: {  	[tilespmem:s22], [sflag:$0x5] =	stream.indirect.gather [hbm4b:s4+s14], $0x80, s31, s14, $0xb8;
	[tilespmem:$0x1E400] =	vst v63  }
0xc8: {  	s31 =	smov.u32 s30  }
0xc9: {  	p0 =	sne.s32 s30, $0x9600;
	s30 =	sadd.s32 $0xA00, s30;
	_ =	swait.ge [sflag:s23], $0x1000  }
0xca: {  	s31 =	sshra.s32 s31, $0x2;
	[sflag:s23] =	ssyncset.done $0x0  }
0xcb: {  	s1 =	sadd.s32 $0x2C00, s31;
	[sflag:s23] =	ssyncadd.s32 $0xFFFFF000  }
0xcc: {  	[spmem:s2] =	stream.indirect.scatter.add.f32 [tilespmem:s15], [sflag:$0x6], $0x80, s1, s14, $0xb8;
	[tilespmem:$0x1E400] =	vst v63  }
0xcd: {  	_ =	swait.ge [sflag:s10], $0x1000  }
0xce: {  	[sflag:s10] =	ssyncset.done $0x0  }
0xcf: {  	s1 =	sadd.s32 $0xA0, s31;
	[sflag:s10] =	ssyncadd.s32 $0xFFFFF000  }
0xd0: {  	[tilespmem:s15], [sflag:$0x1] =	stream.indirect.gather [hbm4b:s4+s14], $0x80, s1, s14, $0xb8;
	[tilespmem:$0x1E400] =	vst v63  }
0xd1: {  	_ =	swait.ge [sflag:s24], $0x1000  }
0xd2: {  	[sflag:s24] =	ssyncset.done $0x0  }
0xd3: {  	s1 =	sadd.s32 $0x2C20, s31;
	[sflag:s24] =	ssyncadd.s32 $0xFFFFF000  }
0xd4: {  	[spmem:s2] =	stream.indirect.scatter.add.f32 [tilespmem:s16], [sflag:$0x6], $0x80, s1, s14, $0xb8;
	[tilespmem:$0x1E400] =	vst v63  }
0xd5: {  	_ =	swait.ge [sflag:s10], $0x1000  }
0xd6: {  	[sflag:s10] =	ssyncset.done $0x0  }
0xd7: {  	s1 =	sadd.s32 $0xC0, s31;
	[sflag:s10] =	ssyncadd.s32 $0xFFFFF000  }
0xd8: {  	[tilespmem:s16], [sflag:$0x2] =	stream.indirect.gather [hbm4b:s4+s14], $0x80, s1, s14, $0xb8;
	[tilespmem:$0x1E400] =	vst v63  }
0xd9: {  	_ =	swait.ge [sflag:s25], $0x1000  }
0xda: {  	[sflag:s25] =	ssyncset.done $0x0  }
0xdb: {  	s1 =	sadd.s32 $0x2C40, s31;
	[sflag:s25] =	ssyncadd.s32 $0xFFFFF000  }
0xdc: {  	[spmem:s2] =	stream.indirect.scatter.add.f32 [tilespmem:s18], [sflag:$0x6], $0x80, s1, s14, $0xb8;
	[tilespmem:$0x1E400] =	vst v63  }
0xdd: {  	_ =	swait.ge [sflag:s10], $0x1000  }
0xde: {  	[sflag:s10] =	ssyncset.done $0x0  }
0xdf: {  	s1 =	sadd.s32 $0xE0, s31;
	[sflag:s10] =	ssyncadd.s32 $0xFFFFF000  }
0xe0: {  	[tilespmem:s18], [sflag:$0x3] =	stream.indirect.gather [hbm4b:s4+s14], $0x80, s1, s14, $0xb8;
	[tilespmem:$0x1E400] =	vst v63  }
0xe1: {  	_ =	swait.ge [sflag:s26], $0x1000  }
0xe2: {  	[sflag:s26] =	ssyncset.done $0x0  }
0xe3: {  	s1 =	sadd.s32 $0x2C60, s31;
	[sflag:s26] =	ssyncadd.s32 $0xFFFFF000  }
0xe4: {  	[spmem:s2] =	stream.indirect.scatter.add.f32 [tilespmem:s20], [sflag:$0x6], $0x80, s1, s14, $0xb8;
	[tilespmem:$0x1E400] =	vst v63  }
0xe5: {  	_ =	swait.ge [sflag:s10], $0x1000  }
0xe6: {  	[sflag:s10] =	ssyncset.done $0x0  }
0xe7: {  	s1 =	sadd.s32 $0x100, s31;
	[sflag:s10] =	ssyncadd.s32 $0xFFFFF000  }
0xe8: {  	[tilespmem:s20], [sflag:$0x4] =	stream.indirect.gather [hbm4b:s4+s14], $0x80, s1, s14, $0xb8;
	[tilespmem:$0x1E400] =	vst v63  }
0xe9: {  	_ =	swait.ge [sflag:s28], $0x1000  }
0xea: {  	[sflag:s28] =	ssyncset.done $0x0  }
0xeb: {  	s1 =	sadd.s32 $0x2C80, s31;
	[sflag:s28] =	ssyncadd.s32 $0xFFFFF000  }
0xec: {  	[spmem:s2] =	stream.indirect.scatter.add.f32 [tilespmem:s22], [sflag:$0x6], $0x80, s1, s14, $0xb8;
	[tilespmem:$0x1E400] =	vst v63  }
0xed: {  	_ =	swait.ge [sflag:s10], $0x1000  }
0xee: {  	[sflag:s10] =	ssyncset.done $0x0  }
0xef: {  	s1 =	sadd.s32 $0x120, s31;
	[sflag:s10] =	ssyncadd.s32 $0xFFFFF000  }
0xf0: {  	[tilespmem:s22], [sflag:$0x5] =	stream.indirect.gather [hbm4b:s4+s14], $0x80, s1, s14, $0xb8;
	[tilespmem:$0x1E400] =	vst v63  }
0xf1: {  	_ =	swait.ge [sflag:s23], $0x1000  }
0xf2: {  	[sflag:s23] =	ssyncset.done $0x0  }
0xf3: {  	s1 =	sadd.s32 $0x2CA0, s31;
	[sflag:s23] =	ssyncadd.s32 $0xFFFFF000  }
0xf4: {  	[spmem:s2] =	stream.indirect.scatter.add.f32 [tilespmem:s15], [sflag:$0x6], $0x80, s1, s14, $0xb8;
	[tilespmem:$0x1E400] =	vst v63  }
0xf5: {  	_ =	swait.ge [sflag:s10], $0x1000  }
0xf6: {  	[sflag:s10] =	ssyncset.done $0x0  }
0xf7: {  	s1 =	sadd.s32 $0x140, s31;
	[sflag:s10] =	ssyncadd.s32 $0xFFFFF000  }
0xf8: {  	[tilespmem:s15], [sflag:$0x1] =	stream.indirect.gather [hbm4b:s4+s14], $0x80, s1, s14, $0xb8;
	[tilespmem:$0x1E400] =	vst v63  }
0xf9: {  	_ =	swait.ge [sflag:s24], $0x1000  }
0xfa: {  	[sflag:s24] =	ssyncset.done $0x0  }
0xfb: {  	s1 =	sadd.s32 $0x2CC0, s31;
	[sflag:s24] =	ssyncadd.s32 $0xFFFFF000  }
0xfc: {  	[spmem:s2] =	stream.indirect.scatter.add.f32 [tilespmem:s16], [sflag:$0x6], $0x80, s1, s14, $0xb8;
	[tilespmem:$0x1E400] =	vst v63  }
0xfd: {  	_ =	swait.ge [sflag:s10], $0x1000  }
0xfe: {  	[sflag:s10] =	ssyncset.done $0x0  }
0xff: {  	s1 =	sadd.s32 $0x160, s31;
	[sflag:s10] =	ssyncadd.s32 $0xFFFFF000  }
0x100: {  	[tilespmem:s16], [sflag:$0x2] =	stream.indirect.gather [hbm4b:s4+s14], $0x80, s1, s14, $0xb8;
	[tilespmem:$0x1E400] =	vst v63  }
0x101: {  	_ =	swait.ge [sflag:s25], $0x1000  }
0x102: {  	[sflag:s25] =	ssyncset.done $0x0  }
0x103: {  	s1 =	sadd.s32 $0x2CE0, s31;
	[sflag:s25] =	ssyncadd.s32 $0xFFFFF000  }
0x104: {  	[spmem:s2] =	stream.indirect.scatter.add.f32 [tilespmem:s18], [sflag:$0x6], $0x80, s1, s14, $0xb8;
	[tilespmem:$0x1E400] =	vst v63  }
0x105: {  	_ =	swait.ge [sflag:s10], $0x1000  }
0x106: {  	[sflag:s10] =	ssyncset.done $0x0  }
0x107: {  	s1 =	sadd.s32 $0x180, s31;
	[sflag:s10] =	ssyncadd.s32 $0xFFFFF000  }
0x108: {  	[tilespmem:s18], [sflag:$0x3] =	stream.indirect.gather [hbm4b:s4+s14], $0x80, s1, s14, $0xb8;
	[tilespmem:$0x1E400] =	vst v63  }
0x109: {  	_ =	swait.ge [sflag:s26], $0x1000  }
0x10a: {  	[sflag:s26] =	ssyncset.done $0x0  }
0x10b: {  	s1 =	sadd.s32 $0x2D00, s31;
	[sflag:s26] =	ssyncadd.s32 $0xFFFFF000  }
0x10c: {  	[spmem:s2] =	stream.indirect.scatter.add.f32 [tilespmem:s20], [sflag:$0x6], $0x80, s1, s14, $0xb8;
	[tilespmem:$0x1E400] =	vst v63  }
0x10d: {  	_ =	swait.ge [sflag:s10], $0x1000  }
0x10e: {  	[sflag:s10] =	ssyncset.done $0x0  }
0x10f: {  	s1 =	sadd.s32 $0x1A0, s31;
	[sflag:s10] =	ssyncadd.s32 $0xFFFFF000  }
0x110: {  	[tilespmem:s20], [sflag:$0x4] =	stream.indirect.gather [hbm4b:s4+s14], $0x80, s1, s14, $0xb8;
	[tilespmem:$0x1E400] =	vst v63  }
0x111: {  	_ =	swait.ge [sflag:s28], $0x1000  }
0x112: {  	[sflag:s28] =	ssyncset.done $0x0  }
0x113: {  	s1 =	sadd.s32 $0x2D20, s31;
	[sflag:s28] =	ssyncadd.s32 $0xFFFFF000  }
0x114: {  	[spmem:s2] =	stream.indirect.scatter.add.f32 [tilespmem:s22], [sflag:$0x6], $0x80, s1, s14, $0xb8;
	[tilespmem:$0x1E400] =	vst v63  }
0x115: {  	_ =	swait.ge [sflag:s10], $0x1000  }
0x116: {  	[sflag:s10] =	ssyncset.done $0x0  }
0x117: {  	s1 =	sadd.s32 $0x1C0, s31;
	[sflag:s10] =	ssyncadd.s32 $0xFFFFF000  }
0x118: {  	[tilespmem:s22], [sflag:$0x5] =	stream.indirect.gather [hbm4b:s4+s14], $0x80, s1, s14, $0xb8;
	[tilespmem:$0x1E400] =	vst v63  }
0x119: {  	_ =	swait.ge [sflag:s23], $0x1000  }
0x11a: {  	[sflag:s23] =	ssyncset.done $0x0  }
0x11b: {  	s1 =	sadd.s32 $0x2D40, s31;
	[sflag:s23] =	ssyncadd.s32 $0xFFFFF000  }
0x11c: {  	[spmem:s2] =	stream.indirect.scatter.add.f32 [tilespmem:s15], [sflag:$0x6], $0x80, s1, s14, $0xb8;
	[tilespmem:$0x1E400] =	vst v63  }
0x11d: {  	_ =	swait.ge [sflag:s10], $0x1000  }
0x11e: {  	[sflag:s10] =	ssyncset.done $0x0  }
0x11f: {  	s1 =	sadd.s32 $0x1E0, s31;
	[sflag:s10] =	ssyncadd.s32 $0xFFFFF000  }
0x120: {  	[tilespmem:s15], [sflag:$0x1] =	stream.indirect.gather [hbm4b:s4+s14], $0x80, s1, s14, $0xb8;
	[tilespmem:$0x1E400] =	vst v63  }
0x121: {  	_ =	swait.ge [sflag:s24], $0x1000  }
0x122: {  	[sflag:s24] =	ssyncset.done $0x0  }
0x123: {  	s1 =	sadd.s32 $0x2D60, s31;
	[sflag:s24] =	ssyncadd.s32 $0xFFFFF000  }
0x124: {  	[spmem:s2] =	stream.indirect.scatter.add.f32 [tilespmem:s16], [sflag:$0x6], $0x80, s1, s14, $0xb8;
	[tilespmem:$0x1E400] =	vst v63  }
0x125: {  	_ =	swait.ge [sflag:s10], $0x1000  }
0x126: {  	[sflag:s10] =	ssyncset.done $0x0  }
0x127: {  	s1 =	sadd.s32 $0x200, s31;
	[sflag:s10] =	ssyncadd.s32 $0xFFFFF000  }
0x128: {  	[tilespmem:s16], [sflag:$0x2] =	stream.indirect.gather [hbm4b:s4+s14], $0x80, s1, s14, $0xb8;
	[tilespmem:$0x1E400] =	vst v63  }
0x129: {  	_ =	swait.ge [sflag:s25], $0x1000  }
0x12a: {  	[sflag:s25] =	ssyncset.done $0x0  }
0x12b: {  	s1 =	sadd.s32 $0x2D80, s31;
	[sflag:s25] =	ssyncadd.s32 $0xFFFFF000  }
0x12c: {  	[spmem:s2] =	stream.indirect.scatter.add.f32 [tilespmem:s18], [sflag:$0x6], $0x80, s1, s14, $0xb8;
	[tilespmem:$0x1E400] =	vst v63  }
0x12d: {  	_ =	swait.ge [sflag:s10], $0x1000  }
0x12e: {  	[sflag:s10] =	ssyncset.done $0x0  }
0x12f: {  	s1 =	sadd.s32 $0x220, s31;
	[sflag:s10] =	ssyncadd.s32 $0xFFFFF000  }
0x130: {  	[tilespmem:s18], [sflag:$0x3] =	stream.indirect.gather [hbm4b:s4+s14], $0x80, s1, s14, $0xb8;
	[tilespmem:$0x1E400] =	vst v63  }
0x131: {  	_ =	swait.ge [sflag:s26], $0x1000  }
0x132: {  	[sflag:s26] =	ssyncset.done $0x0  }
0x133: {  	s1 =	sadd.s32 $0x2DA0, s31;
	[sflag:s26] =	ssyncadd.s32 $0xFFFFF000  }
0x134: {  	[spmem:s2] =	stream.indirect.scatter.add.f32 [tilespmem:s20], [sflag:$0x6], $0x80, s1, s14, $0xb8;
	[tilespmem:$0x1E400] =	vst v63  }
0x135: {  	_ =	swait.ge [sflag:s10], $0x1000  }
0x136: {  	[sflag:s10] =	ssyncset.done $0x0  }
0x137: {  	s1 =	sadd.s32 $0x240, s31;
	[sflag:s10] =	ssyncadd.s32 $0xFFFFF000  }
0x138: {  	[tilespmem:s20], [sflag:$0x4] =	stream.indirect.gather [hbm4b:s4+s14], $0x80, s1, s14, $0xb8;
	[tilespmem:$0x1E400] =	vst v63  }
0x139: {  	_ =	swait.ge [sflag:s28], $0x1000  }
0x13a: {  	[sflag:s28] =	ssyncset.done $0x0  }
0x13b: {  	s1 =	sadd.s32 $0x2DC0, s31;
	[sflag:s28] =	ssyncadd.s32 $0xFFFFF000  }
0x13c: {  	[spmem:s2] =	stream.indirect.scatter.add.f32 [tilespmem:s22], [sflag:$0x6], $0x80, s1, s14, $0xb8;
	[tilespmem:$0x1E400] =	vst v63  }
0x13d: {  	_ =	swait.ge [sflag:s10], $0x1000  }
0x13e: {  	[sflag:s10] =	ssyncset.done $0x0  }
0x13f: {  	s1 =	sadd.s32 $0x260, s31;
	[sflag:s10] =	ssyncadd.s32 $0xFFFFF000  }
0x140: {  	[tilespmem:s22], [sflag:$0x5] =	stream.indirect.gather [hbm4b:s4+s14], $0x80, s1, s14, $0xb8;
	[tilespmem:$0x1E400] =	vst v63  }
0x141: {  	_ =	swait.ge [sflag:s23], $0x1000  }
0x142: {  	[sflag:s23] =	ssyncset.done $0x0  }
0x143: {  	s1 =	sadd.s32 $0x2DE0, s31;
	[sflag:s23] =	ssyncadd.s32 $0xFFFFF000  }
0x144: {  	[spmem:s2] =	stream.indirect.scatter.add.f32 [tilespmem:s15], [sflag:$0x6], $0x80, s1, s14, $0xb8;
	[tilespmem:$0x1E400] =	vst v63  }
0x145: {  	_ =	swait.ge [sflag:s10], $0x1000  }
0x146: {  	[sflag:s10] =	ssyncset.done $0x0  }
0x147: {  	s1 =	sadd.s32 $0x280, s31;
	[sflag:s10] =	ssyncadd.s32 $0xFFFFF000  }
0x148: {  	[tilespmem:s15], [sflag:$0x1] =	stream.indirect.gather [hbm4b:s4+s14], $0x80, s1, s14, $0xb8;
	[tilespmem:$0x1E400] =	vst v63  }
0x149: {  	_ =	swait.ge [sflag:s24], $0x1000  }
0x14a: {  	[sflag:s24] =	ssyncset.done $0x0  }
0x14b: {  	s1 =	sadd.s32 $0x2E00, s31;
	[sflag:s24] =	ssyncadd.s32 $0xFFFFF000  }
0x14c: {  	[spmem:s2] =	stream.indirect.scatter.add.f32 [tilespmem:s16], [sflag:$0x6], $0x80, s1, s14, $0xb8;
	[tilespmem:$0x1E400] =	vst v63  }
0x14d: {  	_ =	swait.ge [sflag:s10], $0x1000  }
0x14e: {  	[sflag:s10] =	ssyncset.done $0x0  }
0x14f: {  	s1 =	sadd.s32 $0x2A0, s31;
	[sflag:s10] =	ssyncadd.s32 $0xFFFFF000  }
0x150: {  	[tilespmem:s16], [sflag:$0x2] =	stream.indirect.gather [hbm4b:s4+s14], $0x80, s1, s14, $0xb8;
	[tilespmem:$0x1E400] =	vst v63  }
0x151: {  	_ =	swait.ge [sflag:s25], $0x1000  }
0x152: {  	[sflag:s25] =	ssyncset.done $0x0  }
0x153: {  	s1 =	sadd.s32 $0x2E20, s31;
	[sflag:s25] =	ssyncadd.s32 $0xFFFFF000  }
0x154: {  	[spmem:s2] =	stream.indirect.scatter.add.f32 [tilespmem:s18], [sflag:$0x6], $0x80, s1, s14, $0xb8;
	[tilespmem:$0x1E400] =	vst v63  }
0x155: {  	_ =	swait.ge [sflag:s10], $0x1000  }
0x156: {  	[sflag:s10] =	ssyncset.done $0x0  }
0x157: {  	s1 =	sadd.s32 $0x2C0, s31;
	[sflag:s10] =	ssyncadd.s32 $0xFFFFF000  }
0x158: {  	[tilespmem:s18], [sflag:$0x3] =	stream.indirect.gather [hbm4b:s4+s14], $0x80, s1, s14, $0xb8;
	[tilespmem:$0x1E400] =	vst v63  }
0x159: {  	_ =	swait.ge [sflag:s26], $0x1000  }
0x15a: {  	[sflag:s26] =	ssyncset.done $0x0  }
0x15b: {  	s1 =	sadd.s32 $0x2E40, s31;
	[sflag:s26] =	ssyncadd.s32 $0xFFFFF000  }
0x15c: {  	[spmem:s2] =	stream.indirect.scatter.add.f32 [tilespmem:s20], [sflag:$0x6], $0x80, s1, s14, $0xb8;
	[tilespmem:$0x1E400] =	vst v63  }
0x15d: {  	_ =	swait.ge [sflag:s10], $0x1000  }
0x15e: {  	[sflag:s10] =	ssyncset.done $0x0  }
0x15f: {  	s1 =	sadd.s32 $0x2E0, s31;
	[sflag:s10] =	ssyncadd.s32 $0xFFFFF000  }
0x160: {  	[tilespmem:s20], [sflag:$0x4] =	stream.indirect.gather [hbm4b:s4+s14], $0x80, s1, s14, $0xb8;
	[tilespmem:$0x1E400] =	vst v63  }
0x161: {  	_ =	swait.ge [sflag:s28], $0x1000  }
0x162: {  	[sflag:s28] =	ssyncset.done $0x0  }
.Ltmp0:
0x163: {  	s1 =	sadd.s32 $0x2E60, s31;
	[sflag:s28] =	ssyncadd.s32 $0xFFFFF000;
	(pc) =	sbr.rel @p0 .LBB2_2-.Ltmp0, $4  }
0x164: {  	[spmem:s2] =	stream.indirect.scatter.add.f32 [tilespmem:s22], [sflag:$0x6], $0x80, s1, s14, $0xb8;
	[tilespmem:$0x1E400] =	vst v63  }
0x165: {  	_ =	swait.ge [sflag:s10], $0x1000  }
0x166: {  	[sflag:s10] =	ssyncset.done $0x0  }
0x167: {  	s31 =	sadd.s32 $0x300, s31;
	[sflag:s10] =	ssyncadd.s32 $0xFFFFF000  }
0x168: {  	[tilespmem:s22], [sflag:$0x5] =	stream.indirect.gather [hbm4b:s4+s14], $0x80, s31, s14, $0xb8;
	[tilespmem:$0x1E400] =	vst v63  }
0x169: {  	_ =	swait.ge [sflag:s23], $0x1000  }
0x16a: {  	[sflag:s23] =	ssyncset.done $0x0  }
0x16b: {  	[sflag:s23] =	ssyncadd.s32 $0xFFFFF000  }
0x16c: {  	_ =	swait.ge [sflag:s24], $0x1000  }
0x16d: {  	[sflag:s24] =	ssyncset.done $0x0  }
0x16e: {  	[sflag:s24] =	ssyncadd.s32 $0xFFFFF000  }
0x16f: {  	_ =	swait.ge [sflag:s25], $0x1000  }
0x170: {  	[sflag:s25] =	ssyncset.done $0x0  }
0x171: {  	[sflag:s25] =	ssyncadd.s32 $0xFFFFF000  }
0x172: {  	_ =	swait.ge [sflag:s26], $0x1000  }
0x173: {  	[sflag:s26] =	ssyncset.done $0x0  }
0x174: {  	[sflag:s26] =	ssyncadd.s32 $0xFFFFF000  }
0x175: {  	_ =	swait.ge [sflag:s28], $0x1000  }
0x176: {  	s29 =	sadd.s32 $0x1, s29;
	[sflag:s28] =	ssyncset.done $0x0  }
0x177: {  	p0 =	sne.s32 s29, s9;
	[sflag:s28] =	ssyncadd.s32 $0xFFFFF000  }
.Ltmp1:
0x178: {  	[bflag:$0x0] =	sbarrier.arrive $0xFFFF;
	(pc) =	sbr.rel @p0 .LBB2_1-.Ltmp1, $4  }
0x179: {  	[hbm:s8], [sflag:s12] =	dma.local [spmem:s13], $0x2780  }
0x17a: {  	_ =	swait.ge [sflag:s10], $0x2780  }
0x17b: {  	[sflag:s10] =	ssyncset.done $0x0  }
0x17c: {  	[sflag:s10] =	ssyncadd.s32 $0xFFFFD880  }
0x17d: {  	_ =	sfence.sel $0x180000  }
0x17e: {  	[bflag:$0x0] =	sbarrier.arrive $0xFFFF  }
0x17f: {  	_ =	strace $0x90000053  }
0x180: {  	[bflag:$0x2] =	sbarrier.arrive $0xFFFF  }
0x181: {  	p0 =	sne.s32 s0, $0x0;
	s0 =	rddreg [dreg:$0x2]  }
0x182: {  	s0 =	sadd.s32 @!p0 $0x100000, s0  }
0x183: {  	[sflag:s0] =	ssyncadd.tile.s32 @!p0 $0x1;
	_ =	shalt  }
.Lfunc_end2:
_tile_overlayer_lowered:
.L_overlay_start_2:
0x184: {  	(tag) =	ssettag $0x2  }
0x185: {  	s0 =	rddreg [dreg:$0x0];
	s2 =	stileid.u32  }
0x186: {  	s1 =	rddreg [dreg:$0x1];
	p0 =	sne.s32 s2, $0x0  }
0x187: {  	s3 =	rddreg [dreg:$0x2];
	[bflag:$0x3] =	sbarrier.arrive $0xFFFF;
	s2 =	simm.s32 @!p0 $0x1C06  }
0x188: {  	[timem:s3], [sflag:s2] =	dma.local @!p0 [hbm:s0], s1  }
0x189: {  	s0 =	simm.s32 @!p0 $0x6  }
0x18a: {  	_ =	swait.ge @!p0 [sflag:s0], s1  }
0x18b: {  	s1 =	ssub.s32 @!p0 $0x0, s1;
	[sflag:s0] =	ssyncset.done @!p0 $0x0  }
0x18c: {  	[sflag:s0] =	ssyncadd.s32 @!p0 s1  }
0x18d: {  	[bflag:$0x3] =	sbarrier.arrive $0xFFFF  }
0x18e: {  	_ =	shalt  }

</sc_bundles>
